<compile_context>
chip_gen: v7x
topology: tpu7x:2x2x1
jax: 0.10.2.dev20260603
libtpu: 0.0.44.dev20260713+nightly
codegen_flags: <defaults>
</compile_context>

<pallas_src>
import jax
import jax.numpy as jnp
from jax import lax
from jax.experimental import pallas as pl
from jax.experimental.pallas import tpu as pltpu
from jax.experimental.pallas import tpu_sc as plsc

N = 10000
E = 320000
D_IN = 128
HID = 64
ND = 3
SHARED = 128
F = ND * HID
FH = F // 2
ROWS = 2000



def _mm(a, b):
    return jax.lax.dot_general(a, b, (((1,), (0,)), ((), ())),
                               preferred_element_type=jnp.float32)


def _mm_hi(a, b):
    return jax.lax.dot_general(a, b, (((1,), (0,)), ((), ())),
                               preferred_element_type=jnp.float32,
                               precision=jax.lax.Precision.HIGHEST)


def _k_dense1(x_ref, wlo_ref, whi_ref, alo_ref, ahi_ref, h_ref, sd_ref):
    x = x_ref[...]
    hlo = _mm(x, wlo_ref[...])
    hhi = _mm(x, whi_ref[...])
    h_ref[0] = hlo
    h_ref[1] = hhi
    sd_ref[...] = _mm_hi(hlo, alo_ref[...]) + _mm_hi(hhi, ahi_ref[...])


def dense1(x, wlo, whi, asdlo, asdhi):
    return pl.pallas_call(
        _k_dense1,
        grid=(N // ROWS,),
        in_specs=[
            pl.BlockSpec((ROWS, D_IN), lambda i: (i, 0)),
            pl.BlockSpec((D_IN, FH), lambda i: (0, 0)),
            pl.BlockSpec((D_IN, FH), lambda i: (0, 0)),
            pl.BlockSpec((FH, 16), lambda i: (0, 0)),
            pl.BlockSpec((FH, 16), lambda i: (0, 0)),
        ],
        out_specs=[
            pl.BlockSpec((2, ROWS, FH), lambda i: (0, i, 0)),
            pl.BlockSpec((ROWS, 16), lambda i: (i, 0)),
        ],
        out_shape=[
            jax.ShapeDtypeStruct((2, N, FH), jnp.float32),
            jax.ShapeDtypeStruct((N, 16), jnp.float32),
        ],
    )(x, wlo, whi, asdlo, asdhi)


def _norm_act(out_ref, exp_ref, b_ref, relu):
    num = out_ref[...][:, :FH]
    den = out_ref[...][:, FH:FH + 3]
    den_big = _mm_hi(den, exp_ref[...])
    a = num / (den_big + 1e-16) + b_ref[...]
    return jnp.maximum(a, 0.0) if relu else a


def _k_dense2(outl_ref, outh_ref, explo_ref, exphi_ref, blo_ref, bhi_ref,
              wll_ref, whl_ref, wlh_ref, whh_ref, alo_ref, ahi_ref,
              h_ref, sd_ref):
    alo = _norm_act(outl_ref, explo_ref, blo_ref, True)
    ahi = _norm_act(outh_ref, exphi_ref, bhi_ref, True)
    hlo = _mm(alo, wll_ref[...]) + _mm(ahi, whl_ref[...])
    hhi = _mm(alo, wlh_ref[...]) + _mm(ahi, whh_ref[...])
    h_ref[0] = hlo
    h_ref[1] = hhi
    sd_ref[...] = _mm_hi(hlo, alo_ref[...]) + _mm_hi(hhi, ahi_ref[...])


def dense2(outl, outh, explo, exphi, blo, bhi, wll, whl, wlh, whh,
           asdlo, asdhi):
    return pl.pallas_call(
        _k_dense2,
        grid=(N // ROWS,),
        in_specs=[
            pl.BlockSpec((ROWS, 112), lambda i: (i, 0)),
            pl.BlockSpec((ROWS, 112), lambda i: (i, 0)),
            pl.BlockSpec((ND, FH), lambda i: (0, 0)),
            pl.BlockSpec((ND, FH), lambda i: (0, 0)),
            pl.BlockSpec((1, FH), lambda i: (0, 0)),
            pl.BlockSpec((1, FH), lambda i: (0, 0)),
            pl.BlockSpec((FH, FH), lambda i: (0, 0)),
            pl.BlockSpec((FH, FH), lambda i: (0, 0)),
            pl.BlockSpec((FH, FH), lambda i: (0, 0)),
            pl.BlockSpec((FH, FH), lambda i: (0, 0)),
            pl.BlockSpec((FH, 16), lambda i: (0, 0)),
            pl.BlockSpec((FH, 16), lambda i: (0, 0)),
        ],
        out_specs=[
            pl.BlockSpec((2, ROWS, FH), lambda i: (0, i, 0)),
            pl.BlockSpec((ROWS, 16), lambda i: (i, 0)),
        ],
        out_shape=[
            jax.ShapeDtypeStruct((2, N, FH), jnp.float32),
            jax.ShapeDtypeStruct((N, 16), jnp.float32),
        ],
    )(outl, outh, explo, exphi, blo, bhi, wll, whl, wlh, whh, asdlo, asdhi)


def _k_heads(outl_ref, outh_ref, explo_ref, exphi_ref, blo_ref, bhi_ref,
             wslo_ref, wshi_ref, bs_ref, wh1_ref, bh1_ref, wh2_ref, bh2_ref,
             y_ref):
    alo = _norm_act(outl_ref, explo_ref, blo_ref, False)
    ahi = _norm_act(outh_ref, exphi_ref, bhi_ref, False)
    z = _mm(alo, wslo_ref[...]) + _mm(ahi, wshi_ref[...]) + bs_ref[...]
    hs = jnp.where(z > 0, z, jnp.exp(jnp.minimum(z, 0.0)) - 1.0)
    t = jnp.maximum(_mm(hs, wh1_ref[...]) + bh1_ref[...], 0.0)
    y_ref[...] = _mm(t, wh2_ref[...]) + bh2_ref[...]


def heads(outl, outh, explo, exphi, blo, bhi, wslo, wshi, bs, wh1, bh1,
          wh2, bh2):
    return pl.pallas_call(
        _k_heads,
        grid=(N // ROWS,),
        in_specs=[
            pl.BlockSpec((ROWS, 112), lambda i: (i, 0)),
            pl.BlockSpec((ROWS, 112), lambda i: (i, 0)),
            pl.BlockSpec((ND, FH), lambda i: (0, 0)),
            pl.BlockSpec((ND, FH), lambda i: (0, 0)),
            pl.BlockSpec((1, FH), lambda i: (0, 0)),
            pl.BlockSpec((1, FH), lambda i: (0, 0)),
            pl.BlockSpec((FH, SHARED), lambda i: (0, 0)),
            pl.BlockSpec((FH, SHARED), lambda i: (0, 0)),
            pl.BlockSpec((1, SHARED), lambda i: (0, 0)),
            pl.BlockSpec((SHARED, F), lambda i: (0, 0)),
            pl.BlockSpec((1, F), lambda i: (0, 0)),
            pl.BlockSpec((F, 8), lambda i: (0, 0)),
            pl.BlockSpec((1, 8), lambda i: (0, 0)),
        ],
        out_specs=pl.BlockSpec((ROWS, 8), lambda i: (i, 0)),
        out_shape=jax.ShapeDtypeStruct((N, 8), jnp.float32),
    )(outl, outh, explo, exphi, blo, bhi, wslo, wshi, bs, wh1, bh1, wh2, bh2)



EK = 80
TPC = 16
EPT = E // TPC
NCH = EPT // EK
OUTW = 112
ZROWS = 1000


def _edge_body(h_hbm, sd_hbm, src_hbm, dst_hbm, out_hbm,
               srcb, dstb, dsts, sdsrc, sddst, hrows, scaled, eb, acc,
               isem, gsem, ssem):
    c = lax.axis_index("c")
    sid = lax.axis_index("s")
    base = sid * EPT

    def _zero_row(r, carry):
        for q in range(OUTW // 16):
            scaled[0][r, pl.ds(q * 16, 16)] = jnp.zeros((16,), jnp.float32)
        return carry
    lax.fori_loop(0, EK, _zero_row, 0)

    @pl.when(sid < 10)
    def _():
        for q in range(ZROWS // EK):
            pltpu.sync_copy(scaled[0], acc.at[pl.ds(sid * ZROWS + q * EK, EK)])
        rem = ZROWS - (ZROWS // EK) * EK
        if rem:
            pltpu.sync_copy(scaled[0].at[pl.ds(0, rem)],
                            acc.at[pl.ds(sid * ZROWS + (ZROWS // EK) * EK, rem)])
    plsc.subcore_barrier()

    lane = lax.broadcasted_iota(jnp.int32, (16,), 0)

    def _issue_idx(ch, b):
        off = base + ch * EK
        pltpu.async_copy(src_hbm.at[pl.ds(off, EK)], srcb[b], isem[b])
        pltpu.async_copy(dst_hbm.at[pl.ds(off, EK)], dstb[b], isem[b])

    def _drain_idx(ch, b):
        off = base + ch * EK
        pltpu.make_async_copy(src_hbm.at[pl.ds(off, EK)], srcb[b], isem[b]).wait()
        pltpu.make_async_copy(dst_hbm.at[pl.ds(off, EK)], dstb[b], isem[b]).wait()

    def _issue_gathers(b):
        pltpu.async_copy(sd_hbm.at[srcb[b]], sdsrc[b], gsem[b])
        pltpu.async_copy(sd_hbm.at[dstb[b]], sddst[b], gsem[b])
        pltpu.async_copy(h_hbm.at[c].at[srcb[b]], hrows[b], gsem[b])

    def _drain_gathers(b):
        pltpu.make_async_copy(sd_hbm.at[srcb[b]], sdsrc[b], gsem[b]).wait()
        pltpu.make_async_copy(sd_hbm.at[dstb[b]], sddst[b], gsem[b]).wait()
        pltpu.make_async_copy(h_hbm.at[c].at[srcb[b]], hrows[b], gsem[b]).wait()

    def _drain_scatter(b):
        pltpu.make_async_copy(scaled[b], acc.at[dsts[b]], ssem[b]).wait()

    def _compute(b):
        for jj in range(EK // 16):
            rows = lane + jj * 16
            for dd in range(ND):
                a = (plsc.load_gather(sdsrc[b], [rows, jnp.full((16,), dd, jnp.int32)])
                     + plsc.load_gather(sddst[b], [rows, jnp.full((16,), dd + 3, jnp.int32)]))
                eb[dd, pl.ds(jj * 16, 16)] = jnp.exp(jnp.maximum(a, 0.2 * a))

        @plsc.parallel_loop(0, EK, unroll=4)
        def _scale(j):
            jsel = jnp.full((16,), j, jnp.int32)
            ev = [plsc.load_gather(eb, [jnp.full((16,), dd, jnp.int32), jsel])
                  for dd in range(ND)]
            for q in range(FH // 16):
                dq = (c * FH + q * 16) // HID
                evq = jnp.where(dq == 0, ev[0],
                                jnp.where(dq == 1, ev[1], ev[2]))
                scaled[b][j, pl.ds(q * 16, 16)] = hrows[b][j, pl.ds(q * 16, 16)] * evq
            denv = jnp.where(lane == 0, ev[0],
                             jnp.where(lane == 1, ev[1],
                                       jnp.where(lane == 2, ev[2], 0.0)))
            scaled[b][j, pl.ds(FH, 16)] = denv

    _issue_idx(0, 0)
    _issue_idx(1, 1)
    _drain_idx(0, 0)
    _issue_gathers(0)

    def _iter(ch, b, b2):
        _drain_gathers(b)

        @pl.when(ch >= 2)
        def _():
            _drain_scatter(b)
        for jj in range(EK // 16):
            dsts[b][pl.ds(jj * 16, 16)] = dstb[b][pl.ds(jj * 16, 16)]

        @pl.when(ch + 1 < NCH)
        def _():
            _drain_idx(ch + 1, b2)
            _issue_gathers(b2)

        @pl.when(ch + 2 < NCH)
        def _():
            _issue_idx(ch + 2, b)

        _compute(b)
        pltpu.async_copy(scaled[b], acc.at[dsts[b]], ssem[b], add=True)

    def _pair(g, carry):
        _iter(2 * g, 0, 1)
        _iter(2 * g + 1, 1, 0)
        return carry
    lax.fori_loop(0, NCH // 2, _pair, 0)
    _drain_scatter(0)
    _drain_scatter(1)

    plsc.subcore_barrier()
    @pl.when(sid < 10)
    def _():
        pltpu.sync_copy(acc.at[pl.ds(sid * ZROWS, ZROWS)],
                        out_hbm.at[c].at[pl.ds(sid * ZROWS, ZROWS)])


def edge_conv(hsplit, sd, src, dst):
    mesh = plsc.VectorSubcoreMesh(core_axis_name="c", subcore_axis_name="s")
    f = pl.kernel(
        _edge_body,
        out_type=jax.ShapeDtypeStruct((2, N, OUTW), jnp.float32),
        mesh=mesh,
        compiler_params=pltpu.CompilerParams(use_tc_tiling_on_sc=False,
                                             needs_layout_passes=False),
        scratch_types=[
            (pltpu.VMEM((EK,), jnp.int32),) * 2,
            (pltpu.VMEM((EK,), jnp.int32),) * 2,
            (pltpu.VMEM((EK,), jnp.int32),) * 2,
            (pltpu.VMEM((EK, 16), jnp.float32),) * 2,
            (pltpu.VMEM((EK, 16), jnp.float32),) * 2,
            (pltpu.VMEM((EK, FH), jnp.float32),) * 2,
            (pltpu.VMEM((EK, OUTW), jnp.float32),) * 2,
            pltpu.VMEM((ND, EK), jnp.float32),
            pltpu.VMEM_SHARED((N, OUTW), jnp.float32),
            (pltpu.SemaphoreType.DMA,) * 2,
            (pltpu.SemaphoreType.DMA,) * 2,
            (pltpu.SemaphoreType.DMA,) * 2,
        ],
    )
    return f(hsplit, sd, src, dst)



def kernel(x, edge_index, disease, W1, as1, ad1, b1, W2, as2, ad2, b2, Ws, bs,
           Wsig1, bsig1, Wsig2, bsig2, Wrole1, brole1, Wrole2, brole2,
           Wab1, bab1, Wab2, bab2):
    src = edge_index[0]
    dst = edge_index[1]

    eye = jnp.eye(ND, dtype=jnp.float32)
    w1cat = jnp.transpose(W1, (1, 0, 2)).reshape(D_IN, F)
    def asd_pack(a_s, a_d):
        m = jnp.concatenate([
            jnp.einsum('dh,dc->dhc', a_s, eye).reshape(F, ND),
            jnp.einsum('dh,dc->dhc', a_d, eye).reshape(F, ND),
            jnp.zeros((F, 10), jnp.float32)], axis=1)
        return m[:FH], m[FH:]
    asd1lo, asd1hi = asd_pack(as1, ad1)
    asd2lo, asd2hi = asd_pack(as2, ad2)
    w2bd = jnp.einsum('dij,dc->dicj', W2, eye).reshape(F, F)
    expand = jnp.repeat(eye, HID, axis=1)
    explo, exphi = expand[:, :FH], expand[:, FH:]
    b1f = b1.reshape(1, F)
    b2f = b2.reshape(1, F)
    wh1 = jnp.concatenate([Wsig1[disease], Wrole1[disease], Wab1[disease]],
                          axis=1)
    bh1 = jnp.concatenate([bsig1[disease], brole1[disease], bab1[disease]],
                          axis=0).reshape(1, F)
    z64 = jnp.zeros((HID, 1), jnp.float32)
    wh2 = jnp.concatenate([
        jnp.concatenate([Wsig2[disease], z64, z64, z64], axis=1),
        jnp.concatenate([z64, Wrole2[disease], z64], axis=1),
        jnp.concatenate([z64, z64, z64, Wab2[disease]], axis=1),
    ], axis=0)
    wh2 = jnp.concatenate([wh2, jnp.zeros((F, 4), jnp.float32)], axis=1)
    bh2 = jnp.concatenate([bsig2[disease], brole2[disease], bab2[disease],
                           jnp.zeros((4,), jnp.float32)]).reshape(1, 8)

    h1, sd1 = dense1(x, w1cat[:, :FH], w1cat[:, FH:], asd1lo, asd1hi)
    o1 = edge_conv(h1, sd1, src, dst)
    h2, sd2 = dense2(o1[0], o1[1], explo, exphi, b1f[:, :FH], b1f[:, FH:],
                     w2bd[:FH, :FH], w2bd[FH:, :FH], w2bd[:FH, FH:],
                     w2bd[FH:, FH:], asd2lo, asd2hi)
    o2 = edge_conv(h2, sd2, src, dst)
    y = heads(o2[0], o2[1], explo, exphi, b2f[:, :FH], b2f[:, FH:],
              Ws[:FH], Ws[FH:], bs.reshape(1, SHARED), wh1, bh1, wh2, bh2)
    return (y[:, 0:1], y[:, 1:3], y[:, 3:4])

# --- scband reference (transcript-rebuilt; emitter-appended) ---
"""Pipeline reference for scband-mutli-task-gnn-89455578841542 (READ-ONLY COPY).

The authoritative reference and input builder live on the scoring server;
editing this copy changes nothing except your own understanding.
"""

import jax, jax.numpy as jnp
import numpy as np

N = 10000
E = 320000
D_IN = 128
HID = 64
SHARED = 128
ND = 3


def setup_inputs(seed: int = 0) -> dict:
    key = jax.random.key(seed)
    k = jax.random.split(key, 16)
    s = 0.05
    inp = {
        "x": jax.random.normal(k[0], (N, D_IN), dtype=jnp.float32),
        "edge_index": jax.random.randint(k[1], (2, E), 0, N),
        "disease": 0,
        "W1": jax.random.normal(k[2], (ND, D_IN, HID), dtype=jnp.float32) * s,
        "as1": jax.random.normal(k[3], (ND, HID), dtype=jnp.float32) * s,
        "ad1": jax.random.normal(k[4], (ND, HID), dtype=jnp.float32) * s,
        "b1": jnp.zeros((ND, HID), dtype=jnp.float32),
        "W2": jax.random.normal(k[5], (ND, HID, HID), dtype=jnp.float32) * s,
        "as2": jax.random.normal(k[6], (ND, HID), dtype=jnp.float32) * s,
        "ad2": jax.random.normal(k[7], (ND, HID), dtype=jnp.float32) * s,
        "b2": jnp.zeros((ND, HID), dtype=jnp.float32),
        "Ws": jax.random.normal(k[8], (HID * ND, SHARED), dtype=jnp.float32) * s,
        "bs": jnp.zeros((SHARED,), dtype=jnp.float32),
        "Wsig1": jax.random.normal(k[9], (ND, SHARED, SHARED // 2), dtype=jnp.float32) * s,
        "bsig1": jnp.zeros((ND, SHARED // 2), dtype=jnp.float32),
        "Wsig2": jax.random.normal(k[10], (ND, SHARED // 2, 1), dtype=jnp.float32) * s,
        "bsig2": jnp.zeros((ND, 1), dtype=jnp.float32),
        "Wrole1": jax.random.normal(k[11], (ND, SHARED, SHARED // 2), dtype=jnp.float32) * s,
        "brole1": jnp.zeros((ND, SHARED // 2), dtype=jnp.float32),
        "Wrole2": jax.random.normal(k[12], (ND, SHARED // 2, 2), dtype=jnp.float32) * s,
        "brole2": jnp.zeros((ND, 2), dtype=jnp.float32),
        "Wab1": jax.random.normal(k[13], (ND, SHARED, SHARED // 2), dtype=jnp.float32) * s,
        "bab1": jnp.zeros((ND, SHARED // 2), dtype=jnp.float32),
        "Wab2": jax.random.normal(k[14], (ND, SHARED // 2, 1), dtype=jnp.float32) * s,
        "bab2": jnp.zeros((ND, 1), dtype=jnp.float32),
    }
    return inp


def _gat_conv(x, src, dst, W, a_s, a_d, b):
    # GATConv, heads=1: linear transform, edge attention logits, softmax over
    # incoming edges per destination node, weighted scatter-add aggregation.
    h = x @ W
    alpha = jax.nn.leaky_relu((h * a_s).sum(-1)[src] + (h * a_d).sum(-1)[dst], 0.2)
    m = jax.ops.segment_max(alpha, dst, num_segments=N)
    e = jnp.exp(alpha - m[dst])
    den = jax.ops.segment_sum(e, dst, num_segments=N)
    coef = e / (den[dst] + 1e-16)
    return jax.ops.segment_sum(h[src] * coef[:, None], dst, num_segments=N) + b


def reference(x, edge_index, disease, W1, as1, ad1, b1, W2, as2, ad2, b2, Ws, bs,
              Wsig1, bsig1, Wsig2, bsig2, Wrole1, brole1, Wrole2, brole2,
              Wab1, bab1, Wab2, bab2):
    src, dst = edge_index[0], edge_index[1]
    hs = []
    for d in range(ND):
        h = jax.nn.relu(_gat_conv(x, src, dst, W1[d], as1[d], ad1[d], b1[d]))
        h = _gat_conv(h, src, dst, W2[d], as2[d], ad2[d], b2[d])
        hs.append(h)
    h_shared = jnp.concatenate(hs, axis=-1)
    h_shared = jax.nn.elu(h_shared @ Ws + bs)
    # dropout: identity (eval-mode deterministic reference)
    t = jax.nn.relu(h_shared @ Wsig1[disease] + bsig1[disease])
    y_sig = t @ Wsig2[disease] + bsig2[disease]
    t = jax.nn.relu(h_shared @ Wrole1[disease] + brole1[disease])
    y_role = t @ Wrole2[disease] + brole2[disease]
    t = jax.nn.relu(h_shared @ Wab1[disease] + bab1[disease])
    y_ab = t @ Wab2[disease] + bab2[disease]
    return (y_sig, y_role, y_ab)

if __name__ == "__main__":
    import jax
    _d = setup_inputs()
    print(jax.jit(kernel)(*tuple(_d.values())))

</pallas_src>

<mosaic_0001>
#map = affine_map<(d0, d1) -> (0, 0, 0)>
#map1 = affine_map<(d0, d1) -> (0, 0)>
#map2 = affine_map<(d0, d1) -> (0)>
module attributes {stable_mosaic.version = 14 : i64} {
  func.func @_edge_body(%arg0: i32, %arg1: i32, %arg2: memref<2x10000x96xf32, #tpu.memory_space<hbm>>, %arg3: memref<10000x16xf32, #tpu.memory_space<hbm>>, %arg4: memref<320000xi32, #tpu.memory_space<hbm>>, %arg5: memref<320000xi32, #tpu.memory_space<hbm>>, %arg6: memref<2x10000x112xf32, #tpu.memory_space<hbm>>, %arg7: memref<80xi32, #tpu.memory_space<vmem>>, %arg8: memref<80xi32, #tpu.memory_space<vmem>>, %arg9: memref<80xi32, #tpu.memory_space<vmem>>, %arg10: memref<80xi32, #tpu.memory_space<vmem>>, %arg11: memref<80xi32, #tpu.memory_space<vmem>>, %arg12: memref<80xi32, #tpu.memory_space<vmem>>, %arg13: memref<80x16xf32, #tpu.memory_space<vmem>>, %arg14: memref<80x16xf32, #tpu.memory_space<vmem>>, %arg15: memref<80x16xf32, #tpu.memory_space<vmem>>, %arg16: memref<80x16xf32, #tpu.memory_space<vmem>>, %arg17: memref<80x96xf32, #tpu.memory_space<vmem>>, %arg18: memref<80x96xf32, #tpu.memory_space<vmem>>, %arg19: memref<80x112xf32, #tpu.memory_space<vmem>>, %arg20: memref<80x112xf32, #tpu.memory_space<vmem>>, %arg21: memref<3x80xf32, #tpu.memory_space<vmem>>, %arg22: memref<10000x112xf32, #tpu.memory_space<vmem_shared>>, %arg23: memref<!tpu.dma_semaphore, #tpu.memory_space<semaphore_mem>>, %arg24: memref<!tpu.dma_semaphore, #tpu.memory_space<semaphore_mem>>, %arg25: memref<!tpu.dma_semaphore, #tpu.memory_space<semaphore_mem>>, %arg26: memref<!tpu.dma_semaphore, #tpu.memory_space<semaphore_mem>>, %arg27: memref<!tpu.dma_semaphore, #tpu.memory_space<semaphore_mem>>, %arg28: memref<!tpu.dma_semaphore, #tpu.memory_space<semaphore_mem>>) attributes {dimension_semantics = [#tpu.dimension_semantics<core_parallel>, #tpu.dimension_semantics<subcore_parallel>], iteration_bounds = array<i64: 2, 16>, scalar_prefetch = 0 : i64, scratch_operands = 22 : i64, tpu.core_type = #tpu.core_type<sc_vector_subcore>, window_params = [{transform_indices = #map}, {transform_indices = #map1}, {transform_indices = #map2}, {transform_indices = #map2}, {transform_indices = #map}]} {
    %mul3A = arith.constant 20000 : i32
    %mul3A_0 = arith.muli %arg1, %mul3A : i32
    %scan3A = arith.constant 0 : i32
    %scan3A_1 = arith.constant 0 : i32
    %scan3A_2 = arith.constant 80 : i32
    %scan3A_3 = arith.addi %scan3A_1, %scan3A_2 : i32
    %scan3A_4 = arith.constant 1 : i32
    scf.for %scan3A_54 = %scan3A_1 to %scan3A_3 step %scan3A_4  : i32 {
      %broadcast_in_dim3A = arith.constant 0.000000e+00 : f32
      %broadcast_in_dim3A_55 = vector.broadcast %broadcast_in_dim3A : f32 to vector<16xf32>
      %swap3A = arith.index_cast %scan3A_54 : i32 to index
      %swap3A_56 = arith.constant 0 : index
      %swap3A_57 = tpu.vector_load %arg19[%swap3A, %swap3A_56] {strides = array<i32>} : memref<80x112xf32, #tpu.memory_space<vmem>>, vector<16xf32>,
      tpu.vector_store %arg19[%swap3A, %swap3A_56], %broadcast_in_dim3A_55 {strides = array<i32>} : memref<80x112xf32, #tpu.memory_space<vmem>>, vector<16xf32>,
      %broadcast_in_dim3A_58 = arith.constant 0.000000e+00 : f32
      %broadcast_in_dim3A_59 = vector.broadcast %broadcast_in_dim3A_58 : f32 to vector<16xf32>
      %swap3A_60 = arith.index_cast %scan3A_54 : i32 to index
      %swap3A_61 = arith.constant 16 : index
      %swap3A_62 = tpu.vector_load %arg19[%swap3A_60, %swap3A_61] {strides = array<i32>} : memref<80x112xf32, #tpu.memory_space<vmem>>, vector<16xf32>,
      tpu.vector_store %arg19[%swap3A_60, %swap3A_61], %broadcast_in_dim3A_59 {strides = array<i32>} : memref<80x112xf32, #tpu.memory_space<vmem>>, vector<16xf32>,
      %broadcast_in_dim3A_63 = arith.constant 0.000000e+00 : f32
      %broadcast_in_dim3A_64 = vector.broadcast %broadcast_in_dim3A_63 : f32 to vector<16xf32>
      %swap3A_65 = arith.index_cast %scan3A_54 : i32 to index
      %swap3A_66 = arith.constant 32 : index
      %swap3A_67 = tpu.vector_load %arg19[%swap3A_65, %swap3A_66] {strides = array<i32>} : memref<80x112xf32, #tpu.memory_space<vmem>>, vector<16xf32>,
      tpu.vector_store %arg19[%swap3A_65, %swap3A_66], %broadcast_in_dim3A_64 {strides = array<i32>} : memref<80x112xf32, #tpu.memory_space<vmem>>, vector<16xf32>,
      %broadcast_in_dim3A_68 = arith.constant 0.000000e+00 : f32
      %broadcast_in_dim3A_69 = vector.broadcast %broadcast_in_dim3A_68 : f32 to vector<16xf32>
      %swap3A_70 = arith.index_cast %scan3A_54 : i32 to index
      %swap3A_71 = arith.constant 48 : index
      %swap3A_72 = tpu.vector_load %arg19[%swap3A_70, %swap3A_71] {strides = array<i32>} : memref<80x112xf32, #tpu.memory_space<vmem>>, vector<16xf32>,
      tpu.vector_store %arg19[%swap3A_70, %swap3A_71], %broadcast_in_dim3A_69 {strides = array<i32>} : memref<80x112xf32, #tpu.memory_space<vmem>>, vector<16xf32>,
      %broadcast_in_dim3A_73 = arith.constant 0.000000e+00 : f32
      %broadcast_in_dim3A_74 = vector.broadcast %broadcast_in_dim3A_73 : f32 to vector<16xf32>
      %swap3A_75 = arith.index_cast %scan3A_54 : i32 to index
      %swap3A_76 = arith.constant 64 : index
      %swap3A_77 = tpu.vector_load %arg19[%swap3A_75, %swap3A_76] {strides = array<i32>} : memref<80x112xf32, #tpu.memory_space<vmem>>, vector<16xf32>,
      tpu.vector_store %arg19[%swap3A_75, %swap3A_76], %broadcast_in_dim3A_74 {strides = array<i32>} : memref<80x112xf32, #tpu.memory_space<vmem>>, vector<16xf32>,
      %broadcast_in_dim3A_78 = arith.constant 0.000000e+00 : f32
      %broadcast_in_dim3A_79 = vector.broadcast %broadcast_in_dim3A_78 : f32 to vector<16xf32>
      %swap3A_80 = arith.index_cast %scan3A_54 : i32 to index
      %swap3A_81 = arith.constant 80 : index
      %swap3A_82 = tpu.vector_load %arg19[%swap3A_80, %swap3A_81] {strides = array<i32>} : memref<80x112xf32, #tpu.memory_space<vmem>>, vector<16xf32>,
      tpu.vector_store %arg19[%swap3A_80, %swap3A_81], %broadcast_in_dim3A_79 {strides = array<i32>} : memref<80x112xf32, #tpu.memory_space<vmem>>, vector<16xf32>,
      %broadcast_in_dim3A_83 = arith.constant 0.000000e+00 : f32
      %broadcast_in_dim3A_84 = vector.broadcast %broadcast_in_dim3A_83 : f32 to vector<16xf32>
      %swap3A_85 = arith.index_cast %scan3A_54 : i32 to index
      %swap3A_86 = arith.constant 96 : index
      %swap3A_87 = tpu.vector_load %arg19[%swap3A_85, %swap3A_86] {strides = array<i32>} : memref<80x112xf32, #tpu.memory_space<vmem>>, vector<16xf32>,
      tpu.vector_store %arg19[%swap3A_85, %swap3A_86], %broadcast_in_dim3A_84 {strides = array<i32>} : memref<80x112xf32, #tpu.memory_space<vmem>>, vector<16xf32>,
    }
    %scan3A_5 = arith.constant 80 : i32
    %lt3A = arith.constant 10 : i32
    %lt3A_6 = arith.cmpi slt, %arg1, %lt3A : i32
    %convert_element_type3A = arith.extui %lt3A_6 : i1 to i32
    %cond3A = arith.constant 0 : i32
    %cond3A_7 = arith.cmpi ne, %convert_element_type3A, %cond3A : i32
    scf.if %cond3A_7 {
      %mul3A_54 = arith.constant 1000 : i32
      %mul3A_55 = arith.muli %arg1, %mul3A_54 : i32
      %add3A_56 = arith.constant 0 : i32
      %add3A_57 = arith.addi %mul3A_55, %add3A_56 : i32
      "tpu.region"() ({
        %run_scoped3A = tpu.sem_alloc : memref<!tpu.dma_semaphore, #tpu.memory_space<semaphore_mem>>
        %dma_start3A_106 = arith.constant 0 : i32
        %dma_start3A_107 = tpu.memref_slice %arg22[%add3A_57, %dma_start3A_106] : memref<10000x112xf32, #tpu.memory_space<vmem_shared>> -> memref<80x112xf32, #tpu.memory_space<vmem_shared>>
        %dma_start3A_108 = arith.constant 0 : i32
        %dma_start3A_109 = tpu.memref_slice %arg22[%add3A_57, %dma_start3A_108] : memref<10000x112xf32, #tpu.memory_space<vmem_shared>> -> memref<80x112xf32, #tpu.memory_space<vmem_shared>>
        tpu.enqueue_dma source(%arg19 : memref<80x112xf32, #tpu.memory_space<vmem>>) target(%dma_start3A_109 : memref<80x112xf32, #tpu.memory_space<vmem_shared>>) target_semaphore(%run_scoped3A : memref<!tpu.dma_semaphore, #tpu.memory_space<semaphore_mem>>)
        %dma_wait3A_110 = arith.constant 0 : i32
        %dma_wait3A_111 = tpu.memref_slice %arg22[%add3A_57, %dma_wait3A_110] : memref<10000x112xf32, #tpu.memory_space<vmem_shared>> -> memref<80x112xf32, #tpu.memory_space<vmem_shared>>
        %dma_wait3A_112 = arith.constant 0 : i32
        %dma_wait3A_113 = tpu.memref_slice %arg22[%add3A_57, %dma_wait3A_112] : memref<10000x112xf32, #tpu.memory_space<vmem_shared>> -> memref<80x112xf32, #tpu.memory_space<vmem_shared>>
        tpu.wait_dma2 semaphore(%run_scoped3A : memref<!tpu.dma_semaphore, #tpu.memory_space<semaphore_mem>>) src(%arg19 : memref<80x112xf32, #tpu.memory_space<vmem>>) dst(%dma_wait3A_113 : memref<80x112xf32, #tpu.memory_space<vmem_shared>>)
        tpu.yield
      }) : () -> ()
      %mul3A_58 = arith.constant 1000 : i32
      %mul3A_59 = arith.muli %arg1, %mul3A_58 : i32
      %add3A_60 = arith.constant 80 : i32
      %add3A_61 = arith.addi %mul3A_59, %add3A_60 : i32
      "tpu.region"() ({
        %run_scoped3A = tpu.sem_alloc : memref<!tpu.dma_semaphore, #tpu.memory_space<semaphore_mem>>
        %dma_start3A_106 = arith.constant 0 : i32
        %dma_start3A_107 = tpu.memref_slice %arg22[%add3A_61, %dma_start3A_106] : memref<10000x112xf32, #tpu.memory_space<vmem_shared>> -> memref<80x112xf32, #tpu.memory_space<vmem_shared>>
        %dma_start3A_108 = arith.constant 0 : i32
        %dma_start3A_109 = tpu.memref_slice %arg22[%add3A_61, %dma_start3A_108] : memref<10000x112xf32, #tpu.memory_space<vmem_shared>> -> memref<80x112xf32, #tpu.memory_space<vmem_shared>>
        tpu.enqueue_dma source(%arg19 : memref<80x112xf32, #tpu.memory_space<vmem>>) target(%dma_start3A_109 : memref<80x112xf32, #tpu.memory_space<vmem_shared>>) target_semaphore(%run_scoped3A : memref<!tpu.dma_semaphore, #tpu.memory_space<semaphore_mem>>)
        %dma_wait3A_110 = arith.constant 0 : i32
        %dma_wait3A_111 = tpu.memref_slice %arg22[%add3A_61, %dma_wait3A_110] : memref<10000x112xf32, #tpu.memory_space<vmem_shared>> -> memref<80x112xf32, #tpu.memory_space<vmem_shared>>
        %dma_wait3A_112 = arith.constant 0 : i32
        %dma_wait3A_113 = tpu.memref_slice %arg22[%add3A_61, %dma_wait3A_112] : memref<10000x112xf32, #tpu.memory_space<vmem_shared>> -> memref<80x112xf32, #tpu.memory_space<vmem_shared>>
        tpu.wait_dma2 semaphore(%run_scoped3A : memref<!tpu.dma_semaphore, #tpu.memory_space<semaphore_mem>>) src(%arg19 : memref<80x112xf32, #tpu.memory_space<vmem>>) dst(%dma_wait3A_113 : memref<80x112xf32, #tpu.memory_space<vmem_shared>>)
        tpu.yield
      }) : () -> ()
      %mul3A_62 = arith.constant 1000 : i32
      %mul3A_63 = arith.muli %arg1, %mul3A_62 : i32
      %add3A_64 = arith.constant 160 : i32
      %add3A_65 = arith.addi %mul3A_63, %add3A_64 : i32
      "tpu.region"() ({
        %run_scoped3A = tpu.sem_alloc : memref<!tpu.dma_semaphore, #tpu.memory_space<semaphore_mem>>
        %dma_start3A_106 = arith.constant 0 : i32
        %dma_start3A_107 = tpu.memref_slice %arg22[%add3A_65, %dma_start3A_106] : memref<10000x112xf32, #tpu.memory_space<vmem_shared>> -> memref<80x112xf32, #tpu.memory_space<vmem_shared>>
        %dma_start3A_108 = arith.constant 0 : i32
        %dma_start3A_109 = tpu.memref_slice %arg22[%add3A_65, %dma_start3A_108] : memref<10000x112xf32, #tpu.memory_space<vmem_shared>> -> memref<80x112xf32, #tpu.memory_space<vmem_shared>>
        tpu.enqueue_dma source(%arg19 : memref<80x112xf32, #tpu.memory_space<vmem>>) target(%dma_start3A_109 : memref<80x112xf32, #tpu.memory_space<vmem_shared>>) target_semaphore(%run_scoped3A : memref<!tpu.dma_semaphore, #tpu.memory_space<semaphore_mem>>)
        %dma_wait3A_110 = arith.constant 0 : i32
        %dma_wait3A_111 = tpu.memref_slice %arg22[%add3A_65, %dma_wait3A_110] : memref<10000x112xf32, #tpu.memory_space<vmem_shared>> -> memref<80x112xf32, #tpu.memory_space<vmem_shared>>
        %dma_wait3A_112 = arith.constant 0 : i32
        %dma_wait3A_113 = tpu.memref_slice %arg22[%add3A_65, %dma_wait3A_112] : memref<10000x112xf32, #tpu.memory_space<vmem_shared>> -> memref<80x112xf32, #tpu.memory_space<vmem_shared>>
        tpu.wait_dma2 semaphore(%run_scoped3A : memref<!tpu.dma_semaphore, #tpu.memory_space<semaphore_mem>>) src(%arg19 : memref<80x112xf32, #tpu.memory_space<vmem>>) dst(%dma_wait3A_113 : memref<80x112xf32, #tpu.memory_space<vmem_shared>>)
        tpu.yield
      }) : () -> ()
      %mul3A_66 = arith.constant 1000 : i32
      %mul3A_67 = arith.muli %arg1, %mul3A_66 : i32
      %add3A_68 = arith.constant 240 : i32
      %add3A_69 = arith.addi %mul3A_67, %add3A_68 : i32
      "tpu.region"() ({
        %run_scoped3A = tpu.sem_alloc : memref<!tpu.dma_semaphore, #tpu.memory_space<semaphore_mem>>
        %dma_start3A_106 = arith.constant 0 : i32
        %dma_start3A_107 = tpu.memref_slice %arg22[%add3A_69, %dma_start3A_106] : memref<10000x112xf32, #tpu.memory_space<vmem_shared>> -> memref<80x112xf32, #tpu.memory_space<vmem_shared>>
        %dma_start3A_108 = arith.constant 0 : i32
        %dma_start3A_109 = tpu.memref_slice %arg22[%add3A_69, %dma_start3A_108] : memref<10000x112xf32, #tpu.memory_space<vmem_shared>> -> memref<80x112xf32, #tpu.memory_space<vmem_shared>>
        tpu.enqueue_dma source(%arg19 : memref<80x112xf32, #tpu.memory_space<vmem>>) target(%dma_start3A_109 : memref<80x112xf32, #tpu.memory_space<vmem_shared>>) target_semaphore(%run_scoped3A : memref<!tpu.dma_semaphore, #tpu.memory_space<semaphore_mem>>)
        %dma_wait3A_110 = arith.constant 0 : i32
        %dma_wait3A_111 = tpu.memref_slice %arg22[%add3A_69, %dma_wait3A_110] : memref<10000x112xf32, #tpu.memory_space<vmem_shared>> -> memref<80x112xf32, #tpu.memory_space<vmem_shared>>
        %dma_wait3A_112 = arith.constant 0 : i32
        %dma_wait3A_113 = tpu.memref_slice %arg22[%add3A_69, %dma_wait3A_112] : memref<10000x112xf32, #tpu.memory_space<vmem_shared>> -> memref<80x112xf32, #tpu.memory_space<vmem_shared>>
        tpu.wait_dma2 semaphore(%run_scoped3A : memref<!tpu.dma_semaphore, #tpu.memory_space<semaphore_mem>>) src(%arg19 : memref<80x112xf32, #tpu.memory_space<vmem>>) dst(%dma_wait3A_113 : memref<80x112xf32, #tpu.memory_space<vmem_shared>>)
        tpu.yield
      }) : () -> ()
      %mul3A_70 = arith.constant 1000 : i32
      %mul3A_71 = arith.muli %arg1, %mul3A_70 : i32
      %add3A_72 = arith.constant 320 : i32
      %add3A_73 = arith.addi %mul3A_71, %add3A_72 : i32
      "tpu.region"() ({
        %run_scoped3A = tpu.sem_alloc : memref<!tpu.dma_semaphore, #tpu.memory_space<semaphore_mem>>
        %dma_start3A_106 = arith.constant 0 : i32
        %dma_start3A_107 = tpu.memref_slice %arg22[%add3A_73, %dma_start3A_106] : memref<10000x112xf32, #tpu.memory_space<vmem_shared>> -> memref<80x112xf32, #tpu.memory_space<vmem_shared>>
        %dma_start3A_108 = arith.constant 0 : i32
        %dma_start3A_109 = tpu.memref_slice %arg22[%add3A_73, %dma_start3A_108] : memref<10000x112xf32, #tpu.memory_space<vmem_shared>> -> memref<80x112xf32, #tpu.memory_space<vmem_shared>>
        tpu.enqueue_dma source(%arg19 : memref<80x112xf32, #tpu.memory_space<vmem>>) target(%dma_start3A_109 : memref<80x112xf32, #tpu.memory_space<vmem_shared>>) target_semaphore(%run_scoped3A : memref<!tpu.dma_semaphore, #tpu.memory_space<semaphore_mem>>)
        %dma_wait3A_110 = arith.constant 0 : i32
        %dma_wait3A_111 = tpu.memref_slice %arg22[%add3A_73, %dma_wait3A_110] : memref<10000x112xf32, #tpu.memory_space<vmem_shared>> -> memref<80x112xf32, #tpu.memory_space<vmem_shared>>
        %dma_wait3A_112 = arith.constant 0 : i32
        %dma_wait3A_113 = tpu.memref_slice %arg22[%add3A_73, %dma_wait3A_112] : memref<10000x112xf32, #tpu.memory_space<vmem_shared>> -> memref<80x112xf32, #tpu.memory_space<vmem_shared>>
        tpu.wait_dma2 semaphore(%run_scoped3A : memref<!tpu.dma_semaphore, #tpu.memory_space<semaphore_mem>>) src(%arg19 : memref<80x112xf32, #tpu.memory_space<vmem>>) dst(%dma_wait3A_113 : memref<80x112xf32, #tpu.memory_space<vmem_shared>>)
        tpu.yield
      }) : () -> ()
      %mul3A_74 = arith.constant 1000 : i32
      %mul3A_75 = arith.muli %arg1, %mul3A_74 : i32
      %add3A_76 = arith.constant 400 : i32
      %add3A_77 = arith.addi %mul3A_75, %add3A_76 : i32
      "tpu.region"() ({
        %run_scoped3A = tpu.sem_alloc : memref<!tpu.dma_semaphore, #tpu.memory_space<semaphore_mem>>
        %dma_start3A_106 = arith.constant 0 : i32
        %dma_start3A_107 = tpu.memref_slice %arg22[%add3A_77, %dma_start3A_106] : memref<10000x112xf32, #tpu.memory_space<vmem_shared>> -> memref<80x112xf32, #tpu.memory_space<vmem_shared>>
        %dma_start3A_108 = arith.constant 0 : i32
        %dma_start3A_109 = tpu.memref_slice %arg22[%add3A_77, %dma_start3A_108] : memref<10000x112xf32, #tpu.memory_space<vmem_shared>> -> memref<80x112xf32, #tpu.memory_space<vmem_shared>>
        tpu.enqueue_dma source(%arg19 : memref<80x112xf32, #tpu.memory_space<vmem>>) target(%dma_start3A_109 : memref<80x112xf32, #tpu.memory_space<vmem_shared>>) target_semaphore(%run_scoped3A : memref<!tpu.dma_semaphore, #tpu.memory_space<semaphore_mem>>)
        %dma_wait3A_110 = arith.constant 0 : i32
        %dma_wait3A_111 = tpu.memref_slice %arg22[%add3A_77, %dma_wait3A_110] : memref<10000x112xf32, #tpu.memory_space<vmem_shared>> -> memref<80x112xf32, #tpu.memory_space<vmem_shared>>
        %dma_wait3A_112 = arith.constant 0 : i32
        %dma_wait3A_113 = tpu.memref_slice %arg22[%add3A_77, %dma_wait3A_112] : memref<10000x112xf32, #tpu.memory_space<vmem_shared>> -> memref<80x112xf32, #tpu.memory_space<vmem_shared>>
        tpu.wait_dma2 semaphore(%run_scoped3A : memref<!tpu.dma_semaphore, #tpu.memory_space<semaphore_mem>>) src(%arg19 : memref<80x112xf32, #tpu.memory_space<vmem>>) dst(%dma_wait3A_113 : memref<80x112xf32, #tpu.memory_space<vmem_shared>>)
        tpu.yield
      }) : () -> ()
      %mul3A_78 = arith.constant 1000 : i32
      %mul3A_79 = arith.muli %arg1, %mul3A_78 : i32
      %add3A_80 = arith.constant 480 : i32
      %add3A_81 = arith.addi %mul3A_79, %add3A_80 : i32
      "tpu.region"() ({
        %run_scoped3A = tpu.sem_alloc : memref<!tpu.dma_semaphore, #tpu.memory_space<semaphore_mem>>
        %dma_start3A_106 = arith.constant 0 : i32
        %dma_start3A_107 = tpu.memref_slice %arg22[%add3A_81, %dma_start3A_106] : memref<10000x112xf32, #tpu.memory_space<vmem_shared>> -> memref<80x112xf32, #tpu.memory_space<vmem_shared>>
        %dma_start3A_108 = arith.constant 0 : i32
        %dma_start3A_109 = tpu.memref_slice %arg22[%add3A_81, %dma_start3A_108] : memref<10000x112xf32, #tpu.memory_space<vmem_shared>> -> memref<80x112xf32, #tpu.memory_space<vmem_shared>>
        tpu.enqueue_dma source(%arg19 : memref<80x112xf32, #tpu.memory_space<vmem>>) target(%dma_start3A_109 : memref<80x112xf32, #tpu.memory_space<vmem_shared>>) target_semaphore(%run_scoped3A : memref<!tpu.dma_semaphore, #tpu.memory_space<semaphore_mem>>)
        %dma_wait3A_110 = arith.constant 0 : i32
        %dma_wait3A_111 = tpu.memref_slice %arg22[%add3A_81, %dma_wait3A_110] : memref<10000x112xf32, #tpu.memory_space<vmem_shared>> -> memref<80x112xf32, #tpu.memory_space<vmem_shared>>
        %dma_wait3A_112 = arith.constant 0 : i32
        %dma_wait3A_113 = tpu.memref_slice %arg22[%add3A_81, %dma_wait3A_112] : memref<10000x112xf32, #tpu.memory_space<vmem_shared>> -> memref<80x112xf32, #tpu.memory_space<vmem_shared>>
        tpu.wait_dma2 semaphore(%run_scoped3A : memref<!tpu.dma_semaphore, #tpu.memory_space<semaphore_mem>>) src(%arg19 : memref<80x112xf32, #tpu.memory_space<vmem>>) dst(%dma_wait3A_113 : memref<80x112xf32, #tpu.memory_space<vmem_shared>>)
        tpu.yield
      }) : () -> ()
      %mul3A_82 = arith.constant 1000 : i32
      %mul3A_83 = arith.muli %arg1, %mul3A_82 : i32
      %add3A_84 = arith.constant 560 : i32
      %add3A_85 = arith.addi %mul3A_83, %add3A_84 : i32
      "tpu.region"() ({
        %run_scoped3A = tpu.sem_alloc : memref<!tpu.dma_semaphore, #tpu.memory_space<semaphore_mem>>
        %dma_start3A_106 = arith.constant 0 : i32
        %dma_start3A_107 = tpu.memref_slice %arg22[%add3A_85, %dma_start3A_106] : memref<10000x112xf32, #tpu.memory_space<vmem_shared>> -> memref<80x112xf32, #tpu.memory_space<vmem_shared>>
        %dma_start3A_108 = arith.constant 0 : i32
        %dma_start3A_109 = tpu.memref_slice %arg22[%add3A_85, %dma_start3A_108] : memref<10000x112xf32, #tpu.memory_space<vmem_shared>> -> memref<80x112xf32, #tpu.memory_space<vmem_shared>>
        tpu.enqueue_dma source(%arg19 : memref<80x112xf32, #tpu.memory_space<vmem>>) target(%dma_start3A_109 : memref<80x112xf32, #tpu.memory_space<vmem_shared>>) target_semaphore(%run_scoped3A : memref<!tpu.dma_semaphore, #tpu.memory_space<semaphore_mem>>)
        %dma_wait3A_110 = arith.constant 0 : i32
        %dma_wait3A_111 = tpu.memref_slice %arg22[%add3A_85, %dma_wait3A_110] : memref<10000x112xf32, #tpu.memory_space<vmem_shared>> -> memref<80x112xf32, #tpu.memory_space<vmem_shared>>
        %dma_wait3A_112 = arith.constant 0 : i32
        %dma_wait3A_113 = tpu.memref_slice %arg22[%add3A_85, %dma_wait3A_112] : memref<10000x112xf32, #tpu.memory_space<vmem_shared>> -> memref<80x112xf32, #tpu.memory_space<vmem_shared>>
        tpu.wait_dma2 semaphore(%run_scoped3A : memref<!tpu.dma_semaphore, #tpu.memory_space<semaphore_mem>>) src(%arg19 : memref<80x112xf32, #tpu.memory_space<vmem>>) dst(%dma_wait3A_113 : memref<80x112xf32, #tpu.memory_space<vmem_shared>>)
        tpu.yield
      }) : () -> ()
      %mul3A_86 = arith.constant 1000 : i32
      %mul3A_87 = arith.muli %arg1, %mul3A_86 : i32
      %add3A_88 = arith.constant 640 : i32
      %add3A_89 = arith.addi %mul3A_87, %add3A_88 : i32
      "tpu.region"() ({
        %run_scoped3A = tpu.sem_alloc : memref<!tpu.dma_semaphore, #tpu.memory_space<semaphore_mem>>
        %dma_start3A_106 = arith.constant 0 : i32
        %dma_start3A_107 = tpu.memref_slice %arg22[%add3A_89, %dma_start3A_106] : memref<10000x112xf32, #tpu.memory_space<vmem_shared>> -> memref<80x112xf32, #tpu.memory_space<vmem_shared>>
        %dma_start3A_108 = arith.constant 0 : i32
        %dma_start3A_109 = tpu.memref_slice %arg22[%add3A_89, %dma_start3A_108] : memref<10000x112xf32, #tpu.memory_space<vmem_shared>> -> memref<80x112xf32, #tpu.memory_space<vmem_shared>>
        tpu.enqueue_dma source(%arg19 : memref<80x112xf32, #tpu.memory_space<vmem>>) target(%dma_start3A_109 : memref<80x112xf32, #tpu.memory_space<vmem_shared>>) target_semaphore(%run_scoped3A : memref<!tpu.dma_semaphore, #tpu.memory_space<semaphore_mem>>)
        %dma_wait3A_110 = arith.constant 0 : i32
        %dma_wait3A_111 = tpu.memref_slice %arg22[%add3A_89, %dma_wait3A_110] : memref<10000x112xf32, #tpu.memory_space<vmem_shared>> -> memref<80x112xf32, #tpu.memory_space<vmem_shared>>
        %dma_wait3A_112 = arith.constant 0 : i32
        %dma_wait3A_113 = tpu.memref_slice %arg22[%add3A_89, %dma_wait3A_112] : memref<10000x112xf32, #tpu.memory_space<vmem_shared>> -> memref<80x112xf32, #tpu.memory_space<vmem_shared>>
        tpu.wait_dma2 semaphore(%run_scoped3A : memref<!tpu.dma_semaphore, #tpu.memory_space<semaphore_mem>>) src(%arg19 : memref<80x112xf32, #tpu.memory_space<vmem>>) dst(%dma_wait3A_113 : memref<80x112xf32, #tpu.memory_space<vmem_shared>>)
        tpu.yield
      }) : () -> ()
      %mul3A_90 = arith.constant 1000 : i32
      %mul3A_91 = arith.muli %arg1, %mul3A_90 : i32
      %add3A_92 = arith.constant 720 : i32
      %add3A_93 = arith.addi %mul3A_91, %add3A_92 : i32
      "tpu.region"() ({
        %run_scoped3A = tpu.sem_alloc : memref<!tpu.dma_semaphore, #tpu.memory_space<semaphore_mem>>
        %dma_start3A_106 = arith.constant 0 : i32
        %dma_start3A_107 = tpu.memref_slice %arg22[%add3A_93, %dma_start3A_106] : memref<10000x112xf32, #tpu.memory_space<vmem_shared>> -> memref<80x112xf32, #tpu.memory_space<vmem_shared>>
        %dma_start3A_108 = arith.constant 0 : i32
        %dma_start3A_109 = tpu.memref_slice %arg22[%add3A_93, %dma_start3A_108] : memref<10000x112xf32, #tpu.memory_space<vmem_shared>> -> memref<80x112xf32, #tpu.memory_space<vmem_shared>>
        tpu.enqueue_dma source(%arg19 : memref<80x112xf32, #tpu.memory_space<vmem>>) target(%dma_start3A_109 : memref<80x112xf32, #tpu.memory_space<vmem_shared>>) target_semaphore(%run_scoped3A : memref<!tpu.dma_semaphore, #tpu.memory_space<semaphore_mem>>)
        %dma_wait3A_110 = arith.constant 0 : i32
        %dma_wait3A_111 = tpu.memref_slice %arg22[%add3A_93, %dma_wait3A_110] : memref<10000x112xf32, #tpu.memory_space<vmem_shared>> -> memref<80x112xf32, #tpu.memory_space<vmem_shared>>
        %dma_wait3A_112 = arith.constant 0 : i32
        %dma_wait3A_113 = tpu.memref_slice %arg22[%add3A_93, %dma_wait3A_112] : memref<10000x112xf32, #tpu.memory_space<vmem_shared>> -> memref<80x112xf32, #tpu.memory_space<vmem_shared>>
        tpu.wait_dma2 semaphore(%run_scoped3A : memref<!tpu.dma_semaphore, #tpu.memory_space<semaphore_mem>>) src(%arg19 : memref<80x112xf32, #tpu.memory_space<vmem>>) dst(%dma_wait3A_113 : memref<80x112xf32, #tpu.memory_space<vmem_shared>>)
        tpu.yield
      }) : () -> ()
      %mul3A_94 = arith.constant 1000 : i32
      %mul3A_95 = arith.muli %arg1, %mul3A_94 : i32
      %add3A_96 = arith.constant 800 : i32
      %add3A_97 = arith.addi %mul3A_95, %add3A_96 : i32
      "tpu.region"() ({
        %run_scoped3A = tpu.sem_alloc : memref<!tpu.dma_semaphore, #tpu.memory_space<semaphore_mem>>
        %dma_start3A_106 = arith.constant 0 : i32
        %dma_start3A_107 = tpu.memref_slice %arg22[%add3A_97, %dma_start3A_106] : memref<10000x112xf32, #tpu.memory_space<vmem_shared>> -> memref<80x112xf32, #tpu.memory_space<vmem_shared>>
        %dma_start3A_108 = arith.constant 0 : i32
        %dma_start3A_109 = tpu.memref_slice %arg22[%add3A_97, %dma_start3A_108] : memref<10000x112xf32, #tpu.memory_space<vmem_shared>> -> memref<80x112xf32, #tpu.memory_space<vmem_shared>>
        tpu.enqueue_dma source(%arg19 : memref<80x112xf32, #tpu.memory_space<vmem>>) target(%dma_start3A_109 : memref<80x112xf32, #tpu.memory_space<vmem_shared>>) target_semaphore(%run_scoped3A : memref<!tpu.dma_semaphore, #tpu.memory_space<semaphore_mem>>)
        %dma_wait3A_110 = arith.constant 0 : i32
        %dma_wait3A_111 = tpu.memref_slice %arg22[%add3A_97, %dma_wait3A_110] : memref<10000x112xf32, #tpu.memory_space<vmem_shared>> -> memref<80x112xf32, #tpu.memory_space<vmem_shared>>
        %dma_wait3A_112 = arith.constant 0 : i32
        %dma_wait3A_113 = tpu.memref_slice %arg22[%add3A_97, %dma_wait3A_112] : memref<10000x112xf32, #tpu.memory_space<vmem_shared>> -> memref<80x112xf32, #tpu.memory_space<vmem_shared>>
        tpu.wait_dma2 semaphore(%run_scoped3A : memref<!tpu.dma_semaphore, #tpu.memory_space<semaphore_mem>>) src(%arg19 : memref<80x112xf32, #tpu.memory_space<vmem>>) dst(%dma_wait3A_113 : memref<80x112xf32, #tpu.memory_space<vmem_shared>>)
        tpu.yield
      }) : () -> ()
      %mul3A_98 = arith.constant 1000 : i32
      %mul3A_99 = arith.muli %arg1, %mul3A_98 : i32
      %add3A_100 = arith.constant 880 : i32
      %add3A_101 = arith.addi %mul3A_99, %add3A_100 : i32
      "tpu.region"() ({
        %run_scoped3A = tpu.sem_alloc : memref<!tpu.dma_semaphore, #tpu.memory_space<semaphore_mem>>
        %dma_start3A_106 = arith.constant 0 : i32
        %dma_start3A_107 = tpu.memref_slice %arg22[%add3A_101, %dma_start3A_106] : memref<10000x112xf32, #tpu.memory_space<vmem_shared>> -> memref<80x112xf32, #tpu.memory_space<vmem_shared>>
        %dma_start3A_108 = arith.constant 0 : i32
        %dma_start3A_109 = tpu.memref_slice %arg22[%add3A_101, %dma_start3A_108] : memref<10000x112xf32, #tpu.memory_space<vmem_shared>> -> memref<80x112xf32, #tpu.memory_space<vmem_shared>>
        tpu.enqueue_dma source(%arg19 : memref<80x112xf32, #tpu.memory_space<vmem>>) target(%dma_start3A_109 : memref<80x112xf32, #tpu.memory_space<vmem_shared>>) target_semaphore(%run_scoped3A : memref<!tpu.dma_semaphore, #tpu.memory_space<semaphore_mem>>)
        %dma_wait3A_110 = arith.constant 0 : i32
        %dma_wait3A_111 = tpu.memref_slice %arg22[%add3A_101, %dma_wait3A_110] : memref<10000x112xf32, #tpu.memory_space<vmem_shared>> -> memref<80x112xf32, #tpu.memory_space<vmem_shared>>
        %dma_wait3A_112 = arith.constant 0 : i32
        %dma_wait3A_113 = tpu.memref_slice %arg22[%add3A_101, %dma_wait3A_112] : memref<10000x112xf32, #tpu.memory_space<vmem_shared>> -> memref<80x112xf32, #tpu.memory_space<vmem_shared>>
        tpu.wait_dma2 semaphore(%run_scoped3A : memref<!tpu.dma_semaphore, #tpu.memory_space<semaphore_mem>>) src(%arg19 : memref<80x112xf32, #tpu.memory_space<vmem>>) dst(%dma_wait3A_113 : memref<80x112xf32, #tpu.memory_space<vmem_shared>>)
        tpu.yield
      }) : () -> ()
      %mul3A_102 = arith.constant 1000 : i32
      %mul3A_103 = arith.muli %arg1, %mul3A_102 : i32
      %add3A_104 = arith.constant 960 : i32
      %add3A_105 = arith.addi %mul3A_103, %add3A_104 : i32
      "tpu.region"() ({
        %run_scoped3A = tpu.sem_alloc : memref<!tpu.dma_semaphore, #tpu.memory_space<semaphore_mem>>
        %dma_start3A_106 = arith.constant 0 : i32
        %dma_start3A_107 = arith.constant 0 : i32
        %dma_start3A_108 = tpu.memref_slice %arg19[%dma_start3A_106, %dma_start3A_107] : memref<80x112xf32, #tpu.memory_space<vmem>> -> memref<40x112xf32, #tpu.memory_space<vmem>>
        %dma_start3A_109 = arith.constant 0 : i32
        %dma_start3A_110 = tpu.memref_slice %arg22[%add3A_105, %dma_start3A_109] : memref<10000x112xf32, #tpu.memory_space<vmem_shared>> -> memref<40x112xf32, #tpu.memory_space<vmem_shared>>
        %dma_start3A_111 = arith.constant 0 : i32
        %dma_start3A_112 = tpu.memref_slice %arg22[%add3A_105, %dma_start3A_111] : memref<10000x112xf32, #tpu.memory_space<vmem_shared>> -> memref<40x112xf32, #tpu.memory_space<vmem_shared>>
        %dma_start3A_113 = arith.constant 0 : i32
        %dma_start3A_114 = arith.constant 0 : i32
        %dma_start3A_115 = tpu.memref_slice %arg19[%dma_start3A_113, %dma_start3A_114] : memref<80x112xf32, #tpu.memory_space<vmem>> -> memref<40x112xf32, #tpu.memory_space<vmem>>
        tpu.enqueue_dma source(%dma_start3A_115 : memref<40x112xf32, #tpu.memory_space<vmem>>) target(%dma_start3A_112 : memref<40x112xf32, #tpu.memory_space<vmem_shared>>) target_semaphore(%run_scoped3A : memref<!tpu.dma_semaphore, #tpu.memory_space<semaphore_mem>>)
        %dma_wait3A_116 = arith.constant 0 : i32
        %dma_wait3A_117 = arith.constant 0 : i32
        %dma_wait3A_118 = tpu.memref_slice %arg19[%dma_wait3A_116, %dma_wait3A_117] : memref<80x112xf32, #tpu.memory_space<vmem>> -> memref<40x112xf32, #tpu.memory_space<vmem>>
        %dma_wait3A_119 = arith.constant 0 : i32
        %dma_wait3A_120 = tpu.memref_slice %arg22[%add3A_105, %dma_wait3A_119] : memref<10000x112xf32, #tpu.memory_space<vmem_shared>> -> memref<40x112xf32, #tpu.memory_space<vmem_shared>>
        %dma_wait3A_121 = arith.constant 0 : i32
        %dma_wait3A_122 = tpu.memref_slice %arg22[%add3A_105, %dma_wait3A_121] : memref<10000x112xf32, #tpu.memory_space<vmem_shared>> -> memref<40x112xf32, #tpu.memory_space<vmem_shared>>
        %dma_wait3A_123 = arith.constant 0 : i32
        %dma_wait3A_124 = arith.constant 0 : i32
        %dma_wait3A_125 = tpu.memref_slice %arg19[%dma_wait3A_123, %dma_wait3A_124] : memref<80x112xf32, #tpu.memory_space<vmem>> -> memref<40x112xf32, #tpu.memory_space<vmem>>
        tpu.wait_dma2 semaphore(%run_scoped3A : memref<!tpu.dma_semaphore, #tpu.memory_space<semaphore_mem>>) src(%dma_wait3A_125 : memref<40x112xf32, #tpu.memory_space<vmem>>) dst(%dma_wait3A_122 : memref<40x112xf32, #tpu.memory_space<vmem_shared>>)
        tpu.yield
      }) : () -> ()
    } else {
    }
    %barrier3A = arith.constant 0 : index
    tpu.barrier barrier_id(%barrier3A)
    %iota3A = tpu.iota {dimensions = array<i32: 0>} : vector<16xi32>
    %add3A = arith.constant 0 : i32
    %add3A_8 = arith.addi %mul3A_0, %add3A : i32
    %dma_start3A = tpu.memref_slice %arg4[%add3A_8] : memref<320000xi32, #tpu.memory_space<hbm>> -> memref<80xi32, #tpu.memory_space<hbm>>
    %dma_start3A_9 = tpu.memref_slice %arg4[%add3A_8] : memref<320000xi32, #tpu.memory_space<hbm>> -> memref<80xi32, #tpu.memory_space<hbm>>
    tpu.enqueue_dma source(%dma_start3A_9 : memref<80xi32, #tpu.memory_space<hbm>>) target(%arg7 : memref<80xi32, #tpu.memory_space<vmem>>) target_semaphore(%arg23 : memref<!tpu.dma_semaphore, #tpu.memory_space<semaphore_mem>>)
    %dma_start3A_10 = tpu.memref_slice %arg5[%add3A_8] : memref<320000xi32, #tpu.memory_space<hbm>> -> memref<80xi32, #tpu.memory_space<hbm>>
    %dma_start3A_11 = tpu.memref_slice %arg5[%add3A_8] : memref<320000xi32, #tpu.memory_space<hbm>> -> memref<80xi32, #tpu.memory_space<hbm>>
    tpu.enqueue_dma source(%dma_start3A_11 : memref<80xi32, #tpu.memory_space<hbm>>) target(%arg9 : memref<80xi32, #tpu.memory_space<vmem>>) target_semaphore(%arg23 : memref<!tpu.dma_semaphore, #tpu.memory_space<semaphore_mem>>)
    %add3A_12 = arith.constant 80 : i32
    %add3A_13 = arith.addi %mul3A_0, %add3A_12 : i32
    %dma_start3A_14 = tpu.memref_slice %arg4[%add3A_13] : memref<320000xi32, #tpu.memory_space<hbm>> -> memref<80xi32, #tpu.memory_space<hbm>>
    %dma_start3A_15 = tpu.memref_slice %arg4[%add3A_13] : memref<320000xi32, #tpu.memory_space<hbm>> -> memref<80xi32, #tpu.memory_space<hbm>>
    tpu.enqueue_dma source(%dma_start3A_15 : memref<80xi32, #tpu.memory_space<hbm>>) target(%arg8 : memref<80xi32, #tpu.memory_space<vmem>>) target_semaphore(%arg24 : memref<!tpu.dma_semaphore, #tpu.memory_space<semaphore_mem>>)
    %dma_start3A_16 = tpu.memref_slice %arg5[%add3A_13] : memref<320000xi32, #tpu.memory_space<hbm>> -> memref<80xi32, #tpu.memory_space<hbm>>
    %dma_start3A_17 = tpu.memref_slice %arg5[%add3A_13] : memref<320000xi32, #tpu.memory_space<hbm>> -> memref<80xi32, #tpu.memory_space<hbm>>
    tpu.enqueue_dma source(%dma_start3A_17 : memref<80xi32, #tpu.memory_space<hbm>>) target(%arg10 : memref<80xi32, #tpu.memory_space<vmem>>) target_semaphore(%arg24 : memref<!tpu.dma_semaphore, #tpu.memory_space<semaphore_mem>>)
    %add3A_18 = arith.constant 0 : i32
    %add3A_19 = arith.addi %mul3A_0, %add3A_18 : i32
    %dma_wait3A = tpu.memref_slice %arg4[%add3A_19] : memref<320000xi32, #tpu.memory_space<hbm>> -> memref<80xi32, #tpu.memory_space<hbm>>
    %dma_wait3A_20 = tpu.memref_slice %arg4[%add3A_19] : memref<320000xi32, #tpu.memory_space<hbm>> -> memref<80xi32, #tpu.memory_space<hbm>>
    tpu.wait_dma2 semaphore(%arg23 : memref<!tpu.dma_semaphore, #tpu.memory_space<semaphore_mem>>) src(%dma_wait3A_20 : memref<80xi32, #tpu.memory_space<hbm>>) dst(%arg7 : memref<80xi32, #tpu.memory_space<vmem>>)
    %dma_wait3A_21 = tpu.memref_slice %arg5[%add3A_19] : memref<320000xi32, #tpu.memory_space<hbm>> -> memref<80xi32, #tpu.memory_space<hbm>>
    %dma_wait3A_22 = tpu.memref_slice %arg5[%add3A_19] : memref<320000xi32, #tpu.memory_space<hbm>> -> memref<80xi32, #tpu.memory_space<hbm>>
    tpu.wait_dma2 semaphore(%arg23 : memref<!tpu.dma_semaphore, #tpu.memory_space<semaphore_mem>>) src(%dma_wait3A_22 : memref<80xi32, #tpu.memory_space<hbm>>) dst(%arg9 : memref<80xi32, #tpu.memory_space<vmem>>)
    %dma_start3A_23 = arith.constant 0 : i32
    %dma_start3A_24 = arith.constant 0 : i32
    %dma_start3A_25 = tpu.memref_slice %arg3[%dma_start3A_23, %dma_start3A_24] : memref<10000x16xf32, #tpu.memory_space<hbm>> -> memref<10000x16xf32, #tpu.memory_space<hbm>>
    tpu.enqueue_indirect_dma source(%dma_start3A_25 : memref<10000x16xf32, #tpu.memory_space<hbm>>) target(%arg13 : memref<80x16xf32, #tpu.memory_space<vmem>>) offsets(%arg7 : memref<80xi32, #tpu.memory_space<vmem>>) semaphore(%arg25 : memref<!tpu.dma_semaphore, #tpu.memory_space<semaphore_mem>>)
    %dma_start3A_26 = arith.constant 0 : i32
    %dma_start3A_27 = arith.constant 0 : i32
    %dma_start3A_28 = tpu.memref_slice %arg3[%dma_start3A_26, %dma_start3A_27] : memref<10000x16xf32, #tpu.memory_space<hbm>> -> memref<10000x16xf32, #tpu.memory_space<hbm>>
    tpu.enqueue_indirect_dma source(%dma_start3A_28 : memref<10000x16xf32, #tpu.memory_space<hbm>>) target(%arg15 : memref<80x16xf32, #tpu.memory_space<vmem>>) offsets(%arg9 : memref<80xi32, #tpu.memory_space<vmem>>) semaphore(%arg25 : memref<!tpu.dma_semaphore, #tpu.memory_space<semaphore_mem>>)
    %dma_start3A_29 = arith.constant 0 : i32
    %dma_start3A_30 = arith.constant 0 : i32
    %dma_start3A_31 = tpu.memref_slice %arg2[%arg0, %dma_start3A_29, %dma_start3A_30] : memref<2x10000x96xf32, #tpu.memory_space<hbm>> -> memref<1x10000x96xf32, #tpu.memory_space<hbm>>
    %dma_start3A_32 = tpu.memref_squeeze %dma_start3A_31 : memref<1x10000x96xf32, #tpu.memory_space<hbm>> -> memref<10000x96xf32, #tpu.memory_space<hbm>>
    %dma_start3A_33 = arith.constant 0 : i32
    %dma_start3A_34 = arith.constant 0 : i32
    %dma_start3A_35 = tpu.memref_slice %dma_start3A_32[%dma_start3A_33, %dma_start3A_34] : memref<10000x96xf32, #tpu.memory_space<hbm>> -> memref<10000x96xf32, #tpu.memory_space<hbm>>
    tpu.enqueue_indirect_dma source(%dma_start3A_35 : memref<10000x96xf32, #tpu.memory_space<hbm>>) target(%arg17 : memref<80x96xf32, #tpu.memory_space<vmem>>) offsets(%arg7 : memref<80xi32, #tpu.memory_space<vmem>>) semaphore(%arg25 : memref<!tpu.dma_semaphore, #tpu.memory_space<semaphore_mem>>)
    %scan3A_36 = arith.constant 0 : i32
    %scan3A_37 = arith.constant 0 : i32
    %scan3A_38 = arith.constant 125 : i32
    %scan3A_39 = arith.addi %scan3A_37, %scan3A_38 : i32
    %scan3A_40 = arith.constant 1 : i32
    scf.for %scan3A_54 = %scan3A_37 to %scan3A_39 step %scan3A_40  : i32 {
      %mul3A_55 = arith.constant 2 : i32
      %mul3A_56 = arith.muli %mul3A_55, %scan3A_54 : i32
      %dma_wait3A_57 = arith.constant 0 : i32
      %dma_wait3A_58 = arith.constant 0 : i32
      %dma_wait3A_59 = tpu.memref_slice %arg3[%dma_wait3A_57, %dma_wait3A_58] : memref<10000x16xf32, #tpu.memory_space<hbm>> -> memref<10000x16xf32, #tpu.memory_space<hbm>>
      tpu.wait_indirect_dma semaphore(%arg25 : memref<!tpu.dma_semaphore, #tpu.memory_space<semaphore_mem>>) src(%dma_wait3A_59 : memref<10000x16xf32, #tpu.memory_space<hbm>>) dst(%arg13 : memref<80x16xf32, #tpu.memory_space<vmem>>)
      %dma_wait3A_60 = arith.constant 0 : i32
      %dma_wait3A_61 = arith.constant 0 : i32
      %dma_wait3A_62 = tpu.memref_slice %arg3[%dma_wait3A_60, %dma_wait3A_61] : memref<10000x16xf32, #tpu.memory_space<hbm>> -> memref<10000x16xf32, #tpu.memory_space<hbm>>
      tpu.wait_indirect_dma semaphore(%arg25 : memref<!tpu.dma_semaphore, #tpu.memory_space<semaphore_mem>>) src(%dma_wait3A_62 : memref<10000x16xf32, #tpu.memory_space<hbm>>) dst(%arg15 : memref<80x16xf32, #tpu.memory_space<vmem>>)
      %dma_wait3A_63 = arith.constant 0 : i32
      %dma_wait3A_64 = arith.constant 0 : i32
      %dma_wait3A_65 = tpu.memref_slice %arg2[%arg0, %dma_wait3A_63, %dma_wait3A_64] : memref<2x10000x96xf32, #tpu.memory_space<hbm>> -> memref<1x10000x96xf32, #tpu.memory_space<hbm>>
      %dma_wait3A_66 = tpu.memref_squeeze %dma_wait3A_65 : memref<1x10000x96xf32, #tpu.memory_space<hbm>> -> memref<10000x96xf32, #tpu.memory_space<hbm>>
      %dma_wait3A_67 = arith.constant 0 : i32
      %dma_wait3A_68 = arith.constant 0 : i32
      %dma_wait3A_69 = tpu.memref_slice %dma_wait3A_66[%dma_wait3A_67, %dma_wait3A_68] : memref<10000x96xf32, #tpu.memory_space<hbm>> -> memref<10000x96xf32, #tpu.memory_space<hbm>>
      tpu.wait_indirect_dma semaphore(%arg25 : memref<!tpu.dma_semaphore, #tpu.memory_space<semaphore_mem>>) src(%dma_wait3A_69 : memref<10000x96xf32, #tpu.memory_space<hbm>>) dst(%arg17 : memref<80x96xf32, #tpu.memory_space<vmem>>)
      %ge3A = arith.constant 2 : i32
      %ge3A_70 = arith.cmpi sge, %mul3A_56, %ge3A : i32
      %convert_element_type3A_71 = arith.extui %ge3A_70 : i1 to i32
      %cond3A_72 = arith.constant 0 : i32
      %cond3A_73 = arith.cmpi ne, %convert_element_type3A_71, %cond3A_72 : i32
      scf.if %cond3A_73 {
        %dma_wait3A_679 = arith.constant 0 : i32
        %dma_wait3A_680 = arith.constant 0 : i32
        %dma_wait3A_681 = tpu.memref_slice %arg22[%dma_wait3A_679, %dma_wait3A_680] : memref<10000x112xf32, #tpu.memory_space<vmem_shared>> -> memref<10000x112xf32, #tpu.memory_space<vmem_shared>>
        tpu.wait_indirect_dma semaphore(%arg27 : memref<!tpu.dma_semaphore, #tpu.memory_space<semaphore_mem>>) src(%arg19 : memref<80x112xf32, #tpu.memory_space<vmem>>) dst(%dma_wait3A_681 : memref<10000x112xf32, #tpu.memory_space<vmem_shared>>)
      } else {
      }
      %get3A = arith.constant 0 : index
      %get3A_74 = tpu.vector_load %arg9[%get3A] {strides = array<i32>} : memref<80xi32, #tpu.memory_space<vmem>>, vector<16xi32>,
      %swap3A = arith.constant 0 : index
      %swap3A_75 = tpu.vector_load %arg11[%swap3A] {strides = array<i32>} : memref<80xi32, #tpu.memory_space<vmem>>, vector<16xi32>,
      tpu.vector_store %arg11[%swap3A], %get3A_74 {strides = array<i32>} : memref<80xi32, #tpu.memory_space<vmem>>, vector<16xi32>,
      %get3A_76 = arith.constant 16 : index
      %get3A_77 = tpu.vector_load %arg9[%get3A_76] {strides = array<i32>} : memref<80xi32, #tpu.memory_space<vmem>>, vector<16xi32>,
      %swap3A_78 = arith.constant 16 : index
      %swap3A_79 = tpu.vector_load %arg11[%swap3A_78] {strides = array<i32>} : memref<80xi32, #tpu.memory_space<vmem>>, vector<16xi32>,
      tpu.vector_store %arg11[%swap3A_78], %get3A_77 {strides = array<i32>} : memref<80xi32, #tpu.memory_space<vmem>>, vector<16xi32>,
      %get3A_80 = arith.constant 32 : index
      %get3A_81 = tpu.vector_load %arg9[%get3A_80] {strides = array<i32>} : memref<80xi32, #tpu.memory_space<vmem>>, vector<16xi32>,
      %swap3A_82 = arith.constant 32 : index
      %swap3A_83 = tpu.vector_load %arg11[%swap3A_82] {strides = array<i32>} : memref<80xi32, #tpu.memory_space<vmem>>, vector<16xi32>,
      tpu.vector_store %arg11[%swap3A_82], %get3A_81 {strides = array<i32>} : memref<80xi32, #tpu.memory_space<vmem>>, vector<16xi32>,
      %get3A_84 = arith.constant 48 : index
      %get3A_85 = tpu.vector_load %arg9[%get3A_84] {strides = array<i32>} : memref<80xi32, #tpu.memory_space<vmem>>, vector<16xi32>,
      %swap3A_86 = arith.constant 48 : index
      %swap3A_87 = tpu.vector_load %arg11[%swap3A_86] {strides = array<i32>} : memref<80xi32, #tpu.memory_space<vmem>>, vector<16xi32>,
      tpu.vector_store %arg11[%swap3A_86], %get3A_85 {strides = array<i32>} : memref<80xi32, #tpu.memory_space<vmem>>, vector<16xi32>,
      %get3A_88 = arith.constant 64 : index
      %get3A_89 = tpu.vector_load %arg9[%get3A_88] {strides = array<i32>} : memref<80xi32, #tpu.memory_space<vmem>>, vector<16xi32>,
      %swap3A_90 = arith.constant 64 : index
      %swap3A_91 = tpu.vector_load %arg11[%swap3A_90] {strides = array<i32>} : memref<80xi32, #tpu.memory_space<vmem>>, vector<16xi32>,
      tpu.vector_store %arg11[%swap3A_90], %get3A_89 {strides = array<i32>} : memref<80xi32, #tpu.memory_space<vmem>>, vector<16xi32>,
      %add3A_92 = arith.constant 1 : i32
      %add3A_93 = arith.addi %mul3A_56, %add3A_92 : i32
      %lt3A_94 = arith.constant 250 : i32
      %lt3A_95 = arith.cmpi slt, %add3A_93, %lt3A_94 : i32
      %convert_element_type3A_96 = arith.extui %lt3A_95 : i1 to i32
      %cond3A_97 = arith.constant 0 : i32
      %cond3A_98 = arith.cmpi ne, %convert_element_type3A_96, %cond3A_97 : i32
      scf.if %cond3A_98 {
        %add3A_679 = arith.constant 1 : i32
        %add3A_680 = arith.addi %mul3A_56, %add3A_679 : i32
        %mul3A_681 = arith.constant 80 : i32
        %mul3A_682 = arith.muli %add3A_680, %mul3A_681 : i32
        %add3A_683 = arith.addi %mul3A_0, %mul3A_682 : i32
        %dma_wait3A_684 = tpu.memref_slice %arg4[%add3A_683] : memref<320000xi32, #tpu.memory_space<hbm>> -> memref<80xi32, #tpu.memory_space<hbm>>
        %dma_wait3A_685 = tpu.memref_slice %arg4[%add3A_683] : memref<320000xi32, #tpu.memory_space<hbm>> -> memref<80xi32, #tpu.memory_space<hbm>>
        tpu.wait_dma2 semaphore(%arg24 : memref<!tpu.dma_semaphore, #tpu.memory_space<semaphore_mem>>) src(%dma_wait3A_685 : memref<80xi32, #tpu.memory_space<hbm>>) dst(%arg8 : memref<80xi32, #tpu.memory_space<vmem>>)
        %dma_wait3A_686 = tpu.memref_slice %arg5[%add3A_683] : memref<320000xi32, #tpu.memory_space<hbm>> -> memref<80xi32, #tpu.memory_space<hbm>>
        %dma_wait3A_687 = tpu.memref_slice %arg5[%add3A_683] : memref<320000xi32, #tpu.memory_space<hbm>> -> memref<80xi32, #tpu.memory_space<hbm>>
        tpu.wait_dma2 semaphore(%arg24 : memref<!tpu.dma_semaphore, #tpu.memory_space<semaphore_mem>>) src(%dma_wait3A_687 : memref<80xi32, #tpu.memory_space<hbm>>) dst(%arg10 : memref<80xi32, #tpu.memory_space<vmem>>)
        %dma_start3A_688 = arith.constant 0 : i32
        %dma_start3A_689 = arith.constant 0 : i32
        %dma_start3A_690 = tpu.memref_slice %arg3[%dma_start3A_688, %dma_start3A_689] : memref<10000x16xf32, #tpu.memory_space<hbm>> -> memref<10000x16xf32, #tpu.memory_space<hbm>>
        tpu.enqueue_indirect_dma source(%dma_start3A_690 : memref<10000x16xf32, #tpu.memory_space<hbm>>) target(%arg14 : memref<80x16xf32, #tpu.memory_space<vmem>>) offsets(%arg8 : memref<80xi32, #tpu.memory_space<vmem>>) semaphore(%arg26 : memref<!tpu.dma_semaphore, #tpu.memory_space<semaphore_mem>>)
        %dma_start3A_691 = arith.constant 0 : i32
        %dma_start3A_692 = arith.constant 0 : i32
        %dma_start3A_693 = tpu.memref_slice %arg3[%dma_start3A_691, %dma_start3A_692] : memref<10000x16xf32, #tpu.memory_space<hbm>> -> memref<10000x16xf32, #tpu.memory_space<hbm>>
        tpu.enqueue_indirect_dma source(%dma_start3A_693 : memref<10000x16xf32, #tpu.memory_space<hbm>>) target(%arg16 : memref<80x16xf32, #tpu.memory_space<vmem>>) offsets(%arg10 : memref<80xi32, #tpu.memory_space<vmem>>) semaphore(%arg26 : memref<!tpu.dma_semaphore, #tpu.memory_space<semaphore_mem>>)
        %dma_start3A_694 = arith.constant 0 : i32
        %dma_start3A_695 = arith.constant 0 : i32
        %dma_start3A_696 = tpu.memref_slice %arg2[%arg0, %dma_start3A_694, %dma_start3A_695] : memref<2x10000x96xf32, #tpu.memory_space<hbm>> -> memref<1x10000x96xf32, #tpu.memory_space<hbm>>
        %dma_start3A_697 = tpu.memref_squeeze %dma_start3A_696 : memref<1x10000x96xf32, #tpu.memory_space<hbm>> -> memref<10000x96xf32, #tpu.memory_space<hbm>>
        %dma_start3A_698 = arith.constant 0 : i32
        %dma_start3A_699 = arith.constant 0 : i32
        %dma_start3A_700 = tpu.memref_slice %dma_start3A_697[%dma_start3A_698, %dma_start3A_699] : memref<10000x96xf32, #tpu.memory_space<hbm>> -> memref<10000x96xf32, #tpu.memory_space<hbm>>
        tpu.enqueue_indirect_dma source(%dma_start3A_700 : memref<10000x96xf32, #tpu.memory_space<hbm>>) target(%arg18 : memref<80x96xf32, #tpu.memory_space<vmem>>) offsets(%arg8 : memref<80xi32, #tpu.memory_space<vmem>>) semaphore(%arg26 : memref<!tpu.dma_semaphore, #tpu.memory_space<semaphore_mem>>)
      } else {
      }
      %add3A_99 = arith.constant 2 : i32
      %add3A_100 = arith.addi %mul3A_56, %add3A_99 : i32
      %lt3A_101 = arith.constant 250 : i32
      %lt3A_102 = arith.cmpi slt, %add3A_100, %lt3A_101 : i32
      %convert_element_type3A_103 = arith.extui %lt3A_102 : i1 to i32
      %cond3A_104 = arith.constant 0 : i32
      %cond3A_105 = arith.cmpi ne, %convert_element_type3A_103, %cond3A_104 : i32
      scf.if %cond3A_105 {
        %add3A_679 = arith.constant 2 : i32
        %add3A_680 = arith.addi %mul3A_56, %add3A_679 : i32
        %mul3A_681 = arith.constant 80 : i32
        %mul3A_682 = arith.muli %add3A_680, %mul3A_681 : i32
        %add3A_683 = arith.addi %mul3A_0, %mul3A_682 : i32
        %dma_start3A_684 = tpu.memref_slice %arg4[%add3A_683] : memref<320000xi32, #tpu.memory_space<hbm>> -> memref<80xi32, #tpu.memory_space<hbm>>
        %dma_start3A_685 = tpu.memref_slice %arg4[%add3A_683] : memref<320000xi32, #tpu.memory_space<hbm>> -> memref<80xi32, #tpu.memory_space<hbm>>
        tpu.enqueue_dma source(%dma_start3A_685 : memref<80xi32, #tpu.memory_space<hbm>>) target(%arg7 : memref<80xi32, #tpu.memory_space<vmem>>) target_semaphore(%arg23 : memref<!tpu.dma_semaphore, #tpu.memory_space<semaphore_mem>>)
        %dma_start3A_686 = tpu.memref_slice %arg5[%add3A_683] : memref<320000xi32, #tpu.memory_space<hbm>> -> memref<80xi32, #tpu.memory_space<hbm>>
        %dma_start3A_687 = tpu.memref_slice %arg5[%add3A_683] : memref<320000xi32, #tpu.memory_space<hbm>> -> memref<80xi32, #tpu.memory_space<hbm>>
        tpu.enqueue_dma source(%dma_start3A_687 : memref<80xi32, #tpu.memory_space<hbm>>) target(%arg9 : memref<80xi32, #tpu.memory_space<vmem>>) target_semaphore(%arg23 : memref<!tpu.dma_semaphore, #tpu.memory_space<semaphore_mem>>)
      } else {
      }
      %add3A_106 = arith.constant 0 : i32
      %add3A_107 = vector.broadcast %add3A_106 : i32 to vector<16xi32>
      %add3A_108 = arith.addi %iota3A, %add3A_107 : vector<16xi32>
      %broadcast_in_dim3A = arith.constant 0 : i32
      %broadcast_in_dim3A_109 = vector.broadcast %broadcast_in_dim3A : i32 to vector<16xi32>
      %gather3A = tpu.vector_load_idx %arg13[%add3A_108, %broadcast_in_dim3A_109] : memref<80x16xf32, #tpu.memory_space<vmem>>[vector<16xi32>, vector<16xi32>], vector<16xf32>,
      %broadcast_in_dim3A_110 = arith.constant 3 : i32
      %broadcast_in_dim3A_111 = vector.broadcast %broadcast_in_dim3A_110 : i32 to vector<16xi32>
      %gather3A_112 = tpu.vector_load_idx %arg15[%add3A_108, %broadcast_in_dim3A_111] : memref<80x16xf32, #tpu.memory_space<vmem>>[vector<16xi32>, vector<16xi32>], vector<16xf32>,
      %add3A_113 = arith.addf %gather3A, %gather3A_112 : vector<16xf32>
      %mul3A_114 = arith.constant 2.000000e-01 : f32
      %mul3A_115 = vector.broadcast %mul3A_114 : f32 to vector<16xf32>
      %mul3A_116 = arith.mulf %mul3A_115, %add3A_113 : vector<16xf32>
      %max3A = arith.maximumf %add3A_113, %mul3A_116 : vector<16xf32>
      %exp3A = math.exp %max3A : vector<16xf32>
      %swap3A_117 = arith.constant 0 : i32
      %swap3A_118 = arith.index_cast %swap3A_117 : i32 to index
      %swap3A_119 = arith.constant 0 : index
      %swap3A_120 = tpu.vector_load %arg21[%swap3A_118, %swap3A_119] {strides = array<i32>} : memref<3x80xf32, #tpu.memory_space<vmem>>, vector<16xf32>,
      tpu.vector_store %arg21[%swap3A_118, %swap3A_119], %exp3A {strides = array<i32>} : memref<3x80xf32, #tpu.memory_space<vmem>>, vector<16xf32>,
      %broadcast_in_dim3A_121 = arith.constant 1 : i32
      %broadcast_in_dim3A_122 = vector.broadcast %broadcast_in_dim3A_121 : i32 to vector<16xi32>
      %gather3A_123 = tpu.vector_load_idx %arg13[%add3A_108, %broadcast_in_dim3A_122] : memref<80x16xf32, #tpu.memory_space<vmem>>[vector<16xi32>, vector<16xi32>], vector<16xf32>,
      %broadcast_in_dim3A_124 = arith.constant 4 : i32
      %broadcast_in_dim3A_125 = vector.broadcast %broadcast_in_dim3A_124 : i32 to vector<16xi32>
      %gather3A_126 = tpu.vector_load_idx %arg15[%add3A_108, %broadcast_in_dim3A_125] : memref<80x16xf32, #tpu.memory_space<vmem>>[vector<16xi32>, vector<16xi32>], vector<16xf32>,
      %add3A_127 = arith.addf %gather3A_123, %gather3A_126 : vector<16xf32>
      %mul3A_128 = arith.constant 2.000000e-01 : f32
      %mul3A_129 = vector.broadcast %mul3A_128 : f32 to vector<16xf32>
      %mul3A_130 = arith.mulf %mul3A_129, %add3A_127 : vector<16xf32>
      %max3A_131 = arith.maximumf %add3A_127, %mul3A_130 : vector<16xf32>
      %exp3A_132 = math.exp %max3A_131 : vector<16xf32>
      %swap3A_133 = arith.constant 1 : i32
      %swap3A_134 = arith.index_cast %swap3A_133 : i32 to index
      %swap3A_135 = arith.constant 0 : index
      %swap3A_136 = tpu.vector_load %arg21[%swap3A_134, %swap3A_135] {strides = array<i32>} : memref<3x80xf32, #tpu.memory_space<vmem>>, vector<16xf32>,
      tpu.vector_store %arg21[%swap3A_134, %swap3A_135], %exp3A_132 {strides = array<i32>} : memref<3x80xf32, #tpu.memory_space<vmem>>, vector<16xf32>,
      %broadcast_in_dim3A_137 = arith.constant 2 : i32
      %broadcast_in_dim3A_138 = vector.broadcast %broadcast_in_dim3A_137 : i32 to vector<16xi32>
      %gather3A_139 = tpu.vector_load_idx %arg13[%add3A_108, %broadcast_in_dim3A_138] : memref<80x16xf32, #tpu.memory_space<vmem>>[vector<16xi32>, vector<16xi32>], vector<16xf32>,
      %broadcast_in_dim3A_140 = arith.constant 5 : i32
      %broadcast_in_dim3A_141 = vector.broadcast %broadcast_in_dim3A_140 : i32 to vector<16xi32>
      %gather3A_142 = tpu.vector_load_idx %arg15[%add3A_108, %broadcast_in_dim3A_141] : memref<80x16xf32, #tpu.memory_space<vmem>>[vector<16xi32>, vector<16xi32>], vector<16xf32>,
      %add3A_143 = arith.addf %gather3A_139, %gather3A_142 : vector<16xf32>
      %mul3A_144 = arith.constant 2.000000e-01 : f32
      %mul3A_145 = vector.broadcast %mul3A_144 : f32 to vector<16xf32>
      %mul3A_146 = arith.mulf %mul3A_145, %add3A_143 : vector<16xf32>
      %max3A_147 = arith.maximumf %add3A_143, %mul3A_146 : vector<16xf32>
      %exp3A_148 = math.exp %max3A_147 : vector<16xf32>
      %swap3A_149 = arith.constant 2 : i32
      %swap3A_150 = arith.index_cast %swap3A_149 : i32 to index
      %swap3A_151 = arith.constant 0 : index
      %swap3A_152 = tpu.vector_load %arg21[%swap3A_150, %swap3A_151] {strides = array<i32>} : memref<3x80xf32, #tpu.memory_space<vmem>>, vector<16xf32>,
      tpu.vector_store %arg21[%swap3A_150, %swap3A_151], %exp3A_148 {strides = array<i32>} : memref<3x80xf32, #tpu.memory_space<vmem>>, vector<16xf32>,
      %add3A_153 = arith.constant 16 : i32
      %add3A_154 = vector.broadcast %add3A_153 : i32 to vector<16xi32>
      %add3A_155 = arith.addi %iota3A, %add3A_154 : vector<16xi32>
      %broadcast_in_dim3A_156 = arith.constant 0 : i32
      %broadcast_in_dim3A_157 = vector.broadcast %broadcast_in_dim3A_156 : i32 to vector<16xi32>
      %gather3A_158 = tpu.vector_load_idx %arg13[%add3A_155, %broadcast_in_dim3A_157] : memref<80x16xf32, #tpu.memory_space<vmem>>[vector<16xi32>, vector<16xi32>], vector<16xf32>,
      %broadcast_in_dim3A_159 = arith.constant 3 : i32
      %broadcast_in_dim3A_160 = vector.broadcast %broadcast_in_dim3A_159 : i32 to vector<16xi32>
      %gather3A_161 = tpu.vector_load_idx %arg15[%add3A_155, %broadcast_in_dim3A_160] : memref<80x16xf32, #tpu.memory_space<vmem>>[vector<16xi32>, vector<16xi32>], vector<16xf32>,
      %add3A_162 = arith.addf %gather3A_158, %gather3A_161 : vector<16xf32>
      %mul3A_163 = arith.constant 2.000000e-01 : f32
      %mul3A_164 = vector.broadcast %mul3A_163 : f32 to vector<16xf32>
      %mul3A_165 = arith.mulf %mul3A_164, %add3A_162 : vector<16xf32>
      %max3A_166 = arith.maximumf %add3A_162, %mul3A_165 : vector<16xf32>
      %exp3A_167 = math.exp %max3A_166 : vector<16xf32>
      %swap3A_168 = arith.constant 0 : i32
      %swap3A_169 = arith.index_cast %swap3A_168 : i32 to index
      %swap3A_170 = arith.constant 16 : index
      %swap3A_171 = tpu.vector_load %arg21[%swap3A_169, %swap3A_170] {strides = array<i32>} : memref<3x80xf32, #tpu.memory_space<vmem>>, vector<16xf32>,
      tpu.vector_store %arg21[%swap3A_169, %swap3A_170], %exp3A_167 {strides = array<i32>} : memref<3x80xf32, #tpu.memory_space<vmem>>, vector<16xf32>,
      %broadcast_in_dim3A_172 = arith.constant 1 : i32
      %broadcast_in_dim3A_173 = vector.broadcast %broadcast_in_dim3A_172 : i32 to vector<16xi32>
      %gather3A_174 = tpu.vector_load_idx %arg13[%add3A_155, %broadcast_in_dim3A_173] : memref<80x16xf32, #tpu.memory_space<vmem>>[vector<16xi32>, vector<16xi32>], vector<16xf32>,
      %broadcast_in_dim3A_175 = arith.constant 4 : i32
      %broadcast_in_dim3A_176 = vector.broadcast %broadcast_in_dim3A_175 : i32 to vector<16xi32>
      %gather3A_177 = tpu.vector_load_idx %arg15[%add3A_155, %broadcast_in_dim3A_176] : memref<80x16xf32, #tpu.memory_space<vmem>>[vector<16xi32>, vector<16xi32>], vector<16xf32>,
      %add3A_178 = arith.addf %gather3A_174, %gather3A_177 : vector<16xf32>
      %mul3A_179 = arith.constant 2.000000e-01 : f32
      %mul3A_180 = vector.broadcast %mul3A_179 : f32 to vector<16xf32>
      %mul3A_181 = arith.mulf %mul3A_180, %add3A_178 : vector<16xf32>
      %max3A_182 = arith.maximumf %add3A_178, %mul3A_181 : vector<16xf32>
      %exp3A_183 = math.exp %max3A_182 : vector<16xf32>
      %swap3A_184 = arith.constant 1 : i32
      %swap3A_185 = arith.index_cast %swap3A_184 : i32 to index
      %swap3A_186 = arith.constant 16 : index
      %swap3A_187 = tpu.vector_load %arg21[%swap3A_185, %swap3A_186] {strides = array<i32>} : memref<3x80xf32, #tpu.memory_space<vmem>>, vector<16xf32>,
      tpu.vector_store %arg21[%swap3A_185, %swap3A_186], %exp3A_183 {strides = array<i32>} : memref<3x80xf32, #tpu.memory_space<vmem>>, vector<16xf32>,
      %broadcast_in_dim3A_188 = arith.constant 2 : i32
      %broadcast_in_dim3A_189 = vector.broadcast %broadcast_in_dim3A_188 : i32 to vector<16xi32>
      %gather3A_190 = tpu.vector_load_idx %arg13[%add3A_155, %broadcast_in_dim3A_189] : memref<80x16xf32, #tpu.memory_space<vmem>>[vector<16xi32>, vector<16xi32>], vector<16xf32>,
      %broadcast_in_dim3A_191 = arith.constant 5 : i32
      %broadcast_in_dim3A_192 = vector.broadcast %broadcast_in_dim3A_191 : i32 to vector<16xi32>
      %gather3A_193 = tpu.vector_load_idx %arg15[%add3A_155, %broadcast_in_dim3A_192] : memref<80x16xf32, #tpu.memory_space<vmem>>[vector<16xi32>, vector<16xi32>], vector<16xf32>,
      %add3A_194 = arith.addf %gather3A_190, %gather3A_193 : vector<16xf32>
      %mul3A_195 = arith.constant 2.000000e-01 : f32
      %mul3A_196 = vector.broadcast %mul3A_195 : f32 to vector<16xf32>
      %mul3A_197 = arith.mulf %mul3A_196, %add3A_194 : vector<16xf32>
      %max3A_198 = arith.maximumf %add3A_194, %mul3A_197 : vector<16xf32>
      %exp3A_199 = math.exp %max3A_198 : vector<16xf32>
      %swap3A_200 = arith.constant 2 : i32
      %swap3A_201 = arith.index_cast %swap3A_200 : i32 to index
      %swap3A_202 = arith.constant 16 : index
      %swap3A_203 = tpu.vector_load %arg21[%swap3A_201, %swap3A_202] {strides = array<i32>} : memref<3x80xf32, #tpu.memory_space<vmem>>, vector<16xf32>,
      tpu.vector_store %arg21[%swap3A_201, %swap3A_202], %exp3A_199 {strides = array<i32>} : memref<3x80xf32, #tpu.memory_space<vmem>>, vector<16xf32>,
      %add3A_204 = arith.constant 32 : i32
      %add3A_205 = vector.broadcast %add3A_204 : i32 to vector<16xi32>
      %add3A_206 = arith.addi %iota3A, %add3A_205 : vector<16xi32>
      %broadcast_in_dim3A_207 = arith.constant 0 : i32
      %broadcast_in_dim3A_208 = vector.broadcast %broadcast_in_dim3A_207 : i32 to vector<16xi32>
      %gather3A_209 = tpu.vector_load_idx %arg13[%add3A_206, %broadcast_in_dim3A_208] : memref<80x16xf32, #tpu.memory_space<vmem>>[vector<16xi32>, vector<16xi32>], vector<16xf32>,
      %broadcast_in_dim3A_210 = arith.constant 3 : i32
      %broadcast_in_dim3A_211 = vector.broadcast %broadcast_in_dim3A_210 : i32 to vector<16xi32>
      %gather3A_212 = tpu.vector_load_idx %arg15[%add3A_206, %broadcast_in_dim3A_211] : memref<80x16xf32, #tpu.memory_space<vmem>>[vector<16xi32>, vector<16xi32>], vector<16xf32>,
      %add3A_213 = arith.addf %gather3A_209, %gather3A_212 : vector<16xf32>
      %mul3A_214 = arith.constant 2.000000e-01 : f32
      %mul3A_215 = vector.broadcast %mul3A_214 : f32 to vector<16xf32>
      %mul3A_216 = arith.mulf %mul3A_215, %add3A_213 : vector<16xf32>
      %max3A_217 = arith.maximumf %add3A_213, %mul3A_216 : vector<16xf32>
      %exp3A_218 = math.exp %max3A_217 : vector<16xf32>
      %swap3A_219 = arith.constant 0 : i32
      %swap3A_220 = arith.index_cast %swap3A_219 : i32 to index
      %swap3A_221 = arith.constant 32 : index
      %swap3A_222 = tpu.vector_load %arg21[%swap3A_220, %swap3A_221] {strides = array<i32>} : memref<3x80xf32, #tpu.memory_space<vmem>>, vector<16xf32>,
      tpu.vector_store %arg21[%swap3A_220, %swap3A_221], %exp3A_218 {strides = array<i32>} : memref<3x80xf32, #tpu.memory_space<vmem>>, vector<16xf32>,
      %broadcast_in_dim3A_223 = arith.constant 1 : i32
      %broadcast_in_dim3A_224 = vector.broadcast %broadcast_in_dim3A_223 : i32 to vector<16xi32>
      %gather3A_225 = tpu.vector_load_idx %arg13[%add3A_206, %broadcast_in_dim3A_224] : memref<80x16xf32, #tpu.memory_space<vmem>>[vector<16xi32>, vector<16xi32>], vector<16xf32>,
      %broadcast_in_dim3A_226 = arith.constant 4 : i32
      %broadcast_in_dim3A_227 = vector.broadcast %broadcast_in_dim3A_226 : i32 to vector<16xi32>
      %gather3A_228 = tpu.vector_load_idx %arg15[%add3A_206, %broadcast_in_dim3A_227] : memref<80x16xf32, #tpu.memory_space<vmem>>[vector<16xi32>, vector<16xi32>], vector<16xf32>,
      %add3A_229 = arith.addf %gather3A_225, %gather3A_228 : vector<16xf32>
      %mul3A_230 = arith.constant 2.000000e-01 : f32
      %mul3A_231 = vector.broadcast %mul3A_230 : f32 to vector<16xf32>
      %mul3A_232 = arith.mulf %mul3A_231, %add3A_229 : vector<16xf32>
      %max3A_233 = arith.maximumf %add3A_229, %mul3A_232 : vector<16xf32>
      %exp3A_234 = math.exp %max3A_233 : vector<16xf32>
      %swap3A_235 = arith.constant 1 : i32
      %swap3A_236 = arith.index_cast %swap3A_235 : i32 to index
      %swap3A_237 = arith.constant 32 : index
      %swap3A_238 = tpu.vector_load %arg21[%swap3A_236, %swap3A_237] {strides = array<i32>} : memref<3x80xf32, #tpu.memory_space<vmem>>, vector<16xf32>,
      tpu.vector_store %arg21[%swap3A_236, %swap3A_237], %exp3A_234 {strides = array<i32>} : memref<3x80xf32, #tpu.memory_space<vmem>>, vector<16xf32>,
      %broadcast_in_dim3A_239 = arith.constant 2 : i32
      %broadcast_in_dim3A_240 = vector.broadcast %broadcast_in_dim3A_239 : i32 to vector<16xi32>
      %gather3A_241 = tpu.vector_load_idx %arg13[%add3A_206, %broadcast_in_dim3A_240] : memref<80x16xf32, #tpu.memory_space<vmem>>[vector<16xi32>, vector<16xi32>], vector<16xf32>,
      %broadcast_in_dim3A_242 = arith.constant 5 : i32
      %broadcast_in_dim3A_243 = vector.broadcast %broadcast_in_dim3A_242 : i32 to vector<16xi32>
      %gather3A_244 = tpu.vector_load_idx %arg15[%add3A_206, %broadcast_in_dim3A_243] : memref<80x16xf32, #tpu.memory_space<vmem>>[vector<16xi32>, vector<16xi32>], vector<16xf32>,
      %add3A_245 = arith.addf %gather3A_241, %gather3A_244 : vector<16xf32>
      %mul3A_246 = arith.constant 2.000000e-01 : f32
      %mul3A_247 = vector.broadcast %mul3A_246 : f32 to vector<16xf32>
      %mul3A_248 = arith.mulf %mul3A_247, %add3A_245 : vector<16xf32>
      %max3A_249 = arith.maximumf %add3A_245, %mul3A_248 : vector<16xf32>
      %exp3A_250 = math.exp %max3A_249 : vector<16xf32>
      %swap3A_251 = arith.constant 2 : i32
      %swap3A_252 = arith.index_cast %swap3A_251 : i32 to index
      %swap3A_253 = arith.constant 32 : index
      %swap3A_254 = tpu.vector_load %arg21[%swap3A_252, %swap3A_253] {strides = array<i32>} : memref<3x80xf32, #tpu.memory_space<vmem>>, vector<16xf32>,
      tpu.vector_store %arg21[%swap3A_252, %swap3A_253], %exp3A_250 {strides = array<i32>} : memref<3x80xf32, #tpu.memory_space<vmem>>, vector<16xf32>,
      %add3A_255 = arith.constant 48 : i32
      %add3A_256 = vector.broadcast %add3A_255 : i32 to vector<16xi32>
      %add3A_257 = arith.addi %iota3A, %add3A_256 : vector<16xi32>
      %broadcast_in_dim3A_258 = arith.constant 0 : i32
      %broadcast_in_dim3A_259 = vector.broadcast %broadcast_in_dim3A_258 : i32 to vector<16xi32>
      %gather3A_260 = tpu.vector_load_idx %arg13[%add3A_257, %broadcast_in_dim3A_259] : memref<80x16xf32, #tpu.memory_space<vmem>>[vector<16xi32>, vector<16xi32>], vector<16xf32>,
      %broadcast_in_dim3A_261 = arith.constant 3 : i32
      %broadcast_in_dim3A_262 = vector.broadcast %broadcast_in_dim3A_261 : i32 to vector<16xi32>
      %gather3A_263 = tpu.vector_load_idx %arg15[%add3A_257, %broadcast_in_dim3A_262] : memref<80x16xf32, #tpu.memory_space<vmem>>[vector<16xi32>, vector<16xi32>], vector<16xf32>,
      %add3A_264 = arith.addf %gather3A_260, %gather3A_263 : vector<16xf32>
      %mul3A_265 = arith.constant 2.000000e-01 : f32
      %mul3A_266 = vector.broadcast %mul3A_265 : f32 to vector<16xf32>
      %mul3A_267 = arith.mulf %mul3A_266, %add3A_264 : vector<16xf32>
      %max3A_268 = arith.maximumf %add3A_264, %mul3A_267 : vector<16xf32>
      %exp3A_269 = math.exp %max3A_268 : vector<16xf32>
      %swap3A_270 = arith.constant 0 : i32
      %swap3A_271 = arith.index_cast %swap3A_270 : i32 to index
      %swap3A_272 = arith.constant 48 : index
      %swap3A_273 = tpu.vector_load %arg21[%swap3A_271, %swap3A_272] {strides = array<i32>} : memref<3x80xf32, #tpu.memory_space<vmem>>, vector<16xf32>,
      tpu.vector_store %arg21[%swap3A_271, %swap3A_272], %exp3A_269 {strides = array<i32>} : memref<3x80xf32, #tpu.memory_space<vmem>>, vector<16xf32>,
      %broadcast_in_dim3A_274 = arith.constant 1 : i32
      %broadcast_in_dim3A_275 = vector.broadcast %broadcast_in_dim3A_274 : i32 to vector<16xi32>
      %gather3A_276 = tpu.vector_load_idx %arg13[%add3A_257, %broadcast_in_dim3A_275] : memref<80x16xf32, #tpu.memory_space<vmem>>[vector<16xi32>, vector<16xi32>], vector<16xf32>,
      %broadcast_in_dim3A_277 = arith.constant 4 : i32
      %broadcast_in_dim3A_278 = vector.broadcast %broadcast_in_dim3A_277 : i32 to vector<16xi32>
      %gather3A_279 = tpu.vector_load_idx %arg15[%add3A_257, %broadcast_in_dim3A_278] : memref<80x16xf32, #tpu.memory_space<vmem>>[vector<16xi32>, vector<16xi32>], vector<16xf32>,
      %add3A_280 = arith.addf %gather3A_276, %gather3A_279 : vector<16xf32>
      %mul3A_281 = arith.constant 2.000000e-01 : f32
      %mul3A_282 = vector.broadcast %mul3A_281 : f32 to vector<16xf32>
      %mul3A_283 = arith.mulf %mul3A_282, %add3A_280 : vector<16xf32>
      %max3A_284 = arith.maximumf %add3A_280, %mul3A_283 : vector<16xf32>
      %exp3A_285 = math.exp %max3A_284 : vector<16xf32>
      %swap3A_286 = arith.constant 1 : i32
      %swap3A_287 = arith.index_cast %swap3A_286 : i32 to index
      %swap3A_288 = arith.constant 48 : index
      %swap3A_289 = tpu.vector_load %arg21[%swap3A_287, %swap3A_288] {strides = array<i32>} : memref<3x80xf32, #tpu.memory_space<vmem>>, vector<16xf32>,
      tpu.vector_store %arg21[%swap3A_287, %swap3A_288], %exp3A_285 {strides = array<i32>} : memref<3x80xf32, #tpu.memory_space<vmem>>, vector<16xf32>,
      %broadcast_in_dim3A_290 = arith.constant 2 : i32
      %broadcast_in_dim3A_291 = vector.broadcast %broadcast_in_dim3A_290 : i32 to vector<16xi32>
      %gather3A_292 = tpu.vector_load_idx %arg13[%add3A_257, %broadcast_in_dim3A_291] : memref<80x16xf32, #tpu.memory_space<vmem>>[vector<16xi32>, vector<16xi32>], vector<16xf32>,
      %broadcast_in_dim3A_293 = arith.constant 5 : i32
      %broadcast_in_dim3A_294 = vector.broadcast %broadcast_in_dim3A_293 : i32 to vector<16xi32>
      %gather3A_295 = tpu.vector_load_idx %arg15[%add3A_257, %broadcast_in_dim3A_294] : memref<80x16xf32, #tpu.memory_space<vmem>>[vector<16xi32>, vector<16xi32>], vector<16xf32>,
      %add3A_296 = arith.addf %gather3A_292, %gather3A_295 : vector<16xf32>
      %mul3A_297 = arith.constant 2.000000e-01 : f32
      %mul3A_298 = vector.broadcast %mul3A_297 : f32 to vector<16xf32>
      %mul3A_299 = arith.mulf %mul3A_298, %add3A_296 : vector<16xf32>
      %max3A_300 = arith.maximumf %add3A_296, %mul3A_299 : vector<16xf32>
      %exp3A_301 = math.exp %max3A_300 : vector<16xf32>
      %swap3A_302 = arith.constant 2 : i32
      %swap3A_303 = arith.index_cast %swap3A_302 : i32 to index
      %swap3A_304 = arith.constant 48 : index
      %swap3A_305 = tpu.vector_load %arg21[%swap3A_303, %swap3A_304] {strides = array<i32>} : memref<3x80xf32, #tpu.memory_space<vmem>>, vector<16xf32>,
      tpu.vector_store %arg21[%swap3A_303, %swap3A_304], %exp3A_301 {strides = array<i32>} : memref<3x80xf32, #tpu.memory_space<vmem>>, vector<16xf32>,
      %add3A_306 = arith.constant 64 : i32
      %add3A_307 = vector.broadcast %add3A_306 : i32 to vector<16xi32>
      %add3A_308 = arith.addi %iota3A, %add3A_307 : vector<16xi32>
      %broadcast_in_dim3A_309 = arith.constant 0 : i32
      %broadcast_in_dim3A_310 = vector.broadcast %broadcast_in_dim3A_309 : i32 to vector<16xi32>
      %gather3A_311 = tpu.vector_load_idx %arg13[%add3A_308, %broadcast_in_dim3A_310] : memref<80x16xf32, #tpu.memory_space<vmem>>[vector<16xi32>, vector<16xi32>], vector<16xf32>,
      %broadcast_in_dim3A_312 = arith.constant 3 : i32
      %broadcast_in_dim3A_313 = vector.broadcast %broadcast_in_dim3A_312 : i32 to vector<16xi32>
      %gather3A_314 = tpu.vector_load_idx %arg15[%add3A_308, %broadcast_in_dim3A_313] : memref<80x16xf32, #tpu.memory_space<vmem>>[vector<16xi32>, vector<16xi32>], vector<16xf32>,
      %add3A_315 = arith.addf %gather3A_311, %gather3A_314 : vector<16xf32>
      %mul3A_316 = arith.constant 2.000000e-01 : f32
      %mul3A_317 = vector.broadcast %mul3A_316 : f32 to vector<16xf32>
      %mul3A_318 = arith.mulf %mul3A_317, %add3A_315 : vector<16xf32>
      %max3A_319 = arith.maximumf %add3A_315, %mul3A_318 : vector<16xf32>
      %exp3A_320 = math.exp %max3A_319 : vector<16xf32>
      %swap3A_321 = arith.constant 0 : i32
      %swap3A_322 = arith.index_cast %swap3A_321 : i32 to index
      %swap3A_323 = arith.constant 64 : index
      %swap3A_324 = tpu.vector_load %arg21[%swap3A_322, %swap3A_323] {strides = array<i32>} : memref<3x80xf32, #tpu.memory_space<vmem>>, vector<16xf32>,
      tpu.vector_store %arg21[%swap3A_322, %swap3A_323], %exp3A_320 {strides = array<i32>} : memref<3x80xf32, #tpu.memory_space<vmem>>, vector<16xf32>,
      %broadcast_in_dim3A_325 = arith.constant 1 : i32
      %broadcast_in_dim3A_326 = vector.broadcast %broadcast_in_dim3A_325 : i32 to vector<16xi32>
      %gather3A_327 = tpu.vector_load_idx %arg13[%add3A_308, %broadcast_in_dim3A_326] : memref<80x16xf32, #tpu.memory_space<vmem>>[vector<16xi32>, vector<16xi32>], vector<16xf32>,
      %broadcast_in_dim3A_328 = arith.constant 4 : i32
      %broadcast_in_dim3A_329 = vector.broadcast %broadcast_in_dim3A_328 : i32 to vector<16xi32>
      %gather3A_330 = tpu.vector_load_idx %arg15[%add3A_308, %broadcast_in_dim3A_329] : memref<80x16xf32, #tpu.memory_space<vmem>>[vector<16xi32>, vector<16xi32>], vector<16xf32>,
      %add3A_331 = arith.addf %gather3A_327, %gather3A_330 : vector<16xf32>
      %mul3A_332 = arith.constant 2.000000e-01 : f32
      %mul3A_333 = vector.broadcast %mul3A_332 : f32 to vector<16xf32>
      %mul3A_334 = arith.mulf %mul3A_333, %add3A_331 : vector<16xf32>
      %max3A_335 = arith.maximumf %add3A_331, %mul3A_334 : vector<16xf32>
      %exp3A_336 = math.exp %max3A_335 : vector<16xf32>
      %swap3A_337 = arith.constant 1 : i32
      %swap3A_338 = arith.index_cast %swap3A_337 : i32 to index
      %swap3A_339 = arith.constant 64 : index
      %swap3A_340 = tpu.vector_load %arg21[%swap3A_338, %swap3A_339] {strides = array<i32>} : memref<3x80xf32, #tpu.memory_space<vmem>>, vector<16xf32>,
      tpu.vector_store %arg21[%swap3A_338, %swap3A_339], %exp3A_336 {strides = array<i32>} : memref<3x80xf32, #tpu.memory_space<vmem>>, vector<16xf32>,
      %broadcast_in_dim3A_341 = arith.constant 2 : i32
      %broadcast_in_dim3A_342 = vector.broadcast %broadcast_in_dim3A_341 : i32 to vector<16xi32>
      %gather3A_343 = tpu.vector_load_idx %arg13[%add3A_308, %broadcast_in_dim3A_342] : memref<80x16xf32, #tpu.memory_space<vmem>>[vector<16xi32>, vector<16xi32>], vector<16xf32>,
      %broadcast_in_dim3A_344 = arith.constant 5 : i32
      %broadcast_in_dim3A_345 = vector.broadcast %broadcast_in_dim3A_344 : i32 to vector<16xi32>
      %gather3A_346 = tpu.vector_load_idx %arg15[%add3A_308, %broadcast_in_dim3A_345] : memref<80x16xf32, #tpu.memory_space<vmem>>[vector<16xi32>, vector<16xi32>], vector<16xf32>,
      %add3A_347 = arith.addf %gather3A_343, %gather3A_346 : vector<16xf32>
      %mul3A_348 = arith.constant 2.000000e-01 : f32
      %mul3A_349 = vector.broadcast %mul3A_348 : f32 to vector<16xf32>
      %mul3A_350 = arith.mulf %mul3A_349, %add3A_347 : vector<16xf32>
      %max3A_351 = arith.maximumf %add3A_347, %mul3A_350 : vector<16xf32>
      %exp3A_352 = math.exp %max3A_351 : vector<16xf32>
      %swap3A_353 = arith.constant 2 : i32
      %swap3A_354 = arith.index_cast %swap3A_353 : i32 to index
      %swap3A_355 = arith.constant 64 : index
      %swap3A_356 = tpu.vector_load %arg21[%swap3A_354, %swap3A_355] {strides = array<i32>} : memref<3x80xf32, #tpu.memory_space<vmem>>, vector<16xf32>,
      tpu.vector_store %arg21[%swap3A_354, %swap3A_355], %exp3A_352 {strides = array<i32>} : memref<3x80xf32, #tpu.memory_space<vmem>>, vector<16xf32>,
      %parallel_loop3A = arith.constant 0 : i32
      %parallel_loop3A_357 = arith.constant 80 : i32
      %parallel_loop3A_358 = arith.constant 1 : i32
      scf.for %parallel_loop3A_679 = %parallel_loop3A to %parallel_loop3A_357 step %parallel_loop3A_358  : i32 {
        %parallel_loop3A_680 = vector.broadcast %parallel_loop3A_679 : i32 to vector<16xi32>
        %parallel_loop3A_681 = arith.constant 0 : i32
        %parallel_loop3A_682 = vector.broadcast %parallel_loop3A_681 : i32 to vector<16xi32>
        %parallel_loop3A_683 = tpu.vector_load_idx %arg21[%parallel_loop3A_682, %parallel_loop3A_680] : memref<3x80xf32, #tpu.memory_space<vmem>>[vector<16xi32>, vector<16xi32>], vector<16xf32>,
        %parallel_loop3A_684 = arith.constant 1 : i32
        %parallel_loop3A_685 = vector.broadcast %parallel_loop3A_684 : i32 to vector<16xi32>
        %parallel_loop3A_686 = tpu.vector_load_idx %arg21[%parallel_loop3A_685, %parallel_loop3A_680] : memref<3x80xf32, #tpu.memory_space<vmem>>[vector<16xi32>, vector<16xi32>], vector<16xf32>,
        %parallel_loop3A_687 = arith.constant 2 : i32
        %parallel_loop3A_688 = vector.broadcast %parallel_loop3A_687 : i32 to vector<16xi32>
        %parallel_loop3A_689 = tpu.vector_load_idx %arg21[%parallel_loop3A_688, %parallel_loop3A_680] : memref<3x80xf32, #tpu.memory_space<vmem>>[vector<16xi32>, vector<16xi32>], vector<16xf32>,
        %parallel_loop3A_690 = arith.constant 96 : i32
        %parallel_loop3A_691 = arith.muli %arg0, %parallel_loop3A_690 : i32
        %parallel_loop3A_692 = arith.constant 0 : i32
        %parallel_loop3A_693 = arith.addi %parallel_loop3A_691, %parallel_loop3A_692 : i32
        %parallel_loop3A_694 = arith.constant 64 : i32
        %parallel_loop3A_695 = arith.divsi %parallel_loop3A_693, %parallel_loop3A_694 : i32
        %parallel_loop3A_696 = arith.constant 0 : i32
        %parallel_loop3A_697 = arith.cmpi sgt, %parallel_loop3A_693, %parallel_loop3A_696 : i32
        %parallel_loop3A_698 = arith.extui %parallel_loop3A_697 : i1 to i32
        %parallel_loop3A_699 = arith.constant 0 : i32
        %parallel_loop3A_700 = arith.cmpi slt, %parallel_loop3A_693, %parallel_loop3A_699 : i32
        %parallel_loop3A_701 = arith.extui %parallel_loop3A_700 : i1 to i32
        %parallel_loop3A_702 = arith.subi %parallel_loop3A_698, %parallel_loop3A_701 : i32
        %parallel_loop3A_703 = arith.constant 0 : i32
        %parallel_loop3A_704 = arith.cmpi sgt, %parallel_loop3A_694, %parallel_loop3A_703 : i32
        %parallel_loop3A_705 = arith.extui %parallel_loop3A_704 : i1 to i32
        %parallel_loop3A_706 = arith.constant 0 : i32
        %parallel_loop3A_707 = arith.cmpi slt, %parallel_loop3A_694, %parallel_loop3A_706 : i32
        %parallel_loop3A_708 = arith.extui %parallel_loop3A_707 : i1 to i32
        %parallel_loop3A_709 = arith.subi %parallel_loop3A_705, %parallel_loop3A_708 : i32
        %parallel_loop3A_710 = arith.cmpi ne, %parallel_loop3A_702, %parallel_loop3A_709 : i32
        %parallel_loop3A_711 = arith.remsi %parallel_loop3A_693, %parallel_loop3A_694 : i32
        %parallel_loop3A_712 = arith.constant 0 : i32
        %parallel_loop3A_713 = arith.cmpi ne, %parallel_loop3A_711, %parallel_loop3A_712 : i32
        %parallel_loop3A_714 = arith.andi %parallel_loop3A_710, %parallel_loop3A_713 : i1
        %parallel_loop3A_715 = arith.constant 1 : i32
        %parallel_loop3A_716 = arith.subi %parallel_loop3A_695, %parallel_loop3A_715 : i32
        %parallel_loop3A_717 = arith.select %parallel_loop3A_714, %parallel_loop3A_716, %parallel_loop3A_695 : i32
        %parallel_loop3A_718 = arith.constant 0 : i32
        %parallel_loop3A_719 = arith.cmpi eq, %parallel_loop3A_717, %parallel_loop3A_718 : i32
        %parallel_loop3A_720 = arith.constant 1 : i32
        %parallel_loop3A_721 = arith.cmpi eq, %parallel_loop3A_717, %parallel_loop3A_720 : i32
        %parallel_loop3A_722 = arith.select %parallel_loop3A_721, %parallel_loop3A_686, %parallel_loop3A_689 : vector<16xf32>
        %parallel_loop3A_723 = arith.select %parallel_loop3A_719, %parallel_loop3A_683, %parallel_loop3A_722 : vector<16xf32>
        %parallel_loop3A_724 = arith.index_cast %parallel_loop3A_679 : i32 to index
        %parallel_loop3A_725 = arith.constant 0 : index
        %parallel_loop3A_726 = tpu.vector_load %arg17[%parallel_loop3A_724, %parallel_loop3A_725] {strides = array<i32>} : memref<80x96xf32, #tpu.memory_space<vmem>>, vector<16xf32>,
        %parallel_loop3A_727 = arith.mulf %parallel_loop3A_726, %parallel_loop3A_723 : vector<16xf32>
        %parallel_loop3A_728 = arith.index_cast %parallel_loop3A_679 : i32 to index
        %parallel_loop3A_729 = arith.constant 0 : index
        %parallel_loop3A_730 = tpu.vector_load %arg19[%parallel_loop3A_728, %parallel_loop3A_729] {strides = array<i32>} : memref<80x112xf32, #tpu.memory_space<vmem>>, vector<16xf32>,
        tpu.vector_store %arg19[%parallel_loop3A_728, %parallel_loop3A_729], %parallel_loop3A_727 {strides = array<i32>} : memref<80x112xf32, #tpu.memory_space<vmem>>, vector<16xf32>,
        %parallel_loop3A_731 = arith.constant 96 : i32
        %parallel_loop3A_732 = arith.muli %arg0, %parallel_loop3A_731 : i32
        %parallel_loop3A_733 = arith.constant 16 : i32
        %parallel_loop3A_734 = arith.addi %parallel_loop3A_732, %parallel_loop3A_733 : i32
        %parallel_loop3A_735 = arith.constant 64 : i32
        %parallel_loop3A_736 = arith.divsi %parallel_loop3A_734, %parallel_loop3A_735 : i32
        %parallel_loop3A_737 = arith.constant 0 : i32
        %parallel_loop3A_738 = arith.cmpi sgt, %parallel_loop3A_734, %parallel_loop3A_737 : i32
        %parallel_loop3A_739 = arith.extui %parallel_loop3A_738 : i1 to i32
        %parallel_loop3A_740 = arith.constant 0 : i32
        %parallel_loop3A_741 = arith.cmpi slt, %parallel_loop3A_734, %parallel_loop3A_740 : i32
        %parallel_loop3A_742 = arith.extui %parallel_loop3A_741 : i1 to i32
        %parallel_loop3A_743 = arith.subi %parallel_loop3A_739, %parallel_loop3A_742 : i32
        %parallel_loop3A_744 = arith.constant 0 : i32
        %parallel_loop3A_745 = arith.cmpi sgt, %parallel_loop3A_735, %parallel_loop3A_744 : i32
        %parallel_loop3A_746 = arith.extui %parallel_loop3A_745 : i1 to i32
        %parallel_loop3A_747 = arith.constant 0 : i32
        %parallel_loop3A_748 = arith.cmpi slt, %parallel_loop3A_735, %parallel_loop3A_747 : i32
        %parallel_loop3A_749 = arith.extui %parallel_loop3A_748 : i1 to i32
        %parallel_loop3A_750 = arith.subi %parallel_loop3A_746, %parallel_loop3A_749 : i32
        %parallel_loop3A_751 = arith.cmpi ne, %parallel_loop3A_743, %parallel_loop3A_750 : i32
        %parallel_loop3A_752 = arith.remsi %parallel_loop3A_734, %parallel_loop3A_735 : i32
        %parallel_loop3A_753 = arith.constant 0 : i32
        %parallel_loop3A_754 = arith.cmpi ne, %parallel_loop3A_752, %parallel_loop3A_753 : i32
        %parallel_loop3A_755 = arith.andi %parallel_loop3A_751, %parallel_loop3A_754 : i1
        %parallel_loop3A_756 = arith.constant 1 : i32
        %parallel_loop3A_757 = arith.subi %parallel_loop3A_736, %parallel_loop3A_756 : i32
        %parallel_loop3A_758 = arith.select %parallel_loop3A_755, %parallel_loop3A_757, %parallel_loop3A_736 : i32
        %parallel_loop3A_759 = arith.constant 0 : i32
        %parallel_loop3A_760 = arith.cmpi eq, %parallel_loop3A_758, %parallel_loop3A_759 : i32
        %parallel_loop3A_761 = arith.constant 1 : i32
        %parallel_loop3A_762 = arith.cmpi eq, %parallel_loop3A_758, %parallel_loop3A_761 : i32
        %parallel_loop3A_763 = arith.select %parallel_loop3A_762, %parallel_loop3A_686, %parallel_loop3A_689 : vector<16xf32>
        %parallel_loop3A_764 = arith.select %parallel_loop3A_760, %parallel_loop3A_683, %parallel_loop3A_763 : vector<16xf32>
        %parallel_loop3A_765 = arith.index_cast %parallel_loop3A_679 : i32 to index
        %parallel_loop3A_766 = arith.constant 16 : index
        %parallel_loop3A_767 = tpu.vector_load %arg17[%parallel_loop3A_765, %parallel_loop3A_766] {strides = array<i32>} : memref<80x96xf32, #tpu.memory_space<vmem>>, vector<16xf32>,
        %parallel_loop3A_768 = arith.mulf %parallel_loop3A_767, %parallel_loop3A_764 : vector<16xf32>
        %parallel_loop3A_769 = arith.index_cast %parallel_loop3A_679 : i32 to index
        %parallel_loop3A_770 = arith.constant 16 : index
        %parallel_loop3A_771 = tpu.vector_load %arg19[%parallel_loop3A_769, %parallel_loop3A_770] {strides = array<i32>} : memref<80x112xf32, #tpu.memory_space<vmem>>, vector<16xf32>,
        tpu.vector_store %arg19[%parallel_loop3A_769, %parallel_loop3A_770], %parallel_loop3A_768 {strides = array<i32>} : memref<80x112xf32, #tpu.memory_space<vmem>>, vector<16xf32>,
        %parallel_loop3A_772 = arith.constant 96 : i32
        %parallel_loop3A_773 = arith.muli %arg0, %parallel_loop3A_772 : i32
        %parallel_loop3A_774 = arith.constant 32 : i32
        %parallel_loop3A_775 = arith.addi %parallel_loop3A_773, %parallel_loop3A_774 : i32
        %parallel_loop3A_776 = arith.constant 64 : i32
        %parallel_loop3A_777 = arith.divsi %parallel_loop3A_775, %parallel_loop3A_776 : i32
        %parallel_loop3A_778 = arith.constant 0 : i32
        %parallel_loop3A_779 = arith.cmpi sgt, %parallel_loop3A_775, %parallel_loop3A_778 : i32
        %parallel_loop3A_780 = arith.extui %parallel_loop3A_779 : i1 to i32
        %parallel_loop3A_781 = arith.constant 0 : i32
        %parallel_loop3A_782 = arith.cmpi slt, %parallel_loop3A_775, %parallel_loop3A_781 : i32
        %parallel_loop3A_783 = arith.extui %parallel_loop3A_782 : i1 to i32
        %parallel_loop3A_784 = arith.subi %parallel_loop3A_780, %parallel_loop3A_783 : i32
        %parallel_loop3A_785 = arith.constant 0 : i32
        %parallel_loop3A_786 = arith.cmpi sgt, %parallel_loop3A_776, %parallel_loop3A_785 : i32
        %parallel_loop3A_787 = arith.extui %parallel_loop3A_786 : i1 to i32
        %parallel_loop3A_788 = arith.constant 0 : i32
        %parallel_loop3A_789 = arith.cmpi slt, %parallel_loop3A_776, %parallel_loop3A_788 : i32
        %parallel_loop3A_790 = arith.extui %parallel_loop3A_789 : i1 to i32
        %parallel_loop3A_791 = arith.subi %parallel_loop3A_787, %parallel_loop3A_790 : i32
        %parallel_loop3A_792 = arith.cmpi ne, %parallel_loop3A_784, %parallel_loop3A_791 : i32
        %parallel_loop3A_793 = arith.remsi %parallel_loop3A_775, %parallel_loop3A_776 : i32
        %parallel_loop3A_794 = arith.constant 0 : i32
        %parallel_loop3A_795 = arith.cmpi ne, %parallel_loop3A_793, %parallel_loop3A_794 : i32
        %parallel_loop3A_796 = arith.andi %parallel_loop3A_792, %parallel_loop3A_795 : i1
        %parallel_loop3A_797 = arith.constant 1 : i32
        %parallel_loop3A_798 = arith.subi %parallel_loop3A_777, %parallel_loop3A_797 : i32
        %parallel_loop3A_799 = arith.select %parallel_loop3A_796, %parallel_loop3A_798, %parallel_loop3A_777 : i32
        %parallel_loop3A_800 = arith.constant 0 : i32
        %parallel_loop3A_801 = arith.cmpi eq, %parallel_loop3A_799, %parallel_loop3A_800 : i32
        %parallel_loop3A_802 = arith.constant 1 : i32
        %parallel_loop3A_803 = arith.cmpi eq, %parallel_loop3A_799, %parallel_loop3A_802 : i32
        %parallel_loop3A_804 = arith.select %parallel_loop3A_803, %parallel_loop3A_686, %parallel_loop3A_689 : vector<16xf32>
        %parallel_loop3A_805 = arith.select %parallel_loop3A_801, %parallel_loop3A_683, %parallel_loop3A_804 : vector<16xf32>
        %parallel_loop3A_806 = arith.index_cast %parallel_loop3A_679 : i32 to index
        %parallel_loop3A_807 = arith.constant 32 : index
        %parallel_loop3A_808 = tpu.vector_load %arg17[%parallel_loop3A_806, %parallel_loop3A_807] {strides = array<i32>} : memref<80x96xf32, #tpu.memory_space<vmem>>, vector<16xf32>,
        %parallel_loop3A_809 = arith.mulf %parallel_loop3A_808, %parallel_loop3A_805 : vector<16xf32>
        %parallel_loop3A_810 = arith.index_cast %parallel_loop3A_679 : i32 to index
        %parallel_loop3A_811 = arith.constant 32 : index
        %parallel_loop3A_812 = tpu.vector_load %arg19[%parallel_loop3A_810, %parallel_loop3A_811] {strides = array<i32>} : memref<80x112xf32, #tpu.memory_space<vmem>>, vector<16xf32>,
        tpu.vector_store %arg19[%parallel_loop3A_810, %parallel_loop3A_811], %parallel_loop3A_809 {strides = array<i32>} : memref<80x112xf32, #tpu.memory_space<vmem>>, vector<16xf32>,
        %parallel_loop3A_813 = arith.constant 96 : i32
        %parallel_loop3A_814 = arith.muli %arg0, %parallel_loop3A_813 : i32
        %parallel_loop3A_815 = arith.constant 48 : i32
        %parallel_loop3A_816 = arith.addi %parallel_loop3A_814, %parallel_loop3A_815 : i32
        %parallel_loop3A_817 = arith.constant 64 : i32
        %parallel_loop3A_818 = arith.divsi %parallel_loop3A_816, %parallel_loop3A_817 : i32
        %parallel_loop3A_819 = arith.constant 0 : i32
        %parallel_loop3A_820 = arith.cmpi sgt, %parallel_loop3A_816, %parallel_loop3A_819 : i32
        %parallel_loop3A_821 = arith.extui %parallel_loop3A_820 : i1 to i32
        %parallel_loop3A_822 = arith.constant 0 : i32
        %parallel_loop3A_823 = arith.cmpi slt, %parallel_loop3A_816, %parallel_loop3A_822 : i32
        %parallel_loop3A_824 = arith.extui %parallel_loop3A_823 : i1 to i32
        %parallel_loop3A_825 = arith.subi %parallel_loop3A_821, %parallel_loop3A_824 : i32
        %parallel_loop3A_826 = arith.constant 0 : i32
        %parallel_loop3A_827 = arith.cmpi sgt, %parallel_loop3A_817, %parallel_loop3A_826 : i32
        %parallel_loop3A_828 = arith.extui %parallel_loop3A_827 : i1 to i32
        %parallel_loop3A_829 = arith.constant 0 : i32
        %parallel_loop3A_830 = arith.cmpi slt, %parallel_loop3A_817, %parallel_loop3A_829 : i32
        %parallel_loop3A_831 = arith.extui %parallel_loop3A_830 : i1 to i32
        %parallel_loop3A_832 = arith.subi %parallel_loop3A_828, %parallel_loop3A_831 : i32
        %parallel_loop3A_833 = arith.cmpi ne, %parallel_loop3A_825, %parallel_loop3A_832 : i32
        %parallel_loop3A_834 = arith.remsi %parallel_loop3A_816, %parallel_loop3A_817 : i32
        %parallel_loop3A_835 = arith.constant 0 : i32
        %parallel_loop3A_836 = arith.cmpi ne, %parallel_loop3A_834, %parallel_loop3A_835 : i32
        %parallel_loop3A_837 = arith.andi %parallel_loop3A_833, %parallel_loop3A_836 : i1
        %parallel_loop3A_838 = arith.constant 1 : i32
        %parallel_loop3A_839 = arith.subi %parallel_loop3A_818, %parallel_loop3A_838 : i32
        %parallel_loop3A_840 = arith.select %parallel_loop3A_837, %parallel_loop3A_839, %parallel_loop3A_818 : i32
        %parallel_loop3A_841 = arith.constant 0 : i32
        %parallel_loop3A_842 = arith.cmpi eq, %parallel_loop3A_840, %parallel_loop3A_841 : i32
        %parallel_loop3A_843 = arith.constant 1 : i32
        %parallel_loop3A_844 = arith.cmpi eq, %parallel_loop3A_840, %parallel_loop3A_843 : i32
        %parallel_loop3A_845 = arith.select %parallel_loop3A_844, %parallel_loop3A_686, %parallel_loop3A_689 : vector<16xf32>
        %parallel_loop3A_846 = arith.select %parallel_loop3A_842, %parallel_loop3A_683, %parallel_loop3A_845 : vector<16xf32>
        %parallel_loop3A_847 = arith.index_cast %parallel_loop3A_679 : i32 to index
        %parallel_loop3A_848 = arith.constant 48 : index
        %parallel_loop3A_849 = tpu.vector_load %arg17[%parallel_loop3A_847, %parallel_loop3A_848] {strides = array<i32>} : memref<80x96xf32, #tpu.memory_space<vmem>>, vector<16xf32>,
        %parallel_loop3A_850 = arith.mulf %parallel_loop3A_849, %parallel_loop3A_846 : vector<16xf32>
        %parallel_loop3A_851 = arith.index_cast %parallel_loop3A_679 : i32 to index
        %parallel_loop3A_852 = arith.constant 48 : index
        %parallel_loop3A_853 = tpu.vector_load %arg19[%parallel_loop3A_851, %parallel_loop3A_852] {strides = array<i32>} : memref<80x112xf32, #tpu.memory_space<vmem>>, vector<16xf32>,
        tpu.vector_store %arg19[%parallel_loop3A_851, %parallel_loop3A_852], %parallel_loop3A_850 {strides = array<i32>} : memref<80x112xf32, #tpu.memory_space<vmem>>, vector<16xf32>,
        %parallel_loop3A_854 = arith.constant 96 : i32
        %parallel_loop3A_855 = arith.muli %arg0, %parallel_loop3A_854 : i32
        %parallel_loop3A_856 = arith.constant 64 : i32
        %parallel_loop3A_857 = arith.addi %parallel_loop3A_855, %parallel_loop3A_856 : i32
        %parallel_loop3A_858 = arith.constant 64 : i32
        %parallel_loop3A_859 = arith.divsi %parallel_loop3A_857, %parallel_loop3A_858 : i32
        %parallel_loop3A_860 = arith.constant 0 : i32
        %parallel_loop3A_861 = arith.cmpi sgt, %parallel_loop3A_857, %parallel_loop3A_860 : i32
        %parallel_loop3A_862 = arith.extui %parallel_loop3A_861 : i1 to i32
        %parallel_loop3A_863 = arith.constant 0 : i32
        %parallel_loop3A_864 = arith.cmpi slt, %parallel_loop3A_857, %parallel_loop3A_863 : i32
        %parallel_loop3A_865 = arith.extui %parallel_loop3A_864 : i1 to i32
        %parallel_loop3A_866 = arith.subi %parallel_loop3A_862, %parallel_loop3A_865 : i32
        %parallel_loop3A_867 = arith.constant 0 : i32
        %parallel_loop3A_868 = arith.cmpi sgt, %parallel_loop3A_858, %parallel_loop3A_867 : i32
        %parallel_loop3A_869 = arith.extui %parallel_loop3A_868 : i1 to i32
        %parallel_loop3A_870 = arith.constant 0 : i32
        %parallel_loop3A_871 = arith.cmpi slt, %parallel_loop3A_858, %parallel_loop3A_870 : i32
        %parallel_loop3A_872 = arith.extui %parallel_loop3A_871 : i1 to i32
        %parallel_loop3A_873 = arith.subi %parallel_loop3A_869, %parallel_loop3A_872 : i32
        %parallel_loop3A_874 = arith.cmpi ne, %parallel_loop3A_866, %parallel_loop3A_873 : i32
        %parallel_loop3A_875 = arith.remsi %parallel_loop3A_857, %parallel_loop3A_858 : i32
        %parallel_loop3A_876 = arith.constant 0 : i32
        %parallel_loop3A_877 = arith.cmpi ne, %parallel_loop3A_875, %parallel_loop3A_876 : i32
        %parallel_loop3A_878 = arith.andi %parallel_loop3A_874, %parallel_loop3A_877 : i1
        %parallel_loop3A_879 = arith.constant 1 : i32
        %parallel_loop3A_880 = arith.subi %parallel_loop3A_859, %parallel_loop3A_879 : i32
        %parallel_loop3A_881 = arith.select %parallel_loop3A_878, %parallel_loop3A_880, %parallel_loop3A_859 : i32
        %parallel_loop3A_882 = arith.constant 0 : i32
        %parallel_loop3A_883 = arith.cmpi eq, %parallel_loop3A_881, %parallel_loop3A_882 : i32
        %parallel_loop3A_884 = arith.constant 1 : i32
        %parallel_loop3A_885 = arith.cmpi eq, %parallel_loop3A_881, %parallel_loop3A_884 : i32
        %parallel_loop3A_886 = arith.select %parallel_loop3A_885, %parallel_loop3A_686, %parallel_loop3A_689 : vector<16xf32>
        %parallel_loop3A_887 = arith.select %parallel_loop3A_883, %parallel_loop3A_683, %parallel_loop3A_886 : vector<16xf32>
        %parallel_loop3A_888 = arith.index_cast %parallel_loop3A_679 : i32 to index
        %parallel_loop3A_889 = arith.constant 64 : index
        %parallel_loop3A_890 = tpu.vector_load %arg17[%parallel_loop3A_888, %parallel_loop3A_889] {strides = array<i32>} : memref<80x96xf32, #tpu.memory_space<vmem>>, vector<16xf32>,
        %parallel_loop3A_891 = arith.mulf %parallel_loop3A_890, %parallel_loop3A_887 : vector<16xf32>
        %parallel_loop3A_892 = arith.index_cast %parallel_loop3A_679 : i32 to index
        %parallel_loop3A_893 = arith.constant 64 : index
        %parallel_loop3A_894 = tpu.vector_load %arg19[%parallel_loop3A_892, %parallel_loop3A_893] {strides = array<i32>} : memref<80x112xf32, #tpu.memory_space<vmem>>, vector<16xf32>,
        tpu.vector_store %arg19[%parallel_loop3A_892, %parallel_loop3A_893], %parallel_loop3A_891 {strides = array<i32>} : memref<80x112xf32, #tpu.memory_space<vmem>>, vector<16xf32>,
        %parallel_loop3A_895 = arith.constant 96 : i32
        %parallel_loop3A_896 = arith.muli %arg0, %parallel_loop3A_895 : i32
        %parallel_loop3A_897 = arith.constant 80 : i32
        %parallel_loop3A_898 = arith.addi %parallel_loop3A_896, %parallel_loop3A_897 : i32
        %parallel_loop3A_899 = arith.constant 64 : i32
        %parallel_loop3A_900 = arith.divsi %parallel_loop3A_898, %parallel_loop3A_899 : i32
        %parallel_loop3A_901 = arith.constant 0 : i32
        %parallel_loop3A_902 = arith.cmpi sgt, %parallel_loop3A_898, %parallel_loop3A_901 : i32
        %parallel_loop3A_903 = arith.extui %parallel_loop3A_902 : i1 to i32
        %parallel_loop3A_904 = arith.constant 0 : i32
        %parallel_loop3A_905 = arith.cmpi slt, %parallel_loop3A_898, %parallel_loop3A_904 : i32
        %parallel_loop3A_906 = arith.extui %parallel_loop3A_905 : i1 to i32
        %parallel_loop3A_907 = arith.subi %parallel_loop3A_903, %parallel_loop3A_906 : i32
        %parallel_loop3A_908 = arith.constant 0 : i32
        %parallel_loop3A_909 = arith.cmpi sgt, %parallel_loop3A_899, %parallel_loop3A_908 : i32
        %parallel_loop3A_910 = arith.extui %parallel_loop3A_909 : i1 to i32
        %parallel_loop3A_911 = arith.constant 0 : i32
        %parallel_loop3A_912 = arith.cmpi slt, %parallel_loop3A_899, %parallel_loop3A_911 : i32
        %parallel_loop3A_913 = arith.extui %parallel_loop3A_912 : i1 to i32
        %parallel_loop3A_914 = arith.subi %parallel_loop3A_910, %parallel_loop3A_913 : i32
        %parallel_loop3A_915 = arith.cmpi ne, %parallel_loop3A_907, %parallel_loop3A_914 : i32
        %parallel_loop3A_916 = arith.remsi %parallel_loop3A_898, %parallel_loop3A_899 : i32
        %parallel_loop3A_917 = arith.constant 0 : i32
        %parallel_loop3A_918 = arith.cmpi ne, %parallel_loop3A_916, %parallel_loop3A_917 : i32
        %parallel_loop3A_919 = arith.andi %parallel_loop3A_915, %parallel_loop3A_918 : i1
        %parallel_loop3A_920 = arith.constant 1 : i32
        %parallel_loop3A_921 = arith.subi %parallel_loop3A_900, %parallel_loop3A_920 : i32
        %parallel_loop3A_922 = arith.select %parallel_loop3A_919, %parallel_loop3A_921, %parallel_loop3A_900 : i32
        %parallel_loop3A_923 = arith.constant 0 : i32
        %parallel_loop3A_924 = arith.cmpi eq, %parallel_loop3A_922, %parallel_loop3A_923 : i32
        %parallel_loop3A_925 = arith.constant 1 : i32
        %parallel_loop3A_926 = arith.cmpi eq, %parallel_loop3A_922, %parallel_loop3A_925 : i32
        %parallel_loop3A_927 = arith.select %parallel_loop3A_926, %parallel_loop3A_686, %parallel_loop3A_689 : vector<16xf32>
        %parallel_loop3A_928 = arith.select %parallel_loop3A_924, %parallel_loop3A_683, %parallel_loop3A_927 : vector<16xf32>
        %parallel_loop3A_929 = arith.index_cast %parallel_loop3A_679 : i32 to index
        %parallel_loop3A_930 = arith.constant 80 : index
        %parallel_loop3A_931 = tpu.vector_load %arg17[%parallel_loop3A_929, %parallel_loop3A_930] {strides = array<i32>} : memref<80x96xf32, #tpu.memory_space<vmem>>, vector<16xf32>,
        %parallel_loop3A_932 = arith.mulf %parallel_loop3A_931, %parallel_loop3A_928 : vector<16xf32>
        %parallel_loop3A_933 = arith.index_cast %parallel_loop3A_679 : i32 to index
        %parallel_loop3A_934 = arith.constant 80 : index
        %parallel_loop3A_935 = tpu.vector_load %arg19[%parallel_loop3A_933, %parallel_loop3A_934] {strides = array<i32>} : memref<80x112xf32, #tpu.memory_space<vmem>>, vector<16xf32>,
        tpu.vector_store %arg19[%parallel_loop3A_933, %parallel_loop3A_934], %parallel_loop3A_932 {strides = array<i32>} : memref<80x112xf32, #tpu.memory_space<vmem>>, vector<16xf32>,
        %parallel_loop3A_936 = arith.constant 0 : i32
        %parallel_loop3A_937 = vector.broadcast %parallel_loop3A_936 : i32 to vector<16xi32>
        %parallel_loop3A_938 = arith.cmpi eq, %iota3A, %parallel_loop3A_937 : vector<16xi32>
        %parallel_loop3A_939 = arith.constant 1 : i32
        %parallel_loop3A_940 = vector.broadcast %parallel_loop3A_939 : i32 to vector<16xi32>
        %parallel_loop3A_941 = arith.cmpi eq, %iota3A, %parallel_loop3A_940 : vector<16xi32>
        %parallel_loop3A_942 = arith.constant 2 : i32
        %parallel_loop3A_943 = vector.broadcast %parallel_loop3A_942 : i32 to vector<16xi32>
        %parallel_loop3A_944 = arith.cmpi eq, %iota3A, %parallel_loop3A_943 : vector<16xi32>
        %parallel_loop3A_945 = arith.constant 0.000000e+00 : f32
        %parallel_loop3A_946 = vector.broadcast %parallel_loop3A_945 : f32 to vector<16xf32>
        %parallel_loop3A_947 = arith.select %parallel_loop3A_944, %parallel_loop3A_689, %parallel_loop3A_946 : vector<16xi1>, vector<16xf32>
        %parallel_loop3A_948 = arith.select %parallel_loop3A_941, %parallel_loop3A_686, %parallel_loop3A_947 : vector<16xi1>, vector<16xf32>
        %parallel_loop3A_949 = arith.select %parallel_loop3A_938, %parallel_loop3A_683, %parallel_loop3A_948 : vector<16xi1>, vector<16xf32>
        %parallel_loop3A_950 = arith.index_cast %parallel_loop3A_679 : i32 to index
        %parallel_loop3A_951 = arith.constant 96 : index
        %parallel_loop3A_952 = tpu.vector_load %arg19[%parallel_loop3A_950, %parallel_loop3A_951] {strides = array<i32>} : memref<80x112xf32, #tpu.memory_space<vmem>>, vector<16xf32>,
        tpu.vector_store %arg19[%parallel_loop3A_950, %parallel_loop3A_951], %parallel_loop3A_949 {strides = array<i32>} : memref<80x112xf32, #tpu.memory_space<vmem>>, vector<16xf32>,
      } {sc.loop_unroll_factor = 4 : i64, sc.parallel_access}
      %dma_start3A_359 = arith.constant 0 : i32
      %dma_start3A_360 = arith.constant 0 : i32
      %dma_start3A_361 = tpu.memref_slice %arg22[%dma_start3A_359, %dma_start3A_360] : memref<10000x112xf32, #tpu.memory_space<vmem_shared>> -> memref<10000x112xf32, #tpu.memory_space<vmem_shared>>
      tpu.enqueue_indirect_dma source(%arg19 : memref<80x112xf32, #tpu.memory_space<vmem>>) target(%dma_start3A_361 : memref<10000x112xf32, #tpu.memory_space<vmem_shared>>) offsets(%arg11 : memref<80xi32, #tpu.memory_space<vmem>>) semaphore(%arg27 : memref<!tpu.dma_semaphore, #tpu.memory_space<semaphore_mem>>) {add = true}
      %mul3A_362 = arith.constant 2 : i32
      %mul3A_363 = arith.muli %mul3A_362, %scan3A_54 : i32
      %add3A_364 = arith.constant 1 : i32
      %add3A_365 = arith.addi %mul3A_363, %add3A_364 : i32
      %dma_wait3A_366 = arith.constant 0 : i32
      %dma_wait3A_367 = arith.constant 0 : i32
      %dma_wait3A_368 = tpu.memref_slice %arg3[%dma_wait3A_366, %dma_wait3A_367] : memref<10000x16xf32, #tpu.memory_space<hbm>> -> memref<10000x16xf32, #tpu.memory_space<hbm>>
      tpu.wait_indirect_dma semaphore(%arg26 : memref<!tpu.dma_semaphore, #tpu.memory_space<semaphore_mem>>) src(%dma_wait3A_368 : memref<10000x16xf32, #tpu.memory_space<hbm>>) dst(%arg14 : memref<80x16xf32, #tpu.memory_space<vmem>>)
      %dma_wait3A_369 = arith.constant 0 : i32
      %dma_wait3A_370 = arith.constant 0 : i32
      %dma_wait3A_371 = tpu.memref_slice %arg3[%dma_wait3A_369, %dma_wait3A_370] : memref<10000x16xf32, #tpu.memory_space<hbm>> -> memref<10000x16xf32, #tpu.memory_space<hbm>>
      tpu.wait_indirect_dma semaphore(%arg26 : memref<!tpu.dma_semaphore, #tpu.memory_space<semaphore_mem>>) src(%dma_wait3A_371 : memref<10000x16xf32, #tpu.memory_space<hbm>>) dst(%arg16 : memref<80x16xf32, #tpu.memory_space<vmem>>)
      %dma_wait3A_372 = arith.constant 0 : i32
      %dma_wait3A_373 = arith.constant 0 : i32
      %dma_wait3A_374 = tpu.memref_slice %arg2[%arg0, %dma_wait3A_372, %dma_wait3A_373] : memref<2x10000x96xf32, #tpu.memory_space<hbm>> -> memref<1x10000x96xf32, #tpu.memory_space<hbm>>
      %dma_wait3A_375 = tpu.memref_squeeze %dma_wait3A_374 : memref<1x10000x96xf32, #tpu.memory_space<hbm>> -> memref<10000x96xf32, #tpu.memory_space<hbm>>
      %dma_wait3A_376 = arith.constant 0 : i32
      %dma_wait3A_377 = arith.constant 0 : i32
      %dma_wait3A_378 = tpu.memref_slice %dma_wait3A_375[%dma_wait3A_376, %dma_wait3A_377] : memref<10000x96xf32, #tpu.memory_space<hbm>> -> memref<10000x96xf32, #tpu.memory_space<hbm>>
      tpu.wait_indirect_dma semaphore(%arg26 : memref<!tpu.dma_semaphore, #tpu.memory_space<semaphore_mem>>) src(%dma_wait3A_378 : memref<10000x96xf32, #tpu.memory_space<hbm>>) dst(%arg18 : memref<80x96xf32, #tpu.memory_space<vmem>>)
      %ge3A_379 = arith.constant 2 : i32
      %ge3A_380 = arith.cmpi sge, %add3A_365, %ge3A_379 : i32
      %convert_element_type3A_381 = arith.extui %ge3A_380 : i1 to i32
      %cond3A_382 = arith.constant 0 : i32
      %cond3A_383 = arith.cmpi ne, %convert_element_type3A_381, %cond3A_382 : i32
      scf.if %cond3A_383 {
        %dma_wait3A_679 = arith.constant 0 : i32
        %dma_wait3A_680 = arith.constant 0 : i32
        %dma_wait3A_681 = tpu.memref_slice %arg22[%dma_wait3A_679, %dma_wait3A_680] : memref<10000x112xf32, #tpu.memory_space<vmem_shared>> -> memref<10000x112xf32, #tpu.memory_space<vmem_shared>>
        tpu.wait_indirect_dma semaphore(%arg28 : memref<!tpu.dma_semaphore, #tpu.memory_space<semaphore_mem>>) src(%arg20 : memref<80x112xf32, #tpu.memory_space<vmem>>) dst(%dma_wait3A_681 : memref<10000x112xf32, #tpu.memory_space<vmem_shared>>)
      } else {
      }
      %get3A_384 = arith.constant 0 : index
      %get3A_385 = tpu.vector_load %arg10[%get3A_384] {strides = array<i32>} : memref<80xi32, #tpu.memory_space<vmem>>, vector<16xi32>,
      %swap3A_386 = arith.constant 0 : index
      %swap3A_387 = tpu.vector_load %arg12[%swap3A_386] {strides = array<i32>} : memref<80xi32, #tpu.memory_space<vmem>>, vector<16xi32>,
      tpu.vector_store %arg12[%swap3A_386], %get3A_385 {strides = array<i32>} : memref<80xi32, #tpu.memory_space<vmem>>, vector<16xi32>,
      %get3A_388 = arith.constant 16 : index
      %get3A_389 = tpu.vector_load %arg10[%get3A_388] {strides = array<i32>} : memref<80xi32, #tpu.memory_space<vmem>>, vector<16xi32>,
      %swap3A_390 = arith.constant 16 : index
      %swap3A_391 = tpu.vector_load %arg12[%swap3A_390] {strides = array<i32>} : memref<80xi32, #tpu.memory_space<vmem>>, vector<16xi32>,
      tpu.vector_store %arg12[%swap3A_390], %get3A_389 {strides = array<i32>} : memref<80xi32, #tpu.memory_space<vmem>>, vector<16xi32>,
      %get3A_392 = arith.constant 32 : index
      %get3A_393 = tpu.vector_load %arg10[%get3A_392] {strides = array<i32>} : memref<80xi32, #tpu.memory_space<vmem>>, vector<16xi32>,
      %swap3A_394 = arith.constant 32 : index
      %swap3A_395 = tpu.vector_load %arg12[%swap3A_394] {strides = array<i32>} : memref<80xi32, #tpu.memory_space<vmem>>, vector<16xi32>,
      tpu.vector_store %arg12[%swap3A_394], %get3A_393 {strides = array<i32>} : memref<80xi32, #tpu.memory_space<vmem>>, vector<16xi32>,
      %get3A_396 = arith.constant 48 : index
      %get3A_397 = tpu.vector_load %arg10[%get3A_396] {strides = array<i32>} : memref<80xi32, #tpu.memory_space<vmem>>, vector<16xi32>,
      %swap3A_398 = arith.constant 48 : index
      %swap3A_399 = tpu.vector_load %arg12[%swap3A_398] {strides = array<i32>} : memref<80xi32, #tpu.memory_space<vmem>>, vector<16xi32>,
      tpu.vector_store %arg12[%swap3A_398], %get3A_397 {strides = array<i32>} : memref<80xi32, #tpu.memory_space<vmem>>, vector<16xi32>,
      %get3A_400 = arith.constant 64 : index
      %get3A_401 = tpu.vector_load %arg10[%get3A_400] {strides = array<i32>} : memref<80xi32, #tpu.memory_space<vmem>>, vector<16xi32>,
      %swap3A_402 = arith.constant 64 : index
      %swap3A_403 = tpu.vector_load %arg12[%swap3A_402] {strides = array<i32>} : memref<80xi32, #tpu.memory_space<vmem>>, vector<16xi32>,
      tpu.vector_store %arg12[%swap3A_402], %get3A_401 {strides = array<i32>} : memref<80xi32, #tpu.memory_space<vmem>>, vector<16xi32>,
      %add3A_404 = arith.constant 1 : i32
      %add3A_405 = arith.addi %add3A_365, %add3A_404 : i32
      %lt3A_406 = arith.constant 250 : i32
      %lt3A_407 = arith.cmpi slt, %add3A_405, %lt3A_406 : i32
      %convert_element_type3A_408 = arith.extui %lt3A_407 : i1 to i32
      %cond3A_409 = arith.constant 0 : i32
      %cond3A_410 = arith.cmpi ne, %convert_element_type3A_408, %cond3A_409 : i32
      scf.if %cond3A_410 {
        %add3A_679 = arith.constant 1 : i32
        %add3A_680 = arith.addi %add3A_365, %add3A_679 : i32
        %mul3A_681 = arith.constant 80 : i32
        %mul3A_682 = arith.muli %add3A_680, %mul3A_681 : i32
        %add3A_683 = arith.addi %mul3A_0, %mul3A_682 : i32
        %dma_wait3A_684 = tpu.memref_slice %arg4[%add3A_683] : memref<320000xi32, #tpu.memory_space<hbm>> -> memref<80xi32, #tpu.memory_space<hbm>>
        %dma_wait3A_685 = tpu.memref_slice %arg4[%add3A_683] : memref<320000xi32, #tpu.memory_space<hbm>> -> memref<80xi32, #tpu.memory_space<hbm>>
        tpu.wait_dma2 semaphore(%arg23 : memref<!tpu.dma_semaphore, #tpu.memory_space<semaphore_mem>>) src(%dma_wait3A_685 : memref<80xi32, #tpu.memory_space<hbm>>) dst(%arg7 : memref<80xi32, #tpu.memory_space<vmem>>)
        %dma_wait3A_686 = tpu.memref_slice %arg5[%add3A_683] : memref<320000xi32, #tpu.memory_space<hbm>> -> memref<80xi32, #tpu.memory_space<hbm>>
        %dma_wait3A_687 = tpu.memref_slice %arg5[%add3A_683] : memref<320000xi32, #tpu.memory_space<hbm>> -> memref<80xi32, #tpu.memory_space<hbm>>
        tpu.wait_dma2 semaphore(%arg23 : memref<!tpu.dma_semaphore, #tpu.memory_space<semaphore_mem>>) src(%dma_wait3A_687 : memref<80xi32, #tpu.memory_space<hbm>>) dst(%arg9 : memref<80xi32, #tpu.memory_space<vmem>>)
        %dma_start3A_688 = arith.constant 0 : i32
        %dma_start3A_689 = arith.constant 0 : i32
        %dma_start3A_690 = tpu.memref_slice %arg3[%dma_start3A_688, %dma_start3A_689] : memref<10000x16xf32, #tpu.memory_space<hbm>> -> memref<10000x16xf32, #tpu.memory_space<hbm>>
        tpu.enqueue_indirect_dma source(%dma_start3A_690 : memref<10000x16xf32, #tpu.memory_space<hbm>>) target(%arg13 : memref<80x16xf32, #tpu.memory_space<vmem>>) offsets(%arg7 : memref<80xi32, #tpu.memory_space<vmem>>) semaphore(%arg25 : memref<!tpu.dma_semaphore, #tpu.memory_space<semaphore_mem>>)
        %dma_start3A_691 = arith.constant 0 : i32
        %dma_start3A_692 = arith.constant 0 : i32
        %dma_start3A_693 = tpu.memref_slice %arg3[%dma_start3A_691, %dma_start3A_692] : memref<10000x16xf32, #tpu.memory_space<hbm>> -> memref<10000x16xf32, #tpu.memory_space<hbm>>
        tpu.enqueue_indirect_dma source(%dma_start3A_693 : memref<10000x16xf32, #tpu.memory_space<hbm>>) target(%arg15 : memref<80x16xf32, #tpu.memory_space<vmem>>) offsets(%arg9 : memref<80xi32, #tpu.memory_space<vmem>>) semaphore(%arg25 : memref<!tpu.dma_semaphore, #tpu.memory_space<semaphore_mem>>)
        %dma_start3A_694 = arith.constant 0 : i32
        %dma_start3A_695 = arith.constant 0 : i32
        %dma_start3A_696 = tpu.memref_slice %arg2[%arg0, %dma_start3A_694, %dma_start3A_695] : memref<2x10000x96xf32, #tpu.memory_space<hbm>> -> memref<1x10000x96xf32, #tpu.memory_space<hbm>>
        %dma_start3A_697 = tpu.memref_squeeze %dma_start3A_696 : memref<1x10000x96xf32, #tpu.memory_space<hbm>> -> memref<10000x96xf32, #tpu.memory_space<hbm>>
        %dma_start3A_698 = arith.constant 0 : i32
        %dma_start3A_699 = arith.constant 0 : i32
        %dma_start3A_700 = tpu.memref_slice %dma_start3A_697[%dma_start3A_698, %dma_start3A_699] : memref<10000x96xf32, #tpu.memory_space<hbm>> -> memref<10000x96xf32, #tpu.memory_space<hbm>>
        tpu.enqueue_indirect_dma source(%dma_start3A_700 : memref<10000x96xf32, #tpu.memory_space<hbm>>) target(%arg17 : memref<80x96xf32, #tpu.memory_space<vmem>>) offsets(%arg7 : memref<80xi32, #tpu.memory_space<vmem>>) semaphore(%arg25 : memref<!tpu.dma_semaphore, #tpu.memory_space<semaphore_mem>>)
      } else {
      }
      %add3A_411 = arith.constant 2 : i32
      %add3A_412 = arith.addi %add3A_365, %add3A_411 : i32
      %lt3A_413 = arith.constant 250 : i32
      %lt3A_414 = arith.cmpi slt, %add3A_412, %lt3A_413 : i32
      %convert_element_type3A_415 = arith.extui %lt3A_414 : i1 to i32
      %cond3A_416 = arith.constant 0 : i32
      %cond3A_417 = arith.cmpi ne, %convert_element_type3A_415, %cond3A_416 : i32
      scf.if %cond3A_417 {
        %add3A_679 = arith.constant 2 : i32
        %add3A_680 = arith.addi %add3A_365, %add3A_679 : i32
        %mul3A_681 = arith.constant 80 : i32
        %mul3A_682 = arith.muli %add3A_680, %mul3A_681 : i32
        %add3A_683 = arith.addi %mul3A_0, %mul3A_682 : i32
        %dma_start3A_684 = tpu.memref_slice %arg4[%add3A_683] : memref<320000xi32, #tpu.memory_space<hbm>> -> memref<80xi32, #tpu.memory_space<hbm>>
        %dma_start3A_685 = tpu.memref_slice %arg4[%add3A_683] : memref<320000xi32, #tpu.memory_space<hbm>> -> memref<80xi32, #tpu.memory_space<hbm>>
        tpu.enqueue_dma source(%dma_start3A_685 : memref<80xi32, #tpu.memory_space<hbm>>) target(%arg8 : memref<80xi32, #tpu.memory_space<vmem>>) target_semaphore(%arg24 : memref<!tpu.dma_semaphore, #tpu.memory_space<semaphore_mem>>)
        %dma_start3A_686 = tpu.memref_slice %arg5[%add3A_683] : memref<320000xi32, #tpu.memory_space<hbm>> -> memref<80xi32, #tpu.memory_space<hbm>>
        %dma_start3A_687 = tpu.memref_slice %arg5[%add3A_683] : memref<320000xi32, #tpu.memory_space<hbm>> -> memref<80xi32, #tpu.memory_space<hbm>>
        tpu.enqueue_dma source(%dma_start3A_687 : memref<80xi32, #tpu.memory_space<hbm>>) target(%arg10 : memref<80xi32, #tpu.memory_space<vmem>>) target_semaphore(%arg24 : memref<!tpu.dma_semaphore, #tpu.memory_space<semaphore_mem>>)
      } else {
      }
      %add3A_418 = arith.constant 0 : i32
      %add3A_419 = vector.broadcast %add3A_418 : i32 to vector<16xi32>
      %add3A_420 = arith.addi %iota3A, %add3A_419 : vector<16xi32>
      %broadcast_in_dim3A_421 = arith.constant 0 : i32
      %broadcast_in_dim3A_422 = vector.broadcast %broadcast_in_dim3A_421 : i32 to vector<16xi32>
      %gather3A_423 = tpu.vector_load_idx %arg14[%add3A_420, %broadcast_in_dim3A_422] : memref<80x16xf32, #tpu.memory_space<vmem>>[vector<16xi32>, vector<16xi32>], vector<16xf32>,
      %broadcast_in_dim3A_424 = arith.constant 3 : i32
      %broadcast_in_dim3A_425 = vector.broadcast %broadcast_in_dim3A_424 : i32 to vector<16xi32>
      %gather3A_426 = tpu.vector_load_idx %arg16[%add3A_420, %broadcast_in_dim3A_425] : memref<80x16xf32, #tpu.memory_space<vmem>>[vector<16xi32>, vector<16xi32>], vector<16xf32>,
      %add3A_427 = arith.addf %gather3A_423, %gather3A_426 : vector<16xf32>
      %mul3A_428 = arith.constant 2.000000e-01 : f32
      %mul3A_429 = vector.broadcast %mul3A_428 : f32 to vector<16xf32>
      %mul3A_430 = arith.mulf %mul3A_429, %add3A_427 : vector<16xf32>
      %max3A_431 = arith.maximumf %add3A_427, %mul3A_430 : vector<16xf32>
      %exp3A_432 = math.exp %max3A_431 : vector<16xf32>
      %swap3A_433 = arith.constant 0 : i32
      %swap3A_434 = arith.index_cast %swap3A_433 : i32 to index
      %swap3A_435 = arith.constant 0 : index
      %swap3A_436 = tpu.vector_load %arg21[%swap3A_434, %swap3A_435] {strides = array<i32>} : memref<3x80xf32, #tpu.memory_space<vmem>>, vector<16xf32>,
      tpu.vector_store %arg21[%swap3A_434, %swap3A_435], %exp3A_432 {strides = array<i32>} : memref<3x80xf32, #tpu.memory_space<vmem>>, vector<16xf32>,
      %broadcast_in_dim3A_437 = arith.constant 1 : i32
      %broadcast_in_dim3A_438 = vector.broadcast %broadcast_in_dim3A_437 : i32 to vector<16xi32>
      %gather3A_439 = tpu.vector_load_idx %arg14[%add3A_420, %broadcast_in_dim3A_438] : memref<80x16xf32, #tpu.memory_space<vmem>>[vector<16xi32>, vector<16xi32>], vector<16xf32>,
      %broadcast_in_dim3A_440 = arith.constant 4 : i32
      %broadcast_in_dim3A_441 = vector.broadcast %broadcast_in_dim3A_440 : i32 to vector<16xi32>
      %gather3A_442 = tpu.vector_load_idx %arg16[%add3A_420, %broadcast_in_dim3A_441] : memref<80x16xf32, #tpu.memory_space<vmem>>[vector<16xi32>, vector<16xi32>], vector<16xf32>,
      %add3A_443 = arith.addf %gather3A_439, %gather3A_442 : vector<16xf32>
      %mul3A_444 = arith.constant 2.000000e-01 : f32
      %mul3A_445 = vector.broadcast %mul3A_444 : f32 to vector<16xf32>
      %mul3A_446 = arith.mulf %mul3A_445, %add3A_443 : vector<16xf32>
      %max3A_447 = arith.maximumf %add3A_443, %mul3A_446 : vector<16xf32>
      %exp3A_448 = math.exp %max3A_447 : vector<16xf32>
      %swap3A_449 = arith.constant 1 : i32
      %swap3A_450 = arith.index_cast %swap3A_449 : i32 to index
      %swap3A_451 = arith.constant 0 : index
      %swap3A_452 = tpu.vector_load %arg21[%swap3A_450, %swap3A_451] {strides = array<i32>} : memref<3x80xf32, #tpu.memory_space<vmem>>, vector<16xf32>,
      tpu.vector_store %arg21[%swap3A_450, %swap3A_451], %exp3A_448 {strides = array<i32>} : memref<3x80xf32, #tpu.memory_space<vmem>>, vector<16xf32>,
      %broadcast_in_dim3A_453 = arith.constant 2 : i32
      %broadcast_in_dim3A_454 = vector.broadcast %broadcast_in_dim3A_453 : i32 to vector<16xi32>
      %gather3A_455 = tpu.vector_load_idx %arg14[%add3A_420, %broadcast_in_dim3A_454] : memref<80x16xf32, #tpu.memory_space<vmem>>[vector<16xi32>, vector<16xi32>], vector<16xf32>,
      %broadcast_in_dim3A_456 = arith.constant 5 : i32
      %broadcast_in_dim3A_457 = vector.broadcast %broadcast_in_dim3A_456 : i32 to vector<16xi32>
      %gather3A_458 = tpu.vector_load_idx %arg16[%add3A_420, %broadcast_in_dim3A_457] : memref<80x16xf32, #tpu.memory_space<vmem>>[vector<16xi32>, vector<16xi32>], vector<16xf32>,
      %add3A_459 = arith.addf %gather3A_455, %gather3A_458 : vector<16xf32>
      %mul3A_460 = arith.constant 2.000000e-01 : f32
      %mul3A_461 = vector.broadcast %mul3A_460 : f32 to vector<16xf32>
      %mul3A_462 = arith.mulf %mul3A_461, %add3A_459 : vector<16xf32>
      %max3A_463 = arith.maximumf %add3A_459, %mul3A_462 : vector<16xf32>
      %exp3A_464 = math.exp %max3A_463 : vector<16xf32>
      %swap3A_465 = arith.constant 2 : i32
      %swap3A_466 = arith.index_cast %swap3A_465 : i32 to index
      %swap3A_467 = arith.constant 0 : index
      %swap3A_468 = tpu.vector_load %arg21[%swap3A_466, %swap3A_467] {strides = array<i32>} : memref<3x80xf32, #tpu.memory_space<vmem>>, vector<16xf32>,
      tpu.vector_store %arg21[%swap3A_466, %swap3A_467], %exp3A_464 {strides = array<i32>} : memref<3x80xf32, #tpu.memory_space<vmem>>, vector<16xf32>,
      %add3A_469 = arith.constant 16 : i32
      %add3A_470 = vector.broadcast %add3A_469 : i32 to vector<16xi32>
      %add3A_471 = arith.addi %iota3A, %add3A_470 : vector<16xi32>
      %broadcast_in_dim3A_472 = arith.constant 0 : i32
      %broadcast_in_dim3A_473 = vector.broadcast %broadcast_in_dim3A_472 : i32 to vector<16xi32>
      %gather3A_474 = tpu.vector_load_idx %arg14[%add3A_471, %broadcast_in_dim3A_473] : memref<80x16xf32, #tpu.memory_space<vmem>>[vector<16xi32>, vector<16xi32>], vector<16xf32>,
      %broadcast_in_dim3A_475 = arith.constant 3 : i32
      %broadcast_in_dim3A_476 = vector.broadcast %broadcast_in_dim3A_475 : i32 to vector<16xi32>
      %gather3A_477 = tpu.vector_load_idx %arg16[%add3A_471, %broadcast_in_dim3A_476] : memref<80x16xf32, #tpu.memory_space<vmem>>[vector<16xi32>, vector<16xi32>], vector<16xf32>,
      %add3A_478 = arith.addf %gather3A_474, %gather3A_477 : vector<16xf32>
      %mul3A_479 = arith.constant 2.000000e-01 : f32
      %mul3A_480 = vector.broadcast %mul3A_479 : f32 to vector<16xf32>
      %mul3A_481 = arith.mulf %mul3A_480, %add3A_478 : vector<16xf32>
      %max3A_482 = arith.maximumf %add3A_478, %mul3A_481 : vector<16xf32>
      %exp3A_483 = math.exp %max3A_482 : vector<16xf32>
      %swap3A_484 = arith.constant 0 : i32
      %swap3A_485 = arith.index_cast %swap3A_484 : i32 to index
      %swap3A_486 = arith.constant 16 : index
      %swap3A_487 = tpu.vector_load %arg21[%swap3A_485, %swap3A_486] {strides = array<i32>} : memref<3x80xf32, #tpu.memory_space<vmem>>, vector<16xf32>,
      tpu.vector_store %arg21[%swap3A_485, %swap3A_486], %exp3A_483 {strides = array<i32>} : memref<3x80xf32, #tpu.memory_space<vmem>>, vector<16xf32>,
      %broadcast_in_dim3A_488 = arith.constant 1 : i32
      %broadcast_in_dim3A_489 = vector.broadcast %broadcast_in_dim3A_488 : i32 to vector<16xi32>
      %gather3A_490 = tpu.vector_load_idx %arg14[%add3A_471, %broadcast_in_dim3A_489] : memref<80x16xf32, #tpu.memory_space<vmem>>[vector<16xi32>, vector<16xi32>], vector<16xf32>,
      %broadcast_in_dim3A_491 = arith.constant 4 : i32
      %broadcast_in_dim3A_492 = vector.broadcast %broadcast_in_dim3A_491 : i32 to vector<16xi32>
      %gather3A_493 = tpu.vector_load_idx %arg16[%add3A_471, %broadcast_in_dim3A_492] : memref<80x16xf32, #tpu.memory_space<vmem>>[vector<16xi32>, vector<16xi32>], vector<16xf32>,
      %add3A_494 = arith.addf %gather3A_490, %gather3A_493 : vector<16xf32>
      %mul3A_495 = arith.constant 2.000000e-01 : f32
      %mul3A_496 = vector.broadcast %mul3A_495 : f32 to vector<16xf32>
      %mul3A_497 = arith.mulf %mul3A_496, %add3A_494 : vector<16xf32>
      %max3A_498 = arith.maximumf %add3A_494, %mul3A_497 : vector<16xf32>
      %exp3A_499 = math.exp %max3A_498 : vector<16xf32>
      %swap3A_500 = arith.constant 1 : i32
      %swap3A_501 = arith.index_cast %swap3A_500 : i32 to index
      %swap3A_502 = arith.constant 16 : index
      %swap3A_503 = tpu.vector_load %arg21[%swap3A_501, %swap3A_502] {strides = array<i32>} : memref<3x80xf32, #tpu.memory_space<vmem>>, vector<16xf32>,
      tpu.vector_store %arg21[%swap3A_501, %swap3A_502], %exp3A_499 {strides = array<i32>} : memref<3x80xf32, #tpu.memory_space<vmem>>, vector<16xf32>,
      %broadcast_in_dim3A_504 = arith.constant 2 : i32
      %broadcast_in_dim3A_505 = vector.broadcast %broadcast_in_dim3A_504 : i32 to vector<16xi32>
      %gather3A_506 = tpu.vector_load_idx %arg14[%add3A_471, %broadcast_in_dim3A_505] : memref<80x16xf32, #tpu.memory_space<vmem>>[vector<16xi32>, vector<16xi32>], vector<16xf32>,
      %broadcast_in_dim3A_507 = arith.constant 5 : i32
      %broadcast_in_dim3A_508 = vector.broadcast %broadcast_in_dim3A_507 : i32 to vector<16xi32>
      %gather3A_509 = tpu.vector_load_idx %arg16[%add3A_471, %broadcast_in_dim3A_508] : memref<80x16xf32, #tpu.memory_space<vmem>>[vector<16xi32>, vector<16xi32>], vector<16xf32>,
      %add3A_510 = arith.addf %gather3A_506, %gather3A_509 : vector<16xf32>
      %mul3A_511 = arith.constant 2.000000e-01 : f32
      %mul3A_512 = vector.broadcast %mul3A_511 : f32 to vector<16xf32>
      %mul3A_513 = arith.mulf %mul3A_512, %add3A_510 : vector<16xf32>
      %max3A_514 = arith.maximumf %add3A_510, %mul3A_513 : vector<16xf32>
      %exp3A_515 = math.exp %max3A_514 : vector<16xf32>
      %swap3A_516 = arith.constant 2 : i32
      %swap3A_517 = arith.index_cast %swap3A_516 : i32 to index
      %swap3A_518 = arith.constant 16 : index
      %swap3A_519 = tpu.vector_load %arg21[%swap3A_517, %swap3A_518] {strides = array<i32>} : memref<3x80xf32, #tpu.memory_space<vmem>>, vector<16xf32>,
      tpu.vector_store %arg21[%swap3A_517, %swap3A_518], %exp3A_515 {strides = array<i32>} : memref<3x80xf32, #tpu.memory_space<vmem>>, vector<16xf32>,
      %add3A_520 = arith.constant 32 : i32
      %add3A_521 = vector.broadcast %add3A_520 : i32 to vector<16xi32>
      %add3A_522 = arith.addi %iota3A, %add3A_521 : vector<16xi32>
      %broadcast_in_dim3A_523 = arith.constant 0 : i32
      %broadcast_in_dim3A_524 = vector.broadcast %broadcast_in_dim3A_523 : i32 to vector<16xi32>
      %gather3A_525 = tpu.vector_load_idx %arg14[%add3A_522, %broadcast_in_dim3A_524] : memref<80x16xf32, #tpu.memory_space<vmem>>[vector<16xi32>, vector<16xi32>], vector<16xf32>,
      %broadcast_in_dim3A_526 = arith.constant 3 : i32
      %broadcast_in_dim3A_527 = vector.broadcast %broadcast_in_dim3A_526 : i32 to vector<16xi32>
      %gather3A_528 = tpu.vector_load_idx %arg16[%add3A_522, %broadcast_in_dim3A_527] : memref<80x16xf32, #tpu.memory_space<vmem>>[vector<16xi32>, vector<16xi32>], vector<16xf32>,
      %add3A_529 = arith.addf %gather3A_525, %gather3A_528 : vector<16xf32>
      %mul3A_530 = arith.constant 2.000000e-01 : f32
      %mul3A_531 = vector.broadcast %mul3A_530 : f32 to vector<16xf32>
      %mul3A_532 = arith.mulf %mul3A_531, %add3A_529 : vector<16xf32>
      %max3A_533 = arith.maximumf %add3A_529, %mul3A_532 : vector<16xf32>
      %exp3A_534 = math.exp %max3A_533 : vector<16xf32>
      %swap3A_535 = arith.constant 0 : i32
      %swap3A_536 = arith.index_cast %swap3A_535 : i32 to index
      %swap3A_537 = arith.constant 32 : index
      %swap3A_538 = tpu.vector_load %arg21[%swap3A_536, %swap3A_537] {strides = array<i32>} : memref<3x80xf32, #tpu.memory_space<vmem>>, vector<16xf32>,
      tpu.vector_store %arg21[%swap3A_536, %swap3A_537], %exp3A_534 {strides = array<i32>} : memref<3x80xf32, #tpu.memory_space<vmem>>, vector<16xf32>,
      %broadcast_in_dim3A_539 = arith.constant 1 : i32
      %broadcast_in_dim3A_540 = vector.broadcast %broadcast_in_dim3A_539 : i32 to vector<16xi32>
      %gather3A_541 = tpu.vector_load_idx %arg14[%add3A_522, %broadcast_in_dim3A_540] : memref<80x16xf32, #tpu.memory_space<vmem>>[vector<16xi32>, vector<16xi32>], vector<16xf32>,
      %broadcast_in_dim3A_542 = arith.constant 4 : i32
      %broadcast_in_dim3A_543 = vector.broadcast %broadcast_in_dim3A_542 : i32 to vector<16xi32>
      %gather3A_544 = tpu.vector_load_idx %arg16[%add3A_522, %broadcast_in_dim3A_543] : memref<80x16xf32, #tpu.memory_space<vmem>>[vector<16xi32>, vector<16xi32>], vector<16xf32>,
      %add3A_545 = arith.addf %gather3A_541, %gather3A_544 : vector<16xf32>
      %mul3A_546 = arith.constant 2.000000e-01 : f32
      %mul3A_547 = vector.broadcast %mul3A_546 : f32 to vector<16xf32>
      %mul3A_548 = arith.mulf %mul3A_547, %add3A_545 : vector<16xf32>
      %max3A_549 = arith.maximumf %add3A_545, %mul3A_548 : vector<16xf32>
      %exp3A_550 = math.exp %max3A_549 : vector<16xf32>
      %swap3A_551 = arith.constant 1 : i32
      %swap3A_552 = arith.index_cast %swap3A_551 : i32 to index
      %swap3A_553 = arith.constant 32 : index
      %swap3A_554 = tpu.vector_load %arg21[%swap3A_552, %swap3A_553] {strides = array<i32>} : memref<3x80xf32, #tpu.memory_space<vmem>>, vector<16xf32>,
      tpu.vector_store %arg21[%swap3A_552, %swap3A_553], %exp3A_550 {strides = array<i32>} : memref<3x80xf32, #tpu.memory_space<vmem>>, vector<16xf32>,
      %broadcast_in_dim3A_555 = arith.constant 2 : i32
      %broadcast_in_dim3A_556 = vector.broadcast %broadcast_in_dim3A_555 : i32 to vector<16xi32>
      %gather3A_557 = tpu.vector_load_idx %arg14[%add3A_522, %broadcast_in_dim3A_556] : memref<80x16xf32, #tpu.memory_space<vmem>>[vector<16xi32>, vector<16xi32>], vector<16xf32>,
      %broadcast_in_dim3A_558 = arith.constant 5 : i32
      %broadcast_in_dim3A_559 = vector.broadcast %broadcast_in_dim3A_558 : i32 to vector<16xi32>
      %gather3A_560 = tpu.vector_load_idx %arg16[%add3A_522, %broadcast_in_dim3A_559] : memref<80x16xf32, #tpu.memory_space<vmem>>[vector<16xi32>, vector<16xi32>], vector<16xf32>,
      %add3A_561 = arith.addf %gather3A_557, %gather3A_560 : vector<16xf32>
      %mul3A_562 = arith.constant 2.000000e-01 : f32
      %mul3A_563 = vector.broadcast %mul3A_562 : f32 to vector<16xf32>
      %mul3A_564 = arith.mulf %mul3A_563, %add3A_561 : vector<16xf32>
      %max3A_565 = arith.maximumf %add3A_561, %mul3A_564 : vector<16xf32>
      %exp3A_566 = math.exp %max3A_565 : vector<16xf32>
      %swap3A_567 = arith.constant 2 : i32
      %swap3A_568 = arith.index_cast %swap3A_567 : i32 to index
      %swap3A_569 = arith.constant 32 : index
      %swap3A_570 = tpu.vector_load %arg21[%swap3A_568, %swap3A_569] {strides = array<i32>} : memref<3x80xf32, #tpu.memory_space<vmem>>, vector<16xf32>,
      tpu.vector_store %arg21[%swap3A_568, %swap3A_569], %exp3A_566 {strides = array<i32>} : memref<3x80xf32, #tpu.memory_space<vmem>>, vector<16xf32>,
      %add3A_571 = arith.constant 48 : i32
      %add3A_572 = vector.broadcast %add3A_571 : i32 to vector<16xi32>
      %add3A_573 = arith.addi %iota3A, %add3A_572 : vector<16xi32>
      %broadcast_in_dim3A_574 = arith.constant 0 : i32
      %broadcast_in_dim3A_575 = vector.broadcast %broadcast_in_dim3A_574 : i32 to vector<16xi32>
      %gather3A_576 = tpu.vector_load_idx %arg14[%add3A_573, %broadcast_in_dim3A_575] : memref<80x16xf32, #tpu.memory_space<vmem>>[vector<16xi32>, vector<16xi32>], vector<16xf32>,
      %broadcast_in_dim3A_577 = arith.constant 3 : i32
      %broadcast_in_dim3A_578 = vector.broadcast %broadcast_in_dim3A_577 : i32 to vector<16xi32>
      %gather3A_579 = tpu.vector_load_idx %arg16[%add3A_573, %broadcast_in_dim3A_578] : memref<80x16xf32, #tpu.memory_space<vmem>>[vector<16xi32>, vector<16xi32>], vector<16xf32>,
      %add3A_580 = arith.addf %gather3A_576, %gather3A_579 : vector<16xf32>
      %mul3A_581 = arith.constant 2.000000e-01 : f32
      %mul3A_582 = vector.broadcast %mul3A_581 : f32 to vector<16xf32>
      %mul3A_583 = arith.mulf %mul3A_582, %add3A_580 : vector<16xf32>
      %max3A_584 = arith.maximumf %add3A_580, %mul3A_583 : vector<16xf32>
      %exp3A_585 = math.exp %max3A_584 : vector<16xf32>
      %swap3A_586 = arith.constant 0 : i32
      %swap3A_587 = arith.index_cast %swap3A_586 : i32 to index
      %swap3A_588 = arith.constant 48 : index
      %swap3A_589 = tpu.vector_load %arg21[%swap3A_587, %swap3A_588] {strides = array<i32>} : memref<3x80xf32, #tpu.memory_space<vmem>>, vector<16xf32>,
      tpu.vector_store %arg21[%swap3A_587, %swap3A_588], %exp3A_585 {strides = array<i32>} : memref<3x80xf32, #tpu.memory_space<vmem>>, vector<16xf32>,
      %broadcast_in_dim3A_590 = arith.constant 1 : i32
      %broadcast_in_dim3A_591 = vector.broadcast %broadcast_in_dim3A_590 : i32 to vector<16xi32>
      %gather3A_592 = tpu.vector_load_idx %arg14[%add3A_573, %broadcast_in_dim3A_591] : memref<80x16xf32, #tpu.memory_space<vmem>>[vector<16xi32>, vector<16xi32>], vector<16xf32>,
      %broadcast_in_dim3A_593 = arith.constant 4 : i32
      %broadcast_in_dim3A_594 = vector.broadcast %broadcast_in_dim3A_593 : i32 to vector<16xi32>
      %gather3A_595 = tpu.vector_load_idx %arg16[%add3A_573, %broadcast_in_dim3A_594] : memref<80x16xf32, #tpu.memory_space<vmem>>[vector<16xi32>, vector<16xi32>], vector<16xf32>,
      %add3A_596 = arith.addf %gather3A_592, %gather3A_595 : vector<16xf32>
      %mul3A_597 = arith.constant 2.000000e-01 : f32
      %mul3A_598 = vector.broadcast %mul3A_597 : f32 to vector<16xf32>
      %mul3A_599 = arith.mulf %mul3A_598, %add3A_596 : vector<16xf32>
      %max3A_600 = arith.maximumf %add3A_596, %mul3A_599 : vector<16xf32>
      %exp3A_601 = math.exp %max3A_600 : vector<16xf32>
      %swap3A_602 = arith.constant 1 : i32
      %swap3A_603 = arith.index_cast %swap3A_602 : i32 to index
      %swap3A_604 = arith.constant 48 : index
      %swap3A_605 = tpu.vector_load %arg21[%swap3A_603, %swap3A_604] {strides = array<i32>} : memref<3x80xf32, #tpu.memory_space<vmem>>, vector<16xf32>,
      tpu.vector_store %arg21[%swap3A_603, %swap3A_604], %exp3A_601 {strides = array<i32>} : memref<3x80xf32, #tpu.memory_space<vmem>>, vector<16xf32>,
      %broadcast_in_dim3A_606 = arith.constant 2 : i32
      %broadcast_in_dim3A_607 = vector.broadcast %broadcast_in_dim3A_606 : i32 to vector<16xi32>
      %gather3A_608 = tpu.vector_load_idx %arg14[%add3A_573, %broadcast_in_dim3A_607] : memref<80x16xf32, #tpu.memory_space<vmem>>[vector<16xi32>, vector<16xi32>], vector<16xf32>,
      %broadcast_in_dim3A_609 = arith.constant 5 : i32
      %broadcast_in_dim3A_610 = vector.broadcast %broadcast_in_dim3A_609 : i32 to vector<16xi32>
      %gather3A_611 = tpu.vector_load_idx %arg16[%add3A_573, %broadcast_in_dim3A_610] : memref<80x16xf32, #tpu.memory_space<vmem>>[vector<16xi32>, vector<16xi32>], vector<16xf32>,
      %add3A_612 = arith.addf %gather3A_608, %gather3A_611 : vector<16xf32>
      %mul3A_613 = arith.constant 2.000000e-01 : f32
      %mul3A_614 = vector.broadcast %mul3A_613 : f32 to vector<16xf32>
      %mul3A_615 = arith.mulf %mul3A_614, %add3A_612 : vector<16xf32>
      %max3A_616 = arith.maximumf %add3A_612, %mul3A_615 : vector<16xf32>
      %exp3A_617 = math.exp %max3A_616 : vector<16xf32>
      %swap3A_618 = arith.constant 2 : i32
      %swap3A_619 = arith.index_cast %swap3A_618 : i32 to index
      %swap3A_620 = arith.constant 48 : index
      %swap3A_621 = tpu.vector_load %arg21[%swap3A_619, %swap3A_620] {strides = array<i32>} : memref<3x80xf32, #tpu.memory_space<vmem>>, vector<16xf32>,
      tpu.vector_store %arg21[%swap3A_619, %swap3A_620], %exp3A_617 {strides = array<i32>} : memref<3x80xf32, #tpu.memory_space<vmem>>, vector<16xf32>,
      %add3A_622 = arith.constant 64 : i32
      %add3A_623 = vector.broadcast %add3A_622 : i32 to vector<16xi32>
      %add3A_624 = arith.addi %iota3A, %add3A_623 : vector<16xi32>
      %broadcast_in_dim3A_625 = arith.constant 0 : i32
      %broadcast_in_dim3A_626 = vector.broadcast %broadcast_in_dim3A_625 : i32 to vector<16xi32>
      %gather3A_627 = tpu.vector_load_idx %arg14[%add3A_624, %broadcast_in_dim3A_626] : memref<80x16xf32, #tpu.memory_space<vmem>>[vector<16xi32>, vector<16xi32>], vector<16xf32>,
      %broadcast_in_dim3A_628 = arith.constant 3 : i32
      %broadcast_in_dim3A_629 = vector.broadcast %broadcast_in_dim3A_628 : i32 to vector<16xi32>
      %gather3A_630 = tpu.vector_load_idx %arg16[%add3A_624, %broadcast_in_dim3A_629] : memref<80x16xf32, #tpu.memory_space<vmem>>[vector<16xi32>, vector<16xi32>], vector<16xf32>,
      %add3A_631 = arith.addf %gather3A_627, %gather3A_630 : vector<16xf32>
      %mul3A_632 = arith.constant 2.000000e-01 : f32
      %mul3A_633 = vector.broadcast %mul3A_632 : f32 to vector<16xf32>
      %mul3A_634 = arith.mulf %mul3A_633, %add3A_631 : vector<16xf32>
      %max3A_635 = arith.maximumf %add3A_631, %mul3A_634 : vector<16xf32>
      %exp3A_636 = math.exp %max3A_635 : vector<16xf32>
      %swap3A_637 = arith.constant 0 : i32
      %swap3A_638 = arith.index_cast %swap3A_637 : i32 to index
      %swap3A_639 = arith.constant 64 : index
      %swap3A_640 = tpu.vector_load %arg21[%swap3A_638, %swap3A_639] {strides = array<i32>} : memref<3x80xf32, #tpu.memory_space<vmem>>, vector<16xf32>,
      tpu.vector_store %arg21[%swap3A_638, %swap3A_639], %exp3A_636 {strides = array<i32>} : memref<3x80xf32, #tpu.memory_space<vmem>>, vector<16xf32>,
      %broadcast_in_dim3A_641 = arith.constant 1 : i32
      %broadcast_in_dim3A_642 = vector.broadcast %broadcast_in_dim3A_641 : i32 to vector<16xi32>
      %gather3A_643 = tpu.vector_load_idx %arg14[%add3A_624, %broadcast_in_dim3A_642] : memref<80x16xf32, #tpu.memory_space<vmem>>[vector<16xi32>, vector<16xi32>], vector<16xf32>,
      %broadcast_in_dim3A_644 = arith.constant 4 : i32
      %broadcast_in_dim3A_645 = vector.broadcast %broadcast_in_dim3A_644 : i32 to vector<16xi32>
      %gather3A_646 = tpu.vector_load_idx %arg16[%add3A_624, %broadcast_in_dim3A_645] : memref<80x16xf32, #tpu.memory_space<vmem>>[vector<16xi32>, vector<16xi32>], vector<16xf32>,
      %add3A_647 = arith.addf %gather3A_643, %gather3A_646 : vector<16xf32>
      %mul3A_648 = arith.constant 2.000000e-01 : f32
      %mul3A_649 = vector.broadcast %mul3A_648 : f32 to vector<16xf32>
      %mul3A_650 = arith.mulf %mul3A_649, %add3A_647 : vector<16xf32>
      %max3A_651 = arith.maximumf %add3A_647, %mul3A_650 : vector<16xf32>
      %exp3A_652 = math.exp %max3A_651 : vector<16xf32>
      %swap3A_653 = arith.constant 1 : i32
      %swap3A_654 = arith.index_cast %swap3A_653 : i32 to index
      %swap3A_655 = arith.constant 64 : index
      %swap3A_656 = tpu.vector_load %arg21[%swap3A_654, %swap3A_655] {strides = array<i32>} : memref<3x80xf32, #tpu.memory_space<vmem>>, vector<16xf32>,
      tpu.vector_store %arg21[%swap3A_654, %swap3A_655], %exp3A_652 {strides = array<i32>} : memref<3x80xf32, #tpu.memory_space<vmem>>, vector<16xf32>,
      %broadcast_in_dim3A_657 = arith.constant 2 : i32
      %broadcast_in_dim3A_658 = vector.broadcast %broadcast_in_dim3A_657 : i32 to vector<16xi32>
      %gather3A_659 = tpu.vector_load_idx %arg14[%add3A_624, %broadcast_in_dim3A_658] : memref<80x16xf32, #tpu.memory_space<vmem>>[vector<16xi32>, vector<16xi32>], vector<16xf32>,
      %broadcast_in_dim3A_660 = arith.constant 5 : i32
      %broadcast_in_dim3A_661 = vector.broadcast %broadcast_in_dim3A_660 : i32 to vector<16xi32>
      %gather3A_662 = tpu.vector_load_idx %arg16[%add3A_624, %broadcast_in_dim3A_661] : memref<80x16xf32, #tpu.memory_space<vmem>>[vector<16xi32>, vector<16xi32>], vector<16xf32>,
      %add3A_663 = arith.addf %gather3A_659, %gather3A_662 : vector<16xf32>
      %mul3A_664 = arith.constant 2.000000e-01 : f32
      %mul3A_665 = vector.broadcast %mul3A_664 : f32 to vector<16xf32>
      %mul3A_666 = arith.mulf %mul3A_665, %add3A_663 : vector<16xf32>
      %max3A_667 = arith.maximumf %add3A_663, %mul3A_666 : vector<16xf32>
      %exp3A_668 = math.exp %max3A_667 : vector<16xf32>
      %swap3A_669 = arith.constant 2 : i32
      %swap3A_670 = arith.index_cast %swap3A_669 : i32 to index
      %swap3A_671 = arith.constant 64 : index
      %swap3A_672 = tpu.vector_load %arg21[%swap3A_670, %swap3A_671] {strides = array<i32>} : memref<3x80xf32, #tpu.memory_space<vmem>>, vector<16xf32>,
      tpu.vector_store %arg21[%swap3A_670, %swap3A_671], %exp3A_668 {strides = array<i32>} : memref<3x80xf32, #tpu.memory_space<vmem>>, vector<16xf32>,
      %parallel_loop3A_673 = arith.constant 0 : i32
      %parallel_loop3A_674 = arith.constant 80 : i32
      %parallel_loop3A_675 = arith.constant 1 : i32
      scf.for %parallel_loop3A_679 = %parallel_loop3A_673 to %parallel_loop3A_674 step %parallel_loop3A_675  : i32 {
        %parallel_loop3A_680 = vector.broadcast %parallel_loop3A_679 : i32 to vector<16xi32>
        %parallel_loop3A_681 = arith.constant 0 : i32
        %parallel_loop3A_682 = vector.broadcast %parallel_loop3A_681 : i32 to vector<16xi32>
        %parallel_loop3A_683 = tpu.vector_load_idx %arg21[%parallel_loop3A_682, %parallel_loop3A_680] : memref<3x80xf32, #tpu.memory_space<vmem>>[vector<16xi32>, vector<16xi32>], vector<16xf32>,
        %parallel_loop3A_684 = arith.constant 1 : i32
        %parallel_loop3A_685 = vector.broadcast %parallel_loop3A_684 : i32 to vector<16xi32>
        %parallel_loop3A_686 = tpu.vector_load_idx %arg21[%parallel_loop3A_685, %parallel_loop3A_680] : memref<3x80xf32, #tpu.memory_space<vmem>>[vector<16xi32>, vector<16xi32>], vector<16xf32>,
        %parallel_loop3A_687 = arith.constant 2 : i32
        %parallel_loop3A_688 = vector.broadcast %parallel_loop3A_687 : i32 to vector<16xi32>
        %parallel_loop3A_689 = tpu.vector_load_idx %arg21[%parallel_loop3A_688, %parallel_loop3A_680] : memref<3x80xf32, #tpu.memory_space<vmem>>[vector<16xi32>, vector<16xi32>], vector<16xf32>,
        %parallel_loop3A_690 = arith.constant 96 : i32
        %parallel_loop3A_691 = arith.muli %arg0, %parallel_loop3A_690 : i32
        %parallel_loop3A_692 = arith.constant 0 : i32
        %parallel_loop3A_693 = arith.addi %parallel_loop3A_691, %parallel_loop3A_692 : i32
        %parallel_loop3A_694 = arith.constant 64 : i32
        %parallel_loop3A_695 = arith.divsi %parallel_loop3A_693, %parallel_loop3A_694 : i32
        %parallel_loop3A_696 = arith.constant 0 : i32
        %parallel_loop3A_697 = arith.cmpi sgt, %parallel_loop3A_693, %parallel_loop3A_696 : i32
        %parallel_loop3A_698 = arith.extui %parallel_loop3A_697 : i1 to i32
        %parallel_loop3A_699 = arith.constant 0 : i32
        %parallel_loop3A_700 = arith.cmpi slt, %parallel_loop3A_693, %parallel_loop3A_699 : i32
        %parallel_loop3A_701 = arith.extui %parallel_loop3A_700 : i1 to i32
        %parallel_loop3A_702 = arith.subi %parallel_loop3A_698, %parallel_loop3A_701 : i32
        %parallel_loop3A_703 = arith.constant 0 : i32
        %parallel_loop3A_704 = arith.cmpi sgt, %parallel_loop3A_694, %parallel_loop3A_703 : i32
        %parallel_loop3A_705 = arith.extui %parallel_loop3A_704 : i1 to i32
        %parallel_loop3A_706 = arith.constant 0 : i32
        %parallel_loop3A_707 = arith.cmpi slt, %parallel_loop3A_694, %parallel_loop3A_706 : i32
        %parallel_loop3A_708 = arith.extui %parallel_loop3A_707 : i1 to i32
        %parallel_loop3A_709 = arith.subi %parallel_loop3A_705, %parallel_loop3A_708 : i32
        %parallel_loop3A_710 = arith.cmpi ne, %parallel_loop3A_702, %parallel_loop3A_709 : i32
        %parallel_loop3A_711 = arith.remsi %parallel_loop3A_693, %parallel_loop3A_694 : i32
        %parallel_loop3A_712 = arith.constant 0 : i32
        %parallel_loop3A_713 = arith.cmpi ne, %parallel_loop3A_711, %parallel_loop3A_712 : i32
        %parallel_loop3A_714 = arith.andi %parallel_loop3A_710, %parallel_loop3A_713 : i1
        %parallel_loop3A_715 = arith.constant 1 : i32
        %parallel_loop3A_716 = arith.subi %parallel_loop3A_695, %parallel_loop3A_715 : i32
        %parallel_loop3A_717 = arith.select %parallel_loop3A_714, %parallel_loop3A_716, %parallel_loop3A_695 : i32
        %parallel_loop3A_718 = arith.constant 0 : i32
        %parallel_loop3A_719 = arith.cmpi eq, %parallel_loop3A_717, %parallel_loop3A_718 : i32
        %parallel_loop3A_720 = arith.constant 1 : i32
        %parallel_loop3A_721 = arith.cmpi eq, %parallel_loop3A_717, %parallel_loop3A_720 : i32
        %parallel_loop3A_722 = arith.select %parallel_loop3A_721, %parallel_loop3A_686, %parallel_loop3A_689 : vector<16xf32>
        %parallel_loop3A_723 = arith.select %parallel_loop3A_719, %parallel_loop3A_683, %parallel_loop3A_722 : vector<16xf32>
        %parallel_loop3A_724 = arith.index_cast %parallel_loop3A_679 : i32 to index
        %parallel_loop3A_725 = arith.constant 0 : index
        %parallel_loop3A_726 = tpu.vector_load %arg18[%parallel_loop3A_724, %parallel_loop3A_725] {strides = array<i32>} : memref<80x96xf32, #tpu.memory_space<vmem>>, vector<16xf32>,
        %parallel_loop3A_727 = arith.mulf %parallel_loop3A_726, %parallel_loop3A_723 : vector<16xf32>
        %parallel_loop3A_728 = arith.index_cast %parallel_loop3A_679 : i32 to index
        %parallel_loop3A_729 = arith.constant 0 : index
        %parallel_loop3A_730 = tpu.vector_load %arg20[%parallel_loop3A_728, %parallel_loop3A_729] {strides = array<i32>} : memref<80x112xf32, #tpu.memory_space<vmem>>, vector<16xf32>,
        tpu.vector_store %arg20[%parallel_loop3A_728, %parallel_loop3A_729], %parallel_loop3A_727 {strides = array<i32>} : memref<80x112xf32, #tpu.memory_space<vmem>>, vector<16xf32>,
        %parallel_loop3A_731 = arith.constant 96 : i32
        %parallel_loop3A_732 = arith.muli %arg0, %parallel_loop3A_731 : i32
        %parallel_loop3A_733 = arith.constant 16 : i32
        %parallel_loop3A_734 = arith.addi %parallel_loop3A_732, %parallel_loop3A_733 : i32
        %parallel_loop3A_735 = arith.constant 64 : i32
        %parallel_loop3A_736 = arith.divsi %parallel_loop3A_734, %parallel_loop3A_735 : i32
        %parallel_loop3A_737 = arith.constant 0 : i32
        %parallel_loop3A_738 = arith.cmpi sgt, %parallel_loop3A_734, %parallel_loop3A_737 : i32
        %parallel_loop3A_739 = arith.extui %parallel_loop3A_738 : i1 to i32
        %parallel_loop3A_740 = arith.constant 0 : i32
        %parallel_loop3A_741 = arith.cmpi slt, %parallel_loop3A_734, %parallel_loop3A_740 : i32
        %parallel_loop3A_742 = arith.extui %parallel_loop3A_741 : i1 to i32
        %parallel_loop3A_743 = arith.subi %parallel_loop3A_739, %parallel_loop3A_742 : i32
        %parallel_loop3A_744 = arith.constant 0 : i32
        %parallel_loop3A_745 = arith.cmpi sgt, %parallel_loop3A_735, %parallel_loop3A_744 : i32
        %parallel_loop3A_746 = arith.extui %parallel_loop3A_745 : i1 to i32
        %parallel_loop3A_747 = arith.constant 0 : i32
        %parallel_loop3A_748 = arith.cmpi slt, %parallel_loop3A_735, %parallel_loop3A_747 : i32
        %parallel_loop3A_749 = arith.extui %parallel_loop3A_748 : i1 to i32
        %parallel_loop3A_750 = arith.subi %parallel_loop3A_746, %parallel_loop3A_749 : i32
        %parallel_loop3A_751 = arith.cmpi ne, %parallel_loop3A_743, %parallel_loop3A_750 : i32
        %parallel_loop3A_752 = arith.remsi %parallel_loop3A_734, %parallel_loop3A_735 : i32
        %parallel_loop3A_753 = arith.constant 0 : i32
        %parallel_loop3A_754 = arith.cmpi ne, %parallel_loop3A_752, %parallel_loop3A_753 : i32
        %parallel_loop3A_755 = arith.andi %parallel_loop3A_751, %parallel_loop3A_754 : i1
        %parallel_loop3A_756 = arith.constant 1 : i32
        %parallel_loop3A_757 = arith.subi %parallel_loop3A_736, %parallel_loop3A_756 : i32
        %parallel_loop3A_758 = arith.select %parallel_loop3A_755, %parallel_loop3A_757, %parallel_loop3A_736 : i32
        %parallel_loop3A_759 = arith.constant 0 : i32
        %parallel_loop3A_760 = arith.cmpi eq, %parallel_loop3A_758, %parallel_loop3A_759 : i32
        %parallel_loop3A_761 = arith.constant 1 : i32
        %parallel_loop3A_762 = arith.cmpi eq, %parallel_loop3A_758, %parallel_loop3A_761 : i32
        %parallel_loop3A_763 = arith.select %parallel_loop3A_762, %parallel_loop3A_686, %parallel_loop3A_689 : vector<16xf32>
        %parallel_loop3A_764 = arith.select %parallel_loop3A_760, %parallel_loop3A_683, %parallel_loop3A_763 : vector<16xf32>
        %parallel_loop3A_765 = arith.index_cast %parallel_loop3A_679 : i32 to index
        %parallel_loop3A_766 = arith.constant 16 : index
        %parallel_loop3A_767 = tpu.vector_load %arg18[%parallel_loop3A_765, %parallel_loop3A_766] {strides = array<i32>} : memref<80x96xf32, #tpu.memory_space<vmem>>, vector<16xf32>,
        %parallel_loop3A_768 = arith.mulf %parallel_loop3A_767, %parallel_loop3A_764 : vector<16xf32>
        %parallel_loop3A_769 = arith.index_cast %parallel_loop3A_679 : i32 to index
        %parallel_loop3A_770 = arith.constant 16 : index
        %parallel_loop3A_771 = tpu.vector_load %arg20[%parallel_loop3A_769, %parallel_loop3A_770] {strides = array<i32>} : memref<80x112xf32, #tpu.memory_space<vmem>>, vector<16xf32>,
        tpu.vector_store %arg20[%parallel_loop3A_769, %parallel_loop3A_770], %parallel_loop3A_768 {strides = array<i32>} : memref<80x112xf32, #tpu.memory_space<vmem>>, vector<16xf32>,
        %parallel_loop3A_772 = arith.constant 96 : i32
        %parallel_loop3A_773 = arith.muli %arg0, %parallel_loop3A_772 : i32
        %parallel_loop3A_774 = arith.constant 32 : i32
        %parallel_loop3A_775 = arith.addi %parallel_loop3A_773, %parallel_loop3A_774 : i32
        %parallel_loop3A_776 = arith.constant 64 : i32
        %parallel_loop3A_777 = arith.divsi %parallel_loop3A_775, %parallel_loop3A_776 : i32
        %parallel_loop3A_778 = arith.constant 0 : i32
        %parallel_loop3A_779 = arith.cmpi sgt, %parallel_loop3A_775, %parallel_loop3A_778 : i32
        %parallel_loop3A_780 = arith.extui %parallel_loop3A_779 : i1 to i32
        %parallel_loop3A_781 = arith.constant 0 : i32
        %parallel_loop3A_782 = arith.cmpi slt, %parallel_loop3A_775, %parallel_loop3A_781 : i32
        %parallel_loop3A_783 = arith.extui %parallel_loop3A_782 : i1 to i32
        %parallel_loop3A_784 = arith.subi %parallel_loop3A_780, %parallel_loop3A_783 : i32
        %parallel_loop3A_785 = arith.constant 0 : i32
        %parallel_loop3A_786 = arith.cmpi sgt, %parallel_loop3A_776, %parallel_loop3A_785 : i32
        %parallel_loop3A_787 = arith.extui %parallel_loop3A_786 : i1 to i32
        %parallel_loop3A_788 = arith.constant 0 : i32
        %parallel_loop3A_789 = arith.cmpi slt, %parallel_loop3A_776, %parallel_loop3A_788 : i32
        %parallel_loop3A_790 = arith.extui %parallel_loop3A_789 : i1 to i32
        %parallel_loop3A_791 = arith.subi %parallel_loop3A_787, %parallel_loop3A_790 : i32
        %parallel_loop3A_792 = arith.cmpi ne, %parallel_loop3A_784, %parallel_loop3A_791 : i32
        %parallel_loop3A_793 = arith.remsi %parallel_loop3A_775, %parallel_loop3A_776 : i32
        %parallel_loop3A_794 = arith.constant 0 : i32
        %parallel_loop3A_795 = arith.cmpi ne, %parallel_loop3A_793, %parallel_loop3A_794 : i32
        %parallel_loop3A_796 = arith.andi %parallel_loop3A_792, %parallel_loop3A_795 : i1
        %parallel_loop3A_797 = arith.constant 1 : i32
        %parallel_loop3A_798 = arith.subi %parallel_loop3A_777, %parallel_loop3A_797 : i32
        %parallel_loop3A_799 = arith.select %parallel_loop3A_796, %parallel_loop3A_798, %parallel_loop3A_777 : i32
        %parallel_loop3A_800 = arith.constant 0 : i32
        %parallel_loop3A_801 = arith.cmpi eq, %parallel_loop3A_799, %parallel_loop3A_800 : i32
        %parallel_loop3A_802 = arith.constant 1 : i32
        %parallel_loop3A_803 = arith.cmpi eq, %parallel_loop3A_799, %parallel_loop3A_802 : i32
        %parallel_loop3A_804 = arith.select %parallel_loop3A_803, %parallel_loop3A_686, %parallel_loop3A_689 : vector<16xf32>
        %parallel_loop3A_805 = arith.select %parallel_loop3A_801, %parallel_loop3A_683, %parallel_loop3A_804 : vector<16xf32>
        %parallel_loop3A_806 = arith.index_cast %parallel_loop3A_679 : i32 to index
        %parallel_loop3A_807 = arith.constant 32 : index
        %parallel_loop3A_808 = tpu.vector_load %arg18[%parallel_loop3A_806, %parallel_loop3A_807] {strides = array<i32>} : memref<80x96xf32, #tpu.memory_space<vmem>>, vector<16xf32>,
        %parallel_loop3A_809 = arith.mulf %parallel_loop3A_808, %parallel_loop3A_805 : vector<16xf32>
        %parallel_loop3A_810 = arith.index_cast %parallel_loop3A_679 : i32 to index
        %parallel_loop3A_811 = arith.constant 32 : index
        %parallel_loop3A_812 = tpu.vector_load %arg20[%parallel_loop3A_810, %parallel_loop3A_811] {strides = array<i32>} : memref<80x112xf32, #tpu.memory_space<vmem>>, vector<16xf32>,
        tpu.vector_store %arg20[%parallel_loop3A_810, %parallel_loop3A_811], %parallel_loop3A_809 {strides = array<i32>} : memref<80x112xf32, #tpu.memory_space<vmem>>, vector<16xf32>,
        %parallel_loop3A_813 = arith.constant 96 : i32
        %parallel_loop3A_814 = arith.muli %arg0, %parallel_loop3A_813 : i32
        %parallel_loop3A_815 = arith.constant 48 : i32
        %parallel_loop3A_816 = arith.addi %parallel_loop3A_814, %parallel_loop3A_815 : i32
        %parallel_loop3A_817 = arith.constant 64 : i32
        %parallel_loop3A_818 = arith.divsi %parallel_loop3A_816, %parallel_loop3A_817 : i32
        %parallel_loop3A_819 = arith.constant 0 : i32
        %parallel_loop3A_820 = arith.cmpi sgt, %parallel_loop3A_816, %parallel_loop3A_819 : i32
        %parallel_loop3A_821 = arith.extui %parallel_loop3A_820 : i1 to i32
        %parallel_loop3A_822 = arith.constant 0 : i32
        %parallel_loop3A_823 = arith.cmpi slt, %parallel_loop3A_816, %parallel_loop3A_822 : i32
        %parallel_loop3A_824 = arith.extui %parallel_loop3A_823 : i1 to i32
        %parallel_loop3A_825 = arith.subi %parallel_loop3A_821, %parallel_loop3A_824 : i32
        %parallel_loop3A_826 = arith.constant 0 : i32
        %parallel_loop3A_827 = arith.cmpi sgt, %parallel_loop3A_817, %parallel_loop3A_826 : i32
        %parallel_loop3A_828 = arith.extui %parallel_loop3A_827 : i1 to i32
        %parallel_loop3A_829 = arith.constant 0 : i32
        %parallel_loop3A_830 = arith.cmpi slt, %parallel_loop3A_817, %parallel_loop3A_829 : i32
        %parallel_loop3A_831 = arith.extui %parallel_loop3A_830 : i1 to i32
        %parallel_loop3A_832 = arith.subi %parallel_loop3A_828, %parallel_loop3A_831 : i32
        %parallel_loop3A_833 = arith.cmpi ne, %parallel_loop3A_825, %parallel_loop3A_832 : i32
        %parallel_loop3A_834 = arith.remsi %parallel_loop3A_816, %parallel_loop3A_817 : i32
        %parallel_loop3A_835 = arith.constant 0 : i32
        %parallel_loop3A_836 = arith.cmpi ne, %parallel_loop3A_834, %parallel_loop3A_835 : i32
        %parallel_loop3A_837 = arith.andi %parallel_loop3A_833, %parallel_loop3A_836 : i1
        %parallel_loop3A_838 = arith.constant 1 : i32
        %parallel_loop3A_839 = arith.subi %parallel_loop3A_818, %parallel_loop3A_838 : i32
        %parallel_loop3A_840 = arith.select %parallel_loop3A_837, %parallel_loop3A_839, %parallel_loop3A_818 : i32
        %parallel_loop3A_841 = arith.constant 0 : i32
        %parallel_loop3A_842 = arith.cmpi eq, %parallel_loop3A_840, %parallel_loop3A_841 : i32
        %parallel_loop3A_843 = arith.constant 1 : i32
        %parallel_loop3A_844 = arith.cmpi eq, %parallel_loop3A_840, %parallel_loop3A_843 : i32
        %parallel_loop3A_845 = arith.select %parallel_loop3A_844, %parallel_loop3A_686, %parallel_loop3A_689 : vector<16xf32>
        %parallel_loop3A_846 = arith.select %parallel_loop3A_842, %parallel_loop3A_683, %parallel_loop3A_845 : vector<16xf32>
        %parallel_loop3A_847 = arith.index_cast %parallel_loop3A_679 : i32 to index
        %parallel_loop3A_848 = arith.constant 48 : index
        %parallel_loop3A_849 = tpu.vector_load %arg18[%parallel_loop3A_847, %parallel_loop3A_848] {strides = array<i32>} : memref<80x96xf32, #tpu.memory_space<vmem>>, vector<16xf32>,
        %parallel_loop3A_850 = arith.mulf %parallel_loop3A_849, %parallel_loop3A_846 : vector<16xf32>
        %parallel_loop3A_851 = arith.index_cast %parallel_loop3A_679 : i32 to index
        %parallel_loop3A_852 = arith.constant 48 : index
        %parallel_loop3A_853 = tpu.vector_load %arg20[%parallel_loop3A_851, %parallel_loop3A_852] {strides = array<i32>} : memref<80x112xf32, #tpu.memory_space<vmem>>, vector<16xf32>,
        tpu.vector_store %arg20[%parallel_loop3A_851, %parallel_loop3A_852], %parallel_loop3A_850 {strides = array<i32>} : memref<80x112xf32, #tpu.memory_space<vmem>>, vector<16xf32>,
        %parallel_loop3A_854 = arith.constant 96 : i32
        %parallel_loop3A_855 = arith.muli %arg0, %parallel_loop3A_854 : i32
        %parallel_loop3A_856 = arith.constant 64 : i32
        %parallel_loop3A_857 = arith.addi %parallel_loop3A_855, %parallel_loop3A_856 : i32
        %parallel_loop3A_858 = arith.constant 64 : i32
        %parallel_loop3A_859 = arith.divsi %parallel_loop3A_857, %parallel_loop3A_858 : i32
        %parallel_loop3A_860 = arith.constant 0 : i32
        %parallel_loop3A_861 = arith.cmpi sgt, %parallel_loop3A_857, %parallel_loop3A_860 : i32
        %parallel_loop3A_862 = arith.extui %parallel_loop3A_861 : i1 to i32
        %parallel_loop3A_863 = arith.constant 0 : i32
        %parallel_loop3A_864 = arith.cmpi slt, %parallel_loop3A_857, %parallel_loop3A_863 : i32
        %parallel_loop3A_865 = arith.extui %parallel_loop3A_864 : i1 to i32
        %parallel_loop3A_866 = arith.subi %parallel_loop3A_862, %parallel_loop3A_865 : i32
        %parallel_loop3A_867 = arith.constant 0 : i32
        %parallel_loop3A_868 = arith.cmpi sgt, %parallel_loop3A_858, %parallel_loop3A_867 : i32
        %parallel_loop3A_869 = arith.extui %parallel_loop3A_868 : i1 to i32
        %parallel_loop3A_870 = arith.constant 0 : i32
        %parallel_loop3A_871 = arith.cmpi slt, %parallel_loop3A_858, %parallel_loop3A_870 : i32
        %parallel_loop3A_872 = arith.extui %parallel_loop3A_871 : i1 to i32
        %parallel_loop3A_873 = arith.subi %parallel_loop3A_869, %parallel_loop3A_872 : i32
        %parallel_loop3A_874 = arith.cmpi ne, %parallel_loop3A_866, %parallel_loop3A_873 : i32
        %parallel_loop3A_875 = arith.remsi %parallel_loop3A_857, %parallel_loop3A_858 : i32
        %parallel_loop3A_876 = arith.constant 0 : i32
        %parallel_loop3A_877 = arith.cmpi ne, %parallel_loop3A_875, %parallel_loop3A_876 : i32
        %parallel_loop3A_878 = arith.andi %parallel_loop3A_874, %parallel_loop3A_877 : i1
        %parallel_loop3A_879 = arith.constant 1 : i32
        %parallel_loop3A_880 = arith.subi %parallel_loop3A_859, %parallel_loop3A_879 : i32
        %parallel_loop3A_881 = arith.select %parallel_loop3A_878, %parallel_loop3A_880, %parallel_loop3A_859 : i32
        %parallel_loop3A_882 = arith.constant 0 : i32
        %parallel_loop3A_883 = arith.cmpi eq, %parallel_loop3A_881, %parallel_loop3A_882 : i32
        %parallel_loop3A_884 = arith.constant 1 : i32
        %parallel_loop3A_885 = arith.cmpi eq, %parallel_loop3A_881, %parallel_loop3A_884 : i32
        %parallel_loop3A_886 = arith.select %parallel_loop3A_885, %parallel_loop3A_686, %parallel_loop3A_689 : vector<16xf32>
        %parallel_loop3A_887 = arith.select %parallel_loop3A_883, %parallel_loop3A_683, %parallel_loop3A_886 : vector<16xf32>
        %parallel_loop3A_888 = arith.index_cast %parallel_loop3A_679 : i32 to index
        %parallel_loop3A_889 = arith.constant 64 : index
        %parallel_loop3A_890 = tpu.vector_load %arg18[%parallel_loop3A_888, %parallel_loop3A_889] {strides = array<i32>} : memref<80x96xf32, #tpu.memory_space<vmem>>, vector<16xf32>,
        %parallel_loop3A_891 = arith.mulf %parallel_loop3A_890, %parallel_loop3A_887 : vector<16xf32>
        %parallel_loop3A_892 = arith.index_cast %parallel_loop3A_679 : i32 to index
        %parallel_loop3A_893 = arith.constant 64 : index
        %parallel_loop3A_894 = tpu.vector_load %arg20[%parallel_loop3A_892, %parallel_loop3A_893] {strides = array<i32>} : memref<80x112xf32, #tpu.memory_space<vmem>>, vector<16xf32>,
        tpu.vector_store %arg20[%parallel_loop3A_892, %parallel_loop3A_893], %parallel_loop3A_891 {strides = array<i32>} : memref<80x112xf32, #tpu.memory_space<vmem>>, vector<16xf32>,
        %parallel_loop3A_895 = arith.constant 96 : i32
        %parallel_loop3A_896 = arith.muli %arg0, %parallel_loop3A_895 : i32
        %parallel_loop3A_897 = arith.constant 80 : i32
        %parallel_loop3A_898 = arith.addi %parallel_loop3A_896, %parallel_loop3A_897 : i32
        %parallel_loop3A_899 = arith.constant 64 : i32
        %parallel_loop3A_900 = arith.divsi %parallel_loop3A_898, %parallel_loop3A_899 : i32
        %parallel_loop3A_901 = arith.constant 0 : i32
        %parallel_loop3A_902 = arith.cmpi sgt, %parallel_loop3A_898, %parallel_loop3A_901 : i32
        %parallel_loop3A_903 = arith.extui %parallel_loop3A_902 : i1 to i32
        %parallel_loop3A_904 = arith.constant 0 : i32
        %parallel_loop3A_905 = arith.cmpi slt, %parallel_loop3A_898, %parallel_loop3A_904 : i32
        %parallel_loop3A_906 = arith.extui %parallel_loop3A_905 : i1 to i32
        %parallel_loop3A_907 = arith.subi %parallel_loop3A_903, %parallel_loop3A_906 : i32
        %parallel_loop3A_908 = arith.constant 0 : i32
        %parallel_loop3A_909 = arith.cmpi sgt, %parallel_loop3A_899, %parallel_loop3A_908 : i32
        %parallel_loop3A_910 = arith.extui %parallel_loop3A_909 : i1 to i32
        %parallel_loop3A_911 = arith.constant 0 : i32
        %parallel_loop3A_912 = arith.cmpi slt, %parallel_loop3A_899, %parallel_loop3A_911 : i32
        %parallel_loop3A_913 = arith.extui %parallel_loop3A_912 : i1 to i32
        %parallel_loop3A_914 = arith.subi %parallel_loop3A_910, %parallel_loop3A_913 : i32
        %parallel_loop3A_915 = arith.cmpi ne, %parallel_loop3A_907, %parallel_loop3A_914 : i32
        %parallel_loop3A_916 = arith.remsi %parallel_loop3A_898, %parallel_loop3A_899 : i32
        %parallel_loop3A_917 = arith.constant 0 : i32
        %parallel_loop3A_918 = arith.cmpi ne, %parallel_loop3A_916, %parallel_loop3A_917 : i32
        %parallel_loop3A_919 = arith.andi %parallel_loop3A_915, %parallel_loop3A_918 : i1
        %parallel_loop3A_920 = arith.constant 1 : i32
        %parallel_loop3A_921 = arith.subi %parallel_loop3A_900, %parallel_loop3A_920 : i32
        %parallel_loop3A_922 = arith.select %parallel_loop3A_919, %parallel_loop3A_921, %parallel_loop3A_900 : i32
        %parallel_loop3A_923 = arith.constant 0 : i32
        %parallel_loop3A_924 = arith.cmpi eq, %parallel_loop3A_922, %parallel_loop3A_923 : i32
        %parallel_loop3A_925 = arith.constant 1 : i32
        %parallel_loop3A_926 = arith.cmpi eq, %parallel_loop3A_922, %parallel_loop3A_925 : i32
        %parallel_loop3A_927 = arith.select %parallel_loop3A_926, %parallel_loop3A_686, %parallel_loop3A_689 : vector<16xf32>
        %parallel_loop3A_928 = arith.select %parallel_loop3A_924, %parallel_loop3A_683, %parallel_loop3A_927 : vector<16xf32>
        %parallel_loop3A_929 = arith.index_cast %parallel_loop3A_679 : i32 to index
        %parallel_loop3A_930 = arith.constant 80 : index
        %parallel_loop3A_931 = tpu.vector_load %arg18[%parallel_loop3A_929, %parallel_loop3A_930] {strides = array<i32>} : memref<80x96xf32, #tpu.memory_space<vmem>>, vector<16xf32>,
        %parallel_loop3A_932 = arith.mulf %parallel_loop3A_931, %parallel_loop3A_928 : vector<16xf32>
        %parallel_loop3A_933 = arith.index_cast %parallel_loop3A_679 : i32 to index
        %parallel_loop3A_934 = arith.constant 80 : index
        %parallel_loop3A_935 = tpu.vector_load %arg20[%parallel_loop3A_933, %parallel_loop3A_934] {strides = array<i32>} : memref<80x112xf32, #tpu.memory_space<vmem>>, vector<16xf32>,
        tpu.vector_store %arg20[%parallel_loop3A_933, %parallel_loop3A_934], %parallel_loop3A_932 {strides = array<i32>} : memref<80x112xf32, #tpu.memory_space<vmem>>, vector<16xf32>,
        %parallel_loop3A_936 = arith.constant 0 : i32
        %parallel_loop3A_937 = vector.broadcast %parallel_loop3A_936 : i32 to vector<16xi32>
        %parallel_loop3A_938 = arith.cmpi eq, %iota3A, %parallel_loop3A_937 : vector<16xi32>
        %parallel_loop3A_939 = arith.constant 1 : i32
        %parallel_loop3A_940 = vector.broadcast %parallel_loop3A_939 : i32 to vector<16xi32>
        %parallel_loop3A_941 = arith.cmpi eq, %iota3A, %parallel_loop3A_940 : vector<16xi32>
        %parallel_loop3A_942 = arith.constant 2 : i32
        %parallel_loop3A_943 = vector.broadcast %parallel_loop3A_942 : i32 to vector<16xi32>
        %parallel_loop3A_944 = arith.cmpi eq, %iota3A, %parallel_loop3A_943 : vector<16xi32>
        %parallel_loop3A_945 = arith.constant 0.000000e+00 : f32
        %parallel_loop3A_946 = vector.broadcast %parallel_loop3A_945 : f32 to vector<16xf32>
        %parallel_loop3A_947 = arith.select %parallel_loop3A_944, %parallel_loop3A_689, %parallel_loop3A_946 : vector<16xi1>, vector<16xf32>
        %parallel_loop3A_948 = arith.select %parallel_loop3A_941, %parallel_loop3A_686, %parallel_loop3A_947 : vector<16xi1>, vector<16xf32>
        %parallel_loop3A_949 = arith.select %parallel_loop3A_938, %parallel_loop3A_683, %parallel_loop3A_948 : vector<16xi1>, vector<16xf32>
        %parallel_loop3A_950 = arith.index_cast %parallel_loop3A_679 : i32 to index
        %parallel_loop3A_951 = arith.constant 96 : index
        %parallel_loop3A_952 = tpu.vector_load %arg20[%parallel_loop3A_950, %parallel_loop3A_951] {strides = array<i32>} : memref<80x112xf32, #tpu.memory_space<vmem>>, vector<16xf32>,
        tpu.vector_store %arg20[%parallel_loop3A_950, %parallel_loop3A_951], %parallel_loop3A_949 {strides = array<i32>} : memref<80x112xf32, #tpu.memory_space<vmem>>, vector<16xf32>,
      } {sc.loop_unroll_factor = 4 : i64, sc.parallel_access}
      %dma_start3A_676 = arith.constant 0 : i32
      %dma_start3A_677 = arith.constant 0 : i32
      %dma_start3A_678 = tpu.memref_slice %arg22[%dma_start3A_676, %dma_start3A_677] : memref<10000x112xf32, #tpu.memory_space<vmem_shared>> -> memref<10000x112xf32, #tpu.memory_space<vmem_shared>>
      tpu.enqueue_indirect_dma source(%arg20 : memref<80x112xf32, #tpu.memory_space<vmem>>) target(%dma_start3A_678 : memref<10000x112xf32, #tpu.memory_space<vmem_shared>>) offsets(%arg12 : memref<80xi32, #tpu.memory_space<vmem>>) semaphore(%arg28 : memref<!tpu.dma_semaphore, #tpu.memory_space<semaphore_mem>>) {add = true}
    }
    %scan3A_41 = arith.constant 125 : i32
    %dma_wait3A_42 = arith.constant 0 : i32
    %dma_wait3A_43 = arith.constant 0 : i32
    %dma_wait3A_44 = tpu.memref_slice %arg22[%dma_wait3A_42, %dma_wait3A_43] : memref<10000x112xf32, #tpu.memory_space<vmem_shared>> -> memref<10000x112xf32, #tpu.memory_space<vmem_shared>>
    tpu.wait_indirect_dma semaphore(%arg27 : memref<!tpu.dma_semaphore, #tpu.memory_space<semaphore_mem>>) src(%arg19 : memref<80x112xf32, #tpu.memory_space<vmem>>) dst(%dma_wait3A_44 : memref<10000x112xf32, #tpu.memory_space<vmem_shared>>)
    %dma_wait3A_45 = arith.constant 0 : i32
    %dma_wait3A_46 = arith.constant 0 : i32
    %dma_wait3A_47 = tpu.memref_slice %arg22[%dma_wait3A_45, %dma_wait3A_46] : memref<10000x112xf32, #tpu.memory_space<vmem_shared>> -> memref<10000x112xf32, #tpu.memory_space<vmem_shared>>
    tpu.wait_indirect_dma semaphore(%arg28 : memref<!tpu.dma_semaphore, #tpu.memory_space<semaphore_mem>>) src(%arg20 : memref<80x112xf32, #tpu.memory_space<vmem>>) dst(%dma_wait3A_47 : memref<10000x112xf32, #tpu.memory_space<vmem_shared>>)
    %barrier3A_48 = arith.constant 0 : index
    tpu.barrier barrier_id(%barrier3A_48)
    %lt3A_49 = arith.constant 10 : i32
    %lt3A_50 = arith.cmpi slt, %arg1, %lt3A_49 : i32
    %convert_element_type3A_51 = arith.extui %lt3A_50 : i1 to i32
    %cond3A_52 = arith.constant 0 : i32
    %cond3A_53 = arith.cmpi ne, %convert_element_type3A_51, %cond3A_52 : i32
    scf.if %cond3A_53 {
      %mul3A_54 = arith.constant 1000 : i32
      %mul3A_55 = arith.muli %arg1, %mul3A_54 : i32
      %mul3A_56 = arith.constant 1000 : i32
      %mul3A_57 = arith.muli %arg1, %mul3A_56 : i32
      "tpu.region"() ({
        %run_scoped3A = tpu.sem_alloc : memref<!tpu.dma_semaphore, #tpu.memory_space<semaphore_mem>>
        %dma_start3A_58 = arith.constant 0 : i32
        %dma_start3A_59 = arith.constant 0 : i32
        %dma_start3A_60 = tpu.memref_slice %arg6[%arg0, %dma_start3A_58, %dma_start3A_59] : memref<2x10000x112xf32, #tpu.memory_space<hbm>> -> memref<1x10000x112xf32, #tpu.memory_space<hbm>>
        %dma_start3A_61 = tpu.memref_squeeze %dma_start3A_60 : memref<1x10000x112xf32, #tpu.memory_space<hbm>> -> memref<10000x112xf32, #tpu.memory_space<hbm>>
        %dma_start3A_62 = arith.constant 0 : i32
        %dma_start3A_63 = tpu.memref_slice %dma_start3A_61[%mul3A_57, %dma_start3A_62] : memref<10000x112xf32, #tpu.memory_space<hbm>> -> memref<1000x112xf32, #tpu.memory_space<hbm>>
        %dma_start3A_64 = arith.constant 0 : i32
        %dma_start3A_65 = tpu.memref_slice %arg22[%mul3A_55, %dma_start3A_64] : memref<10000x112xf32, #tpu.memory_space<vmem_shared>> -> memref<1000x112xf32, #tpu.memory_space<vmem_shared>>
        tpu.enqueue_dma source(%dma_start3A_65 : memref<1000x112xf32, #tpu.memory_space<vmem_shared>>) target(%dma_start3A_63 : memref<1000x112xf32, #tpu.memory_space<hbm>>) target_semaphore(%run_scoped3A : memref<!tpu.dma_semaphore, #tpu.memory_space<semaphore_mem>>)
        %dma_wait3A_66 = arith.constant 0 : i32
        %dma_wait3A_67 = arith.constant 0 : i32
        %dma_wait3A_68 = tpu.memref_slice %arg6[%arg0, %dma_wait3A_66, %dma_wait3A_67] : memref<2x10000x112xf32, #tpu.memory_space<hbm>> -> memref<1x10000x112xf32, #tpu.memory_space<hbm>>
        %dma_wait3A_69 = tpu.memref_squeeze %dma_wait3A_68 : memref<1x10000x112xf32, #tpu.memory_space<hbm>> -> memref<10000x112xf32, #tpu.memory_space<hbm>>
        %dma_wait3A_70 = arith.constant 0 : i32
        %dma_wait3A_71 = tpu.memref_slice %dma_wait3A_69[%mul3A_57, %dma_wait3A_70] : memref<10000x112xf32, #tpu.memory_space<hbm>> -> memref<1000x112xf32, #tpu.memory_space<hbm>>
        %dma_wait3A_72 = arith.constant 0 : i32
        %dma_wait3A_73 = tpu.memref_slice %arg22[%mul3A_55, %dma_wait3A_72] : memref<10000x112xf32, #tpu.memory_space<vmem_shared>> -> memref<1000x112xf32, #tpu.memory_space<vmem_shared>>
        tpu.wait_dma2 semaphore(%run_scoped3A : memref<!tpu.dma_semaphore, #tpu.memory_space<semaphore_mem>>) src(%dma_wait3A_73 : memref<1000x112xf32, #tpu.memory_space<vmem_shared>>) dst(%dma_wait3A_71 : memref<1000x112xf32, #tpu.memory_space<hbm>>)
        tpu.yield
      }) : () -> ()
    } else {
    }
    return
  }
}

#map = affine_map<(d0, d1) -> (0, 0, 0)>
#map1 = affine_map<(d0, d1) -> (0, 0)>
#map2 = affine_map<(d0, d1) -> (0)>
module attributes {stable_mosaic.version = 14 : i64} {
  func.func @_edge_body(%arg0: i32, %arg1: i32, %arg2: memref<2x10000x96xf32, #tpu.memory_space<hbm>>, %arg3: memref<10000x16xf32, #tpu.memory_space<hbm>>, %arg4: memref<320000xi32, #tpu.memory_space<hbm>>, %arg5: memref<320000xi32, #tpu.memory_space<hbm>>, %arg6: memref<2x10000x112xf32, #tpu.memory_space<hbm>>, %arg7: memref<80xi32, #tpu.memory_space<vmem>>, %arg8: memref<80xi32, #tpu.memory_space<vmem>>, %arg9: memref<80xi32, #tpu.memory_space<vmem>>, %arg10: memref<80xi32, #tpu.memory_space<vmem>>, %arg11: memref<80xi32, #tpu.memory_space<vmem>>, %arg12: memref<80xi32, #tpu.memory_space<vmem>>, %arg13: memref<80x16xf32, #tpu.memory_space<vmem>>, %arg14: memref<80x16xf32, #tpu.memory_space<vmem>>, %arg15: memref<80x16xf32, #tpu.memory_space<vmem>>, %arg16: memref<80x16xf32, #tpu.memory_space<vmem>>, %arg17: memref<80x96xf32, #tpu.memory_space<vmem>>, %arg18: memref<80x96xf32, #tpu.memory_space<vmem>>, %arg19: memref<80x112xf32, #tpu.memory_space<vmem>>, %arg20: memref<80x112xf32, #tpu.memory_space<vmem>>, %arg21: memref<3x80xf32, #tpu.memory_space<vmem>>, %arg22: memref<10000x112xf32, #tpu.memory_space<vmem_shared>>, %arg23: memref<!tpu.dma_semaphore, #tpu.memory_space<semaphore_mem>>, %arg24: memref<!tpu.dma_semaphore, #tpu.memory_space<semaphore_mem>>, %arg25: memref<!tpu.dma_semaphore, #tpu.memory_space<semaphore_mem>>, %arg26: memref<!tpu.dma_semaphore, #tpu.memory_space<semaphore_mem>>, %arg27: memref<!tpu.dma_semaphore, #tpu.memory_space<semaphore_mem>>, %arg28: memref<!tpu.dma_semaphore, #tpu.memory_space<semaphore_mem>>) attributes {dimension_semantics = [#tpu.dimension_semantics<core_parallel>, #tpu.dimension_semantics<subcore_parallel>], iteration_bounds = array<i64: 2, 16>, scalar_prefetch = 0 : i64, scratch_operands = 22 : i64, tpu.core_type = #tpu.core_type<sc_vector_subcore>, window_params = [{transform_indices = #map}, {transform_indices = #map1}, {transform_indices = #map2}, {transform_indices = #map2}, {transform_indices = #map}]} {
    %mul3A = arith.constant 20000 : i32
    %mul3A_0 = arith.muli %arg1, %mul3A : i32
    %scan3A = arith.constant 0 : i32
    %scan3A_1 = arith.constant 0 : i32
    %scan3A_2 = arith.constant 80 : i32
    %scan3A_3 = arith.addi %scan3A_1, %scan3A_2 : i32
    %scan3A_4 = arith.constant 1 : i32
    scf.for %scan3A_54 = %scan3A_1 to %scan3A_3 step %scan3A_4  : i32 {
      %broadcast_in_dim3A = arith.constant 0.000000e+00 : f32
      %broadcast_in_dim3A_55 = vector.broadcast %broadcast_in_dim3A : f32 to vector<16xf32>
      %swap3A = arith.index_cast %scan3A_54 : i32 to index
      %swap3A_56 = arith.constant 0 : index
      %swap3A_57 = tpu.vector_load %arg19[%swap3A, %swap3A_56] {strides = array<i32>} : memref<80x112xf32, #tpu.memory_space<vmem>>, vector<16xf32>,
      tpu.vector_store %arg19[%swap3A, %swap3A_56], %broadcast_in_dim3A_55 {strides = array<i32>} : memref<80x112xf32, #tpu.memory_space<vmem>>, vector<16xf32>,
      %broadcast_in_dim3A_58 = arith.constant 0.000000e+00 : f32
      %broadcast_in_dim3A_59 = vector.broadcast %broadcast_in_dim3A_58 : f32 to vector<16xf32>
      %swap3A_60 = arith.index_cast %scan3A_54 : i32 to index
      %swap3A_61 = arith.constant 16 : index
      %swap3A_62 = tpu.vector_load %arg19[%swap3A_60, %swap3A_61] {strides = array<i32>} : memref<80x112xf32, #tpu.memory_space<vmem>>, vector<16xf32>,
      tpu.vector_store %arg19[%swap3A_60, %swap3A_61], %broadcast_in_dim3A_59 {strides = array<i32>} : memref<80x112xf32, #tpu.memory_space<vmem>>, vector<16xf32>,
      %broadcast_in_dim3A_63 = arith.constant 0.000000e+00 : f32
      %broadcast_in_dim3A_64 = vector.broadcast %broadcast_in_dim3A_63 : f32 to vector<16xf32>
      %swap3A_65 = arith.index_cast %scan3A_54 : i32 to index
      %swap3A_66 = arith.constant 32 : index
      %swap3A_67 = tpu.vector_load %arg19[%swap3A_65, %swap3A_66] {strides = array<i32>} : memref<80x112xf32, #tpu.memory_space<vmem>>, vector<16xf32>,
      tpu.vector_store %arg19[%swap3A_65, %swap3A_66], %broadcast_in_dim3A_64 {strides = array<i32>} : memref<80x112xf32, #tpu.memory_space<vmem>>, vector<16xf32>,
      %broadcast_in_dim3A_68 = arith.constant 0.000000e+00 : f32
      %broadcast_in_dim3A_69 = vector.broadcast %broadcast_in_dim3A_68 : f32 to vector<16xf32>
      %swap3A_70 = arith.index_cast %scan3A_54 : i32 to index
      %swap3A_71 = arith.constant 48 : index
      %swap3A_72 = tpu.vector_load %arg19[%swap3A_70, %swap3A_71] {strides = array<i32>} : memref<80x112xf32, #tpu.memory_space<vmem>>, vector<16xf32>,
      tpu.vector_store %arg19[%swap3A_70, %swap3A_71], %broadcast_in_dim3A_69 {strides = array<i32>} : memref<80x112xf32, #tpu.memory_space<vmem>>, vector<16xf32>,
      %broadcast_in_dim3A_73 = arith.constant 0.000000e+00 : f32
      %broadcast_in_dim3A_74 = vector.broadcast %broadcast_in_dim3A_73 : f32 to vector<16xf32>
      %swap3A_75 = arith.index_cast %scan3A_54 : i32 to index
      %swap3A_76 = arith.constant 64 : index
      %swap3A_77 = tpu.vector_load %arg19[%swap3A_75, %swap3A_76] {strides = array<i32>} : memref<80x112xf32, #tpu.memory_space<vmem>>, vector<16xf32>,
      tpu.vector_store %arg19[%swap3A_75, %swap3A_76], %broadcast_in_dim3A_74 {strides = array<i32>} : memref<80x112xf32, #tpu.memory_space<vmem>>, vector<16xf32>,
      %broadcast_in_dim3A_78 = arith.constant 0.000000e+00 : f32
      %broadcast_in_dim3A_79 = vector.broadcast %broadcast_in_dim3A_78 : f32 to vector<16xf32>
      %swap3A_80 = arith.index_cast %scan3A_54 : i32 to index
      %swap3A_81 = arith.constant 80 : index
      %swap3A_82 = tpu.vector_load %arg19[%swap3A_80, %swap3A_81] {strides = array<i32>} : memref<80x112xf32, #tpu.memory_space<vmem>>, vector<16xf32>,
      tpu.vector_store %arg19[%swap3A_80, %swap3A_81], %broadcast_in_dim3A_79 {strides = array<i32>} : memref<80x112xf32, #tpu.memory_space<vmem>>, vector<16xf32>,
      %broadcast_in_dim3A_83 = arith.constant 0.000000e+00 : f32
      %broadcast_in_dim3A_84 = vector.broadcast %broadcast_in_dim3A_83 : f32 to vector<16xf32>
      %swap3A_85 = arith.index_cast %scan3A_54 : i32 to index
      %swap3A_86 = arith.constant 96 : index
      %swap3A_87 = tpu.vector_load %arg19[%swap3A_85, %swap3A_86] {strides = array<i32>} : memref<80x112xf32, #tpu.memory_space<vmem>>, vector<16xf32>,
      tpu.vector_store %arg19[%swap3A_85, %swap3A_86], %broadcast_in_dim3A_84 {strides = array<i32>} : memref<80x112xf32, #tpu.memory_space<vmem>>, vector<16xf32>,
    }
    %scan3A_5 = arith.constant 80 : i32
    %lt3A = arith.constant 10 : i32
    %lt3A_6 = arith.cmpi slt, %arg1, %lt3A : i32
    %convert_element_type3A = arith.extui %lt3A_6 : i1 to i32
    %cond3A = arith.constant 0 : i32
    %cond3A_7 = arith.cmpi ne, %convert_element_type3A, %cond3A : i32
    scf.if %cond3A_7 {
      %mul3A_54 = arith.constant 1000 : i32
      %mul3A_55 = arith.muli %arg1, %mul3A_54 : i32
      %add3A_56 = arith.constant 0 : i32
      %add3A_57 = arith.addi %mul3A_55, %add3A_56 : i32
      "tpu.region"() ({
        %run_scoped3A = tpu.sem_alloc : memref<!tpu.dma_semaphore, #tpu.memory_space<semaphore_mem>>
        %dma_start3A_106 = arith.constant 0 : i32
        %dma_start3A_107 = tpu.memref_slice %arg22[%add3A_57, %dma_start3A_106] : memref<10000x112xf32, #tpu.memory_space<vmem_shared>> -> memref<80x112xf32, #tpu.memory_space<vmem_shared>>
        %dma_start3A_108 = arith.constant 0 : i32
        %dma_start3A_109 = tpu.memref_slice %arg22[%add3A_57, %dma_start3A_108] : memref<10000x112xf32, #tpu.memory_space<vmem_shared>> -> memref<80x112xf32, #tpu.memory_space<vmem_shared>>
        tpu.enqueue_dma source(%arg19 : memref<80x112xf32, #tpu.memory_space<vmem>>) target(%dma_start3A_109 : memref<80x112xf32, #tpu.memory_space<vmem_shared>>) target_semaphore(%run_scoped3A : memref<!tpu.dma_semaphore, #tpu.memory_space<semaphore_mem>>)
        %dma_wait3A_110 = arith.constant 0 : i32
        %dma_wait3A_111 = tpu.memref_slice %arg22[%add3A_57, %dma_wait3A_110] : memref<10000x112xf32, #tpu.memory_space<vmem_shared>> -> memref<80x112xf32, #tpu.memory_space<vmem_shared>>
        %dma_wait3A_112 = arith.constant 0 : i32
        %dma_wait3A_113 = tpu.memref_slice %arg22[%add3A_57, %dma_wait3A_112] : memref<10000x112xf32, #tpu.memory_space<vmem_shared>> -> memref<80x112xf32, #tpu.memory_space<vmem_shared>>
        tpu.wait_dma2 semaphore(%run_scoped3A : memref<!tpu.dma_semaphore, #tpu.memory_space<semaphore_mem>>) src(%arg19 : memref<80x112xf32, #tpu.memory_space<vmem>>) dst(%dma_wait3A_113 : memref<80x112xf32, #tpu.memory_space<vmem_shared>>)
        tpu.yield
      }) : () -> ()
      %mul3A_58 = arith.constant 1000 : i32
      %mul3A_59 = arith.muli %arg1, %mul3A_58 : i32
      %add3A_60 = arith.constant 80 : i32
      %add3A_61 = arith.addi %mul3A_59, %add3A_60 : i32
      "tpu.region"() ({
        %run_scoped3A = tpu.sem_alloc : memref<!tpu.dma_semaphore, #tpu.memory_space<semaphore_mem>>
        %dma_start3A_106 = arith.constant 0 : i32
        %dma_start3A_107 = tpu.memref_slice %arg22[%add3A_61, %dma_start3A_106] : memref<10000x112xf32, #tpu.memory_space<vmem_shared>> -> memref<80x112xf32, #tpu.memory_space<vmem_shared>>
        %dma_start3A_108 = arith.constant 0 : i32
        %dma_start3A_109 = tpu.memref_slice %arg22[%add3A_61, %dma_start3A_108] : memref<10000x112xf32, #tpu.memory_space<vmem_shared>> -> memref<80x112xf32, #tpu.memory_space<vmem_shared>>
        tpu.enqueue_dma source(%arg19 : memref<80x112xf32, #tpu.memory_space<vmem>>) target(%dma_start3A_109 : memref<80x112xf32, #tpu.memory_space<vmem_shared>>) target_semaphore(%run_scoped3A : memref<!tpu.dma_semaphore, #tpu.memory_space<semaphore_mem>>)
        %dma_wait3A_110 = arith.constant 0 : i32
        %dma_wait3A_111 = tpu.memref_slice %arg22[%add3A_61, %dma_wait3A_110] : memref<10000x112xf32, #tpu.memory_space<vmem_shared>> -> memref<80x112xf32, #tpu.memory_space<vmem_shared>>
        %dma_wait3A_112 = arith.constant 0 : i32
        %dma_wait3A_113 = tpu.memref_slice %arg22[%add3A_61, %dma_wait3A_112] : memref<10000x112xf32, #tpu.memory_space<vmem_shared>> -> memref<80x112xf32, #tpu.memory_space<vmem_shared>>
        tpu.wait_dma2 semaphore(%run_scoped3A : memref<!tpu.dma_semaphore, #tpu.memory_space<semaphore_mem>>) src(%arg19 : memref<80x112xf32, #tpu.memory_space<vmem>>) dst(%dma_wait3A_113 : memref<80x112xf32, #tpu.memory_space<vmem_shared>>)
        tpu.yield
      }) : () -> ()
      %mul3A_62 = arith.constant 1000 : i32
      %mul3A_63 = arith.muli %arg1, %mul3A_62 : i32
      %add3A_64 = arith.constant 160 : i32
      %add3A_65 = arith.addi %mul3A_63, %add3A_64 : i32
      "tpu.region"() ({
        %run_scoped3A = tpu.sem_alloc : memref<!tpu.dma_semaphore, #tpu.memory_space<semaphore_mem>>
        %dma_start3A_106 = arith.constant 0 : i32
        %dma_start3A_107 = tpu.memref_slice %arg22[%add3A_65, %dma_start3A_106] : memref<10000x112xf32, #tpu.memory_space<vmem_shared>> -> memref<80x112xf32, #tpu.memory_space<vmem_shared>>
        %dma_start3A_108 = arith.constant 0 : i32
        %dma_start3A_109 = tpu.memref_slice %arg22[%add3A_65, %dma_start3A_108] : memref<10000x112xf32, #tpu.memory_space<vmem_shared>> -> memref<80x112xf32, #tpu.memory_space<vmem_shared>>
        tpu.enqueue_dma source(%arg19 : memref<80x112xf32, #tpu.memory_space<vmem>>) target(%dma_start3A_109 : memref<80x112xf32, #tpu.memory_space<vmem_shared>>) target_semaphore(%run_scoped3A : memref<!tpu.dma_semaphore, #tpu.memory_space<semaphore_mem>>)
        %dma_wait3A_110 = arith.constant 0 : i32
        %dma_wait3A_111 = tpu.memref_slice %arg22[%add3A_65, %dma_wait3A_110] : memref<10000x112xf32, #tpu.memory_space<vmem_shared>> -> memref<80x112xf32, #tpu.memory_space<vmem_shared>>
        %dma_wait3A_112 = arith.constant 0 : i32
        %dma_wait3A_113 = tpu.memref_slice %arg22[%add3A_65, %dma_wait3A_112] : memref<10000x112xf32, #tpu.memory_space<vmem_shared>> -> memref<80x112xf32, #tpu.memory_space<vmem_shared>>
        tpu.wait_dma2 semaphore(%run_scoped3A : memref<!tpu.dma_semaphore, #tpu.memory_space<semaphore_mem>>) src(%arg19 : memref<80x112xf32, #tpu.memory_space<vmem>>) dst(%dma_wait3A_113 : memref<80x112xf32, #tpu.memory_space<vmem_shared>>)
        tpu.yield
      }) : () -> ()
      %mul3A_66 = arith.constant 1000 : i32
      %mul3A_67 = arith.muli %arg1, %mul3A_66 : i32
      %add3A_68 = arith.constant 240 : i32
      %add3A_69 = arith.addi %mul3A_67, %add3A_68 : i32
      "tpu.region"() ({
        %run_scoped3A = tpu.sem_alloc : memref<!tpu.dma_semaphore, #tpu.memory_space<semaphore_mem>>
        %dma_start3A_106 = arith.constant 0 : i32
        %dma_start3A_107 = tpu.memref_slice %arg22[%add3A_69, %dma_start3A_106] : memref<10000x112xf32, #tpu.memory_space<vmem_shared>> -> memref<80x112xf32, #tpu.memory_space<vmem_shared>>
        %dma_start3A_108 = arith.constant 0 : i32
        %dma_start3A_109 = tpu.memref_slice %arg22[%add3A_69, %dma_start3A_108] : memref<10000x112xf32, #tpu.memory_space<vmem_shared>> -> memref<80x112xf32, #tpu.memory_space<vmem_shared>>
        tpu.enqueue_dma source(%arg19 : memref<80x112xf32, #tpu.memory_space<vmem>>) target(%dma_start3A_109 : memref<80x112xf32, #tpu.memory_space<vmem_shared>>) target_semaphore(%run_scoped3A : memref<!tpu.dma_semaphore, #tpu.memory_space<semaphore_mem>>)
        %dma_wait3A_110 = arith.constant 0 : i32
        %dma_wait3A_111 = tpu.memref_slice %arg22[%add3A_69, %dma_wait3A_110] : memref<10000x112xf32, #tpu.memory_space<vmem_shared>> -> memref<80x112xf32, #tpu.memory_space<vmem_shared>>
        %dma_wait3A_112 = arith.constant 0 : i32
        %dma_wait3A_113 = tpu.memref_slice %arg22[%add3A_69, %dma_wait3A_112] : memref<10000x112xf32, #tpu.memory_space<vmem_shared>> -> memref<80x112xf32, #tpu.memory_space<vmem_shared>>
        tpu.wait_dma2 semaphore(%run_scoped3A : memref<!tpu.dma_semaphore, #tpu.memory_space<semaphore_mem>>) src(%arg19 : memref<80x112xf32, #tpu.memory_space<vmem>>) dst(%dma_wait3A_113 : memref<80x112xf32, #tpu.memory_space<vmem_shared>>)
        tpu.yield
      }) : () -> ()
      %mul3A_70 = arith.constant 1000 : i32
      %mul3A_71 = arith.muli %arg1, %mul3A_70 : i32
      %add3A_72 = arith.constant 320 : i32
      %add3A_73 = arith.addi %mul3A_71, %add3A_72 : i32
      "tpu.region"() ({
        %run_scoped3A = tpu.sem_alloc : memref<!tpu.dma_semaphore, #tpu.memory_space<semaphore_mem>>
        %dma_start3A_106 = arith.constant 0 : i32
        %dma_start3A_107 = tpu.memref_slice %arg22[%add3A_73, %dma_start3A_106] : memref<10000x112xf32, #tpu.memory_space<vmem_shared>> -> memref<80x112xf32, #tpu.memory_space<vmem_shared>>
        %dma_start3A_108 = arith.constant 0 : i32
        %dma_start3A_109 = tpu.memref_slice %arg22[%add3A_73, %dma_start3A_108] : memref<10000x112xf32, #tpu.memory_space<vmem_shared>> -> memref<80x112xf32, #tpu.memory_space<vmem_shared>>
        tpu.enqueue_dma source(%arg19 : memref<80x112xf32, #tpu.memory_space<vmem>>) target(%dma_start3A_109 : memref<80x112xf32, #tpu.memory_space<vmem_shared>>) target_semaphore(%run_scoped3A : memref<!tpu.dma_semaphore, #tpu.memory_space<semaphore_mem>>)
        %dma_wait3A_110 = arith.constant 0 : i32
        %dma_wait3A_111 = tpu.memref_slice %arg22[%add3A_73, %dma_wait3A_110] : memref<10000x112xf32, #tpu.memory_space<vmem_shared>> -> memref<80x112xf32, #tpu.memory_space<vmem_shared>>
        %dma_wait3A_112 = arith.constant 0 : i32
        %dma_wait3A_113 = tpu.memref_slice %arg22[%add3A_73, %dma_wait3A_112] : memref<10000x112xf32, #tpu.memory_space<vmem_shared>> -> memref<80x112xf32, #tpu.memory_space<vmem_shared>>
        tpu.wait_dma2 semaphore(%run_scoped3A : memref<!tpu.dma_semaphore, #tpu.memory_space<semaphore_mem>>) src(%arg19 : memref<80x112xf32, #tpu.memory_space<vmem>>) dst(%dma_wait3A_113 : memref<80x112xf32, #tpu.memory_space<vmem_shared>>)
        tpu.yield
      }) : () -> ()
      %mul3A_74 = arith.constant 1000 : i32
      %mul3A_75 = arith.muli %arg1, %mul3A_74 : i32
      %add3A_76 = arith.constant 400 : i32
      %add3A_77 = arith.addi %mul3A_75, %add3A_76 : i32
      "tpu.region"() ({
        %run_scoped3A = tpu.sem_alloc : memref<!tpu.dma_semaphore, #tpu.memory_space<semaphore_mem>>
        %dma_start3A_106 = arith.constant 0 : i32
        %dma_start3A_107 = tpu.memref_slice %arg22[%add3A_77, %dma_start3A_106] : memref<10000x112xf32, #tpu.memory_space<vmem_shared>> -> memref<80x112xf32, #tpu.memory_space<vmem_shared>>
        %dma_start3A_108 = arith.constant 0 : i32
        %dma_start3A_109 = tpu.memref_slice %arg22[%add3A_77, %dma_start3A_108] : memref<10000x112xf32, #tpu.memory_space<vmem_shared>> -> memref<80x112xf32, #tpu.memory_space<vmem_shared>>
        tpu.enqueue_dma source(%arg19 : memref<80x112xf32, #tpu.memory_space<vmem>>) target(%dma_start3A_109 : memref<80x112xf32, #tpu.memory_space<vmem_shared>>) target_semaphore(%run_scoped3A : memref<!tpu.dma_semaphore, #tpu.memory_space<semaphore_mem>>)
        %dma_wait3A_110 = arith.constant 0 : i32
        %dma_wait3A_111 = tpu.memref_slice %arg22[%add3A_77, %dma_wait3A_110] : memref<10000x112xf32, #tpu.memory_space<vmem_shared>> -> memref<80x112xf32, #tpu.memory_space<vmem_shared>>
        %dma_wait3A_112 = arith.constant 0 : i32
        %dma_wait3A_113 = tpu.memref_slice %arg22[%add3A_77, %dma_wait3A_112] : memref<10000x112xf32, #tpu.memory_space<vmem_shared>> -> memref<80x112xf32, #tpu.memory_space<vmem_shared>>
        tpu.wait_dma2 semaphore(%run_scoped3A : memref<!tpu.dma_semaphore, #tpu.memory_space<semaphore_mem>>) src(%arg19 : memref<80x112xf32, #tpu.memory_space<vmem>>) dst(%dma_wait3A_113 : memref<80x112xf32, #tpu.memory_space<vmem_shared>>)
        tpu.yield
      }) : () -> ()
      %mul3A_78 = arith.constant 1000 : i32
      %mul3A_79 = arith.muli %arg1, %mul3A_78 : i32
      %add3A_80 = arith.constant 480 : i32
      %add3A_81 = arith.addi %mul3A_79, %add3A_80 : i32
      "tpu.region"() ({
        %run_scoped3A = tpu.sem_alloc : memref<!tpu.dma_semaphore, #tpu.memory_space<semaphore_mem>>
        %dma_start3A_106 = arith.constant 0 : i32
        %dma_start3A_107 = tpu.memref_slice %arg22[%add3A_81, %dma_start3A_106] : memref<10000x112xf32, #tpu.memory_space<vmem_shared>> -> memref<80x112xf32, #tpu.memory_space<vmem_shared>>
        %dma_start3A_108 = arith.constant 0 : i32
        %dma_start3A_109 = tpu.memref_slice %arg22[%add3A_81, %dma_start3A_108] : memref<10000x112xf32, #tpu.memory_space<vmem_shared>> -> memref<80x112xf32, #tpu.memory_space<vmem_shared>>
        tpu.enqueue_dma source(%arg19 : memref<80x112xf32, #tpu.memory_space<vmem>>) target(%dma_start3A_109 : memref<80x112xf32, #tpu.memory_space<vmem_shared>>) target_semaphore(%run_scoped3A : memref<!tpu.dma_semaphore, #tpu.memory_space<semaphore_mem>>)
        %dma_wait3A_110 = arith.constant 0 : i32
        %dma_wait3A_111 = tpu.memref_slice %arg22[%add3A_81, %dma_wait3A_110] : memref<10000x112xf32, #tpu.memory_space<vmem_shared>> -> memref<80x112xf32, #tpu.memory_space<vmem_shared>>
        %dma_wait3A_112 = arith.constant 0 : i32
        %dma_wait3A_113 = tpu.memref_slice %arg22[%add3A_81, %dma_wait3A_112] : memref<10000x112xf32, #tpu.memory_space<vmem_shared>> -> memref<80x112xf32, #tpu.memory_space<vmem_shared>>
        tpu.wait_dma2 semaphore(%run_scoped3A : memref<!tpu.dma_semaphore, #tpu.memory_space<semaphore_mem>>) src(%arg19 : memref<80x112xf32, #tpu.memory_space<vmem>>) dst(%dma_wait3A_113 : memref<80x112xf32, #tpu.memory_space<vmem_shared>>)
        tpu.yield
      }) : () -> ()
      %mul3A_82 = arith.constant 1000 : i32
      %mul3A_83 = arith.muli %arg1, %mul3A_82 : i32
      %add3A_84 = arith.constant 560 : i32
      %add3A_85 = arith.addi %mul3A_83, %add3A_84 : i32
      "tpu.region"() ({
        %run_scoped3A = tpu.sem_alloc : memref<!tpu.dma_semaphore, #tpu.memory_space<semaphore_mem>>
        %dma_start3A_106 = arith.constant 0 : i32
        %dma_start3A_107 = tpu.memref_slice %arg22[%add3A_85, %dma_start3A_106] : memref<10000x112xf32, #tpu.memory_space<vmem_shared>> -> memref<80x112xf32, #tpu.memory_space<vmem_shared>>
        %dma_start3A_108 = arith.constant 0 : i32
        %dma_start3A_109 = tpu.memref_slice %arg22[%add3A_85, %dma_start3A_108] : memref<10000x112xf32, #tpu.memory_space<vmem_shared>> -> memref<80x112xf32, #tpu.memory_space<vmem_shared>>
        tpu.enqueue_dma source(%arg19 : memref<80x112xf32, #tpu.memory_space<vmem>>) target(%dma_start3A_109 : memref<80x112xf32, #tpu.memory_space<vmem_shared>>) target_semaphore(%run_scoped3A : memref<!tpu.dma_semaphore, #tpu.memory_space<semaphore_mem>>)
        %dma_wait3A_110 = arith.constant 0 : i32
        %dma_wait3A_111 = tpu.memref_slice %arg22[%add3A_85, %dma_wait3A_110] : memref<10000x112xf32, #tpu.memory_space<vmem_shared>> -> memref<80x112xf32, #tpu.memory_space<vmem_shared>>
        %dma_wait3A_112 = arith.constant 0 : i32
        %dma_wait3A_113 = tpu.memref_slice %arg22[%add3A_85, %dma_wait3A_112] : memref<10000x112xf32, #tpu.memory_space<vmem_shared>> -> memref<80x112xf32, #tpu.memory_space<vmem_shared>>
        tpu.wait_dma2 semaphore(%run_scoped3A : memref<!tpu.dma_semaphore, #tpu.memory_space<semaphore_mem>>) src(%arg19 : memref<80x112xf32, #tpu.memory_space<vmem>>) dst(%dma_wait3A_113 : memref<80x112xf32, #tpu.memory_space<vmem_shared>>)
        tpu.yield
      }) : () -> ()
      %mul3A_86 = arith.constant 1000 : i32
      %mul3A_87 = arith.muli %arg1, %mul3A_86 : i32
      %add3A_88 = arith.constant 640 : i32
      %add3A_89 = arith.addi %mul3A_87, %add3A_88 : i32
      "tpu.region"() ({
        %run_scoped3A = tpu.sem_alloc : memref<!tpu.dma_semaphore, #tpu.memory_space<semaphore_mem>>
        %dma_start3A_106 = arith.constant 0 : i32
        %dma_start3A_107 = tpu.memref_slice %arg22[%add3A_89, %dma_start3A_106] : memref<10000x112xf32, #tpu.memory_space<vmem_shared>> -> memref<80x112xf32, #tpu.memory_space<vmem_shared>>
        %dma_start3A_108 = arith.constant 0 : i32
        %dma_start3A_109 = tpu.memref_slice %arg22[%add3A_89, %dma_start3A_108] : memref<10000x112xf32, #tpu.memory_space<vmem_shared>> -> memref<80x112xf32, #tpu.memory_space<vmem_shared>>
        tpu.enqueue_dma source(%arg19 : memref<80x112xf32, #tpu.memory_space<vmem>>) target(%dma_start3A_109 : memref<80x112xf32, #tpu.memory_space<vmem_shared>>) target_semaphore(%run_scoped3A : memref<!tpu.dma_semaphore, #tpu.memory_space<semaphore_mem>>)
        %dma_wait3A_110 = arith.constant 0 : i32
        %dma_wait3A_111 = tpu.memref_slice %arg22[%add3A_89, %dma_wait3A_110] : memref<10000x112xf32, #tpu.memory_space<vmem_shared>> -> memref<80x112xf32, #tpu.memory_space<vmem_shared>>
        %dma_wait3A_112 = arith.constant 0 : i32
        %dma_wait3A_113 = tpu.memref_slice %arg22[%add3A_89, %dma_wait3A_112] : memref<10000x112xf32, #tpu.memory_space<vmem_shared>> -> memref<80x112xf32, #tpu.memory_space<vmem_shared>>
        tpu.wait_dma2 semaphore(%run_scoped3A : memref<!tpu.dma_semaphore, #tpu.memory_space<semaphore_mem>>) src(%arg19 : memref<80x112xf32, #tpu.memory_space<vmem>>) dst(%dma_wait3A_113 : memref<80x112xf32, #tpu.memory_space<vmem_shared>>)
        tpu.yield
      }) : () -> ()
      %mul3A_90 = arith.constant 1000 : i32
      %mul3A_91 = arith.muli %arg1, %mul3A_90 : i32
      %add3A_92 = arith.constant 720 : i32
      %add3A_93 = arith.addi %mul3A_91, %add3A_92 : i32
      "tpu.region"() ({
        %run_scoped3A = tpu.sem_alloc : memref<!tpu.dma_semaphore, #tpu.memory_space<semaphore_mem>>
        %dma_start3A_106 = arith.constant 0 : i32
        %dma_start3A_107 = tpu.memref_slice %arg22[%add3A_93, %dma_start3A_106] : memref<10000x112xf32, #tpu.memory_space<vmem_shared>> -> memref<80x112xf32, #tpu.memory_space<vmem_shared>>
        %dma_start3A_108 = arith.constant 0 : i32
        %dma_start3A_109 = tpu.memref_slice %arg22[%add3A_93, %dma_start3A_108] : memref<10000x112xf32, #tpu.memory_space<vmem_shared>> -> memref<80x112xf32, #tpu.memory_space<vmem_shared>>
        tpu.enqueue_dma source(%arg19 : memref<80x112xf32, #tpu.memory_space<vmem>>) target(%dma_start3A_109 : memref<80x112xf32, #tpu.memory_space<vmem_shared>>) target_semaphore(%run_scoped3A : memref<!tpu.dma_semaphore, #tpu.memory_space<semaphore_mem>>)
        %dma_wait3A_110 = arith.constant 0 : i32
        %dma_wait3A_111 = tpu.memref_slice %arg22[%add3A_93, %dma_wait3A_110] : memref<10000x112xf32, #tpu.memory_space<vmem_shared>> -> memref<80x112xf32, #tpu.memory_space<vmem_shared>>
        %dma_wait3A_112 = arith.constant 0 : i32
        %dma_wait3A_113 = tpu.memref_slice %arg22[%add3A_93, %dma_wait3A_112] : memref<10000x112xf32, #tpu.memory_space<vmem_shared>> -> memref<80x112xf32, #tpu.memory_space<vmem_shared>>
        tpu.wait_dma2 semaphore(%run_scoped3A : memref<!tpu.dma_semaphore, #tpu.memory_space<semaphore_mem>>) src(%arg19 : memref<80x112xf32, #tpu.memory_space<vmem>>) dst(%dma_wait3A_113 : memref<80x112xf32, #tpu.memory_space<vmem_shared>>)
        tpu.yield
      }) : () -> ()
      %mul3A_94 = arith.constant 1000 : i32
      %mul3A_95 = arith.muli %arg1, %mul3A_94 : i32
      %add3A_96 = arith.constant 800 : i32
      %add3A_97 = arith.addi %mul3A_95, %add3A_96 : i32
      "tpu.region"() ({
        %run_scoped3A = tpu.sem_alloc : memref<!tpu.dma_semaphore, #tpu.memory_space<semaphore_mem>>
        %dma_start3A_106 = arith.constant 0 : i32
        %dma_start3A_107 = tpu.memref_slice %arg22[%add3A_97, %dma_start3A_106] : memref<10000x112xf32, #tpu.memory_space<vmem_shared>> -> memref<80x112xf32, #tpu.memory_space<vmem_shared>>
        %dma_start3A_108 = arith.constant 0 : i32
        %dma_start3A_109 = tpu.memref_slice %arg22[%add3A_97, %dma_start3A_108] : memref<10000x112xf32, #tpu.memory_space<vmem_shared>> -> memref<80x112xf32, #tpu.memory_space<vmem_shared>>
        tpu.enqueue_dma source(%arg19 : memref<80x112xf32, #tpu.memory_space<vmem>>) target(%dma_start3A_109 : memref<80x112xf32, #tpu.memory_space<vmem_shared>>) target_semaphore(%run_scoped3A : memref<!tpu.dma_semaphore, #tpu.memory_space<semaphore_mem>>)
        %dma_wait3A_110 = arith.constant 0 : i32
        %dma_wait3A_111 = tpu.memref_slice %arg22[%add3A_97, %dma_wait3A_110] : memref<10000x112xf32, #tpu.memory_space<vmem_shared>> -> memref<80x112xf32, #tpu.memory_space<vmem_shared>>
        %dma_wait3A_112 = arith.constant 0 : i32
        %dma_wait3A_113 = tpu.memref_slice %arg22[%add3A_97, %dma_wait3A_112] : memref<10000x112xf32, #tpu.memory_space<vmem_shared>> -> memref<80x112xf32, #tpu.memory_space<vmem_shared>>
        tpu.wait_dma2 semaphore(%run_scoped3A : memref<!tpu.dma_semaphore, #tpu.memory_space<semaphore_mem>>) src(%arg19 : memref<80x112xf32, #tpu.memory_space<vmem>>) dst(%dma_wait3A_113 : memref<80x112xf32, #tpu.memory_space<vmem_shared>>)
        tpu.yield
      }) : () -> ()
      %mul3A_98 = arith.constant 1000 : i32
      %mul3A_99 = arith.muli %arg1, %mul3A_98 : i32
      %add3A_100 = arith.constant 880 : i32
      %add3A_101 = arith.addi %mul3A_99, %add3A_100 : i32
      "tpu.region"() ({
        %run_scoped3A = tpu.sem_alloc : memref<!tpu.dma_semaphore, #tpu.memory_space<semaphore_mem>>
        %dma_start3A_106 = arith.constant 0 : i32
        %dma_start3A_107 = tpu.memref_slice %arg22[%add3A_101, %dma_start3A_106] : memref<10000x112xf32, #tpu.memory_space<vmem_shared>> -> memref<80x112xf32, #tpu.memory_space<vmem_shared>>
        %dma_start3A_108 = arith.constant 0 : i32
        %dma_start3A_109 = tpu.memref_slice %arg22[%add3A_101, %dma_start3A_108] : memref<10000x112xf32, #tpu.memory_space<vmem_shared>> -> memref<80x112xf32, #tpu.memory_space<vmem_shared>>
        tpu.enqueue_dma source(%arg19 : memref<80x112xf32, #tpu.memory_space<vmem>>) target(%dma_start3A_109 : memref<80x112xf32, #tpu.memory_space<vmem_shared>>) target_semaphore(%run_scoped3A : memref<!tpu.dma_semaphore, #tpu.memory_space<semaphore_mem>>)
        %dma_wait3A_110 = arith.constant 0 : i32
        %dma_wait3A_111 = tpu.memref_slice %arg22[%add3A_101, %dma_wait3A_110] : memref<10000x112xf32, #tpu.memory_space<vmem_shared>> -> memref<80x112xf32, #tpu.memory_space<vmem_shared>>
        %dma_wait3A_112 = arith.constant 0 : i32
        %dma_wait3A_113 = tpu.memref_slice %arg22[%add3A_101, %dma_wait3A_112] : memref<10000x112xf32, #tpu.memory_space<vmem_shared>> -> memref<80x112xf32, #tpu.memory_space<vmem_shared>>
        tpu.wait_dma2 semaphore(%run_scoped3A : memref<!tpu.dma_semaphore, #tpu.memory_space<semaphore_mem>>) src(%arg19 : memref<80x112xf32, #tpu.memory_space<vmem>>) dst(%dma_wait3A_113 : memref<80x112xf32, #tpu.memory_space<vmem_shared>>)
        tpu.yield
      }) : () -> ()
      %mul3A_102 = arith.constant 1000 : i32
      %mul3A_103 = arith.muli %arg1, %mul3A_102 : i32
      %add3A_104 = arith.constant 960 : i32
      %add3A_105 = arith.addi %mul3A_103, %add3A_104 : i32
      "tpu.region"() ({
        %run_scoped3A = tpu.sem_alloc : memref<!tpu.dma_semaphore, #tpu.memory_space<semaphore_mem>>
        %dma_start3A_106 = arith.constant 0 : i32
        %dma_start3A_107 = arith.constant 0 : i32
        %dma_start3A_108 = tpu.memref_slice %arg19[%dma_start3A_106, %dma_start3A_107] : memref<80x112xf32, #tpu.memory_space<vmem>> -> memref<40x112xf32, #tpu.memory_space<vmem>>
        %dma_start3A_109 = arith.constant 0 : i32
        %dma_start3A_110 = tpu.memref_slice %arg22[%add3A_105, %dma_start3A_109] : memref<10000x112xf32, #tpu.memory_space<vmem_shared>> -> memref<40x112xf32, #tpu.memory_space<vmem_shared>>
        %dma_start3A_111 = arith.constant 0 : i32
        %dma_start3A_112 = tpu.memref_slice %arg22[%add3A_105, %dma_start3A_111] : memref<10000x112xf32, #tpu.memory_space<vmem_shared>> -> memref<40x112xf32, #tpu.memory_space<vmem_shared>>
        %dma_start3A_113 = arith.constant 0 : i32
        %dma_start3A_114 = arith.constant 0 : i32
        %dma_start3A_115 = tpu.memref_slice %arg19[%dma_start3A_113, %dma_start3A_114] : memref<80x112xf32, #tpu.memory_space<vmem>> -> memref<40x112xf32, #tpu.memory_space<vmem>>
        tpu.enqueue_dma source(%dma_start3A_115 : memref<40x112xf32, #tpu.memory_space<vmem>>) target(%dma_start3A_112 : memref<40x112xf32, #tpu.memory_space<vmem_shared>>) target_semaphore(%run_scoped3A : memref<!tpu.dma_semaphore, #tpu.memory_space<semaphore_mem>>)
        %dma_wait3A_116 = arith.constant 0 : i32
        %dma_wait3A_117 = arith.constant 0 : i32
        %dma_wait3A_118 = tpu.memref_slice %arg19[%dma_wait3A_116, %dma_wait3A_117] : memref<80x112xf32, #tpu.memory_space<vmem>> -> memref<40x112xf32, #tpu.memory_space<vmem>>
        %dma_wait3A_119 = arith.constant 0 : i32
        %dma_wait3A_120 = tpu.memref_slice %arg22[%add3A_105, %dma_wait3A_119] : memref<10000x112xf32, #tpu.memory_space<vmem_shared>> -> memref<40x112xf32, #tpu.memory_space<vmem_shared>>
        %dma_wait3A_121 = arith.constant 0 : i32
        %dma_wait3A_122 = tpu.memref_slice %arg22[%add3A_105, %dma_wait3A_121] : memref<10000x112xf32, #tpu.memory_space<vmem_shared>> -> memref<40x112xf32, #tpu.memory_space<vmem_shared>>
        %dma_wait3A_123 = arith.constant 0 : i32
        %dma_wait3A_124 = arith.constant 0 : i32
        %dma_wait3A_125 = tpu.memref_slice %arg19[%dma_wait3A_123, %dma_wait3A_124] : memref<80x112xf32, #tpu.memory_space<vmem>> -> memref<40x112xf32, #tpu.memory_space<vmem>>
        tpu.wait_dma2 semaphore(%run_scoped3A : memref<!tpu.dma_semaphore, #tpu.memory_space<semaphore_mem>>) src(%dma_wait3A_125 : memref<40x112xf32, #tpu.memory_space<vmem>>) dst(%dma_wait3A_122 : memref<40x112xf32, #tpu.memory_space<vmem_shared>>)
        tpu.yield
      }) : () -> ()
    } else {
    }
    %barrier3A = arith.constant 0 : index
    tpu.barrier barrier_id(%barrier3A)
    %iota3A = tpu.iota {dimensions = array<i32: 0>} : vector<16xi32>
    %add3A = arith.constant 0 : i32
    %add3A_8 = arith.addi %mul3A_0, %add3A : i32
    %dma_start3A = tpu.memref_slice %arg4[%add3A_8] : memref<320000xi32, #tpu.memory_space<hbm>> -> memref<80xi32, #tpu.memory_space<hbm>>
    %dma_start3A_9 = tpu.memref_slice %arg4[%add3A_8] : memref<320000xi32, #tpu.memory_space<hbm>> -> memref<80xi32, #tpu.memory_space<hbm>>
    tpu.enqueue_dma source(%dma_start3A_9 : memref<80xi32, #tpu.memory_space<hbm>>) target(%arg7 : memref<80xi32, #tpu.memory_space<vmem>>) target_semaphore(%arg23 : memref<!tpu.dma_semaphore, #tpu.memory_space<semaphore_mem>>)
    %dma_start3A_10 = tpu.memref_slice %arg5[%add3A_8] : memref<320000xi32, #tpu.memory_space<hbm>> -> memref<80xi32, #tpu.memory_space<hbm>>
    %dma_start3A_11 = tpu.memref_slice %arg5[%add3A_8] : memref<320000xi32, #tpu.memory_space<hbm>> -> memref<80xi32, #tpu.memory_space<hbm>>
    tpu.enqueue_dma source(%dma_start3A_11 : memref<80xi32, #tpu.memory_space<hbm>>) target(%arg9 : memref<80xi32, #tpu.memory_space<vmem>>) target_semaphore(%arg23 : memref<!tpu.dma_semaphore, #tpu.memory_space<semaphore_mem>>)
    %add3A_12 = arith.constant 80 : i32
    %add3A_13 = arith.addi %mul3A_0, %add3A_12 : i32
    %dma_start3A_14 = tpu.memref_slice %arg4[%add3A_13] : memref<320000xi32, #tpu.memory_space<hbm>> -> memref<80xi32, #tpu.memory_space<hbm>>
    %dma_start3A_15 = tpu.memref_slice %arg4[%add3A_13] : memref<320000xi32, #tpu.memory_space<hbm>> -> memref<80xi32, #tpu.memory_space<hbm>>
    tpu.enqueue_dma source(%dma_start3A_15 : memref<80xi32, #tpu.memory_space<hbm>>) target(%arg8 : memref<80xi32, #tpu.memory_space<vmem>>) target_semaphore(%arg24 : memref<!tpu.dma_semaphore, #tpu.memory_space<semaphore_mem>>)
    %dma_start3A_16 = tpu.memref_slice %arg5[%add3A_13] : memref<320000xi32, #tpu.memory_space<hbm>> -> memref<80xi32, #tpu.memory_space<hbm>>
    %dma_start3A_17 = tpu.memref_slice %arg5[%add3A_13] : memref<320000xi32, #tpu.memory_space<hbm>> -> memref<80xi32, #tpu.memory_space<hbm>>
    tpu.enqueue_dma source(%dma_start3A_17 : memref<80xi32, #tpu.memory_space<hbm>>) target(%arg10 : memref<80xi32, #tpu.memory_space<vmem>>) target_semaphore(%arg24 : memref<!tpu.dma_semaphore, #tpu.memory_space<semaphore_mem>>)
    %add3A_18 = arith.constant 0 : i32
    %add3A_19 = arith.addi %mul3A_0, %add3A_18 : i32
    %dma_wait3A = tpu.memref_slice %arg4[%add3A_19] : memref<320000xi32, #tpu.memory_space<hbm>> -> memref<80xi32, #tpu.memory_space<hbm>>
    %dma_wait3A_20 = tpu.memref_slice %arg4[%add3A_19] : memref<320000xi32, #tpu.memory_space<hbm>> -> memref<80xi32, #tpu.memory_space<hbm>>
    tpu.wait_dma2 semaphore(%arg23 : memref<!tpu.dma_semaphore, #tpu.memory_space<semaphore_mem>>) src(%dma_wait3A_20 : memref<80xi32, #tpu.memory_space<hbm>>) dst(%arg7 : memref<80xi32, #tpu.memory_space<vmem>>)
    %dma_wait3A_21 = tpu.memref_slice %arg5[%add3A_19] : memref<320000xi32, #tpu.memory_space<hbm>> -> memref<80xi32, #tpu.memory_space<hbm>>
    %dma_wait3A_22 = tpu.memref_slice %arg5[%add3A_19] : memref<320000xi32, #tpu.memory_space<hbm>> -> memref<80xi32, #tpu.memory_space<hbm>>
    tpu.wait_dma2 semaphore(%arg23 : memref<!tpu.dma_semaphore, #tpu.memory_space<semaphore_mem>>) src(%dma_wait3A_22 : memref<80xi32, #tpu.memory_space<hbm>>) dst(%arg9 : memref<80xi32, #tpu.memory_space<vmem>>)
    %dma_start3A_23 = arith.constant 0 : i32
    %dma_start3A_24 = arith.constant 0 : i32
    %dma_start3A_25 = tpu.memref_slice %arg3[%dma_start3A_23, %dma_start3A_24] : memref<10000x16xf32, #tpu.memory_space<hbm>> -> memref<10000x16xf32, #tpu.memory_space<hbm>>
    tpu.enqueue_indirect_dma source(%dma_start3A_25 : memref<10000x16xf32, #tpu.memory_space<hbm>>) target(%arg13 : memref<80x16xf32, #tpu.memory_space<vmem>>) offsets(%arg7 : memref<80xi32, #tpu.memory_space<vmem>>) semaphore(%arg25 : memref<!tpu.dma_semaphore, #tpu.memory_space<semaphore_mem>>)
    %dma_start3A_26 = arith.constant 0 : i32
    %dma_start3A_27 = arith.constant 0 : i32
    %dma_start3A_28 = tpu.memref_slice %arg3[%dma_start3A_26, %dma_start3A_27] : memref<10000x16xf32, #tpu.memory_space<hbm>> -> memref<10000x16xf32, #tpu.memory_space<hbm>>
    tpu.enqueue_indirect_dma source(%dma_start3A_28 : memref<10000x16xf32, #tpu.memory_space<hbm>>) target(%arg15 : memref<80x16xf32, #tpu.memory_space<vmem>>) offsets(%arg9 : memref<80xi32, #tpu.memory_space<vmem>>) semaphore(%arg25 : memref<!tpu.dma_semaphore, #tpu.memory_space<semaphore_mem>>)
    %dma_start3A_29 = arith.constant 0 : i32
    %dma_start3A_30 = arith.constant 0 : i32
    %dma_start3A_31 = tpu.memref_slice %arg2[%arg0, %dma_start3A_29, %dma_start3A_30] : memref<2x10000x96xf32, #tpu.memory_space<hbm>> -> memref<1x10000x96xf32, #tpu.memory_space<hbm>>
    %dma_start3A_32 = tpu.memref_squeeze %dma_start3A_31 : memref<1x10000x96xf32, #tpu.memory_space<hbm>> -> memref<10000x96xf32, #tpu.memory_space<hbm>>
    %dma_start3A_33 = arith.constant 0 : i32
    %dma_start3A_34 = arith.constant 0 : i32
    %dma_start3A_35 = tpu.memref_slice %dma_start3A_32[%dma_start3A_33, %dma_start3A_34] : memref<10000x96xf32, #tpu.memory_space<hbm>> -> memref<10000x96xf32, #tpu.memory_space<hbm>>
    tpu.enqueue_indirect_dma source(%dma_start3A_35 : memref<10000x96xf32, #tpu.memory_space<hbm>>) target(%arg17 : memref<80x96xf32, #tpu.memory_space<vmem>>) offsets(%arg7 : memref<80xi32, #tpu.memory_space<vmem>>) semaphore(%arg25 : memref<!tpu.dma_semaphore, #tpu.memory_space<semaphore_mem>>)
    %scan3A_36 = arith.constant 0 : i32
    %scan3A_37 = arith.constant 0 : i32
    %scan3A_38 = arith.constant 125 : i32
    %scan3A_39 = arith.addi %scan3A_37, %scan3A_38 : i32
    %scan3A_40 = arith.constant 1 : i32
    scf.for %scan3A_54 = %scan3A_37 to %scan3A_39 step %scan3A_40  : i32 {
      %mul3A_55 = arith.constant 2 : i32
      %mul3A_56 = arith.muli %mul3A_55, %scan3A_54 : i32
      %dma_wait3A_57 = arith.constant 0 : i32
      %dma_wait3A_58 = arith.constant 0 : i32
      %dma_wait3A_59 = tpu.memref_slice %arg3[%dma_wait3A_57, %dma_wait3A_58] : memref<10000x16xf32, #tpu.memory_space<hbm>> -> memref<10000x16xf32, #tpu.memory_space<hbm>>
      tpu.wait_indirect_dma semaphore(%arg25 : memref<!tpu.dma_semaphore, #tpu.memory_space<semaphore_mem>>) src(%dma_wait3A_59 : memref<10000x16xf32, #tpu.memory_space<hbm>>) dst(%arg13 : memref<80x16xf32, #tpu.memory_space<vmem>>)
      %dma_wait3A_60 = arith.constant 0 : i32
      %dma_wait3A_61 = arith.constant 0 : i32
      %dma_wait3A_62 = tpu.memref_slice %arg3[%dma_wait3A_60, %dma_wait3A_61] : memref<10000x16xf32, #tpu.memory_space<hbm>> -> memref<10000x16xf32, #tpu.memory_space<hbm>>
      tpu.wait_indirect_dma semaphore(%arg25 : memref<!tpu.dma_semaphore, #tpu.memory_space<semaphore_mem>>) src(%dma_wait3A_62 : memref<10000x16xf32, #tpu.memory_space<hbm>>) dst(%arg15 : memref<80x16xf32, #tpu.memory_space<vmem>>)
      %dma_wait3A_63 = arith.constant 0 : i32
      %dma_wait3A_64 = arith.constant 0 : i32
      %dma_wait3A_65 = tpu.memref_slice %arg2[%arg0, %dma_wait3A_63, %dma_wait3A_64] : memref<2x10000x96xf32, #tpu.memory_space<hbm>> -> memref<1x10000x96xf32, #tpu.memory_space<hbm>>
      %dma_wait3A_66 = tpu.memref_squeeze %dma_wait3A_65 : memref<1x10000x96xf32, #tpu.memory_space<hbm>> -> memref<10000x96xf32, #tpu.memory_space<hbm>>
      %dma_wait3A_67 = arith.constant 0 : i32
      %dma_wait3A_68 = arith.constant 0 : i32
      %dma_wait3A_69 = tpu.memref_slice %dma_wait3A_66[%dma_wait3A_67, %dma_wait3A_68] : memref<10000x96xf32, #tpu.memory_space<hbm>> -> memref<10000x96xf32, #tpu.memory_space<hbm>>
      tpu.wait_indirect_dma semaphore(%arg25 : memref<!tpu.dma_semaphore, #tpu.memory_space<semaphore_mem>>) src(%dma_wait3A_69 : memref<10000x96xf32, #tpu.memory_space<hbm>>) dst(%arg17 : memref<80x96xf32, #tpu.memory_space<vmem>>)
      %ge3A = arith.constant 2 : i32
      %ge3A_70 = arith.cmpi sge, %mul3A_56, %ge3A : i32
      %convert_element_type3A_71 = arith.extui %ge3A_70 : i1 to i32
      %cond3A_72 = arith.constant 0 : i32
      %cond3A_73 = arith.cmpi ne, %convert_element_type3A_71, %cond3A_72 : i32
      scf.if %cond3A_73 {
        %dma_wait3A_679 = arith.constant 0 : i32
        %dma_wait3A_680 = arith.constant 0 : i32
        %dma_wait3A_681 = tpu.memref_slice %arg22[%dma_wait3A_679, %dma_wait3A_680] : memref<10000x112xf32, #tpu.memory_space<vmem_shared>> -> memref<10000x112xf32, #tpu.memory_space<vmem_shared>>
        tpu.wait_indirect_dma semaphore(%arg27 : memref<!tpu.dma_semaphore, #tpu.memory_space<semaphore_mem>>) src(%arg19 : memref<80x112xf32, #tpu.memory_space<vmem>>) dst(%dma_wait3A_681 : memref<10000x112xf32, #tpu.memory_space<vmem_shared>>)
      } else {
      }
      %get3A = arith.constant 0 : index
      %get3A_74 = tpu.vector_load %arg9[%get3A] {strides = array<i32>} : memref<80xi32, #tpu.memory_space<vmem>>, vector<16xi32>,
      %swap3A = arith.constant 0 : index
      %swap3A_75 = tpu.vector_load %arg11[%swap3A] {strides = array<i32>} : memref<80xi32, #tpu.memory_space<vmem>>, vector<16xi32>,
      tpu.vector_store %arg11[%swap3A], %get3A_74 {strides = array<i32>} : memref<80xi32, #tpu.memory_space<vmem>>, vector<16xi32>,
      %get3A_76 = arith.constant 16 : index
      %get3A_77 = tpu.vector_load %arg9[%get3A_76] {strides = array<i32>} : memref<80xi32, #tpu.memory_space<vmem>>, vector<16xi32>,
      %swap3A_78 = arith.constant 16 : index
      %swap3A_79 = tpu.vector_load %arg11[%swap3A_78] {strides = array<i32>} : memref<80xi32, #tpu.memory_space<vmem>>, vector<16xi32>,
      tpu.vector_store %arg11[%swap3A_78], %get3A_77 {strides = array<i32>} : memref<80xi32, #tpu.memory_space<vmem>>, vector<16xi32>,
      %get3A_80 = arith.constant 32 : index
      %get3A_81 = tpu.vector_load %arg9[%get3A_80] {strides = array<i32>} : memref<80xi32, #tpu.memory_space<vmem>>, vector<16xi32>,
      %swap3A_82 = arith.constant 32 : index
      %swap3A_83 = tpu.vector_load %arg11[%swap3A_82] {strides = array<i32>} : memref<80xi32, #tpu.memory_space<vmem>>, vector<16xi32>,
      tpu.vector_store %arg11[%swap3A_82], %get3A_81 {strides = array<i32>} : memref<80xi32, #tpu.memory_space<vmem>>, vector<16xi32>,
      %get3A_84 = arith.constant 48 : index
      %get3A_85 = tpu.vector_load %arg9[%get3A_84] {strides = array<i32>} : memref<80xi32, #tpu.memory_space<vmem>>, vector<16xi32>,
      %swap3A_86 = arith.constant 48 : index
      %swap3A_87 = tpu.vector_load %arg11[%swap3A_86] {strides = array<i32>} : memref<80xi32, #tpu.memory_space<vmem>>, vector<16xi32>,
      tpu.vector_store %arg11[%swap3A_86], %get3A_85 {strides = array<i32>} : memref<80xi32, #tpu.memory_space<vmem>>, vector<16xi32>,
      %get3A_88 = arith.constant 64 : index
      %get3A_89 = tpu.vector_load %arg9[%get3A_88] {strides = array<i32>} : memref<80xi32, #tpu.memory_space<vmem>>, vector<16xi32>,
      %swap3A_90 = arith.constant 64 : index
      %swap3A_91 = tpu.vector_load %arg11[%swap3A_90] {strides = array<i32>} : memref<80xi32, #tpu.memory_space<vmem>>, vector<16xi32>,
      tpu.vector_store %arg11[%swap3A_90], %get3A_89 {strides = array<i32>} : memref<80xi32, #tpu.memory_space<vmem>>, vector<16xi32>,
      %add3A_92 = arith.constant 1 : i32
      %add3A_93 = arith.addi %mul3A_56, %add3A_92 : i32
      %lt3A_94 = arith.constant 250 : i32
      %lt3A_95 = arith.cmpi slt, %add3A_93, %lt3A_94 : i32
      %convert_element_type3A_96 = arith.extui %lt3A_95 : i1 to i32
      %cond3A_97 = arith.constant 0 : i32
      %cond3A_98 = arith.cmpi ne, %convert_element_type3A_96, %cond3A_97 : i32
      scf.if %cond3A_98 {
        %add3A_679 = arith.constant 1 : i32
        %add3A_680 = arith.addi %mul3A_56, %add3A_679 : i32
        %mul3A_681 = arith.constant 80 : i32
        %mul3A_682 = arith.muli %add3A_680, %mul3A_681 : i32
        %add3A_683 = arith.addi %mul3A_0, %mul3A_682 : i32
        %dma_wait3A_684 = tpu.memref_slice %arg4[%add3A_683] : memref<320000xi32, #tpu.memory_space<hbm>> -> memref<80xi32, #tpu.memory_space<hbm>>
        %dma_wait3A_685 = tpu.memref_slice %arg4[%add3A_683] : memref<320000xi32, #tpu.memory_space<hbm>> -> memref<80xi32, #tpu.memory_space<hbm>>
        tpu.wait_dma2 semaphore(%arg24 : memref<!tpu.dma_semaphore, #tpu.memory_space<semaphore_mem>>) src(%dma_wait3A_685 : memref<80xi32, #tpu.memory_space<hbm>>) dst(%arg8 : memref<80xi32, #tpu.memory_space<vmem>>)
        %dma_wait3A_686 = tpu.memref_slice %arg5[%add3A_683] : memref<320000xi32, #tpu.memory_space<hbm>> -> memref<80xi32, #tpu.memory_space<hbm>>
        %dma_wait3A_687 = tpu.memref_slice %arg5[%add3A_683] : memref<320000xi32, #tpu.memory_space<hbm>> -> memref<80xi32, #tpu.memory_space<hbm>>
        tpu.wait_dma2 semaphore(%arg24 : memref<!tpu.dma_semaphore, #tpu.memory_space<semaphore_mem>>) src(%dma_wait3A_687 : memref<80xi32, #tpu.memory_space<hbm>>) dst(%arg10 : memref<80xi32, #tpu.memory_space<vmem>>)
        %dma_start3A_688 = arith.constant 0 : i32
        %dma_start3A_689 = arith.constant 0 : i32
        %dma_start3A_690 = tpu.memref_slice %arg3[%dma_start3A_688, %dma_start3A_689] : memref<10000x16xf32, #tpu.memory_space<hbm>> -> memref<10000x16xf32, #tpu.memory_space<hbm>>
        tpu.enqueue_indirect_dma source(%dma_start3A_690 : memref<10000x16xf32, #tpu.memory_space<hbm>>) target(%arg14 : memref<80x16xf32, #tpu.memory_space<vmem>>) offsets(%arg8 : memref<80xi32, #tpu.memory_space<vmem>>) semaphore(%arg26 : memref<!tpu.dma_semaphore, #tpu.memory_space<semaphore_mem>>)
        %dma_start3A_691 = arith.constant 0 : i32
        %dma_start3A_692 = arith.constant 0 : i32
        %dma_start3A_693 = tpu.memref_slice %arg3[%dma_start3A_691, %dma_start3A_692] : memref<10000x16xf32, #tpu.memory_space<hbm>> -> memref<10000x16xf32, #tpu.memory_space<hbm>>
        tpu.enqueue_indirect_dma source(%dma_start3A_693 : memref<10000x16xf32, #tpu.memory_space<hbm>>) target(%arg16 : memref<80x16xf32, #tpu.memory_space<vmem>>) offsets(%arg10 : memref<80xi32, #tpu.memory_space<vmem>>) semaphore(%arg26 : memref<!tpu.dma_semaphore, #tpu.memory_space<semaphore_mem>>)
        %dma_start3A_694 = arith.constant 0 : i32
        %dma_start3A_695 = arith.constant 0 : i32
        %dma_start3A_696 = tpu.memref_slice %arg2[%arg0, %dma_start3A_694, %dma_start3A_695] : memref<2x10000x96xf32, #tpu.memory_space<hbm>> -> memref<1x10000x96xf32, #tpu.memory_space<hbm>>
        %dma_start3A_697 = tpu.memref_squeeze %dma_start3A_696 : memref<1x10000x96xf32, #tpu.memory_space<hbm>> -> memref<10000x96xf32, #tpu.memory_space<hbm>>
        %dma_start3A_698 = arith.constant 0 : i32
        %dma_start3A_699 = arith.constant 0 : i32
        %dma_start3A_700 = tpu.memref_slice %dma_start3A_697[%dma_start3A_698, %dma_start3A_699] : memref<10000x96xf32, #tpu.memory_space<hbm>> -> memref<10000x96xf32, #tpu.memory_space<hbm>>
        tpu.enqueue_indirect_dma source(%dma_start3A_700 : memref<10000x96xf32, #tpu.memory_space<hbm>>) target(%arg18 : memref<80x96xf32, #tpu.memory_space<vmem>>) offsets(%arg8 : memref<80xi32, #tpu.memory_space<vmem>>) semaphore(%arg26 : memref<!tpu.dma_semaphore, #tpu.memory_space<semaphore_mem>>)
      } else {
      }
      %add3A_99 = arith.constant 2 : i32
      %add3A_100 = arith.addi %mul3A_56, %add3A_99 : i32
      %lt3A_101 = arith.constant 250 : i32
      %lt3A_102 = arith.cmpi slt, %add3A_100, %lt3A_101 : i32
      %convert_element_type3A_103 = arith.extui %lt3A_102 : i1 to i32
      %cond3A_104 = arith.constant 0 : i32
      %cond3A_105 = arith.cmpi ne, %convert_element_type3A_103, %cond3A_104 : i32
      scf.if %cond3A_105 {
        %add3A_679 = arith.constant 2 : i32
        %add3A_680 = arith.addi %mul3A_56, %add3A_679 : i32
        %mul3A_681 = arith.constant 80 : i32
        %mul3A_682 = arith.muli %add3A_680, %mul3A_681 : i32
        %add3A_683 = arith.addi %mul3A_0, %mul3A_682 : i32
        %dma_start3A_684 = tpu.memref_slice %arg4[%add3A_683] : memref<320000xi32, #tpu.memory_space<hbm>> -> memref<80xi32, #tpu.memory_space<hbm>>
        %dma_start3A_685 = tpu.memref_slice %arg4[%add3A_683] : memref<320000xi32, #tpu.memory_space<hbm>> -> memref<80xi32, #tpu.memory_space<hbm>>
        tpu.enqueue_dma source(%dma_start3A_685 : memref<80xi32, #tpu.memory_space<hbm>>) target(%arg7 : memref<80xi32, #tpu.memory_space<vmem>>) target_semaphore(%arg23 : memref<!tpu.dma_semaphore, #tpu.memory_space<semaphore_mem>>)
        %dma_start3A_686 = tpu.memref_slice %arg5[%add3A_683] : memref<320000xi32, #tpu.memory_space<hbm>> -> memref<80xi32, #tpu.memory_space<hbm>>
        %dma_start3A_687 = tpu.memref_slice %arg5[%add3A_683] : memref<320000xi32, #tpu.memory_space<hbm>> -> memref<80xi32, #tpu.memory_space<hbm>>
        tpu.enqueue_dma source(%dma_start3A_687 : memref<80xi32, #tpu.memory_space<hbm>>) target(%arg9 : memref<80xi32, #tpu.memory_space<vmem>>) target_semaphore(%arg23 : memref<!tpu.dma_semaphore, #tpu.memory_space<semaphore_mem>>)
      } else {
      }
      %add3A_106 = arith.constant 0 : i32
      %add3A_107 = vector.broadcast %add3A_106 : i32 to vector<16xi32>
      %add3A_108 = arith.addi %iota3A, %add3A_107 : vector<16xi32>
      %broadcast_in_dim3A = arith.constant 0 : i32
      %broadcast_in_dim3A_109 = vector.broadcast %broadcast_in_dim3A : i32 to vector<16xi32>
      %gather3A = tpu.vector_load_idx %arg13[%add3A_108, %broadcast_in_dim3A_109] : memref<80x16xf32, #tpu.memory_space<vmem>>[vector<16xi32>, vector<16xi32>], vector<16xf32>,
      %broadcast_in_dim3A_110 = arith.constant 3 : i32
      %broadcast_in_dim3A_111 = vector.broadcast %broadcast_in_dim3A_110 : i32 to vector<16xi32>
      %gather3A_112 = tpu.vector_load_idx %arg15[%add3A_108, %broadcast_in_dim3A_111] : memref<80x16xf32, #tpu.memory_space<vmem>>[vector<16xi32>, vector<16xi32>], vector<16xf32>,
      %add3A_113 = arith.addf %gather3A, %gather3A_112 : vector<16xf32>
      %mul3A_114 = arith.constant 2.000000e-01 : f32
      %mul3A_115 = vector.broadcast %mul3A_114 : f32 to vector<16xf32>
      %mul3A_116 = arith.mulf %mul3A_115, %add3A_113 : vector<16xf32>
      %max3A = arith.maximumf %add3A_113, %mul3A_116 : vector<16xf32>
      %exp3A = math.exp %max3A : vector<16xf32>
      %swap3A_117 = arith.constant 0 : i32
      %swap3A_118 = arith.index_cast %swap3A_117 : i32 to index
      %swap3A_119 = arith.constant 0 : index
      %swap3A_120 = tpu.vector_load %arg21[%swap3A_118, %swap3A_119] {strides = array<i32>} : memref<3x80xf32, #tpu.memory_space<vmem>>, vector<16xf32>,
      tpu.vector_store %arg21[%swap3A_118, %swap3A_119], %exp3A {strides = array<i32>} : memref<3x80xf32, #tpu.memory_space<vmem>>, vector<16xf32>,
      %broadcast_in_dim3A_121 = arith.constant 1 : i32
      %broadcast_in_dim3A_122 = vector.broadcast %broadcast_in_dim3A_121 : i32 to vector<16xi32>
      %gather3A_123 = tpu.vector_load_idx %arg13[%add3A_108, %broadcast_in_dim3A_122] : memref<80x16xf32, #tpu.memory_space<vmem>>[vector<16xi32>, vector<16xi32>], vector<16xf32>,
      %broadcast_in_dim3A_124 = arith.constant 4 : i32
      %broadcast_in_dim3A_125 = vector.broadcast %broadcast_in_dim3A_124 : i32 to vector<16xi32>
      %gather3A_126 = tpu.vector_load_idx %arg15[%add3A_108, %broadcast_in_dim3A_125] : memref<80x16xf32, #tpu.memory_space<vmem>>[vector<16xi32>, vector<16xi32>], vector<16xf32>,
      %add3A_127 = arith.addf %gather3A_123, %gather3A_126 : vector<16xf32>
      %mul3A_128 = arith.constant 2.000000e-01 : f32
      %mul3A_129 = vector.broadcast %mul3A_128 : f32 to vector<16xf32>
      %mul3A_130 = arith.mulf %mul3A_129, %add3A_127 : vector<16xf32>
      %max3A_131 = arith.maximumf %add3A_127, %mul3A_130 : vector<16xf32>
      %exp3A_132 = math.exp %max3A_131 : vector<16xf32>
      %swap3A_133 = arith.constant 1 : i32
      %swap3A_134 = arith.index_cast %swap3A_133 : i32 to index
      %swap3A_135 = arith.constant 0 : index
      %swap3A_136 = tpu.vector_load %arg21[%swap3A_134, %swap3A_135] {strides = array<i32>} : memref<3x80xf32, #tpu.memory_space<vmem>>, vector<16xf32>,
      tpu.vector_store %arg21[%swap3A_134, %swap3A_135], %exp3A_132 {strides = array<i32>} : memref<3x80xf32, #tpu.memory_space<vmem>>, vector<16xf32>,
      %broadcast_in_dim3A_137 = arith.constant 2 : i32
      %broadcast_in_dim3A_138 = vector.broadcast %broadcast_in_dim3A_137 : i32 to vector<16xi32>
      %gather3A_139 = tpu.vector_load_idx %arg13[%add3A_108, %broadcast_in_dim3A_138] : memref<80x16xf32, #tpu.memory_space<vmem>>[vector<16xi32>, vector<16xi32>], vector<16xf32>,
      %broadcast_in_dim3A_140 = arith.constant 5 : i32
      %broadcast_in_dim3A_141 = vector.broadcast %broadcast_in_dim3A_140 : i32 to vector<16xi32>
      %gather3A_142 = tpu.vector_load_idx %arg15[%add3A_108, %broadcast_in_dim3A_141] : memref<80x16xf32, #tpu.memory_space<vmem>>[vector<16xi32>, vector<16xi32>], vector<16xf32>,
      %add3A_143 = arith.addf %gather3A_139, %gather3A_142 : vector<16xf32>
      %mul3A_144 = arith.constant 2.000000e-01 : f32
      %mul3A_145 = vector.broadcast %mul3A_144 : f32 to vector<16xf32>
      %mul3A_146 = arith.mulf %mul3A_145, %add3A_143 : vector<16xf32>
      %max3A_147 = arith.maximumf %add3A_143, %mul3A_146 : vector<16xf32>
      %exp3A_148 = math.exp %max3A_147 : vector<16xf32>
      %swap3A_149 = arith.constant 2 : i32
      %swap3A_150 = arith.index_cast %swap3A_149 : i32 to index
      %swap3A_151 = arith.constant 0 : index
      %swap3A_152 = tpu.vector_load %arg21[%swap3A_150, %swap3A_151] {strides = array<i32>} : memref<3x80xf32, #tpu.memory_space<vmem>>, vector<16xf32>,
      tpu.vector_store %arg21[%swap3A_150, %swap3A_151], %exp3A_148 {strides = array<i32>} : memref<3x80xf32, #tpu.memory_space<vmem>>, vector<16xf32>,
      %add3A_153 = arith.constant 16 : i32
      %add3A_154 = vector.broadcast %add3A_153 : i32 to vector<16xi32>
      %add3A_155 = arith.addi %iota3A, %add3A_154 : vector<16xi32>
      %broadcast_in_dim3A_156 = arith.constant 0 : i32
      %broadcast_in_dim3A_157 = vector.broadcast %broadcast_in_dim3A_156 : i32 to vector<16xi32>
      %gather3A_158 = tpu.vector_load_idx %arg13[%add3A_155, %broadcast_in_dim3A_157] : memref<80x16xf32, #tpu.memory_space<vmem>>[vector<16xi32>, vector<16xi32>], vector<16xf32>,
      %broadcast_in_dim3A_159 = arith.constant 3 : i32
      %broadcast_in_dim3A_160 = vector.broadcast %broadcast_in_dim3A_159 : i32 to vector<16xi32>
      %gather3A_161 = tpu.vector_load_idx %arg15[%add3A_155, %broadcast_in_dim3A_160] : memref<80x16xf32, #tpu.memory_space<vmem>>[vector<16xi32>, vector<16xi32>], vector<16xf32>,
      %add3A_162 = arith.addf %gather3A_158, %gather3A_161 : vector<16xf32>
      %mul3A_163 = arith.constant 2.000000e-01 : f32
      %mul3A_164 = vector.broadcast %mul3A_163 : f32 to vector<16xf32>
      %mul3A_165 = arith.mulf %mul3A_164, %add3A_162 : vector<16xf32>
      %max3A_166 = arith.maximumf %add3A_162, %mul3A_165 : vector<16xf32>
      %exp3A_167 = math.exp %max3A_166 : vector<16xf32>
      %swap3A_168 = arith.constant 0 : i32
      %swap3A_169 = arith.index_cast %swap3A_168 : i32 to index
      %swap3A_170 = arith.constant 16 : index
      %swap3A_171 = tpu.vector_load %arg21[%swap3A_169, %swap3A_170] {strides = array<i32>} : memref<3x80xf32, #tpu.memory_space<vmem>>, vector<16xf32>,
      tpu.vector_store %arg21[%swap3A_169, %swap3A_170], %exp3A_167 {strides = array<i32>} : memref<3x80xf32, #tpu.memory_space<vmem>>, vector<16xf32>,
      %broadcast_in_dim3A_172 = arith.constant 1 : i32
      %broadcast_in_dim3A_173 = vector.broadcast %broadcast_in_dim3A_172 : i32 to vector<16xi32>
      %gather3A_174 = tpu.vector_load_idx %arg13[%add3A_155, %broadcast_in_dim3A_173] : memref<80x16xf32, #tpu.memory_space<vmem>>[vector<16xi32>, vector<16xi32>], vector<16xf32>,
      %broadcast_in_dim3A_175 = arith.constant 4 : i32
      %broadcast_in_dim3A_176 = vector.broadcast %broadcast_in_dim3A_175 : i32 to vector<16xi32>
      %gather3A_177 = tpu.vector_load_idx %arg15[%add3A_155, %broadcast_in_dim3A_176] : memref<80x16xf32, #tpu.memory_space<vmem>>[vector<16xi32>, vector<16xi32>], vector<16xf32>,
      %add3A_178 = arith.addf %gather3A_174, %gather3A_177 : vector<16xf32>
      %mul3A_179 = arith.constant 2.000000e-01 : f32
      %mul3A_180 = vector.broadcast %mul3A_179 : f32 to vector<16xf32>
      %mul3A_181 = arith.mulf %mul3A_180, %add3A_178 : vector<16xf32>
      %max3A_182 = arith.maximumf %add3A_178, %mul3A_181 : vector<16xf32>
      %exp3A_183 = math.exp %max3A_182 : vector<16xf32>
      %swap3A_184 = arith.constant 1 : i32
      %swap3A_185 = arith.index_cast %swap3A_184 : i32 to index
      %swap3A_186 = arith.constant 16 : index
      %swap3A_187 = tpu.vector_load %arg21[%swap3A_185, %swap3A_186] {strides = array<i32>} : memref<3x80xf32, #tpu.memory_space<vmem>>, vector<16xf32>,
      tpu.vector_store %arg21[%swap3A_185, %swap3A_186], %exp3A_183 {strides = array<i32>} : memref<3x80xf32, #tpu.memory_space<vmem>>, vector<16xf32>,
      %broadcast_in_dim3A_188 = arith.constant 2 : i32
      %broadcast_in_dim3A_189 = vector.broadcast %broadcast_in_dim3A_188 : i32 to vector<16xi32>
      %gather3A_190 = tpu.vector_load_idx %arg13[%add3A_155, %broadcast_in_dim3A_189] : memref<80x16xf32, #tpu.memory_space<vmem>>[vector<16xi32>, vector<16xi32>], vector<16xf32>,
      %broadcast_in_dim3A_191 = arith.constant 5 : i32
      %broadcast_in_dim3A_192 = vector.broadcast %broadcast_in_dim3A_191 : i32 to vector<16xi32>
      %gather3A_193 = tpu.vector_load_idx %arg15[%add3A_155, %broadcast_in_dim3A_192] : memref<80x16xf32, #tpu.memory_space<vmem>>[vector<16xi32>, vector<16xi32>], vector<16xf32>,
      %add3A_194 = arith.addf %gather3A_190, %gather3A_193 : vector<16xf32>
      %mul3A_195 = arith.constant 2.000000e-01 : f32
      %mul3A_196 = vector.broadcast %mul3A_195 : f32 to vector<16xf32>
      %mul3A_197 = arith.mulf %mul3A_196, %add3A_194 : vector<16xf32>
      %max3A_198 = arith.maximumf %add3A_194, %mul3A_197 : vector<16xf32>
      %exp3A_199 = math.exp %max3A_198 : vector<16xf32>
      %swap3A_200 = arith.constant 2 : i32
      %swap3A_201 = arith.index_cast %swap3A_200 : i32 to index
      %swap3A_202 = arith.constant 16 : index
      %swap3A_203 = tpu.vector_load %arg21[%swap3A_201, %swap3A_202] {strides = array<i32>} : memref<3x80xf32, #tpu.memory_space<vmem>>, vector<16xf32>,
      tpu.vector_store %arg21[%swap3A_201, %swap3A_202], %exp3A_199 {strides = array<i32>} : memref<3x80xf32, #tpu.memory_space<vmem>>, vector<16xf32>,
      %add3A_204 = arith.constant 32 : i32
      %add3A_205 = vector.broadcast %add3A_204 : i32 to vector<16xi32>
      %add3A_206 = arith.addi %iota3A, %add3A_205 : vector<16xi32>
      %broadcast_in_dim3A_207 = arith.constant 0 : i32
      %broadcast_in_dim3A_208 = vector.broadcast %broadcast_in_dim3A_207 : i32 to vector<16xi32>
      %gather3A_209 = tpu.vector_load_idx %arg13[%add3A_206, %broadcast_in_dim3A_208] : memref<80x16xf32, #tpu.memory_space<vmem>>[vector<16xi32>, vector<16xi32>], vector<16xf32>,
      %broadcast_in_dim3A_210 = arith.constant 3 : i32
      %broadcast_in_dim3A_211 = vector.broadcast %broadcast_in_dim3A_210 : i32 to vector<16xi32>
      %gather3A_212 = tpu.vector_load_idx %arg15[%add3A_206, %broadcast_in_dim3A_211] : memref<80x16xf32, #tpu.memory_space<vmem>>[vector<16xi32>, vector<16xi32>], vector<16xf32>,
      %add3A_213 = arith.addf %gather3A_209, %gather3A_212 : vector<16xf32>
      %mul3A_214 = arith.constant 2.000000e-01 : f32
      %mul3A_215 = vector.broadcast %mul3A_214 : f32 to vector<16xf32>
      %mul3A_216 = arith.mulf %mul3A_215, %add3A_213 : vector<16xf32>
      %max3A_217 = arith.maximumf %add3A_213, %mul3A_216 : vector<16xf32>
      %exp3A_218 = math.exp %max3A_217 : vector<16xf32>
      %swap3A_219 = arith.constant 0 : i32
      %swap3A_220 = arith.index_cast %swap3A_219 : i32 to index
      %swap3A_221 = arith.constant 32 : index
      %swap3A_222 = tpu.vector_load %arg21[%swap3A_220, %swap3A_221] {strides = array<i32>} : memref<3x80xf32, #tpu.memory_space<vmem>>, vector<16xf32>,
      tpu.vector_store %arg21[%swap3A_220, %swap3A_221], %exp3A_218 {strides = array<i32>} : memref<3x80xf32, #tpu.memory_space<vmem>>, vector<16xf32>,
      %broadcast_in_dim3A_223 = arith.constant 1 : i32
      %broadcast_in_dim3A_224 = vector.broadcast %broadcast_in_dim3A_223 : i32 to vector<16xi32>
      %gather3A_225 = tpu.vector_load_idx %arg13[%add3A_206, %broadcast_in_dim3A_224] : memref<80x16xf32, #tpu.memory_space<vmem>>[vector<16xi32>, vector<16xi32>], vector<16xf32>,
      %broadcast_in_dim3A_226 = arith.constant 4 : i32
      %broadcast_in_dim3A_227 = vector.broadcast %broadcast_in_dim3A_226 : i32 to vector<16xi32>
      %gather3A_228 = tpu.vector_load_idx %arg15[%add3A_206, %broadcast_in_dim3A_227] : memref<80x16xf32, #tpu.memory_space<vmem>>[vector<16xi32>, vector<16xi32>], vector<16xf32>,
      %add3A_229 = arith.addf %gather3A_225, %gather3A_228 : vector<16xf32>
      %mul3A_230 = arith.constant 2.000000e-01 : f32
      %mul3A_231 = vector.broadcast %mul3A_230 : f32 to vector<16xf32>
      %mul3A_232 = arith.mulf %mul3A_231, %add3A_229 : vector<16xf32>
      %max3A_233 = arith.maximumf %add3A_229, %mul3A_232 : vector<16xf32>
      %exp3A_234 = math.exp %max3A_233 : vector<16xf32>
      %swap3A_235 = arith.constant 1 : i32
      %swap3A_236 = arith.index_cast %swap3A_235 : i32 to index
      %swap3A_237 = arith.constant 32 : index
      %swap3A_238 = tpu.vector_load %arg21[%swap3A_236, %swap3A_237] {strides = array<i32>} : memref<3x80xf32, #tpu.memory_space<vmem>>, vector<16xf32>,
      tpu.vector_store %arg21[%swap3A_236, %swap3A_237], %exp3A_234 {strides = array<i32>} : memref<3x80xf32, #tpu.memory_space<vmem>>, vector<16xf32>,
      %broadcast_in_dim3A_239 = arith.constant 2 : i32
      %broadcast_in_dim3A_240 = vector.broadcast %broadcast_in_dim3A_239 : i32 to vector<16xi32>
      %gather3A_241 = tpu.vector_load_idx %arg13[%add3A_206, %broadcast_in_dim3A_240] : memref<80x16xf32, #tpu.memory_space<vmem>>[vector<16xi32>, vector<16xi32>], vector<16xf32>,
      %broadcast_in_dim3A_242 = arith.constant 5 : i32
      %broadcast_in_dim3A_243 = vector.broadcast %broadcast_in_dim3A_242 : i32 to vector<16xi32>
      %gather3A_244 = tpu.vector_load_idx %arg15[%add3A_206, %broadcast_in_dim3A_243] : memref<80x16xf32, #tpu.memory_space<vmem>>[vector<16xi32>, vector<16xi32>], vector<16xf32>,
      %add3A_245 = arith.addf %gather3A_241, %gather3A_244 : vector<16xf32>
      %mul3A_246 = arith.constant 2.000000e-01 : f32
      %mul3A_247 = vector.broadcast %mul3A_246 : f32 to vector<16xf32>
      %mul3A_248 = arith.mulf %mul3A_247, %add3A_245 : vector<16xf32>
      %max3A_249 = arith.maximumf %add3A_245, %mul3A_248 : vector<16xf32>
      %exp3A_250 = math.exp %max3A_249 : vector<16xf32>
      %swap3A_251 = arith.constant 2 : i32
      %swap3A_252 = arith.index_cast %swap3A_251 : i32 to index
      %swap3A_253 = arith.constant 32 : index
      %swap3A_254 = tpu.vector_load %arg21[%swap3A_252, %swap3A_253] {strides = array<i32>} : memref<3x80xf32, #tpu.memory_space<vmem>>, vector<16xf32>,
      tpu.vector_store %arg21[%swap3A_252, %swap3A_253], %exp3A_250 {strides = array<i32>} : memref<3x80xf32, #tpu.memory_space<vmem>>, vector<16xf32>,
      %add3A_255 = arith.constant 48 : i32
      %add3A_256 = vector.broadcast %add3A_255 : i32 to vector<16xi32>
      %add3A_257 = arith.addi %iota3A, %add3A_256 : vector<16xi32>
      %broadcast_in_dim3A_258 = arith.constant 0 : i32
      %broadcast_in_dim3A_259 = vector.broadcast %broadcast_in_dim3A_258 : i32 to vector<16xi32>
      %gather3A_260 = tpu.vector_load_idx %arg13[%add3A_257, %broadcast_in_dim3A_259] : memref<80x16xf32, #tpu.memory_space<vmem>>[vector<16xi32>, vector<16xi32>], vector<16xf32>,
      %broadcast_in_dim3A_261 = arith.constant 3 : i32
      %broadcast_in_dim3A_262 = vector.broadcast %broadcast_in_dim3A_261 : i32 to vector<16xi32>
      %gather3A_263 = tpu.vector_load_idx %arg15[%add3A_257, %broadcast_in_dim3A_262] : memref<80x16xf32, #tpu.memory_space<vmem>>[vector<16xi32>, vector<16xi32>], vector<16xf32>,
      %add3A_264 = arith.addf %gather3A_260, %gather3A_263 : vector<16xf32>
      %mul3A_265 = arith.constant 2.000000e-01 : f32
      %mul3A_266 = vector.broadcast %mul3A_265 : f32 to vector<16xf32>
      %mul3A_267 = arith.mulf %mul3A_266, %add3A_264 : vector<16xf32>
      %max3A_268 = arith.maximumf %add3A_264, %mul3A_267 : vector<16xf32>
      %exp3A_269 = math.exp %max3A_268 : vector<16xf32>
      %swap3A_270 = arith.constant 0 : i32
      %swap3A_271 = arith.index_cast %swap3A_270 : i32 to index
      %swap3A_272 = arith.constant 48 : index
      %swap3A_273 = tpu.vector_load %arg21[%swap3A_271, %swap3A_272] {strides = array<i32>} : memref<3x80xf32, #tpu.memory_space<vmem>>, vector<16xf32>,
      tpu.vector_store %arg21[%swap3A_271, %swap3A_272], %exp3A_269 {strides = array<i32>} : memref<3x80xf32, #tpu.memory_space<vmem>>, vector<16xf32>,
      %broadcast_in_dim3A_274 = arith.constant 1 : i32
      %broadcast_in_dim3A_275 = vector.broadcast %broadcast_in_dim3A_274 : i32 to vector<16xi32>
      %gather3A_276 = tpu.vector_load_idx %arg13[%add3A_257, %broadcast_in_dim3A_275] : memref<80x16xf32, #tpu.memory_space<vmem>>[vector<16xi32>, vector<16xi32>], vector<16xf32>,
      %broadcast_in_dim3A_277 = arith.constant 4 : i32
      %broadcast_in_dim3A_278 = vector.broadcast %broadcast_in_dim3A_277 : i32 to vector<16xi32>
      %gather3A_279 = tpu.vector_load_idx %arg15[%add3A_257, %broadcast_in_dim3A_278] : memref<80x16xf32, #tpu.memory_space<vmem>>[vector<16xi32>, vector<16xi32>], vector<16xf32>,
      %add3A_280 = arith.addf %gather3A_276, %gather3A_279 : vector<16xf32>
      %mul3A_281 = arith.constant 2.000000e-01 : f32
      %mul3A_282 = vector.broadcast %mul3A_281 : f32 to vector<16xf32>
      %mul3A_283 = arith.mulf %mul3A_282, %add3A_280 : vector<16xf32>
      %max3A_284 = arith.maximumf %add3A_280, %mul3A_283 : vector<16xf32>
      %exp3A_285 = math.exp %max3A_284 : vector<16xf32>
      %swap3A_286 = arith.constant 1 : i32
      %swap3A_287 = arith.index_cast %swap3A_286 : i32 to index
      %swap3A_288 = arith.constant 48 : index
      %swap3A_289 = tpu.vector_load %arg21[%swap3A_287, %swap3A_288] {strides = array<i32>} : memref<3x80xf32, #tpu.memory_space<vmem>>, vector<16xf32>,
      tpu.vector_store %arg21[%swap3A_287, %swap3A_288], %exp3A_285 {strides = array<i32>} : memref<3x80xf32, #tpu.memory_space<vmem>>, vector<16xf32>,
      %broadcast_in_dim3A_290 = arith.constant 2 : i32
      %broadcast_in_dim3A_291 = vector.broadcast %broadcast_in_dim3A_290 : i32 to vector<16xi32>
      %gather3A_292 = tpu.vector_load_idx %arg13[%add3A_257, %broadcast_in_dim3A_291] : memref<80x16xf32, #tpu.memory_space<vmem>>[vector<16xi32>, vector<16xi32>], vector<16xf32>,
      %broadcast_in_dim3A_293 = arith.constant 5 : i32
      %broadcast_in_dim3A_294 = vector.broadcast %broadcast_in_dim3A_293 : i32 to vector<16xi32>
      %gather3A_295 = tpu.vector_load_idx %arg15[%add3A_257, %broadcast_in_dim3A_294] : memref<80x16xf32, #tpu.memory_space<vmem>>[vector<16xi32>, vector<16xi32>], vector<16xf32>,
      %add3A_296 = arith.addf %gather3A_292, %gather3A_295 : vector<16xf32>
      %mul3A_297 = arith.constant 2.000000e-01 : f32
      %mul3A_298 = vector.broadcast %mul3A_297 : f32 to vector<16xf32>
      %mul3A_299 = arith.mulf %mul3A_298, %add3A_296 : vector<16xf32>
      %max3A_300 = arith.maximumf %add3A_296, %mul3A_299 : vector<16xf32>
      %exp3A_301 = math.exp %max3A_300 : vector<16xf32>
      %swap3A_302 = arith.constant 2 : i32
      %swap3A_303 = arith.index_cast %swap3A_302 : i32 to index
      %swap3A_304 = arith.constant 48 : index
      %swap3A_305 = tpu.vector_load %arg21[%swap3A_303, %swap3A_304] {strides = array<i32>} : memref<3x80xf32, #tpu.memory_space<vmem>>, vector<16xf32>,
      tpu.vector_store %arg21[%swap3A_303, %swap3A_304], %exp3A_301 {strides = array<i32>} : memref<3x80xf32, #tpu.memory_space<vmem>>, vector<16xf32>,
      %add3A_306 = arith.constant 64 : i32
      %add3A_307 = vector.broadcast %add3A_306 : i32 to vector<16xi32>
      %add3A_308 = arith.addi %iota3A, %add3A_307 : vector<16xi32>
      %broadcast_in_dim3A_309 = arith.constant 0 : i32
      %broadcast_in_dim3A_310 = vector.broadcast %broadcast_in_dim3A_309 : i32 to vector<16xi32>
      %gather3A_311 = tpu.vector_load_idx %arg13[%add3A_308, %broadcast_in_dim3A_310] : memref<80x16xf32, #tpu.memory_space<vmem>>[vector<16xi32>, vector<16xi32>], vector<16xf32>,
      %broadcast_in_dim3A_312 = arith.constant 3 : i32
      %broadcast_in_dim3A_313 = vector.broadcast %broadcast_in_dim3A_312 : i32 to vector<16xi32>
      %gather3A_314 = tpu.vector_load_idx %arg15[%add3A_308, %broadcast_in_dim3A_313] : memref<80x16xf32, #tpu.memory_space<vmem>>[vector<16xi32>, vector<16xi32>], vector<16xf32>,
      %add3A_315 = arith.addf %gather3A_311, %gather3A_314 : vector<16xf32>
      %mul3A_316 = arith.constant 2.000000e-01 : f32
      %mul3A_317 = vector.broadcast %mul3A_316 : f32 to vector<16xf32>
      %mul3A_318 = arith.mulf %mul3A_317, %add3A_315 : vector<16xf32>
      %max3A_319 = arith.maximumf %add3A_315, %mul3A_318 : vector<16xf32>
      %exp3A_320 = math.exp %max3A_319 : vector<16xf32>
      %swap3A_321 = arith.constant 0 : i32
      %swap3A_322 = arith.index_cast %swap3A_321 : i32 to index
      %swap3A_323 = arith.constant 64 : index
      %swap3A_324 = tpu.vector_load %arg21[%swap3A_322, %swap3A_323] {strides = array<i32>} : memref<3x80xf32, #tpu.memory_space<vmem>>, vector<16xf32>,
      tpu.vector_store %arg21[%swap3A_322, %swap3A_323], %exp3A_320 {strides = array<i32>} : memref<3x80xf32, #tpu.memory_space<vmem>>, vector<16xf32>,
      %broadcast_in_dim3A_325 = arith.constant 1 : i32
      %broadcast_in_dim3A_326 = vector.broadcast %broadcast_in_dim3A_325 : i32 to vector<16xi32>
      %gather3A_327 = tpu.vector_load_idx %arg13[%add3A_308, %broadcast_in_dim3A_326] : memref<80x16xf32, #tpu.memory_space<vmem>>[vector<16xi32>, vector<16xi32>], vector<16xf32>,
      %broadcast_in_dim3A_328 = arith.constant 4 : i32
      %broadcast_in_dim3A_329 = vector.broadcast %broadcast_in_dim3A_328 : i32 to vector<16xi32>
      %gather3A_330 = tpu.vector_load_idx %arg15[%add3A_308, %broadcast_in_dim3A_329] : memref<80x16xf32, #tpu.memory_space<vmem>>[vector<16xi32>, vector<16xi32>], vector<16xf32>,
      %add3A_331 = arith.addf %gather3A_327, %gather3A_330 : vector<16xf32>
      %mul3A_332 = arith.constant 2.000000e-01 : f32
      %mul3A_333 = vector.broadcast %mul3A_332 : f32 to vector<16xf32>
      %mul3A_334 = arith.mulf %mul3A_333, %add3A_331 : vector<16xf32>
      %max3A_335 = arith.maximumf %add3A_331, %mul3A_334 : vector<16xf32>
      %exp3A_336 = math.exp %max3A_335 : vector<16xf32>
      %swap3A_337 = arith.constant 1 : i32
      %swap3A_338 = arith.index_cast %swap3A_337 : i32 to index
      %swap3A_339 = arith.constant 64 : index
      %swap3A_340 = tpu.vector_load %arg21[%swap3A_338, %swap3A_339] {strides = array<i32>} : memref<3x80xf32, #tpu.memory_space<vmem>>, vector<16xf32>,
      tpu.vector_store %arg21[%swap3A_338, %swap3A_339], %exp3A_336 {strides = array<i32>} : memref<3x80xf32, #tpu.memory_space<vmem>>, vector<16xf32>,
      %broadcast_in_dim3A_341 = arith.constant 2 : i32
      %broadcast_in_dim3A_342 = vector.broadcast %broadcast_in_dim3A_341 : i32 to vector<16xi32>
      %gather3A_343 = tpu.vector_load_idx %arg13[%add3A_308, %broadcast_in_dim3A_342] : memref<80x16xf32, #tpu.memory_space<vmem>>[vector<16xi32>, vector<16xi32>], vector<16xf32>,
      %broadcast_in_dim3A_344 = arith.constant 5 : i32
      %broadcast_in_dim3A_345 = vector.broadcast %broadcast_in_dim3A_344 : i32 to vector<16xi32>
      %gather3A_346 = tpu.vector_load_idx %arg15[%add3A_308, %broadcast_in_dim3A_345] : memref<80x16xf32, #tpu.memory_space<vmem>>[vector<16xi32>, vector<16xi32>], vector<16xf32>,
      %add3A_347 = arith.addf %gather3A_343, %gather3A_346 : vector<16xf32>
      %mul3A_348 = arith.constant 2.000000e-01 : f32
      %mul3A_349 = vector.broadcast %mul3A_348 : f32 to vector<16xf32>
      %mul3A_350 = arith.mulf %mul3A_349, %add3A_347 : vector<16xf32>
      %max3A_351 = arith.maximumf %add3A_347, %mul3A_350 : vector<16xf32>
      %exp3A_352 = math.exp %max3A_351 : vector<16xf32>
      %swap3A_353 = arith.constant 2 : i32
      %swap3A_354 = arith.index_cast %swap3A_353 : i32 to index
      %swap3A_355 = arith.constant 64 : index
      %swap3A_356 = tpu.vector_load %arg21[%swap3A_354, %swap3A_355] {strides = array<i32>} : memref<3x80xf32, #tpu.memory_space<vmem>>, vector<16xf32>,
      tpu.vector_store %arg21[%swap3A_354, %swap3A_355], %exp3A_352 {strides = array<i32>} : memref<3x80xf32, #tpu.memory_space<vmem>>, vector<16xf32>,
      %parallel_loop3A = arith.constant 0 : i32
      %parallel_loop3A_357 = arith.constant 80 : i32
      %parallel_loop3A_358 = arith.constant 1 : i32
      scf.for %parallel_loop3A_679 = %parallel_loop3A to %parallel_loop3A_357 step %parallel_loop3A_358  : i32 {
        %parallel_loop3A_680 = vector.broadcast %parallel_loop3A_679 : i32 to vector<16xi32>
        %parallel_loop3A_681 = arith.constant 0 : i32
        %parallel_loop3A_682 = vector.broadcast %parallel_loop3A_681 : i32 to vector<16xi32>
        %parallel_loop3A_683 = tpu.vector_load_idx %arg21[%parallel_loop3A_682, %parallel_loop3A_680] : memref<3x80xf32, #tpu.memory_space<vmem>>[vector<16xi32>, vector<16xi32>], vector<16xf32>,
        %parallel_loop3A_684 = arith.constant 1 : i32
        %parallel_loop3A_685 = vector.broadcast %parallel_loop3A_684 : i32 to vector<16xi32>
        %parallel_loop3A_686 = tpu.vector_load_idx %arg21[%parallel_loop3A_685, %parallel_loop3A_680] : memref<3x80xf32, #tpu.memory_space<vmem>>[vector<16xi32>, vector<16xi32>], vector<16xf32>,
        %parallel_loop3A_687 = arith.constant 2 : i32
        %parallel_loop3A_688 = vector.broadcast %parallel_loop3A_687 : i32 to vector<16xi32>
        %parallel_loop3A_689 = tpu.vector_load_idx %arg21[%parallel_loop3A_688, %parallel_loop3A_680] : memref<3x80xf32, #tpu.memory_space<vmem>>[vector<16xi32>, vector<16xi32>], vector<16xf32>,
        %parallel_loop3A_690 = arith.constant 96 : i32
        %parallel_loop3A_691 = arith.muli %arg0, %parallel_loop3A_690 : i32
        %parallel_loop3A_692 = arith.constant 0 : i32
        %parallel_loop3A_693 = arith.addi %parallel_loop3A_691, %parallel_loop3A_692 : i32
        %parallel_loop3A_694 = arith.constant 64 : i32
        %parallel_loop3A_695 = arith.divsi %parallel_loop3A_693, %parallel_loop3A_694 : i32
        %parallel_loop3A_696 = arith.constant 0 : i32
        %parallel_loop3A_697 = arith.cmpi sgt, %parallel_loop3A_693, %parallel_loop3A_696 : i32
        %parallel_loop3A_698 = arith.extui %parallel_loop3A_697 : i1 to i32
        %parallel_loop3A_699 = arith.constant 0 : i32
        %parallel_loop3A_700 = arith.cmpi slt, %parallel_loop3A_693, %parallel_loop3A_699 : i32
        %parallel_loop3A_701 = arith.extui %parallel_loop3A_700 : i1 to i32
        %parallel_loop3A_702 = arith.subi %parallel_loop3A_698, %parallel_loop3A_701 : i32
        %parallel_loop3A_703 = arith.constant 0 : i32
        %parallel_loop3A_704 = arith.cmpi sgt, %parallel_loop3A_694, %parallel_loop3A_703 : i32
        %parallel_loop3A_705 = arith.extui %parallel_loop3A_704 : i1 to i32
        %parallel_loop3A_706 = arith.constant 0 : i32
        %parallel_loop3A_707 = arith.cmpi slt, %parallel_loop3A_694, %parallel_loop3A_706 : i32
        %parallel_loop3A_708 = arith.extui %parallel_loop3A_707 : i1 to i32
        %parallel_loop3A_709 = arith.subi %parallel_loop3A_705, %parallel_loop3A_708 : i32
        %parallel_loop3A_710 = arith.cmpi ne, %parallel_loop3A_702, %parallel_loop3A_709 : i32
        %parallel_loop3A_711 = arith.remsi %parallel_loop3A_693, %parallel_loop3A_694 : i32
        %parallel_loop3A_712 = arith.constant 0 : i32
        %parallel_loop3A_713 = arith.cmpi ne, %parallel_loop3A_711, %parallel_loop3A_712 : i32
        %parallel_loop3A_714 = arith.andi %parallel_loop3A_710, %parallel_loop3A_713 : i1
        %parallel_loop3A_715 = arith.constant 1 : i32
        %parallel_loop3A_716 = arith.subi %parallel_loop3A_695, %parallel_loop3A_715 : i32
        %parallel_loop3A_717 = arith.select %parallel_loop3A_714, %parallel_loop3A_716, %parallel_loop3A_695 : i32
        %parallel_loop3A_718 = arith.constant 0 : i32
        %parallel_loop3A_719 = arith.cmpi eq, %parallel_loop3A_717, %parallel_loop3A_718 : i32
        %parallel_loop3A_720 = arith.constant 1 : i32
        %parallel_loop3A_721 = arith.cmpi eq, %parallel_loop3A_717, %parallel_loop3A_720 : i32
        %parallel_loop3A_722 = arith.select %parallel_loop3A_721, %parallel_loop3A_686, %parallel_loop3A_689 : vector<16xf32>
        %parallel_loop3A_723 = arith.select %parallel_loop3A_719, %parallel_loop3A_683, %parallel_loop3A_722 : vector<16xf32>
        %parallel_loop3A_724 = arith.index_cast %parallel_loop3A_679 : i32 to index
        %parallel_loop3A_725 = arith.constant 0 : index
        %parallel_loop3A_726 = tpu.vector_load %arg17[%parallel_loop3A_724, %parallel_loop3A_725] {strides = array<i32>} : memref<80x96xf32, #tpu.memory_space<vmem>>, vector<16xf32>,
        %parallel_loop3A_727 = arith.mulf %parallel_loop3A_726, %parallel_loop3A_723 : vector<16xf32>
        %parallel_loop3A_728 = arith.index_cast %parallel_loop3A_679 : i32 to index
        %parallel_loop3A_729 = arith.constant 0 : index
        %parallel_loop3A_730 = tpu.vector_load %arg19[%parallel_loop3A_728, %parallel_loop3A_729] {strides = array<i32>} : memref<80x112xf32, #tpu.memory_space<vmem>>, vector<16xf32>,
        tpu.vector_store %arg19[%parallel_loop3A_728, %parallel_loop3A_729], %parallel_loop3A_727 {strides = array<i32>} : memref<80x112xf32, #tpu.memory_space<vmem>>, vector<16xf32>,
        %parallel_loop3A_731 = arith.constant 96 : i32
        %parallel_loop3A_732 = arith.muli %arg0, %parallel_loop3A_731 : i32
        %parallel_loop3A_733 = arith.constant 16 : i32
        %parallel_loop3A_734 = arith.addi %parallel_loop3A_732, %parallel_loop3A_733 : i32
        %parallel_loop3A_735 = arith.constant 64 : i32
        %parallel_loop3A_736 = arith.divsi %parallel_loop3A_734, %parallel_loop3A_735 : i32
        %parallel_loop3A_737 = arith.constant 0 : i32
        %parallel_loop3A_738 = arith.cmpi sgt, %parallel_loop3A_734, %parallel_loop3A_737 : i32
        %parallel_loop3A_739 = arith.extui %parallel_loop3A_738 : i1 to i32
        %parallel_loop3A_740 = arith.constant 0 : i32
        %parallel_loop3A_741 = arith.cmpi slt, %parallel_loop3A_734, %parallel_loop3A_740 : i32
        %parallel_loop3A_742 = arith.extui %parallel_loop3A_741 : i1 to i32
        %parallel_loop3A_743 = arith.subi %parallel_loop3A_739, %parallel_loop3A_742 : i32
        %parallel_loop3A_744 = arith.constant 0 : i32
        %parallel_loop3A_745 = arith.cmpi sgt, %parallel_loop3A_735, %parallel_loop3A_744 : i32
        %parallel_loop3A_746 = arith.extui %parallel_loop3A_745 : i1 to i32
        %parallel_loop3A_747 = arith.constant 0 : i32
        %parallel_loop3A_748 = arith.cmpi slt, %parallel_loop3A_735, %parallel_loop3A_747 : i32
        %parallel_loop3A_749 = arith.extui %parallel_loop3A_748 : i1 to i32
        %parallel_loop3A_750 = arith.subi %parallel_loop3A_746, %parallel_loop3A_749 : i32
        %parallel_loop3A_751 = arith.cmpi ne, %parallel_loop3A_743, %parallel_loop3A_750 : i32
        %parallel_loop3A_752 = arith.remsi %parallel_loop3A_734, %parallel_loop3A_735 : i32
        %parallel_loop3A_753 = arith.constant 0 : i32
        %parallel_loop3A_754 = arith.cmpi ne, %parallel_loop3A_752, %parallel_loop3A_753 : i32
        %parallel_loop3A_755 = arith.andi %parallel_loop3A_751, %parallel_loop3A_754 : i1
        %parallel_loop3A_756 = arith.constant 1 : i32
        %parallel_loop3A_757 = arith.subi %parallel_loop3A_736, %parallel_loop3A_756 : i32
        %parallel_loop3A_758 = arith.select %parallel_loop3A_755, %parallel_loop3A_757, %parallel_loop3A_736 : i32
        %parallel_loop3A_759 = arith.constant 0 : i32
        %parallel_loop3A_760 = arith.cmpi eq, %parallel_loop3A_758, %parallel_loop3A_759 : i32
        %parallel_loop3A_761 = arith.constant 1 : i32
        %parallel_loop3A_762 = arith.cmpi eq, %parallel_loop3A_758, %parallel_loop3A_761 : i32
        %parallel_loop3A_763 = arith.select %parallel_loop3A_762, %parallel_loop3A_686, %parallel_loop3A_689 : vector<16xf32>
        %parallel_loop3A_764 = arith.select %parallel_loop3A_760, %parallel_loop3A_683, %parallel_loop3A_763 : vector<16xf32>
        %parallel_loop3A_765 = arith.index_cast %parallel_loop3A_679 : i32 to index
        %parallel_loop3A_766 = arith.constant 16 : index
        %parallel_loop3A_767 = tpu.vector_load %arg17[%parallel_loop3A_765, %parallel_loop3A_766] {strides = array<i32>} : memref<80x96xf32, #tpu.memory_space<vmem>>, vector<16xf32>,
        %parallel_loop3A_768 = arith.mulf %parallel_loop3A_767, %parallel_loop3A_764 : vector<16xf32>
        %parallel_loop3A_769 = arith.index_cast %parallel_loop3A_679 : i32 to index
        %parallel_loop3A_770 = arith.constant 16 : index
        %parallel_loop3A_771 = tpu.vector_load %arg19[%parallel_loop3A_769, %parallel_loop3A_770] {strides = array<i32>} : memref<80x112xf32, #tpu.memory_space<vmem>>, vector<16xf32>,
        tpu.vector_store %arg19[%parallel_loop3A_769, %parallel_loop3A_770], %parallel_loop3A_768 {strides = array<i32>} : memref<80x112xf32, #tpu.memory_space<vmem>>, vector<16xf32>,
        %parallel_loop3A_772 = arith.constant 96 : i32
        %parallel_loop3A_773 = arith.muli %arg0, %parallel_loop3A_772 : i32
        %parallel_loop3A_774 = arith.constant 32 : i32
        %parallel_loop3A_775 = arith.addi %parallel_loop3A_773, %parallel_loop3A_774 : i32
        %parallel_loop3A_776 = arith.constant 64 : i32
        %parallel_loop3A_777 = arith.divsi %parallel_loop3A_775, %parallel_loop3A_776 : i32
        %parallel_loop3A_778 = arith.constant 0 : i32
        %parallel_loop3A_779 = arith.cmpi sgt, %parallel_loop3A_775, %parallel_loop3A_778 : i32
        %parallel_loop3A_780 = arith.extui %parallel_loop3A_779 : i1 to i32
        %parallel_loop3A_781 = arith.constant 0 : i32
        %parallel_loop3A_782 = arith.cmpi slt, %parallel_loop3A_775, %parallel_loop3A_781 : i32
        %parallel_loop3A_783 = arith.extui %parallel_loop3A_782 : i1 to i32
        %parallel_loop3A_784 = arith.subi %parallel_loop3A_780, %parallel_loop3A_783 : i32
        %parallel_loop3A_785 = arith.constant 0 : i32
        %parallel_loop3A_786 = arith.cmpi sgt, %parallel_loop3A_776, %parallel_loop3A_785 : i32
        %parallel_loop3A_787 = arith.extui %parallel_loop3A_786 : i1 to i32
        %parallel_loop3A_788 = arith.constant 0 : i32
        %parallel_loop3A_789 = arith.cmpi slt, %parallel_loop3A_776, %parallel_loop3A_788 : i32
        %parallel_loop3A_790 = arith.extui %parallel_loop3A_789 : i1 to i32
        %parallel_loop3A_791 = arith.subi %parallel_loop3A_787, %parallel_loop3A_790 : i32
        %parallel_loop3A_792 = arith.cmpi ne, %parallel_loop3A_784, %parallel_loop3A_791 : i32
        %parallel_loop3A_793 = arith.remsi %parallel_loop3A_775, %parallel_loop3A_776 : i32
        %parallel_loop3A_794 = arith.constant 0 : i32
        %parallel_loop3A_795 = arith.cmpi ne, %parallel_loop3A_793, %parallel_loop3A_794 : i32
        %parallel_loop3A_796 = arith.andi %parallel_loop3A_792, %parallel_loop3A_795 : i1
        %parallel_loop3A_797 = arith.constant 1 : i32
        %parallel_loop3A_798 = arith.subi %parallel_loop3A_777, %parallel_loop3A_797 : i32
        %parallel_loop3A_799 = arith.select %parallel_loop3A_796, %parallel_loop3A_798, %parallel_loop3A_777 : i32
        %parallel_loop3A_800 = arith.constant 0 : i32
        %parallel_loop3A_801 = arith.cmpi eq, %parallel_loop3A_799, %parallel_loop3A_800 : i32
        %parallel_loop3A_802 = arith.constant 1 : i32
        %parallel_loop3A_803 = arith.cmpi eq, %parallel_loop3A_799, %parallel_loop3A_802 : i32
        %parallel_loop3A_804 = arith.select %parallel_loop3A_803, %parallel_loop3A_686, %parallel_loop3A_689 : vector<16xf32>
        %parallel_loop3A_805 = arith.select %parallel_loop3A_801, %parallel_loop3A_683, %parallel_loop3A_804 : vector<16xf32>
        %parallel_loop3A_806 = arith.index_cast %parallel_loop3A_679 : i32 to index
        %parallel_loop3A_807 = arith.constant 32 : index
        %parallel_loop3A_808 = tpu.vector_load %arg17[%parallel_loop3A_806, %parallel_loop3A_807] {strides = array<i32>} : memref<80x96xf32, #tpu.memory_space<vmem>>, vector<16xf32>,
        %parallel_loop3A_809 = arith.mulf %parallel_loop3A_808, %parallel_loop3A_805 : vector<16xf32>
        %parallel_loop3A_810 = arith.index_cast %parallel_loop3A_679 : i32 to index
        %parallel_loop3A_811 = arith.constant 32 : index
        %parallel_loop3A_812 = tpu.vector_load %arg19[%parallel_loop3A_810, %parallel_loop3A_811] {strides = array<i32>} : memref<80x112xf32, #tpu.memory_space<vmem>>, vector<16xf32>,
        tpu.vector_store %arg19[%parallel_loop3A_810, %parallel_loop3A_811], %parallel_loop3A_809 {strides = array<i32>} : memref<80x112xf32, #tpu.memory_space<vmem>>, vector<16xf32>,
        %parallel_loop3A_813 = arith.constant 96 : i32
        %parallel_loop3A_814 = arith.muli %arg0, %parallel_loop3A_813 : i32
        %parallel_loop3A_815 = arith.constant 48 : i32
        %parallel_loop3A_816 = arith.addi %parallel_loop3A_814, %parallel_loop3A_815 : i32
        %parallel_loop3A_817 = arith.constant 64 : i32
        %parallel_loop3A_818 = arith.divsi %parallel_loop3A_816, %parallel_loop3A_817 : i32
        %parallel_loop3A_819 = arith.constant 0 : i32
        %parallel_loop3A_820 = arith.cmpi sgt, %parallel_loop3A_816, %parallel_loop3A_819 : i32
        %parallel_loop3A_821 = arith.extui %parallel_loop3A_820 : i1 to i32
        %parallel_loop3A_822 = arith.constant 0 : i32
        %parallel_loop3A_823 = arith.cmpi slt, %parallel_loop3A_816, %parallel_loop3A_822 : i32
        %parallel_loop3A_824 = arith.extui %parallel_loop3A_823 : i1 to i32
        %parallel_loop3A_825 = arith.subi %parallel_loop3A_821, %parallel_loop3A_824 : i32
        %parallel_loop3A_826 = arith.constant 0 : i32
        %parallel_loop3A_827 = arith.cmpi sgt, %parallel_loop3A_817, %parallel_loop3A_826 : i32
        %parallel_loop3A_828 = arith.extui %parallel_loop3A_827 : i1 to i32
        %parallel_loop3A_829 = arith.constant 0 : i32
        %parallel_loop3A_830 = arith.cmpi slt, %parallel_loop3A_817, %parallel_loop3A_829 : i32
        %parallel_loop3A_831 = arith.extui %parallel_loop3A_830 : i1 to i32
        %parallel_loop3A_832 = arith.subi %parallel_loop3A_828, %parallel_loop3A_831 : i32
        %parallel_loop3A_833 = arith.cmpi ne, %parallel_loop3A_825, %parallel_loop3A_832 : i32
        %parallel_loop3A_834 = arith.remsi %parallel_loop3A_816, %parallel_loop3A_817 : i32
        %parallel_loop3A_835 = arith.constant 0 : i32
        %parallel_loop3A_836 = arith.cmpi ne, %parallel_loop3A_834, %parallel_loop3A_835 : i32
        %parallel_loop3A_837 = arith.andi %parallel_loop3A_833, %parallel_loop3A_836 : i1
        %parallel_loop3A_838 = arith.constant 1 : i32
        %parallel_loop3A_839 = arith.subi %parallel_loop3A_818, %parallel_loop3A_838 : i32
        %parallel_loop3A_840 = arith.select %parallel_loop3A_837, %parallel_loop3A_839, %parallel_loop3A_818 : i32
        %parallel_loop3A_841 = arith.constant 0 : i32
        %parallel_loop3A_842 = arith.cmpi eq, %parallel_loop3A_840, %parallel_loop3A_841 : i32
        %parallel_loop3A_843 = arith.constant 1 : i32
        %parallel_loop3A_844 = arith.cmpi eq, %parallel_loop3A_840, %parallel_loop3A_843 : i32
        %parallel_loop3A_845 = arith.select %parallel_loop3A_844, %parallel_loop3A_686, %parallel_loop3A_689 : vector<16xf32>
        %parallel_loop3A_846 = arith.select %parallel_loop3A_842, %parallel_loop3A_683, %parallel_loop3A_845 : vector<16xf32>
        %parallel_loop3A_847 = arith.index_cast %parallel_loop3A_679 : i32 to index
        %parallel_loop3A_848 = arith.constant 48 : index
        %parallel_loop3A_849 = tpu.vector_load %arg17[%parallel_loop3A_847, %parallel_loop3A_848] {strides = array<i32>} : memref<80x96xf32, #tpu.memory_space<vmem>>, vector<16xf32>,
        %parallel_loop3A_850 = arith.mulf %parallel_loop3A_849, %parallel_loop3A_846 : vector<16xf32>
        %parallel_loop3A_851 = arith.index_cast %parallel_loop3A_679 : i32 to index
        %parallel_loop3A_852 = arith.constant 48 : index
        %parallel_loop3A_853 = tpu.vector_load %arg19[%parallel_loop3A_851, %parallel_loop3A_852] {strides = array<i32>} : memref<80x112xf32, #tpu.memory_space<vmem>>, vector<16xf32>,
        tpu.vector_store %arg19[%parallel_loop3A_851, %parallel_loop3A_852], %parallel_loop3A_850 {strides = array<i32>} : memref<80x112xf32, #tpu.memory_space<vmem>>, vector<16xf32>,
        %parallel_loop3A_854 = arith.constant 96 : i32
        %parallel_loop3A_855 = arith.muli %arg0, %parallel_loop3A_854 : i32
        %parallel_loop3A_856 = arith.constant 64 : i32
        %parallel_loop3A_857 = arith.addi %parallel_loop3A_855, %parallel_loop3A_856 : i32
        %parallel_loop3A_858 = arith.constant 64 : i32
        %parallel_loop3A_859 = arith.divsi %parallel_loop3A_857, %parallel_loop3A_858 : i32
        %parallel_loop3A_860 = arith.constant 0 : i32
        %parallel_loop3A_861 = arith.cmpi sgt, %parallel_loop3A_857, %parallel_loop3A_860 : i32
        %parallel_loop3A_862 = arith.extui %parallel_loop3A_861 : i1 to i32
        %parallel_loop3A_863 = arith.constant 0 : i32
        %parallel_loop3A_864 = arith.cmpi slt, %parallel_loop3A_857, %parallel_loop3A_863 : i32
        %parallel_loop3A_865 = arith.extui %parallel_loop3A_864 : i1 to i32
        %parallel_loop3A_866 = arith.subi %parallel_loop3A_862, %parallel_loop3A_865 : i32
        %parallel_loop3A_867 = arith.constant 0 : i32
        %parallel_loop3A_868 = arith.cmpi sgt, %parallel_loop3A_858, %parallel_loop3A_867 : i32
        %parallel_loop3A_869 = arith.extui %parallel_loop3A_868 : i1 to i32
        %parallel_loop3A_870 = arith.constant 0 : i32
        %parallel_loop3A_871 = arith.cmpi slt, %parallel_loop3A_858, %parallel_loop3A_870 : i32
        %parallel_loop3A_872 = arith.extui %parallel_loop3A_871 : i1 to i32
        %parallel_loop3A_873 = arith.subi %parallel_loop3A_869, %parallel_loop3A_872 : i32
        %parallel_loop3A_874 = arith.cmpi ne, %parallel_loop3A_866, %parallel_loop3A_873 : i32
        %parallel_loop3A_875 = arith.remsi %parallel_loop3A_857, %parallel_loop3A_858 : i32
        %parallel_loop3A_876 = arith.constant 0 : i32
        %parallel_loop3A_877 = arith.cmpi ne, %parallel_loop3A_875, %parallel_loop3A_876 : i32
        %parallel_loop3A_878 = arith.andi %parallel_loop3A_874, %parallel_loop3A_877 : i1
        %parallel_loop3A_879 = arith.constant 1 : i32
        %parallel_loop3A_880 = arith.subi %parallel_loop3A_859, %parallel_loop3A_879 : i32
        %parallel_loop3A_881 = arith.select %parallel_loop3A_878, %parallel_loop3A_880, %parallel_loop3A_859 : i32
        %parallel_loop3A_882 = arith.constant 0 : i32
        %parallel_loop3A_883 = arith.cmpi eq, %parallel_loop3A_881, %parallel_loop3A_882 : i32
        %parallel_loop3A_884 = arith.constant 1 : i32
        %parallel_loop3A_885 = arith.cmpi eq, %parallel_loop3A_881, %parallel_loop3A_884 : i32
        %parallel_loop3A_886 = arith.select %parallel_loop3A_885, %parallel_loop3A_686, %parallel_loop3A_689 : vector<16xf32>
        %parallel_loop3A_887 = arith.select %parallel_loop3A_883, %parallel_loop3A_683, %parallel_loop3A_886 : vector<16xf32>
        %parallel_loop3A_888 = arith.index_cast %parallel_loop3A_679 : i32 to index
        %parallel_loop3A_889 = arith.constant 64 : index
        %parallel_loop3A_890 = tpu.vector_load %arg17[%parallel_loop3A_888, %parallel_loop3A_889] {strides = array<i32>} : memref<80x96xf32, #tpu.memory_space<vmem>>, vector<16xf32>,
        %parallel_loop3A_891 = arith.mulf %parallel_loop3A_890, %parallel_loop3A_887 : vector<16xf32>
        %parallel_loop3A_892 = arith.index_cast %parallel_loop3A_679 : i32 to index
        %parallel_loop3A_893 = arith.constant 64 : index
        %parallel_loop3A_894 = tpu.vector_load %arg19[%parallel_loop3A_892, %parallel_loop3A_893] {strides = array<i32>} : memref<80x112xf32, #tpu.memory_space<vmem>>, vector<16xf32>,
        tpu.vector_store %arg19[%parallel_loop3A_892, %parallel_loop3A_893], %parallel_loop3A_891 {strides = array<i32>} : memref<80x112xf32, #tpu.memory_space<vmem>>, vector<16xf32>,
        %parallel_loop3A_895 = arith.constant 96 : i32
        %parallel_loop3A_896 = arith.muli %arg0, %parallel_loop3A_895 : i32
        %parallel_loop3A_897 = arith.constant 80 : i32
        %parallel_loop3A_898 = arith.addi %parallel_loop3A_896, %parallel_loop3A_897 : i32
        %parallel_loop3A_899 = arith.constant 64 : i32
        %parallel_loop3A_900 = arith.divsi %parallel_loop3A_898, %parallel_loop3A_899 : i32
        %parallel_loop3A_901 = arith.constant 0 : i32
        %parallel_loop3A_902 = arith.cmpi sgt, %parallel_loop3A_898, %parallel_loop3A_901 : i32
        %parallel_loop3A_903 = arith.extui %parallel_loop3A_902 : i1 to i32
        %parallel_loop3A_904 = arith.constant 0 : i32
        %parallel_loop3A_905 = arith.cmpi slt, %parallel_loop3A_898, %parallel_loop3A_904 : i32
        %parallel_loop3A_906 = arith.extui %parallel_loop3A_905 : i1 to i32
        %parallel_loop3A_907 = arith.subi %parallel_loop3A_903, %parallel_loop3A_906 : i32
        %parallel_loop3A_908 = arith.constant 0 : i32
        %parallel_loop3A_909 = arith.cmpi sgt, %parallel_loop3A_899, %parallel_loop3A_908 : i32
        %parallel_loop3A_910 = arith.extui %parallel_loop3A_909 : i1 to i32
        %parallel_loop3A_911 = arith.constant 0 : i32
        %parallel_loop3A_912 = arith.cmpi slt, %parallel_loop3A_899, %parallel_loop3A_911 : i32
        %parallel_loop3A_913 = arith.extui %parallel_loop3A_912 : i1 to i32
        %parallel_loop3A_914 = arith.subi %parallel_loop3A_910, %parallel_loop3A_913 : i32
        %parallel_loop3A_915 = arith.cmpi ne, %parallel_loop3A_907, %parallel_loop3A_914 : i32
        %parallel_loop3A_916 = arith.remsi %parallel_loop3A_898, %parallel_loop3A_899 : i32
        %parallel_loop3A_917 = arith.constant 0 : i32
        %parallel_loop3A_918 = arith.cmpi ne, %parallel_loop3A_916, %parallel_loop3A_917 : i32
        %parallel_loop3A_919 = arith.andi %parallel_loop3A_915, %parallel_loop3A_918 : i1
        %parallel_loop3A_920 = arith.constant 1 : i32
        %parallel_loop3A_921 = arith.subi %parallel_loop3A_900, %parallel_loop3A_920 : i32
        %parallel_loop3A_922 = arith.select %parallel_loop3A_919, %parallel_loop3A_921, %parallel_loop3A_900 : i32
        %parallel_loop3A_923 = arith.constant 0 : i32
        %parallel_loop3A_924 = arith.cmpi eq, %parallel_loop3A_922, %parallel_loop3A_923 : i32
        %parallel_loop3A_925 = arith.constant 1 : i32
        %parallel_loop3A_926 = arith.cmpi eq, %parallel_loop3A_922, %parallel_loop3A_925 : i32
        %parallel_loop3A_927 = arith.select %parallel_loop3A_926, %parallel_loop3A_686, %parallel_loop3A_689 : vector<16xf32>
        %parallel_loop3A_928 = arith.select %parallel_loop3A_924, %parallel_loop3A_683, %parallel_loop3A_927 : vector<16xf32>
        %parallel_loop3A_929 = arith.index_cast %parallel_loop3A_679 : i32 to index
        %parallel_loop3A_930 = arith.constant 80 : index
        %parallel_loop3A_931 = tpu.vector_load %arg17[%parallel_loop3A_929, %parallel_loop3A_930] {strides = array<i32>} : memref<80x96xf32, #tpu.memory_space<vmem>>, vector<16xf32>,
        %parallel_loop3A_932 = arith.mulf %parallel_loop3A_931, %parallel_loop3A_928 : vector<16xf32>
        %parallel_loop3A_933 = arith.index_cast %parallel_loop3A_679 : i32 to index
        %parallel_loop3A_934 = arith.constant 80 : index
        %parallel_loop3A_935 = tpu.vector_load %arg19[%parallel_loop3A_933, %parallel_loop3A_934] {strides = array<i32>} : memref<80x112xf32, #tpu.memory_space<vmem>>, vector<16xf32>,
        tpu.vector_store %arg19[%parallel_loop3A_933, %parallel_loop3A_934], %parallel_loop3A_932 {strides = array<i32>} : memref<80x112xf32, #tpu.memory_space<vmem>>, vector<16xf32>,
        %parallel_loop3A_936 = arith.constant 0 : i32
        %parallel_loop3A_937 = vector.broadcast %parallel_loop3A_936 : i32 to vector<16xi32>
        %parallel_loop3A_938 = arith.cmpi eq, %iota3A, %parallel_loop3A_937 : vector<16xi32>
        %parallel_loop3A_939 = arith.constant 1 : i32
        %parallel_loop3A_940 = vector.broadcast %parallel_loop3A_939 : i32 to vector<16xi32>
        %parallel_loop3A_941 = arith.cmpi eq, %iota3A, %parallel_loop3A_940 : vector<16xi32>
        %parallel_loop3A_942 = arith.constant 2 : i32
        %parallel_loop3A_943 = vector.broadcast %parallel_loop3A_942 : i32 to vector<16xi32>
        %parallel_loop3A_944 = arith.cmpi eq, %iota3A, %parallel_loop3A_943 : vector<16xi32>
        %parallel_loop3A_945 = arith.constant 0.000000e+00 : f32
        %parallel_loop3A_946 = vector.broadcast %parallel_loop3A_945 : f32 to vector<16xf32>
        %parallel_loop3A_947 = arith.select %parallel_loop3A_944, %parallel_loop3A_689, %parallel_loop3A_946 : vector<16xi1>, vector<16xf32>
        %parallel_loop3A_948 = arith.select %parallel_loop3A_941, %parallel_loop3A_686, %parallel_loop3A_947 : vector<16xi1>, vector<16xf32>
        %parallel_loop3A_949 = arith.select %parallel_loop3A_938, %parallel_loop3A_683, %parallel_loop3A_948 : vector<16xi1>, vector<16xf32>
        %parallel_loop3A_950 = arith.index_cast %parallel_loop3A_679 : i32 to index
        %parallel_loop3A_951 = arith.constant 96 : index
        %parallel_loop3A_952 = tpu.vector_load %arg19[%parallel_loop3A_950, %parallel_loop3A_951] {strides = array<i32>} : memref<80x112xf32, #tpu.memory_space<vmem>>, vector<16xf32>,
        tpu.vector_store %arg19[%parallel_loop3A_950, %parallel_loop3A_951], %parallel_loop3A_949 {strides = array<i32>} : memref<80x112xf32, #tpu.memory_space<vmem>>, vector<16xf32>,
      } {sc.loop_unroll_factor = 4 : i64, sc.parallel_access}
      %dma_start3A_359 = arith.constant 0 : i32
      %dma_start3A_360 = arith.constant 0 : i32
      %dma_start3A_361 = tpu.memref_slice %arg22[%dma_start3A_359, %dma_start3A_360] : memref<10000x112xf32, #tpu.memory_space<vmem_shared>> -> memref<10000x112xf32, #tpu.memory_space<vmem_shared>>
      tpu.enqueue_indirect_dma source(%arg19 : memref<80x112xf32, #tpu.memory_space<vmem>>) target(%dma_start3A_361 : memref<10000x112xf32, #tpu.memory_space<vmem_shared>>) offsets(%arg11 : memref<80xi32, #tpu.memory_space<vmem>>) semaphore(%arg27 : memref<!tpu.dma_semaphore, #tpu.memory_space<semaphore_mem>>) {add = true}
      %mul3A_362 = arith.constant 2 : i32
      %mul3A_363 = arith.muli %mul3A_362, %scan3A_54 : i32
      %add3A_364 = arith.constant 1 : i32
      %add3A_365 = arith.addi %mul3A_363, %add3A_364 : i32
      %dma_wait3A_366 = arith.constant 0 : i32
      %dma_wait3A_367 = arith.constant 0 : i32
      %dma_wait3A_368 = tpu.memref_slice %arg3[%dma_wait3A_366, %dma_wait3A_367] : memref<10000x16xf32, #tpu.memory_space<hbm>> -> memref<10000x16xf32, #tpu.memory_space<hbm>>
      tpu.wait_indirect_dma semaphore(%arg26 : memref<!tpu.dma_semaphore, #tpu.memory_space<semaphore_mem>>) src(%dma_wait3A_368 : memref<10000x16xf32, #tpu.memory_space<hbm>>) dst(%arg14 : memref<80x16xf32, #tpu.memory_space<vmem>>)
      %dma_wait3A_369 = arith.constant 0 : i32
      %dma_wait3A_370 = arith.constant 0 : i32
      %dma_wait3A_371 = tpu.memref_slice %arg3[%dma_wait3A_369, %dma_wait3A_370] : memref<10000x16xf32, #tpu.memory_space<hbm>> -> memref<10000x16xf32, #tpu.memory_space<hbm>>
      tpu.wait_indirect_dma semaphore(%arg26 : memref<!tpu.dma_semaphore, #tpu.memory_space<semaphore_mem>>) src(%dma_wait3A_371 : memref<10000x16xf32, #tpu.memory_space<hbm>>) dst(%arg16 : memref<80x16xf32, #tpu.memory_space<vmem>>)
      %dma_wait3A_372 = arith.constant 0 : i32
      %dma_wait3A_373 = arith.constant 0 : i32
      %dma_wait3A_374 = tpu.memref_slice %arg2[%arg0, %dma_wait3A_372, %dma_wait3A_373] : memref<2x10000x96xf32, #tpu.memory_space<hbm>> -> memref<1x10000x96xf32, #tpu.memory_space<hbm>>
      %dma_wait3A_375 = tpu.memref_squeeze %dma_wait3A_374 : memref<1x10000x96xf32, #tpu.memory_space<hbm>> -> memref<10000x96xf32, #tpu.memory_space<hbm>>
      %dma_wait3A_376 = arith.constant 0 : i32
      %dma_wait3A_377 = arith.constant 0 : i32
      %dma_wait3A_378 = tpu.memref_slice %dma_wait3A_375[%dma_wait3A_376, %dma_wait3A_377] : memref<10000x96xf32, #tpu.memory_space<hbm>> -> memref<10000x96xf32, #tpu.memory_space<hbm>>
      tpu.wait_indirect_dma semaphore(%arg26 : memref<!tpu.dma_semaphore, #tpu.memory_space<semaphore_mem>>) src(%dma_wait3A_378 : memref<10000x96xf32, #tpu.memory_space<hbm>>) dst(%arg18 : memref<80x96xf32, #tpu.memory_space<vmem>>)
      %ge3A_379 = arith.constant 2 : i32
      %ge3A_380 = arith.cmpi sge, %add3A_365, %ge3A_379 : i32
      %convert_element_type3A_381 = arith.extui %ge3A_380 : i1 to i32
      %cond3A_382 = arith.constant 0 : i32
      %cond3A_383 = arith.cmpi ne, %convert_element_type3A_381, %cond3A_382 : i32
      scf.if %cond3A_383 {
        %dma_wait3A_679 = arith.constant 0 : i32
        %dma_wait3A_680 = arith.constant 0 : i32
        %dma_wait3A_681 = tpu.memref_slice %arg22[%dma_wait3A_679, %dma_wait3A_680] : memref<10000x112xf32, #tpu.memory_space<vmem_shared>> -> memref<10000x112xf32, #tpu.memory_space<vmem_shared>>
        tpu.wait_indirect_dma semaphore(%arg28 : memref<!tpu.dma_semaphore, #tpu.memory_space<semaphore_mem>>) src(%arg20 : memref<80x112xf32, #tpu.memory_space<vmem>>) dst(%dma_wait3A_681 : memref<10000x112xf32, #tpu.memory_space<vmem_shared>>)
      } else {
      }
      %get3A_384 = arith.constant 0 : index
      %get3A_385 = tpu.vector_load %arg10[%get3A_384] {strides = array<i32>} : memref<80xi32, #tpu.memory_space<vmem>>, vector<16xi32>,
      %swap3A_386 = arith.constant 0 : index
      %swap3A_387 = tpu.vector_load %arg12[%swap3A_386] {strides = array<i32>} : memref<80xi32, #tpu.memory_space<vmem>>, vector<16xi32>,
      tpu.vector_store %arg12[%swap3A_386], %get3A_385 {strides = array<i32>} : memref<80xi32, #tpu.memory_space<vmem>>, vector<16xi32>,
      %get3A_388 = arith.constant 16 : index
      %get3A_389 = tpu.vector_load %arg10[%get3A_388] {strides = array<i32>} : memref<80xi32, #tpu.memory_space<vmem>>, vector<16xi32>,
      %swap3A_390 = arith.constant 16 : index
      %swap3A_391 = tpu.vector_load %arg12[%swap3A_390] {strides = array<i32>} : memref<80xi32, #tpu.memory_space<vmem>>, vector<16xi32>,
      tpu.vector_store %arg12[%swap3A_390], %get3A_389 {strides = array<i32>} : memref<80xi32, #tpu.memory_space<vmem>>, vector<16xi32>,
      %get3A_392 = arith.constant 32 : index
      %get3A_393 = tpu.vector_load %arg10[%get3A_392] {strides = array<i32>} : memref<80xi32, #tpu.memory_space<vmem>>, vector<16xi32>,
      %swap3A_394 = arith.constant 32 : index
      %swap3A_395 = tpu.vector_load %arg12[%swap3A_394] {strides = array<i32>} : memref<80xi32, #tpu.memory_space<vmem>>, vector<16xi32>,
      tpu.vector_store %arg12[%swap3A_394], %get3A_393 {strides = array<i32>} : memref<80xi32, #tpu.memory_space<vmem>>, vector<16xi32>,
      %get3A_396 = arith.constant 48 : index
      %get3A_397 = tpu.vector_load %arg10[%get3A_396] {strides = array<i32>} : memref<80xi32, #tpu.memory_space<vmem>>, vector<16xi32>,
      %swap3A_398 = arith.constant 48 : index
      %swap3A_399 = tpu.vector_load %arg12[%swap3A_398] {strides = array<i32>} : memref<80xi32, #tpu.memory_space<vmem>>, vector<16xi32>,
      tpu.vector_store %arg12[%swap3A_398], %get3A_397 {strides = array<i32>} : memref<80xi32, #tpu.memory_space<vmem>>, vector<16xi32>,
      %get3A_400 = arith.constant 64 : index
      %get3A_401 = tpu.vector_load %arg10[%get3A_400] {strides = array<i32>} : memref<80xi32, #tpu.memory_space<vmem>>, vector<16xi32>,
      %swap3A_402 = arith.constant 64 : index
      %swap3A_403 = tpu.vector_load %arg12[%swap3A_402] {strides = array<i32>} : memref<80xi32, #tpu.memory_space<vmem>>, vector<16xi32>,
      tpu.vector_store %arg12[%swap3A_402], %get3A_401 {strides = array<i32>} : memref<80xi32, #tpu.memory_space<vmem>>, vector<16xi32>,
      %add3A_404 = arith.constant 1 : i32
      %add3A_405 = arith.addi %add3A_365, %add3A_404 : i32
      %lt3A_406 = arith.constant 250 : i32
      %lt3A_407 = arith.cmpi slt, %add3A_405, %lt3A_406 : i32
      %convert_element_type3A_408 = arith.extui %lt3A_407 : i1 to i32
      %cond3A_409 = arith.constant 0 : i32
      %cond3A_410 = arith.cmpi ne, %convert_element_type3A_408, %cond3A_409 : i32
      scf.if %cond3A_410 {
        %add3A_679 = arith.constant 1 : i32
        %add3A_680 = arith.addi %add3A_365, %add3A_679 : i32
        %mul3A_681 = arith.constant 80 : i32
        %mul3A_682 = arith.muli %add3A_680, %mul3A_681 : i32
        %add3A_683 = arith.addi %mul3A_0, %mul3A_682 : i32
        %dma_wait3A_684 = tpu.memref_slice %arg4[%add3A_683] : memref<320000xi32, #tpu.memory_space<hbm>> -> memref<80xi32, #tpu.memory_space<hbm>>
        %dma_wait3A_685 = tpu.memref_slice %arg4[%add3A_683] : memref<320000xi32, #tpu.memory_space<hbm>> -> memref<80xi32, #tpu.memory_space<hbm>>
        tpu.wait_dma2 semaphore(%arg23 : memref<!tpu.dma_semaphore, #tpu.memory_space<semaphore_mem>>) src(%dma_wait3A_685 : memref<80xi32, #tpu.memory_space<hbm>>) dst(%arg7 : memref<80xi32, #tpu.memory_space<vmem>>)
        %dma_wait3A_686 = tpu.memref_slice %arg5[%add3A_683] : memref<320000xi32, #tpu.memory_space<hbm>> -> memref<80xi32, #tpu.memory_space<hbm>>
        %dma_wait3A_687 = tpu.memref_slice %arg5[%add3A_683] : memref<320000xi32, #tpu.memory_space<hbm>> -> memref<80xi32, #tpu.memory_space<hbm>>
        tpu.wait_dma2 semaphore(%arg23 : memref<!tpu.dma_semaphore, #tpu.memory_space<semaphore_mem>>) src(%dma_wait3A_687 : memref<80xi32, #tpu.memory_space<hbm>>) dst(%arg9 : memref<80xi32, #tpu.memory_space<vmem>>)
        %dma_start3A_688 = arith.constant 0 : i32
        %dma_start3A_689 = arith.constant 0 : i32
        %dma_start3A_690 = tpu.memref_slice %arg3[%dma_start3A_688, %dma_start3A_689] : memref<10000x16xf32, #tpu.memory_space<hbm>> -> memref<10000x16xf32, #tpu.memory_space<hbm>>
        tpu.enqueue_indirect_dma source(%dma_start3A_690 : memref<10000x16xf32, #tpu.memory_space<hbm>>) target(%arg13 : memref<80x16xf32, #tpu.memory_space<vmem>>) offsets(%arg7 : memref<80xi32, #tpu.memory_space<vmem>>) semaphore(%arg25 : memref<!tpu.dma_semaphore, #tpu.memory_space<semaphore_mem>>)
        %dma_start3A_691 = arith.constant 0 : i32
        %dma_start3A_692 = arith.constant 0 : i32
        %dma_start3A_693 = tpu.memref_slice %arg3[%dma_start3A_691, %dma_start3A_692] : memref<10000x16xf32, #tpu.memory_space<hbm>> -> memref<10000x16xf32, #tpu.memory_space<hbm>>
        tpu.enqueue_indirect_dma source(%dma_start3A_693 : memref<10000x16xf32, #tpu.memory_space<hbm>>) target(%arg15 : memref<80x16xf32, #tpu.memory_space<vmem>>) offsets(%arg9 : memref<80xi32, #tpu.memory_space<vmem>>) semaphore(%arg25 : memref<!tpu.dma_semaphore, #tpu.memory_space<semaphore_mem>>)
        %dma_start3A_694 = arith.constant 0 : i32
        %dma_start3A_695 = arith.constant 0 : i32
        %dma_start3A_696 = tpu.memref_slice %arg2[%arg0, %dma_start3A_694, %dma_start3A_695] : memref<2x10000x96xf32, #tpu.memory_space<hbm>> -> memref<1x10000x96xf32, #tpu.memory_space<hbm>>
        %dma_start3A_697 = tpu.memref_squeeze %dma_start3A_696 : memref<1x10000x96xf32, #tpu.memory_space<hbm>> -> memref<10000x96xf32, #tpu.memory_space<hbm>>
        %dma_start3A_698 = arith.constant 0 : i32
        %dma_start3A_699 = arith.constant 0 : i32
        %dma_start3A_700 = tpu.memref_slice %dma_start3A_697[%dma_start3A_698, %dma_start3A_699] : memref<10000x96xf32, #tpu.memory_space<hbm>> -> memref<10000x96xf32, #tpu.memory_space<hbm>>
        tpu.enqueue_indirect_dma source(%dma_start3A_700 : memref<10000x96xf32, #tpu.memory_space<hbm>>) target(%arg17 : memref<80x96xf32, #tpu.memory_space<vmem>>) offsets(%arg7 : memref<80xi32, #tpu.memory_space<vmem>>) semaphore(%arg25 : memref<!tpu.dma_semaphore, #tpu.memory_space<semaphore_mem>>)
      } else {
      }
      %add3A_411 = arith.constant 2 : i32
      %add3A_412 = arith.addi %add3A_365, %add3A_411 : i32
      %lt3A_413 = arith.constant 250 : i32
      %lt3A_414 = arith.cmpi slt, %add3A_412, %lt3A_413 : i32
      %convert_element_type3A_415 = arith.extui %lt3A_414 : i1 to i32
      %cond3A_416 = arith.constant 0 : i32
      %cond3A_417 = arith.cmpi ne, %convert_element_type3A_415, %cond3A_416 : i32
      scf.if %cond3A_417 {
        %add3A_679 = arith.constant 2 : i32
        %add3A_680 = arith.addi %add3A_365, %add3A_679 : i32
        %mul3A_681 = arith.constant 80 : i32
        %mul3A_682 = arith.muli %add3A_680, %mul3A_681 : i32
        %add3A_683 = arith.addi %mul3A_0, %mul3A_682 : i32
        %dma_start3A_684 = tpu.memref_slice %arg4[%add3A_683] : memref<320000xi32, #tpu.memory_space<hbm>> -> memref<80xi32, #tpu.memory_space<hbm>>
        %dma_start3A_685 = tpu.memref_slice %arg4[%add3A_683] : memref<320000xi32, #tpu.memory_space<hbm>> -> memref<80xi32, #tpu.memory_space<hbm>>
        tpu.enqueue_dma source(%dma_start3A_685 : memref<80xi32, #tpu.memory_space<hbm>>) target(%arg8 : memref<80xi32, #tpu.memory_space<vmem>>) target_semaphore(%arg24 : memref<!tpu.dma_semaphore, #tpu.memory_space<semaphore_mem>>)
        %dma_start3A_686 = tpu.memref_slice %arg5[%add3A_683] : memref<320000xi32, #tpu.memory_space<hbm>> -> memref<80xi32, #tpu.memory_space<hbm>>
        %dma_start3A_687 = tpu.memref_slice %arg5[%add3A_683] : memref<320000xi32, #tpu.memory_space<hbm>> -> memref<80xi32, #tpu.memory_space<hbm>>
        tpu.enqueue_dma source(%dma_start3A_687 : memref<80xi32, #tpu.memory_space<hbm>>) target(%arg10 : memref<80xi32, #tpu.memory_space<vmem>>) target_semaphore(%arg24 : memref<!tpu.dma_semaphore, #tpu.memory_space<semaphore_mem>>)
      } else {
      }
      %add3A_418 = arith.constant 0 : i32
      %add3A_419 = vector.broadcast %add3A_418 : i32 to vector<16xi32>
      %add3A_420 = arith.addi %iota3A, %add3A_419 : vector<16xi32>
      %broadcast_in_dim3A_421 = arith.constant 0 : i32
      %broadcast_in_dim3A_422 = vector.broadcast %broadcast_in_dim3A_421 : i32 to vector<16xi32>
      %gather3A_423 = tpu.vector_load_idx %arg14[%add3A_420, %broadcast_in_dim3A_422] : memref<80x16xf32, #tpu.memory_space<vmem>>[vector<16xi32>, vector<16xi32>], vector<16xf32>,
      %broadcast_in_dim3A_424 = arith.constant 3 : i32
      %broadcast_in_dim3A_425 = vector.broadcast %broadcast_in_dim3A_424 : i32 to vector<16xi32>
      %gather3A_426 = tpu.vector_load_idx %arg16[%add3A_420, %broadcast_in_dim3A_425] : memref<80x16xf32, #tpu.memory_space<vmem>>[vector<16xi32>, vector<16xi32>], vector<16xf32>,
      %add3A_427 = arith.addf %gather3A_423, %gather3A_426 : vector<16xf32>
      %mul3A_428 = arith.constant 2.000000e-01 : f32
      %mul3A_429 = vector.broadcast %mul3A_428 : f32 to vector<16xf32>
      %mul3A_430 = arith.mulf %mul3A_429, %add3A_427 : vector<16xf32>
      %max3A_431 = arith.maximumf %add3A_427, %mul3A_430 : vector<16xf32>
      %exp3A_432 = math.exp %max3A_431 : vector<16xf32>
      %swap3A_433 = arith.constant 0 : i32
      %swap3A_434 = arith.index_cast %swap3A_433 : i32 to index
      %swap3A_435 = arith.constant 0 : index
      %swap3A_436 = tpu.vector_load %arg21[%swap3A_434, %swap3A_435] {strides = array<i32>} : memref<3x80xf32, #tpu.memory_space<vmem>>, vector<16xf32>,
      tpu.vector_store %arg21[%swap3A_434, %swap3A_435], %exp3A_432 {strides = array<i32>} : memref<3x80xf32, #tpu.memory_space<vmem>>, vector<16xf32>,
      %broadcast_in_dim3A_437 = arith.constant 1 : i32
      %broadcast_in_dim3A_438 = vector.broadcast %broadcast_in_dim3A_437 : i32 to vector<16xi32>
      %gather3A_439 = tpu.vector_load_idx %arg14[%add3A_420, %broadcast_in_dim3A_438] : memref<80x16xf32, #tpu.memory_space<vmem>>[vector<16xi32>, vector<16xi32>], vector<16xf32>,
      %broadcast_in_dim3A_440 = arith.constant 4 : i32
      %broadcast_in_dim3A_441 = vector.broadcast %broadcast_in_dim3A_440 : i32 to vector<16xi32>
      %gather3A_442 = tpu.vector_load_idx %arg16[%add3A_420, %broadcast_in_dim3A_441] : memref<80x16xf32, #tpu.memory_space<vmem>>[vector<16xi32>, vector<16xi32>], vector<16xf32>,
      %add3A_443 = arith.addf %gather3A_439, %gather3A_442 : vector<16xf32>
      %mul3A_444 = arith.constant 2.000000e-01 : f32
      %mul3A_445 = vector.broadcast %mul3A_444 : f32 to vector<16xf32>
      %mul3A_446 = arith.mulf %mul3A_445, %add3A_443 : vector<16xf32>
      %max3A_447 = arith.maximumf %add3A_443, %mul3A_446 : vector<16xf32>
      %exp3A_448 = math.exp %max3A_447 : vector<16xf32>
      %swap3A_449 = arith.constant 1 : i32
      %swap3A_450 = arith.index_cast %swap3A_449 : i32 to index
      %swap3A_451 = arith.constant 0 : index
      %swap3A_452 = tpu.vector_load %arg21[%swap3A_450, %swap3A_451] {strides = array<i32>} : memref<3x80xf32, #tpu.memory_space<vmem>>, vector<16xf32>,
      tpu.vector_store %arg21[%swap3A_450, %swap3A_451], %exp3A_448 {strides = array<i32>} : memref<3x80xf32, #tpu.memory_space<vmem>>, vector<16xf32>,
      %broadcast_in_dim3A_453 = arith.constant 2 : i32
      %broadcast_in_dim3A_454 = vector.broadcast %broadcast_in_dim3A_453 : i32 to vector<16xi32>
      %gather3A_455 = tpu.vector_load_idx %arg14[%add3A_420, %broadcast_in_dim3A_454] : memref<80x16xf32, #tpu.memory_space<vmem>>[vector<16xi32>, vector<16xi32>], vector<16xf32>,
      %broadcast_in_dim3A_456 = arith.constant 5 : i32
      %broadcast_in_dim3A_457 = vector.broadcast %broadcast_in_dim3A_456 : i32 to vector<16xi32>
      %gather3A_458 = tpu.vector_load_idx %arg16[%add3A_420, %broadcast_in_dim3A_457] : memref<80x16xf32, #tpu.memory_space<vmem>>[vector<16xi32>, vector<16xi32>], vector<16xf32>,
      %add3A_459 = arith.addf %gather3A_455, %gather3A_458 : vector<16xf32>
      %mul3A_460 = arith.constant 2.000000e-01 : f32
      %mul3A_461 = vector.broadcast %mul3A_460 : f32 to vector<16xf32>
      %mul3A_462 = arith.mulf %mul3A_461, %add3A_459 : vector<16xf32>
      %max3A_463 = arith.maximumf %add3A_459, %mul3A_462 : vector<16xf32>
      %exp3A_464 = math.exp %max3A_463 : vector<16xf32>
      %swap3A_465 = arith.constant 2 : i32
      %swap3A_466 = arith.index_cast %swap3A_465 : i32 to index
      %swap3A_467 = arith.constant 0 : index
      %swap3A_468 = tpu.vector_load %arg21[%swap3A_466, %swap3A_467] {strides = array<i32>} : memref<3x80xf32, #tpu.memory_space<vmem>>, vector<16xf32>,
      tpu.vector_store %arg21[%swap3A_466, %swap3A_467], %exp3A_464 {strides = array<i32>} : memref<3x80xf32, #tpu.memory_space<vmem>>, vector<16xf32>,
      %add3A_469 = arith.constant 16 : i32
      %add3A_470 = vector.broadcast %add3A_469 : i32 to vector<16xi32>
      %add3A_471 = arith.addi %iota3A, %add3A_470 : vector<16xi32>
      %broadcast_in_dim3A_472 = arith.constant 0 : i32
      %broadcast_in_dim3A_473 = vector.broadcast %broadcast_in_dim3A_472 : i32 to vector<16xi32>
      %gather3A_474 = tpu.vector_load_idx %arg14[%add3A_471, %broadcast_in_dim3A_473] : memref<80x16xf32, #tpu.memory_space<vmem>>[vector<16xi32>, vector<16xi32>], vector<16xf32>,
      %broadcast_in_dim3A_475 = arith.constant 3 : i32
      %broadcast_in_dim3A_476 = vector.broadcast %broadcast_in_dim3A_475 : i32 to vector<16xi32>
      %gather3A_477 = tpu.vector_load_idx %arg16[%add3A_471, %broadcast_in_dim3A_476] : memref<80x16xf32, #tpu.memory_space<vmem>>[vector<16xi32>, vector<16xi32>], vector<16xf32>,
      %add3A_478 = arith.addf %gather3A_474, %gather3A_477 : vector<16xf32>
      %mul3A_479 = arith.constant 2.000000e-01 : f32
      %mul3A_480 = vector.broadcast %mul3A_479 : f32 to vector<16xf32>
      %mul3A_481 = arith.mulf %mul3A_480, %add3A_478 : vector<16xf32>
      %max3A_482 = arith.maximumf %add3A_478, %mul3A_481 : vector<16xf32>
      %exp3A_483 = math.exp %max3A_482 : vector<16xf32>
      %swap3A_484 = arith.constant 0 : i32
      %swap3A_485 = arith.index_cast %swap3A_484 : i32 to index
      %swap3A_486 = arith.constant 16 : index
      %swap3A_487 = tpu.vector_load %arg21[%swap3A_485, %swap3A_486] {strides = array<i32>} : memref<3x80xf32, #tpu.memory_space<vmem>>, vector<16xf32>,
      tpu.vector_store %arg21[%swap3A_485, %swap3A_486], %exp3A_483 {strides = array<i32>} : memref<3x80xf32, #tpu.memory_space<vmem>>, vector<16xf32>,
      %broadcast_in_dim3A_488 = arith.constant 1 : i32
      %broadcast_in_dim3A_489 = vector.broadcast %broadcast_in_dim3A_488 : i32 to vector<16xi32>
      %gather3A_490 = tpu.vector_load_idx %arg14[%add3A_471, %broadcast_in_dim3A_489] : memref<80x16xf32, #tpu.memory_space<vmem>>[vector<16xi32>, vector<16xi32>], vector<16xf32>,
      %broadcast_in_dim3A_491 = arith.constant 4 : i32
      %broadcast_in_dim3A_492 = vector.broadcast %broadcast_in_dim3A_491 : i32 to vector<16xi32>
      %gather3A_493 = tpu.vector_load_idx %arg16[%add3A_471, %broadcast_in_dim3A_492] : memref<80x16xf32, #tpu.memory_space<vmem>>[vector<16xi32>, vector<16xi32>], vector<16xf32>,
      %add3A_494 = arith.addf %gather3A_490, %gather3A_493 : vector<16xf32>
      %mul3A_495 = arith.constant 2.000000e-01 : f32
      %mul3A_496 = vector.broadcast %mul3A_495 : f32 to vector<16xf32>
      %mul3A_497 = arith.mulf %mul3A_496, %add3A_494 : vector<16xf32>
      %max3A_498 = arith.maximumf %add3A_494, %mul3A_497 : vector<16xf32>
      %exp3A_499 = math.exp %max3A_498 : vector<16xf32>
      %swap3A_500 = arith.constant 1 : i32
      %swap3A_501 = arith.index_cast %swap3A_500 : i32 to index
      %swap3A_502 = arith.constant 16 : index
      %swap3A_503 = tpu.vector_load %arg21[%swap3A_501, %swap3A_502] {strides = array<i32>} : memref<3x80xf32, #tpu.memory_space<vmem>>, vector<16xf32>,
      tpu.vector_store %arg21[%swap3A_501, %swap3A_502], %exp3A_499 {strides = array<i32>} : memref<3x80xf32, #tpu.memory_space<vmem>>, vector<16xf32>,
      %broadcast_in_dim3A_504 = arith.constant 2 : i32
      %broadcast_in_dim3A_505 = vector.broadcast %broadcast_in_dim3A_504 : i32 to vector<16xi32>
      %gather3A_506 = tpu.vector_load_idx %arg14[%add3A_471, %broadcast_in_dim3A_505] : memref<80x16xf32, #tpu.memory_space<vmem>>[vector<16xi32>, vector<16xi32>], vector<16xf32>,
      %broadcast_in_dim3A_507 = arith.constant 5 : i32
      %broadcast_in_dim3A_508 = vector.broadcast %broadcast_in_dim3A_507 : i32 to vector<16xi32>
      %gather3A_509 = tpu.vector_load_idx %arg16[%add3A_471, %broadcast_in_dim3A_508] : memref<80x16xf32, #tpu.memory_space<vmem>>[vector<16xi32>, vector<16xi32>], vector<16xf32>,
      %add3A_510 = arith.addf %gather3A_506, %gather3A_509 : vector<16xf32>
      %mul3A_511 = arith.constant 2.000000e-01 : f32
      %mul3A_512 = vector.broadcast %mul3A_511 : f32 to vector<16xf32>
      %mul3A_513 = arith.mulf %mul3A_512, %add3A_510 : vector<16xf32>
      %max3A_514 = arith.maximumf %add3A_510, %mul3A_513 : vector<16xf32>
      %exp3A_515 = math.exp %max3A_514 : vector<16xf32>
      %swap3A_516 = arith.constant 2 : i32
      %swap3A_517 = arith.index_cast %swap3A_516 : i32 to index
      %swap3A_518 = arith.constant 16 : index
      %swap3A_519 = tpu.vector_load %arg21[%swap3A_517, %swap3A_518] {strides = array<i32>} : memref<3x80xf32, #tpu.memory_space<vmem>>, vector<16xf32>,
      tpu.vector_store %arg21[%swap3A_517, %swap3A_518], %exp3A_515 {strides = array<i32>} : memref<3x80xf32, #tpu.memory_space<vmem>>, vector<16xf32>,
      %add3A_520 = arith.constant 32 : i32
      %add3A_521 = vector.broadcast %add3A_520 : i32 to vector<16xi32>
      %add3A_522 = arith.addi %iota3A, %add3A_521 : vector<16xi32>
      %broadcast_in_dim3A_523 = arith.constant 0 : i32
      %broadcast_in_dim3A_524 = vector.broadcast %broadcast_in_dim3A_523 : i32 to vector<16xi32>
      %gather3A_525 = tpu.vector_load_idx %arg14[%add3A_522, %broadcast_in_dim3A_524] : memref<80x16xf32, #tpu.memory_space<vmem>>[vector<16xi32>, vector<16xi32>], vector<16xf32>,
      %broadcast_in_dim3A_526 = arith.constant 3 : i32
      %broadcast_in_dim3A_527 = vector.broadcast %broadcast_in_dim3A_526 : i32 to vector<16xi32>
      %gather3A_528 = tpu.vector_load_idx %arg16[%add3A_522, %broadcast_in_dim3A_527] : memref<80x16xf32, #tpu.memory_space<vmem>>[vector<16xi32>, vector<16xi32>], vector<16xf32>,
      %add3A_529 = arith.addf %gather3A_525, %gather3A_528 : vector<16xf32>
      %mul3A_530 = arith.constant 2.000000e-01 : f32
      %mul3A_531 = vector.broadcast %mul3A_530 : f32 to vector<16xf32>
      %mul3A_532 = arith.mulf %mul3A_531, %add3A_529 : vector<16xf32>
      %max3A_533 = arith.maximumf %add3A_529, %mul3A_532 : vector<16xf32>
      %exp3A_534 = math.exp %max3A_533 : vector<16xf32>
      %swap3A_535 = arith.constant 0 : i32
      %swap3A_536 = arith.index_cast %swap3A_535 : i32 to index
      %swap3A_537 = arith.constant 32 : index
      %swap3A_538 = tpu.vector_load %arg21[%swap3A_536, %swap3A_537] {strides = array<i32>} : memref<3x80xf32, #tpu.memory_space<vmem>>, vector<16xf32>,
      tpu.vector_store %arg21[%swap3A_536, %swap3A_537], %exp3A_534 {strides = array<i32>} : memref<3x80xf32, #tpu.memory_space<vmem>>, vector<16xf32>,
      %broadcast_in_dim3A_539 = arith.constant 1 : i32
      %broadcast_in_dim3A_540 = vector.broadcast %broadcast_in_dim3A_539 : i32 to vector<16xi32>
      %gather3A_541 = tpu.vector_load_idx %arg14[%add3A_522, %broadcast_in_dim3A_540] : memref<80x16xf32, #tpu.memory_space<vmem>>[vector<16xi32>, vector<16xi32>], vector<16xf32>,
      %broadcast_in_dim3A_542 = arith.constant 4 : i32
      %broadcast_in_dim3A_543 = vector.broadcast %broadcast_in_dim3A_542 : i32 to vector<16xi32>
      %gather3A_544 = tpu.vector_load_idx %arg16[%add3A_522, %broadcast_in_dim3A_543] : memref<80x16xf32, #tpu.memory_space<vmem>>[vector<16xi32>, vector<16xi32>], vector<16xf32>,
      %add3A_545 = arith.addf %gather3A_541, %gather3A_544 : vector<16xf32>
      %mul3A_546 = arith.constant 2.000000e-01 : f32
      %mul3A_547 = vector.broadcast %mul3A_546 : f32 to vector<16xf32>
      %mul3A_548 = arith.mulf %mul3A_547, %add3A_545 : vector<16xf32>
      %max3A_549 = arith.maximumf %add3A_545, %mul3A_548 : vector<16xf32>
      %exp3A_550 = math.exp %max3A_549 : vector<16xf32>
      %swap3A_551 = arith.constant 1 : i32
      %swap3A_552 = arith.index_cast %swap3A_551 : i32 to index
      %swap3A_553 = arith.constant 32 : index
      %swap3A_554 = tpu.vector_load %arg21[%swap3A_552, %swap3A_553] {strides = array<i32>} : memref<3x80xf32, #tpu.memory_space<vmem>>, vector<16xf32>,
      tpu.vector_store %arg21[%swap3A_552, %swap3A_553], %exp3A_550 {strides = array<i32>} : memref<3x80xf32, #tpu.memory_space<vmem>>, vector<16xf32>,
      %broadcast_in_dim3A_555 = arith.constant 2 : i32
      %broadcast_in_dim3A_556 = vector.broadcast %broadcast_in_dim3A_555 : i32 to vector<16xi32>
      %gather3A_557 = tpu.vector_load_idx %arg14[%add3A_522, %broadcast_in_dim3A_556] : memref<80x16xf32, #tpu.memory_space<vmem>>[vector<16xi32>, vector<16xi32>], vector<16xf32>,
      %broadcast_in_dim3A_558 = arith.constant 5 : i32
      %broadcast_in_dim3A_559 = vector.broadcast %broadcast_in_dim3A_558 : i32 to vector<16xi32>
      %gather3A_560 = tpu.vector_load_idx %arg16[%add3A_522, %broadcast_in_dim3A_559] : memref<80x16xf32, #tpu.memory_space<vmem>>[vector<16xi32>, vector<16xi32>], vector<16xf32>,
      %add3A_561 = arith.addf %gather3A_557, %gather3A_560 : vector<16xf32>
      %mul3A_562 = arith.constant 2.000000e-01 : f32
      %mul3A_563 = vector.broadcast %mul3A_562 : f32 to vector<16xf32>
      %mul3A_564 = arith.mulf %mul3A_563, %add3A_561 : vector<16xf32>
      %max3A_565 = arith.maximumf %add3A_561, %mul3A_564 : vector<16xf32>
      %exp3A_566 = math.exp %max3A_565 : vector<16xf32>
      %swap3A_567 = arith.constant 2 : i32
      %swap3A_568 = arith.index_cast %swap3A_567 : i32 to index
      %swap3A_569 = arith.constant 32 : index
      %swap3A_570 = tpu.vector_load %arg21[%swap3A_568, %swap3A_569] {strides = array<i32>} : memref<3x80xf32, #tpu.memory_space<vmem>>, vector<16xf32>,
      tpu.vector_store %arg21[%swap3A_568, %swap3A_569], %exp3A_566 {strides = array<i32>} : memref<3x80xf32, #tpu.memory_space<vmem>>, vector<16xf32>,
      %add3A_571 = arith.constant 48 : i32
      %add3A_572 = vector.broadcast %add3A_571 : i32 to vector<16xi32>
      %add3A_573 = arith.addi %iota3A, %add3A_572 : vector<16xi32>
      %broadcast_in_dim3A_574 = arith.constant 0 : i32
      %broadcast_in_dim3A_575 = vector.broadcast %broadcast_in_dim3A_574 : i32 to vector<16xi32>
      %gather3A_576 = tpu.vector_load_idx %arg14[%add3A_573, %broadcast_in_dim3A_575] : memref<80x16xf32, #tpu.memory_space<vmem>>[vector<16xi32>, vector<16xi32>], vector<16xf32>,
      %broadcast_in_dim3A_577 = arith.constant 3 : i32
      %broadcast_in_dim3A_578 = vector.broadcast %broadcast_in_dim3A_577 : i32 to vector<16xi32>
      %gather3A_579 = tpu.vector_load_idx %arg16[%add3A_573, %broadcast_in_dim3A_578] : memref<80x16xf32, #tpu.memory_space<vmem>>[vector<16xi32>, vector<16xi32>], vector<16xf32>,
      %add3A_580 = arith.addf %gather3A_576, %gather3A_579 : vector<16xf32>
      %mul3A_581 = arith.constant 2.000000e-01 : f32
      %mul3A_582 = vector.broadcast %mul3A_581 : f32 to vector<16xf32>
      %mul3A_583 = arith.mulf %mul3A_582, %add3A_580 : vector<16xf32>
      %max3A_584 = arith.maximumf %add3A_580, %mul3A_583 : vector<16xf32>
      %exp3A_585 = math.exp %max3A_584 : vector<16xf32>
      %swap3A_586 = arith.constant 0 : i32
      %swap3A_587 = arith.index_cast %swap3A_586 : i32 to index
      %swap3A_588 = arith.constant 48 : index
      %swap3A_589 = tpu.vector_load %arg21[%swap3A_587, %swap3A_588] {strides = array<i32>} : memref<3x80xf32, #tpu.memory_space<vmem>>, vector<16xf32>,
      tpu.vector_store %arg21[%swap3A_587, %swap3A_588], %exp3A_585 {strides = array<i32>} : memref<3x80xf32, #tpu.memory_space<vmem>>, vector<16xf32>,
      %broadcast_in_dim3A_590 = arith.constant 1 : i32
      %broadcast_in_dim3A_591 = vector.broadcast %broadcast_in_dim3A_590 : i32 to vector<16xi32>
      %gather3A_592 = tpu.vector_load_idx %arg14[%add3A_573, %broadcast_in_dim3A_591] : memref<80x16xf32, #tpu.memory_space<vmem>>[vector<16xi32>, vector<16xi32>], vector<16xf32>,
      %broadcast_in_dim3A_593 = arith.constant 4 : i32
      %broadcast_in_dim3A_594 = vector.broadcast %broadcast_in_dim3A_593 : i32 to vector<16xi32>
      %gather3A_595 = tpu.vector_load_idx %arg16[%add3A_573, %broadcast_in_dim3A_594] : memref<80x16xf32, #tpu.memory_space<vmem>>[vector<16xi32>, vector<16xi32>], vector<16xf32>,
      %add3A_596 = arith.addf %gather3A_592, %gather3A_595 : vector<16xf32>
      %mul3A_597 = arith.constant 2.000000e-01 : f32
      %mul3A_598 = vector.broadcast %mul3A_597 : f32 to vector<16xf32>
      %mul3A_599 = arith.mulf %mul3A_598, %add3A_596 : vector<16xf32>
      %max3A_600 = arith.maximumf %add3A_596, %mul3A_599 : vector<16xf32>
      %exp3A_601 = math.exp %max3A_600 : vector<16xf32>
      %swap3A_602 = arith.constant 1 : i32
      %swap3A_603 = arith.index_cast %swap3A_602 : i32 to index
      %swap3A_604 = arith.constant 48 : index
      %swap3A_605 = tpu.vector_load %arg21[%swap3A_603, %swap3A_604] {strides = array<i32>} : memref<3x80xf32, #tpu.memory_space<vmem>>, vector<16xf32>,
      tpu.vector_store %arg21[%swap3A_603, %swap3A_604], %exp3A_601 {strides = array<i32>} : memref<3x80xf32, #tpu.memory_space<vmem>>, vector<16xf32>,
      %broadcast_in_dim3A_606 = arith.constant 2 : i32
      %broadcast_in_dim3A_607 = vector.broadcast %broadcast_in_dim3A_606 : i32 to vector<16xi32>
      %gather3A_608 = tpu.vector_load_idx %arg14[%add3A_573, %broadcast_in_dim3A_607] : memref<80x16xf32, #tpu.memory_space<vmem>>[vector<16xi32>, vector<16xi32>], vector<16xf32>,
      %broadcast_in_dim3A_609 = arith.constant 5 : i32
      %broadcast_in_dim3A_610 = vector.broadcast %broadcast_in_dim3A_609 : i32 to vector<16xi32>
      %gather3A_611 = tpu.vector_load_idx %arg16[%add3A_573, %broadcast_in_dim3A_610] : memref<80x16xf32, #tpu.memory_space<vmem>>[vector<16xi32>, vector<16xi32>], vector<16xf32>,
      %add3A_612 = arith.addf %gather3A_608, %gather3A_611 : vector<16xf32>
      %mul3A_613 = arith.constant 2.000000e-01 : f32
      %mul3A_614 = vector.broadcast %mul3A_613 : f32 to vector<16xf32>
      %mul3A_615 = arith.mulf %mul3A_614, %add3A_612 : vector<16xf32>
      %max3A_616 = arith.maximumf %add3A_612, %mul3A_615 : vector<16xf32>
      %exp3A_617 = math.exp %max3A_616 : vector<16xf32>
      %swap3A_618 = arith.constant 2 : i32
      %swap3A_619 = arith.index_cast %swap3A_618 : i32 to index
      %swap3A_620 = arith.constant 48 : index
      %swap3A_621 = tpu.vector_load %arg21[%swap3A_619, %swap3A_620] {strides = array<i32>} : memref<3x80xf32, #tpu.memory_space<vmem>>, vector<16xf32>,
      tpu.vector_store %arg21[%swap3A_619, %swap3A_620], %exp3A_617 {strides = array<i32>} : memref<3x80xf32, #tpu.memory_space<vmem>>, vector<16xf32>,
      %add3A_622 = arith.constant 64 : i32
      %add3A_623 = vector.broadcast %add3A_622 : i32 to vector<16xi32>
      %add3A_624 = arith.addi %iota3A, %add3A_623 : vector<16xi32>
      %broadcast_in_dim3A_625 = arith.constant 0 : i32
      %broadcast_in_dim3A_626 = vector.broadcast %broadcast_in_dim3A_625 : i32 to vector<16xi32>
      %gather3A_627 = tpu.vector_load_idx %arg14[%add3A_624, %broadcast_in_dim3A_626] : memref<80x16xf32, #tpu.memory_space<vmem>>[vector<16xi32>, vector<16xi32>], vector<16xf32>,
      %broadcast_in_dim3A_628 = arith.constant 3 : i32
      %broadcast_in_dim3A_629 = vector.broadcast %broadcast_in_dim3A_628 : i32 to vector<16xi32>
      %gather3A_630 = tpu.vector_load_idx %arg16[%add3A_624, %broadcast_in_dim3A_629] : memref<80x16xf32, #tpu.memory_space<vmem>>[vector<16xi32>, vector<16xi32>], vector<16xf32>,
      %add3A_631 = arith.addf %gather3A_627, %gather3A_630 : vector<16xf32>
      %mul3A_632 = arith.constant 2.000000e-01 : f32
      %mul3A_633 = vector.broadcast %mul3A_632 : f32 to vector<16xf32>
      %mul3A_634 = arith.mulf %mul3A_633, %add3A_631 : vector<16xf32>
      %max3A_635 = arith.maximumf %add3A_631, %mul3A_634 : vector<16xf32>
      %exp3A_636 = math.exp %max3A_635 : vector<16xf32>
      %swap3A_637 = arith.constant 0 : i32
      %swap3A_638 = arith.index_cast %swap3A_637 : i32 to index
      %swap3A_639 = arith.constant 64 : index
      %swap3A_640 = tpu.vector_load %arg21[%swap3A_638, %swap3A_639] {strides = array<i32>} : memref<3x80xf32, #tpu.memory_space<vmem>>, vector<16xf32>,
      tpu.vector_store %arg21[%swap3A_638, %swap3A_639], %exp3A_636 {strides = array<i32>} : memref<3x80xf32, #tpu.memory_space<vmem>>, vector<16xf32>,
      %broadcast_in_dim3A_641 = arith.constant 1 : i32
      %broadcast_in_dim3A_642 = vector.broadcast %broadcast_in_dim3A_641 : i32 to vector<16xi32>
      %gather3A_643 = tpu.vector_load_idx %arg14[%add3A_624, %broadcast_in_dim3A_642] : memref<80x16xf32, #tpu.memory_space<vmem>>[vector<16xi32>, vector<16xi32>], vector<16xf32>,
      %broadcast_in_dim3A_644 = arith.constant 4 : i32
      %broadcast_in_dim3A_645 = vector.broadcast %broadcast_in_dim3A_644 : i32 to vector<16xi32>
      %gather3A_646 = tpu.vector_load_idx %arg16[%add3A_624, %broadcast_in_dim3A_645] : memref<80x16xf32, #tpu.memory_space<vmem>>[vector<16xi32>, vector<16xi32>], vector<16xf32>,
      %add3A_647 = arith.addf %gather3A_643, %gather3A_646 : vector<16xf32>
      %mul3A_648 = arith.constant 2.000000e-01 : f32
      %mul3A_649 = vector.broadcast %mul3A_648 : f32 to vector<16xf32>
      %mul3A_650 = arith.mulf %mul3A_649, %add3A_647 : vector<16xf32>
      %max3A_651 = arith.maximumf %add3A_647, %mul3A_650 : vector<16xf32>
      %exp3A_652 = math.exp %max3A_651 : vector<16xf32>
      %swap3A_653 = arith.constant 1 : i32
      %swap3A_654 = arith.index_cast %swap3A_653 : i32 to index
      %swap3A_655 = arith.constant 64 : index
      %swap3A_656 = tpu.vector_load %arg21[%swap3A_654, %swap3A_655] {strides = array<i32>} : memref<3x80xf32, #tpu.memory_space<vmem>>, vector<16xf32>,
      tpu.vector_store %arg21[%swap3A_654, %swap3A_655], %exp3A_652 {strides = array<i32>} : memref<3x80xf32, #tpu.memory_space<vmem>>, vector<16xf32>,
      %broadcast_in_dim3A_657 = arith.constant 2 : i32
      %broadcast_in_dim3A_658 = vector.broadcast %broadcast_in_dim3A_657 : i32 to vector<16xi32>
      %gather3A_659 = tpu.vector_load_idx %arg14[%add3A_624, %broadcast_in_dim3A_658] : memref<80x16xf32, #tpu.memory_space<vmem>>[vector<16xi32>, vector<16xi32>], vector<16xf32>,
      %broadcast_in_dim3A_660 = arith.constant 5 : i32
      %broadcast_in_dim3A_661 = vector.broadcast %broadcast_in_dim3A_660 : i32 to vector<16xi32>
      %gather3A_662 = tpu.vector_load_idx %arg16[%add3A_624, %broadcast_in_dim3A_661] : memref<80x16xf32, #tpu.memory_space<vmem>>[vector<16xi32>, vector<16xi32>], vector<16xf32>,
      %add3A_663 = arith.addf %gather3A_659, %gather3A_662 : vector<16xf32>
      %mul3A_664 = arith.constant 2.000000e-01 : f32
      %mul3A_665 = vector.broadcast %mul3A_664 : f32 to vector<16xf32>
      %mul3A_666 = arith.mulf %mul3A_665, %add3A_663 : vector<16xf32>
      %max3A_667 = arith.maximumf %add3A_663, %mul3A_666 : vector<16xf32>
      %exp3A_668 = math.exp %max3A_667 : vector<16xf32>
      %swap3A_669 = arith.constant 2 : i32
      %swap3A_670 = arith.index_cast %swap3A_669 : i32 to index
      %swap3A_671 = arith.constant 64 : index
      %swap3A_672 = tpu.vector_load %arg21[%swap3A_670, %swap3A_671] {strides = array<i32>} : memref<3x80xf32, #tpu.memory_space<vmem>>, vector<16xf32>,
      tpu.vector_store %arg21[%swap3A_670, %swap3A_671], %exp3A_668 {strides = array<i32>} : memref<3x80xf32, #tpu.memory_space<vmem>>, vector<16xf32>,
      %parallel_loop3A_673 = arith.constant 0 : i32
      %parallel_loop3A_674 = arith.constant 80 : i32
      %parallel_loop3A_675 = arith.constant 1 : i32
      scf.for %parallel_loop3A_679 = %parallel_loop3A_673 to %parallel_loop3A_674 step %parallel_loop3A_675  : i32 {
        %parallel_loop3A_680 = vector.broadcast %parallel_loop3A_679 : i32 to vector<16xi32>
        %parallel_loop3A_681 = arith.constant 0 : i32
        %parallel_loop3A_682 = vector.broadcast %parallel_loop3A_681 : i32 to vector<16xi32>
        %parallel_loop3A_683 = tpu.vector_load_idx %arg21[%parallel_loop3A_682, %parallel_loop3A_680] : memref<3x80xf32, #tpu.memory_space<vmem>>[vector<16xi32>, vector<16xi32>], vector<16xf32>,
        %parallel_loop3A_684 = arith.constant 1 : i32
        %parallel_loop3A_685 = vector.broadcast %parallel_loop3A_684 : i32 to vector<16xi32>
        %parallel_loop3A_686 = tpu.vector_load_idx %arg21[%parallel_loop3A_685, %parallel_loop3A_680] : memref<3x80xf32, #tpu.memory_space<vmem>>[vector<16xi32>, vector<16xi32>], vector<16xf32>,
        %parallel_loop3A_687 = arith.constant 2 : i32
        %parallel_loop3A_688 = vector.broadcast %parallel_loop3A_687 : i32 to vector<16xi32>
        %parallel_loop3A_689 = tpu.vector_load_idx %arg21[%parallel_loop3A_688, %parallel_loop3A_680] : memref<3x80xf32, #tpu.memory_space<vmem>>[vector<16xi32>, vector<16xi32>], vector<16xf32>,
        %parallel_loop3A_690 = arith.constant 96 : i32
        %parallel_loop3A_691 = arith.muli %arg0, %parallel_loop3A_690 : i32
        %parallel_loop3A_692 = arith.constant 0 : i32
        %parallel_loop3A_693 = arith.addi %parallel_loop3A_691, %parallel_loop3A_692 : i32
        %parallel_loop3A_694 = arith.constant 64 : i32
        %parallel_loop3A_695 = arith.divsi %parallel_loop3A_693, %parallel_loop3A_694 : i32
        %parallel_loop3A_696 = arith.constant 0 : i32
        %parallel_loop3A_697 = arith.cmpi sgt, %parallel_loop3A_693, %parallel_loop3A_696 : i32
        %parallel_loop3A_698 = arith.extui %parallel_loop3A_697 : i1 to i32
        %parallel_loop3A_699 = arith.constant 0 : i32
        %parallel_loop3A_700 = arith.cmpi slt, %parallel_loop3A_693, %parallel_loop3A_699 : i32
        %parallel_loop3A_701 = arith.extui %parallel_loop3A_700 : i1 to i32
        %parallel_loop3A_702 = arith.subi %parallel_loop3A_698, %parallel_loop3A_701 : i32
        %parallel_loop3A_703 = arith.constant 0 : i32
        %parallel_loop3A_704 = arith.cmpi sgt, %parallel_loop3A_694, %parallel_loop3A_703 : i32
        %parallel_loop3A_705 = arith.extui %parallel_loop3A_704 : i1 to i32
        %parallel_loop3A_706 = arith.constant 0 : i32
        %parallel_loop3A_707 = arith.cmpi slt, %parallel_loop3A_694, %parallel_loop3A_706 : i32
        %parallel_loop3A_708 = arith.extui %parallel_loop3A_707 : i1 to i32
        %parallel_loop3A_709 = arith.subi %parallel_loop3A_705, %parallel_loop3A_708 : i32
        %parallel_loop3A_710 = arith.cmpi ne, %parallel_loop3A_702, %parallel_loop3A_709 : i32
        %parallel_loop3A_711 = arith.remsi %parallel_loop3A_693, %parallel_loop3A_694 : i32
        %parallel_loop3A_712 = arith.constant 0 : i32
        %parallel_loop3A_713 = arith.cmpi ne, %parallel_loop3A_711, %parallel_loop3A_712 : i32
        %parallel_loop3A_714 = arith.andi %parallel_loop3A_710, %parallel_loop3A_713 : i1
        %parallel_loop3A_715 = arith.constant 1 : i32
        %parallel_loop3A_716 = arith.subi %parallel_loop3A_695, %parallel_loop3A_715 : i32
        %parallel_loop3A_717 = arith.select %parallel_loop3A_714, %parallel_loop3A_716, %parallel_loop3A_695 : i32
        %parallel_loop3A_718 = arith.constant 0 : i32
        %parallel_loop3A_719 = arith.cmpi eq, %parallel_loop3A_717, %parallel_loop3A_718 : i32
        %parallel_loop3A_720 = arith.constant 1 : i32
        %parallel_loop3A_721 = arith.cmpi eq, %parallel_loop3A_717, %parallel_loop3A_720 : i32
        %parallel_loop3A_722 = arith.select %parallel_loop3A_721, %parallel_loop3A_686, %parallel_loop3A_689 : vector<16xf32>
        %parallel_loop3A_723 = arith.select %parallel_loop3A_719, %parallel_loop3A_683, %parallel_loop3A_722 : vector<16xf32>
        %parallel_loop3A_724 = arith.index_cast %parallel_loop3A_679 : i32 to index
        %parallel_loop3A_725 = arith.constant 0 : index
        %parallel_loop3A_726 = tpu.vector_load %arg18[%parallel_loop3A_724, %parallel_loop3A_725] {strides = array<i32>} : memref<80x96xf32, #tpu.memory_space<vmem>>, vector<16xf32>,
        %parallel_loop3A_727 = arith.mulf %parallel_loop3A_726, %parallel_loop3A_723 : vector<16xf32>
        %parallel_loop3A_728 = arith.index_cast %parallel_loop3A_679 : i32 to index
        %parallel_loop3A_729 = arith.constant 0 : index
        %parallel_loop3A_730 = tpu.vector_load %arg20[%parallel_loop3A_728, %parallel_loop3A_729] {strides = array<i32>} : memref<80x112xf32, #tpu.memory_space<vmem>>, vector<16xf32>,
        tpu.vector_store %arg20[%parallel_loop3A_728, %parallel_loop3A_729], %parallel_loop3A_727 {strides = array<i32>} : memref<80x112xf32, #tpu.memory_space<vmem>>, vector<16xf32>,
        %parallel_loop3A_731 = arith.constant 96 : i32
        %parallel_loop3A_732 = arith.muli %arg0, %parallel_loop3A_731 : i32
        %parallel_loop3A_733 = arith.constant 16 : i32
        %parallel_loop3A_734 = arith.addi %parallel_loop3A_732, %parallel_loop3A_733 : i32
        %parallel_loop3A_735 = arith.constant 64 : i32
        %parallel_loop3A_736 = arith.divsi %parallel_loop3A_734, %parallel_loop3A_735 : i32
        %parallel_loop3A_737 = arith.constant 0 : i32
        %parallel_loop3A_738 = arith.cmpi sgt, %parallel_loop3A_734, %parallel_loop3A_737 : i32
        %parallel_loop3A_739 = arith.extui %parallel_loop3A_738 : i1 to i32
        %parallel_loop3A_740 = arith.constant 0 : i32
        %parallel_loop3A_741 = arith.cmpi slt, %parallel_loop3A_734, %parallel_loop3A_740 : i32
        %parallel_loop3A_742 = arith.extui %parallel_loop3A_741 : i1 to i32
        %parallel_loop3A_743 = arith.subi %parallel_loop3A_739, %parallel_loop3A_742 : i32
        %parallel_loop3A_744 = arith.constant 0 : i32
        %parallel_loop3A_745 = arith.cmpi sgt, %parallel_loop3A_735, %parallel_loop3A_744 : i32
        %parallel_loop3A_746 = arith.extui %parallel_loop3A_745 : i1 to i32
        %parallel_loop3A_747 = arith.constant 0 : i32
        %parallel_loop3A_748 = arith.cmpi slt, %parallel_loop3A_735, %parallel_loop3A_747 : i32
        %parallel_loop3A_749 = arith.extui %parallel_loop3A_748 : i1 to i32
        %parallel_loop3A_750 = arith.subi %parallel_loop3A_746, %parallel_loop3A_749 : i32
        %parallel_loop3A_751 = arith.cmpi ne, %parallel_loop3A_743, %parallel_loop3A_750 : i32
        %parallel_loop3A_752 = arith.remsi %parallel_loop3A_734, %parallel_loop3A_735 : i32
        %parallel_loop3A_753 = arith.constant 0 : i32
        %parallel_loop3A_754 = arith.cmpi ne, %parallel_loop3A_752, %parallel_loop3A_753 : i32
        %parallel_loop3A_755 = arith.andi %parallel_loop3A_751, %parallel_loop3A_754 : i1
        %parallel_loop3A_756 = arith.constant 1 : i32
        %parallel_loop3A_757 = arith.subi %parallel_loop3A_736, %parallel_loop3A_756 : i32
        %parallel_loop3A_758 = arith.select %parallel_loop3A_755, %parallel_loop3A_757, %parallel_loop3A_736 : i32
        %parallel_loop3A_759 = arith.constant 0 : i32
        %parallel_loop3A_760 = arith.cmpi eq, %parallel_loop3A_758, %parallel_loop3A_759 : i32
        %parallel_loop3A_761 = arith.constant 1 : i32
        %parallel_loop3A_762 = arith.cmpi eq, %parallel_loop3A_758, %parallel_loop3A_761 : i32
        %parallel_loop3A_763 = arith.select %parallel_loop3A_762, %parallel_loop3A_686, %parallel_loop3A_689 : vector<16xf32>
        %parallel_loop3A_764 = arith.select %parallel_loop3A_760, %parallel_loop3A_683, %parallel_loop3A_763 : vector<16xf32>
        %parallel_loop3A_765 = arith.index_cast %parallel_loop3A_679 : i32 to index
        %parallel_loop3A_766 = arith.constant 16 : index
        %parallel_loop3A_767 = tpu.vector_load %arg18[%parallel_loop3A_765, %parallel_loop3A_766] {strides = array<i32>} : memref<80x96xf32, #tpu.memory_space<vmem>>, vector<16xf32>,
        %parallel_loop3A_768 = arith.mulf %parallel_loop3A_767, %parallel_loop3A_764 : vector<16xf32>
        %parallel_loop3A_769 = arith.index_cast %parallel_loop3A_679 : i32 to index
        %parallel_loop3A_770 = arith.constant 16 : index
        %parallel_loop3A_771 = tpu.vector_load %arg20[%parallel_loop3A_769, %parallel_loop3A_770] {strides = array<i32>} : memref<80x112xf32, #tpu.memory_space<vmem>>, vector<16xf32>,
        tpu.vector_store %arg20[%parallel_loop3A_769, %parallel_loop3A_770], %parallel_loop3A_768 {strides = array<i32>} : memref<80x112xf32, #tpu.memory_space<vmem>>, vector<16xf32>,
        %parallel_loop3A_772 = arith.constant 96 : i32
        %parallel_loop3A_773 = arith.muli %arg0, %parallel_loop3A_772 : i32
        %parallel_loop3A_774 = arith.constant 32 : i32
        %parallel_loop3A_775 = arith.addi %parallel_loop3A_773, %parallel_loop3A_774 : i32
        %parallel_loop3A_776 = arith.constant 64 : i32
        %parallel_loop3A_777 = arith.divsi %parallel_loop3A_775, %parallel_loop3A_776 : i32
        %parallel_loop3A_778 = arith.constant 0 : i32
        %parallel_loop3A_779 = arith.cmpi sgt, %parallel_loop3A_775, %parallel_loop3A_778 : i32
        %parallel_loop3A_780 = arith.extui %parallel_loop3A_779 : i1 to i32
        %parallel_loop3A_781 = arith.constant 0 : i32
        %parallel_loop3A_782 = arith.cmpi slt, %parallel_loop3A_775, %parallel_loop3A_781 : i32
        %parallel_loop3A_783 = arith.extui %parallel_loop3A_782 : i1 to i32
        %parallel_loop3A_784 = arith.subi %parallel_loop3A_780, %parallel_loop3A_783 : i32
        %parallel_loop3A_785 = arith.constant 0 : i32
        %parallel_loop3A_786 = arith.cmpi sgt, %parallel_loop3A_776, %parallel_loop3A_785 : i32
        %parallel_loop3A_787 = arith.extui %parallel_loop3A_786 : i1 to i32
        %parallel_loop3A_788 = arith.constant 0 : i32
        %parallel_loop3A_789 = arith.cmpi slt, %parallel_loop3A_776, %parallel_loop3A_788 : i32
        %parallel_loop3A_790 = arith.extui %parallel_loop3A_789 : i1 to i32
        %parallel_loop3A_791 = arith.subi %parallel_loop3A_787, %parallel_loop3A_790 : i32
        %parallel_loop3A_792 = arith.cmpi ne, %parallel_loop3A_784, %parallel_loop3A_791 : i32
        %parallel_loop3A_793 = arith.remsi %parallel_loop3A_775, %parallel_loop3A_776 : i32
        %parallel_loop3A_794 = arith.constant 0 : i32
        %parallel_loop3A_795 = arith.cmpi ne, %parallel_loop3A_793, %parallel_loop3A_794 : i32
        %parallel_loop3A_796 = arith.andi %parallel_loop3A_792, %parallel_loop3A_795 : i1
        %parallel_loop3A_797 = arith.constant 1 : i32
        %parallel_loop3A_798 = arith.subi %parallel_loop3A_777, %parallel_loop3A_797 : i32
        %parallel_loop3A_799 = arith.select %parallel_loop3A_796, %parallel_loop3A_798, %parallel_loop3A_777 : i32
        %parallel_loop3A_800 = arith.constant 0 : i32
        %parallel_loop3A_801 = arith.cmpi eq, %parallel_loop3A_799, %parallel_loop3A_800 : i32
        %parallel_loop3A_802 = arith.constant 1 : i32
        %parallel_loop3A_803 = arith.cmpi eq, %parallel_loop3A_799, %parallel_loop3A_802 : i32
        %parallel_loop3A_804 = arith.select %parallel_loop3A_803, %parallel_loop3A_686, %parallel_loop3A_689 : vector<16xf32>
        %parallel_loop3A_805 = arith.select %parallel_loop3A_801, %parallel_loop3A_683, %parallel_loop3A_804 : vector<16xf32>
        %parallel_loop3A_806 = arith.index_cast %parallel_loop3A_679 : i32 to index
        %parallel_loop3A_807 = arith.constant 32 : index
        %parallel_loop3A_808 = tpu.vector_load %arg18[%parallel_loop3A_806, %parallel_loop3A_807] {strides = array<i32>} : memref<80x96xf32, #tpu.memory_space<vmem>>, vector<16xf32>,
        %parallel_loop3A_809 = arith.mulf %parallel_loop3A_808, %parallel_loop3A_805 : vector<16xf32>
        %parallel_loop3A_810 = arith.index_cast %parallel_loop3A_679 : i32 to index
        %parallel_loop3A_811 = arith.constant 32 : index
        %parallel_loop3A_812 = tpu.vector_load %arg20[%parallel_loop3A_810, %parallel_loop3A_811] {strides = array<i32>} : memref<80x112xf32, #tpu.memory_space<vmem>>, vector<16xf32>,
        tpu.vector_store %arg20[%parallel_loop3A_810, %parallel_loop3A_811], %parallel_loop3A_809 {strides = array<i32>} : memref<80x112xf32, #tpu.memory_space<vmem>>, vector<16xf32>,
        %parallel_loop3A_813 = arith.constant 96 : i32
        %parallel_loop3A_814 = arith.muli %arg0, %parallel_loop3A_813 : i32
        %parallel_loop3A_815 = arith.constant 48 : i32
        %parallel_loop3A_816 = arith.addi %parallel_loop3A_814, %parallel_loop3A_815 : i32
        %parallel_loop3A_817 = arith.constant 64 : i32
        %parallel_loop3A_818 = arith.divsi %parallel_loop3A_816, %parallel_loop3A_817 : i32
        %parallel_loop3A_819 = arith.constant 0 : i32
        %parallel_loop3A_820 = arith.cmpi sgt, %parallel_loop3A_816, %parallel_loop3A_819 : i32
        %parallel_loop3A_821 = arith.extui %parallel_loop3A_820 : i1 to i32
        %parallel_loop3A_822 = arith.constant 0 : i32
        %parallel_loop3A_823 = arith.cmpi slt, %parallel_loop3A_816, %parallel_loop3A_822 : i32
        %parallel_loop3A_824 = arith.extui %parallel_loop3A_823 : i1 to i32
        %parallel_loop3A_825 = arith.subi %parallel_loop3A_821, %parallel_loop3A_824 : i32
        %parallel_loop3A_826 = arith.constant 0 : i32
        %parallel_loop3A_827 = arith.cmpi sgt, %parallel_loop3A_817, %parallel_loop3A_826 : i32
        %parallel_loop3A_828 = arith.extui %parallel_loop3A_827 : i1 to i32
        %parallel_loop3A_829 = arith.constant 0 : i32
        %parallel_loop3A_830 = arith.cmpi slt, %parallel_loop3A_817, %parallel_loop3A_829 : i32
        %parallel_loop3A_831 = arith.extui %parallel_loop3A_830 : i1 to i32
        %parallel_loop3A_832 = arith.subi %parallel_loop3A_828, %parallel_loop3A_831 : i32
        %parallel_loop3A_833 = arith.cmpi ne, %parallel_loop3A_825, %parallel_loop3A_832 : i32
        %parallel_loop3A_834 = arith.remsi %parallel_loop3A_816, %parallel_loop3A_817 : i32
        %parallel_loop3A_835 = arith.constant 0 : i32
        %parallel_loop3A_836 = arith.cmpi ne, %parallel_loop3A_834, %parallel_loop3A_835 : i32
        %parallel_loop3A_837 = arith.andi %parallel_loop3A_833, %parallel_loop3A_836 : i1
        %parallel_loop3A_838 = arith.constant 1 : i32
        %parallel_loop3A_839 = arith.subi %parallel_loop3A_818, %parallel_loop3A_838 : i32
        %parallel_loop3A_840 = arith.select %parallel_loop3A_837, %parallel_loop3A_839, %parallel_loop3A_818 : i32
        %parallel_loop3A_841 = arith.constant 0 : i32
        %parallel_loop3A_842 = arith.cmpi eq, %parallel_loop3A_840, %parallel_loop3A_841 : i32
        %parallel_loop3A_843 = arith.constant 1 : i32
        %parallel_loop3A_844 = arith.cmpi eq, %parallel_loop3A_840, %parallel_loop3A_843 : i32
        %parallel_loop3A_845 = arith.select %parallel_loop3A_844, %parallel_loop3A_686, %parallel_loop3A_689 : vector<16xf32>
        %parallel_loop3A_846 = arith.select %parallel_loop3A_842, %parallel_loop3A_683, %parallel_loop3A_845 : vector<16xf32>
        %parallel_loop3A_847 = arith.index_cast %parallel_loop3A_679 : i32 to index
        %parallel_loop3A_848 = arith.constant 48 : index
        %parallel_loop3A_849 = tpu.vector_load %arg18[%parallel_loop3A_847, %parallel_loop3A_848] {strides = array<i32>} : memref<80x96xf32, #tpu.memory_space<vmem>>, vector<16xf32>,
        %parallel_loop3A_850 = arith.mulf %parallel_loop3A_849, %parallel_loop3A_846 : vector<16xf32>
        %parallel_loop3A_851 = arith.index_cast %parallel_loop3A_679 : i32 to index
        %parallel_loop3A_852 = arith.constant 48 : index
        %parallel_loop3A_853 = tpu.vector_load %arg20[%parallel_loop3A_851, %parallel_loop3A_852] {strides = array<i32>} : memref<80x112xf32, #tpu.memory_space<vmem>>, vector<16xf32>,
        tpu.vector_store %arg20[%parallel_loop3A_851, %parallel_loop3A_852], %parallel_loop3A_850 {strides = array<i32>} : memref<80x112xf32, #tpu.memory_space<vmem>>, vector<16xf32>,
        %parallel_loop3A_854 = arith.constant 96 : i32
        %parallel_loop3A_855 = arith.muli %arg0, %parallel_loop3A_854 : i32
        %parallel_loop3A_856 = arith.constant 64 : i32
        %parallel_loop3A_857 = arith.addi %parallel_loop3A_855, %parallel_loop3A_856 : i32
        %parallel_loop3A_858 = arith.constant 64 : i32
        %parallel_loop3A_859 = arith.divsi %parallel_loop3A_857, %parallel_loop3A_858 : i32
        %parallel_loop3A_860 = arith.constant 0 : i32
        %parallel_loop3A_861 = arith.cmpi sgt, %parallel_loop3A_857, %parallel_loop3A_860 : i32
        %parallel_loop3A_862 = arith.extui %parallel_loop3A_861 : i1 to i32
        %parallel_loop3A_863 = arith.constant 0 : i32
        %parallel_loop3A_864 = arith.cmpi slt, %parallel_loop3A_857, %parallel_loop3A_863 : i32
        %parallel_loop3A_865 = arith.extui %parallel_loop3A_864 : i1 to i32
        %parallel_loop3A_866 = arith.subi %parallel_loop3A_862, %parallel_loop3A_865 : i32
        %parallel_loop3A_867 = arith.constant 0 : i32
        %parallel_loop3A_868 = arith.cmpi sgt, %parallel_loop3A_858, %parallel_loop3A_867 : i32
        %parallel_loop3A_869 = arith.extui %parallel_loop3A_868 : i1 to i32
        %parallel_loop3A_870 = arith.constant 0 : i32
        %parallel_loop3A_871 = arith.cmpi slt, %parallel_loop3A_858, %parallel_loop3A_870 : i32
        %parallel_loop3A_872 = arith.extui %parallel_loop3A_871 : i1 to i32
        %parallel_loop3A_873 = arith.subi %parallel_loop3A_869, %parallel_loop3A_872 : i32
        %parallel_loop3A_874 = arith.cmpi ne, %parallel_loop3A_866, %parallel_loop3A_873 : i32
        %parallel_loop3A_875 = arith.remsi %parallel_loop3A_857, %parallel_loop3A_858 : i32
        %parallel_loop3A_876 = arith.constant 0 : i32
        %parallel_loop3A_877 = arith.cmpi ne, %parallel_loop3A_875, %parallel_loop3A_876 : i32
        %parallel_loop3A_878 = arith.andi %parallel_loop3A_874, %parallel_loop3A_877 : i1
        %parallel_loop3A_879 = arith.constant 1 : i32
        %parallel_loop3A_880 = arith.subi %parallel_loop3A_859, %parallel_loop3A_879 : i32
        %parallel_loop3A_881 = arith.select %parallel_loop3A_878, %parallel_loop3A_880, %parallel_loop3A_859 : i32
        %parallel_loop3A_882 = arith.constant 0 : i32
        %parallel_loop3A_883 = arith.cmpi eq, %parallel_loop3A_881, %parallel_loop3A_882 : i32
        %parallel_loop3A_884 = arith.constant 1 : i32
        %parallel_loop3A_885 = arith.cmpi eq, %parallel_loop3A_881, %parallel_loop3A_884 : i32
        %parallel_loop3A_886 = arith.select %parallel_loop3A_885, %parallel_loop3A_686, %parallel_loop3A_689 : vector<16xf32>
        %parallel_loop3A_887 = arith.select %parallel_loop3A_883, %parallel_loop3A_683, %parallel_loop3A_886 : vector<16xf32>
        %parallel_loop3A_888 = arith.index_cast %parallel_loop3A_679 : i32 to index
        %parallel_loop3A_889 = arith.constant 64 : index
        %parallel_loop3A_890 = tpu.vector_load %arg18[%parallel_loop3A_888, %parallel_loop3A_889] {strides = array<i32>} : memref<80x96xf32, #tpu.memory_space<vmem>>, vector<16xf32>,
        %parallel_loop3A_891 = arith.mulf %parallel_loop3A_890, %parallel_loop3A_887 : vector<16xf32>
        %parallel_loop3A_892 = arith.index_cast %parallel_loop3A_679 : i32 to index
        %parallel_loop3A_893 = arith.constant 64 : index
        %parallel_loop3A_894 = tpu.vector_load %arg20[%parallel_loop3A_892, %parallel_loop3A_893] {strides = array<i32>} : memref<80x112xf32, #tpu.memory_space<vmem>>, vector<16xf32>,
        tpu.vector_store %arg20[%parallel_loop3A_892, %parallel_loop3A_893], %parallel_loop3A_891 {strides = array<i32>} : memref<80x112xf32, #tpu.memory_space<vmem>>, vector<16xf32>,
        %parallel_loop3A_895 = arith.constant 96 : i32
        %parallel_loop3A_896 = arith.muli %arg0, %parallel_loop3A_895 : i32
        %parallel_loop3A_897 = arith.constant 80 : i32
        %parallel_loop3A_898 = arith.addi %parallel_loop3A_896, %parallel_loop3A_897 : i32
        %parallel_loop3A_899 = arith.constant 64 : i32
        %parallel_loop3A_900 = arith.divsi %parallel_loop3A_898, %parallel_loop3A_899 : i32
        %parallel_loop3A_901 = arith.constant 0 : i32
        %parallel_loop3A_902 = arith.cmpi sgt, %parallel_loop3A_898, %parallel_loop3A_901 : i32
        %parallel_loop3A_903 = arith.extui %parallel_loop3A_902 : i1 to i32
        %parallel_loop3A_904 = arith.constant 0 : i32
        %parallel_loop3A_905 = arith.cmpi slt, %parallel_loop3A_898, %parallel_loop3A_904 : i32
        %parallel_loop3A_906 = arith.extui %parallel_loop3A_905 : i1 to i32
        %parallel_loop3A_907 = arith.subi %parallel_loop3A_903, %parallel_loop3A_906 : i32
        %parallel_loop3A_908 = arith.constant 0 : i32
        %parallel_loop3A_909 = arith.cmpi sgt, %parallel_loop3A_899, %parallel_loop3A_908 : i32
        %parallel_loop3A_910 = arith.extui %parallel_loop3A_909 : i1 to i32
        %parallel_loop3A_911 = arith.constant 0 : i32
        %parallel_loop3A_912 = arith.cmpi slt, %parallel_loop3A_899, %parallel_loop3A_911 : i32
        %parallel_loop3A_913 = arith.extui %parallel_loop3A_912 : i1 to i32
        %parallel_loop3A_914 = arith.subi %parallel_loop3A_910, %parallel_loop3A_913 : i32
        %parallel_loop3A_915 = arith.cmpi ne, %parallel_loop3A_907, %parallel_loop3A_914 : i32
        %parallel_loop3A_916 = arith.remsi %parallel_loop3A_898, %parallel_loop3A_899 : i32
        %parallel_loop3A_917 = arith.constant 0 : i32
        %parallel_loop3A_918 = arith.cmpi ne, %parallel_loop3A_916, %parallel_loop3A_917 : i32
        %parallel_loop3A_919 = arith.andi %parallel_loop3A_915, %parallel_loop3A_918 : i1
        %parallel_loop3A_920 = arith.constant 1 : i32
        %parallel_loop3A_921 = arith.subi %parallel_loop3A_900, %parallel_loop3A_920 : i32
        %parallel_loop3A_922 = arith.select %parallel_loop3A_919, %parallel_loop3A_921, %parallel_loop3A_900 : i32
        %parallel_loop3A_923 = arith.constant 0 : i32
        %parallel_loop3A_924 = arith.cmpi eq, %parallel_loop3A_922, %parallel_loop3A_923 : i32
        %parallel_loop3A_925 = arith.constant 1 : i32
        %parallel_loop3A_926 = arith.cmpi eq, %parallel_loop3A_922, %parallel_loop3A_925 : i32
        %parallel_loop3A_927 = arith.select %parallel_loop3A_926, %parallel_loop3A_686, %parallel_loop3A_689 : vector<16xf32>
        %parallel_loop3A_928 = arith.select %parallel_loop3A_924, %parallel_loop3A_683, %parallel_loop3A_927 : vector<16xf32>
        %parallel_loop3A_929 = arith.index_cast %parallel_loop3A_679 : i32 to index
        %parallel_loop3A_930 = arith.constant 80 : index
        %parallel_loop3A_931 = tpu.vector_load %arg18[%parallel_loop3A_929, %parallel_loop3A_930] {strides = array<i32>} : memref<80x96xf32, #tpu.memory_space<vmem>>, vector<16xf32>,
        %parallel_loop3A_932 = arith.mulf %parallel_loop3A_931, %parallel_loop3A_928 : vector<16xf32>
        %parallel_loop3A_933 = arith.index_cast %parallel_loop3A_679 : i32 to index
        %parallel_loop3A_934 = arith.constant 80 : index
        %parallel_loop3A_935 = tpu.vector_load %arg20[%parallel_loop3A_933, %parallel_loop3A_934] {strides = array<i32>} : memref<80x112xf32, #tpu.memory_space<vmem>>, vector<16xf32>,
        tpu.vector_store %arg20[%parallel_loop3A_933, %parallel_loop3A_934], %parallel_loop3A_932 {strides = array<i32>} : memref<80x112xf32, #tpu.memory_space<vmem>>, vector<16xf32>,
        %parallel_loop3A_936 = arith.constant 0 : i32
        %parallel_loop3A_937 = vector.broadcast %parallel_loop3A_936 : i32 to vector<16xi32>
        %parallel_loop3A_938 = arith.cmpi eq, %iota3A, %parallel_loop3A_937 : vector<16xi32>
        %parallel_loop3A_939 = arith.constant 1 : i32
        %parallel_loop3A_940 = vector.broadcast %parallel_loop3A_939 : i32 to vector<16xi32>
        %parallel_loop3A_941 = arith.cmpi eq, %iota3A, %parallel_loop3A_940 : vector<16xi32>
        %parallel_loop3A_942 = arith.constant 2 : i32
        %parallel_loop3A_943 = vector.broadcast %parallel_loop3A_942 : i32 to vector<16xi32>
        %parallel_loop3A_944 = arith.cmpi eq, %iota3A, %parallel_loop3A_943 : vector<16xi32>
        %parallel_loop3A_945 = arith.constant 0.000000e+00 : f32
        %parallel_loop3A_946 = vector.broadcast %parallel_loop3A_945 : f32 to vector<16xf32>
        %parallel_loop3A_947 = arith.select %parallel_loop3A_944, %parallel_loop3A_689, %parallel_loop3A_946 : vector<16xi1>, vector<16xf32>
        %parallel_loop3A_948 = arith.select %parallel_loop3A_941, %parallel_loop3A_686, %parallel_loop3A_947 : vector<16xi1>, vector<16xf32>
        %parallel_loop3A_949 = arith.select %parallel_loop3A_938, %parallel_loop3A_683, %parallel_loop3A_948 : vector<16xi1>, vector<16xf32>
        %parallel_loop3A_950 = arith.index_cast %parallel_loop3A_679 : i32 to index
        %parallel_loop3A_951 = arith.constant 96 : index
        %parallel_loop3A_952 = tpu.vector_load %arg20[%parallel_loop3A_950, %parallel_loop3A_951] {strides = array<i32>} : memref<80x112xf32, #tpu.memory_space<vmem>>, vector<16xf32>,
        tpu.vector_store %arg20[%parallel_loop3A_950, %parallel_loop3A_951], %parallel_loop3A_949 {strides = array<i32>} : memref<80x112xf32, #tpu.memory_space<vmem>>, vector<16xf32>,
      } {sc.loop_unroll_factor = 4 : i64, sc.parallel_access}
      %dma_start3A_676 = arith.constant 0 : i32
      %dma_start3A_677 = arith.constant 0 : i32
      %dma_start3A_678 = tpu.memref_slice %arg22[%dma_start3A_676, %dma_start3A_677] : memref<10000x112xf32, #tpu.memory_space<vmem_shared>> -> memref<10000x112xf32, #tpu.memory_space<vmem_shared>>
      tpu.enqueue_indirect_dma source(%arg20 : memref<80x112xf32, #tpu.memory_space<vmem>>) target(%dma_start3A_678 : memref<10000x112xf32, #tpu.memory_space<vmem_shared>>) offsets(%arg12 : memref<80xi32, #tpu.memory_space<vmem>>) semaphore(%arg28 : memref<!tpu.dma_semaphore, #tpu.memory_space<semaphore_mem>>) {add = true}
    }
    %scan3A_41 = arith.constant 125 : i32
    %dma_wait3A_42 = arith.constant 0 : i32
    %dma_wait3A_43 = arith.constant 0 : i32
    %dma_wait3A_44 = tpu.memref_slice %arg22[%dma_wait3A_42, %dma_wait3A_43] : memref<10000x112xf32, #tpu.memory_space<vmem_shared>> -> memref<10000x112xf32, #tpu.memory_space<vmem_shared>>
    tpu.wait_indirect_dma semaphore(%arg27 : memref<!tpu.dma_semaphore, #tpu.memory_space<semaphore_mem>>) src(%arg19 : memref<80x112xf32, #tpu.memory_space<vmem>>) dst(%dma_wait3A_44 : memref<10000x112xf32, #tpu.memory_space<vmem_shared>>)
    %dma_wait3A_45 = arith.constant 0 : i32
    %dma_wait3A_46 = arith.constant 0 : i32
    %dma_wait3A_47 = tpu.memref_slice %arg22[%dma_wait3A_45, %dma_wait3A_46] : memref<10000x112xf32, #tpu.memory_space<vmem_shared>> -> memref<10000x112xf32, #tpu.memory_space<vmem_shared>>
    tpu.wait_indirect_dma semaphore(%arg28 : memref<!tpu.dma_semaphore, #tpu.memory_space<semaphore_mem>>) src(%arg20 : memref<80x112xf32, #tpu.memory_space<vmem>>) dst(%dma_wait3A_47 : memref<10000x112xf32, #tpu.memory_space<vmem_shared>>)
    %barrier3A_48 = arith.constant 0 : index
    tpu.barrier barrier_id(%barrier3A_48)
    %lt3A_49 = arith.constant 10 : i32
    %lt3A_50 = arith.cmpi slt, %arg1, %lt3A_49 : i32
    %convert_element_type3A_51 = arith.extui %lt3A_50 : i1 to i32
    %cond3A_52 = arith.constant 0 : i32
    %cond3A_53 = arith.cmpi ne, %convert_element_type3A_51, %cond3A_52 : i32
    scf.if %cond3A_53 {
      %mul3A_54 = arith.constant 1000 : i32
      %mul3A_55 = arith.muli %arg1, %mul3A_54 : i32
      %mul3A_56 = arith.constant 1000 : i32
      %mul3A_57 = arith.muli %arg1, %mul3A_56 : i32
      "tpu.region"() ({
        %run_scoped3A = tpu.sem_alloc : memref<!tpu.dma_semaphore, #tpu.memory_space<semaphore_mem>>
        %dma_start3A_58 = arith.constant 0 : i32
        %dma_start3A_59 = arith.constant 0 : i32
        %dma_start3A_60 = tpu.memref_slice %arg6[%arg0, %dma_start3A_58, %dma_start3A_59] : memref<2x10000x112xf32, #tpu.memory_space<hbm>> -> memref<1x10000x112xf32, #tpu.memory_space<hbm>>
        %dma_start3A_61 = tpu.memref_squeeze %dma_start3A_60 : memref<1x10000x112xf32, #tpu.memory_space<hbm>> -> memref<10000x112xf32, #tpu.memory_space<hbm>>
        %dma_start3A_62 = arith.constant 0 : i32
        %dma_start3A_63 = tpu.memref_slice %dma_start3A_61[%mul3A_57, %dma_start3A_62] : memref<10000x112xf32, #tpu.memory_space<hbm>> -> memref<1000x112xf32, #tpu.memory_space<hbm>>
        %dma_start3A_64 = arith.constant 0 : i32
        %dma_start3A_65 = tpu.memref_slice %arg22[%mul3A_55, %dma_start3A_64] : memref<10000x112xf32, #tpu.memory_space<vmem_shared>> -> memref<1000x112xf32, #tpu.memory_space<vmem_shared>>
        tpu.enqueue_dma source(%dma_start3A_65 : memref<1000x112xf32, #tpu.memory_space<vmem_shared>>) target(%dma_start3A_63 : memref<1000x112xf32, #tpu.memory_space<hbm>>) target_semaphore(%run_scoped3A : memref<!tpu.dma_semaphore, #tpu.memory_space<semaphore_mem>>)
        %dma_wait3A_66 = arith.constant 0 : i32
        %dma_wait3A_67 = arith.constant 0 : i32
        %dma_wait3A_68 = tpu.memref_slice %arg6[%arg0, %dma_wait3A_66, %dma_wait3A_67] : memref<2x10000x112xf32, #tpu.memory_space<hbm>> -> memref<1x10000x112xf32, #tpu.memory_space<hbm>>
        %dma_wait3A_69 = tpu.memref_squeeze %dma_wait3A_68 : memref<1x10000x112xf32, #tpu.memory_space<hbm>> -> memref<10000x112xf32, #tpu.memory_space<hbm>>
        %dma_wait3A_70 = arith.constant 0 : i32
        %dma_wait3A_71 = tpu.memref_slice %dma_wait3A_69[%mul3A_57, %dma_wait3A_70] : memref<10000x112xf32, #tpu.memory_space<hbm>> -> memref<1000x112xf32, #tpu.memory_space<hbm>>
        %dma_wait3A_72 = arith.constant 0 : i32
        %dma_wait3A_73 = tpu.memref_slice %arg22[%mul3A_55, %dma_wait3A_72] : memref<10000x112xf32, #tpu.memory_space<vmem_shared>> -> memref<1000x112xf32, #tpu.memory_space<vmem_shared>>
        tpu.wait_dma2 semaphore(%run_scoped3A : memref<!tpu.dma_semaphore, #tpu.memory_space<semaphore_mem>>) src(%dma_wait3A_73 : memref<1000x112xf32, #tpu.memory_space<vmem_shared>>) dst(%dma_wait3A_71 : memref<1000x112xf32, #tpu.memory_space<hbm>>)
        tpu.yield
      }) : () -> ()
    } else {
    }
    return
  }
}

module attributes {stable_mosaic.version = 14 : i64} {
  func.func @_k_dense1(%arg0: i32, %arg1: memref<2000x128xf32, #tpu.memory_space<vmem>>, %arg2: memref<128x96xf32, #tpu.memory_space<vmem>>, %arg3: memref<128x96xf32, #tpu.memory_space<vmem>>, %arg4: memref<96x16xf32, #tpu.memory_space<vmem>>, %arg5: memref<96x16xf32, #tpu.memory_space<vmem>>, %arg6: memref<2x2000x96xf32, #tpu.memory_space<vmem>>, %arg7: memref<2000x16xf32, #tpu.memory_space<vmem>>) attributes {dimension_semantics = [#tpu.dimension_semantics<arbitrary>], iteration_bounds = array<i64: 5>, scalar_prefetch = 0 : i64, scratch_operands = 0 : i64, tpu.core_type = #tpu.core_type<tc>, window_params = [{transform_indices = @transform_0, window_bounds = array<i64: 2000, 128>}, {pipeline_mode = #tpu.pipeline_mode<synchronous>, transform_indices = @transform_1, window_bounds = array<i64: 128, 96>}, {pipeline_mode = #tpu.pipeline_mode<synchronous>, transform_indices = @transform_2, window_bounds = array<i64: 128, 96>}, {pipeline_mode = #tpu.pipeline_mode<synchronous>, transform_indices = @transform_3, window_bounds = array<i64: 96, 16>}, {pipeline_mode = #tpu.pipeline_mode<synchronous>, transform_indices = @transform_4, window_bounds = array<i64: 96, 16>}, {transform_indices = @transform_5, window_bounds = array<i64: 2, 2000, 96>}, {transform_indices = @transform_6, window_bounds = array<i64: 2000, 16>}]} {
    %get3A = arith.constant 0 : index
    %get3A_0 = arith.constant 0 : index
    %get3A_1 = vector.load %arg1[%get3A, %get3A_0] : memref<2000x128xf32, #tpu.memory_space<vmem>>, vector<2000x128xf32>
    %get3A_2 = arith.constant 0 : index
    %get3A_3 = arith.constant 0 : index
    %get3A_4 = vector.load %arg2[%get3A_2, %get3A_3] : memref<128x96xf32, #tpu.memory_space<vmem>>, vector<128x96xf32>
    %dot_general3A = arith.constant dense<0.000000e+00> : vector<2000x96xf32>
    %dot_general3A_5 = tpu.matmul %get3A_1, %get3A_4, %dot_general3A {dimension_numbers = #tpu.dot_dimension_numbers<[1], [0], [0], [1], [0, 0, 1, 1], [], []>, transpose_lhs_hint = false} : vector<2000x128xf32>, vector<128x96xf32>, vector<2000x96xf32> -> vector<2000x96xf32>
    %get3A_6 = arith.constant 0 : index
    %get3A_7 = arith.constant 0 : index
    %get3A_8 = vector.load %arg3[%get3A_6, %get3A_7] : memref<128x96xf32, #tpu.memory_space<vmem>>, vector<128x96xf32>
    %dot_general3A_9 = arith.constant dense<0.000000e+00> : vector<2000x96xf32>
    %dot_general3A_10 = tpu.matmul %get3A_1, %get3A_8, %dot_general3A_9 {dimension_numbers = #tpu.dot_dimension_numbers<[1], [0], [0], [1], [0, 0, 1, 1], [], []>, transpose_lhs_hint = false} : vector<2000x128xf32>, vector<128x96xf32>, vector<2000x96xf32> -> vector<2000x96xf32>
    %swap3A = arith.constant 0 : index
    %swap3A_11 = arith.constant 0 : index
    %swap3A_12 = arith.constant 0 : index
    %swap3A_13 = vector.load %arg6[%swap3A, %swap3A_11, %swap3A_12] : memref<2x2000x96xf32, #tpu.memory_space<vmem>>, vector<1x2000x96xf32>
    %swap3A_14 = vector.shape_cast %swap3A_13 : vector<1x2000x96xf32> to vector<2000x96xf32>
    %swap3A_15 = vector.shape_cast %dot_general3A_5 : vector<2000x96xf32> to vector<1x2000x96xf32>
    tpu.vector_store %arg6[%swap3A, %swap3A_11, %swap3A_12], %swap3A_15 {strides = array<i32>} : memref<2x2000x96xf32, #tpu.memory_space<vmem>>, vector<1x2000x96xf32>,
    %swap3A_16 = arith.constant 1 : index
    %swap3A_17 = arith.constant 0 : index
    %swap3A_18 = arith.constant 0 : index
    %swap3A_19 = vector.load %arg6[%swap3A_16, %swap3A_17, %swap3A_18] : memref<2x2000x96xf32, #tpu.memory_space<vmem>>, vector<1x2000x96xf32>
    %swap3A_20 = vector.shape_cast %swap3A_19 : vector<1x2000x96xf32> to vector<2000x96xf32>
    %swap3A_21 = vector.shape_cast %dot_general3A_10 : vector<2000x96xf32> to vector<1x2000x96xf32>
    tpu.vector_store %arg6[%swap3A_16, %swap3A_17, %swap3A_18], %swap3A_21 {strides = array<i32>} : memref<2x2000x96xf32, #tpu.memory_space<vmem>>, vector<1x2000x96xf32>,
    %get3A_22 = arith.constant 0 : index
    %get3A_23 = arith.constant 0 : index
    %get3A_24 = vector.load %arg4[%get3A_22, %get3A_23] : memref<96x16xf32, #tpu.memory_space<vmem>>, vector<96x16xf32>
    %dot_general3A_25 = arith.constant dense<0.000000e+00> : vector<2000x16xf32>
    %dot_general3A_26 = tpu.matmul %dot_general3A_5, %get3A_24, %dot_general3A_25 {dimension_numbers = #tpu.dot_dimension_numbers<[1], [0], [0], [1], [0, 0, 1, 1], [], []>, precision = #tpu.contract_precision<fp32>, transpose_lhs_hint = false} : vector<2000x96xf32>, vector<96x16xf32>, vector<2000x16xf32> -> vector<2000x16xf32>
    %get3A_27 = arith.constant 0 : index
    %get3A_28 = arith.constant 0 : index
    %get3A_29 = vector.load %arg5[%get3A_27, %get3A_28] : memref<96x16xf32, #tpu.memory_space<vmem>>, vector<96x16xf32>
    %dot_general3A_30 = arith.constant dense<0.000000e+00> : vector<2000x16xf32>
    %dot_general3A_31 = tpu.matmul %dot_general3A_10, %get3A_29, %dot_general3A_30 {dimension_numbers = #tpu.dot_dimension_numbers<[1], [0], [0], [1], [0, 0, 1, 1], [], []>, precision = #tpu.contract_precision<fp32>, transpose_lhs_hint = false} : vector<2000x96xf32>, vector<96x16xf32>, vector<2000x16xf32> -> vector<2000x16xf32>
    %add3A = arith.addf %dot_general3A_26, %dot_general3A_31 : vector<2000x16xf32>
    %swap3A_32 = arith.constant 0 : index
    %swap3A_33 = arith.constant 0 : index
    %swap3A_34 = vector.load %arg7[%swap3A_32, %swap3A_33] : memref<2000x16xf32, #tpu.memory_space<vmem>>, vector<2000x16xf32>
    tpu.vector_store %arg7[%swap3A_32, %swap3A_33], %add3A {strides = array<i32>} : memref<2000x16xf32, #tpu.memory_space<vmem>>, vector<2000x16xf32>,
    return
  }
  func.func @transform_0(%arg0: i32) -> (i32, i32) {
    %c0_i32 = arith.constant 0 : i32
    %c0_i32_0 = arith.constant 0 : i32
    return %arg0, %c0_i32 : i32, i32
  }
  func.func @transform_1(%arg0: i32) -> (i32, i32) {
    %c0_i32 = arith.constant 0 : i32
    %c0_i32_0 = arith.constant 0 : i32
    %c0_i32_1 = arith.constant 0 : i32
    return %c0_i32, %c0_i32_0 : i32, i32
  }
  func.func @transform_2(%arg0: i32) -> (i32, i32) {
    %c0_i32 = arith.constant 0 : i32
    %c0_i32_0 = arith.constant 0 : i32
    %c0_i32_1 = arith.constant 0 : i32
    return %c0_i32, %c0_i32_0 : i32, i32
  }
  func.func @transform_3(%arg0: i32) -> (i32, i32) {
    %c0_i32 = arith.constant 0 : i32
    %c0_i32_0 = arith.constant 0 : i32
    %c0_i32_1 = arith.constant 0 : i32
    return %c0_i32, %c0_i32_0 : i32, i32
  }
  func.func @transform_4(%arg0: i32) -> (i32, i32) {
    %c0_i32 = arith.constant 0 : i32
    %c0_i32_0 = arith.constant 0 : i32
    %c0_i32_1 = arith.constant 0 : i32
    return %c0_i32, %c0_i32_0 : i32, i32
  }
  func.func @transform_5(%arg0: i32) -> (i32, i32, i32) {
    %c0_i32 = arith.constant 0 : i32
    %c0_i32_0 = arith.constant 0 : i32
    %c0_i32_1 = arith.constant 0 : i32
    return %c0_i32, %arg0, %c0_i32_0 : i32, i32, i32
  }
  func.func @transform_6(%arg0: i32) -> (i32, i32) {
    %c0_i32 = arith.constant 0 : i32
    %c0_i32_0 = arith.constant 0 : i32
    return %arg0, %c0_i32 : i32, i32
  }
}

module attributes {stable_mosaic.version = 14 : i64} {
  func.func @_k_dense2(%arg0: i32, %arg1: memref<2000x112xf32, #tpu.memory_space<vmem>>, %arg2: memref<2000x112xf32, #tpu.memory_space<vmem>>, %arg3: memref<3x96xf32, #tpu.memory_space<vmem>>, %arg4: memref<3x96xf32, #tpu.memory_space<vmem>>, %arg5: memref<1x96xf32, #tpu.memory_space<vmem>>, %arg6: memref<1x96xf32, #tpu.memory_space<vmem>>, %arg7: memref<96x96xf32, #tpu.memory_space<vmem>>, %arg8: memref<96x96xf32, #tpu.memory_space<vmem>>, %arg9: memref<96x96xf32, #tpu.memory_space<vmem>>, %arg10: memref<96x96xf32, #tpu.memory_space<vmem>>, %arg11: memref<96x16xf32, #tpu.memory_space<vmem>>, %arg12: memref<96x16xf32, #tpu.memory_space<vmem>>, %arg13: memref<2x2000x96xf32, #tpu.memory_space<vmem>>, %arg14: memref<2000x16xf32, #tpu.memory_space<vmem>>) attributes {dimension_semantics = [#tpu.dimension_semantics<arbitrary>], iteration_bounds = array<i64: 5>, scalar_prefetch = 0 : i64, scratch_operands = 0 : i64, tpu.core_type = #tpu.core_type<tc>, window_params = [{transform_indices = @transform_0, window_bounds = array<i64: 2000, 112>}, {transform_indices = @transform_1, window_bounds = array<i64: 2000, 112>}, {pipeline_mode = #tpu.pipeline_mode<synchronous>, transform_indices = @transform_2, window_bounds = array<i64: 3, 96>}, {pipeline_mode = #tpu.pipeline_mode<synchronous>, transform_indices = @transform_3, window_bounds = array<i64: 3, 96>}, {pipeline_mode = #tpu.pipeline_mode<synchronous>, transform_indices = @transform_4, window_bounds = array<i64: 1, 96>}, {pipeline_mode = #tpu.pipeline_mode<synchronous>, transform_indices = @transform_5, window_bounds = array<i64: 1, 96>}, {pipeline_mode = #tpu.pipeline_mode<synchronous>, transform_indices = @transform_6, window_bounds = array<i64: 96, 96>}, {pipeline_mode = #tpu.pipeline_mode<synchronous>, transform_indices = @transform_7, window_bounds = array<i64: 96, 96>}, {pipeline_mode = #tpu.pipeline_mode<synchronous>, transform_indices = @transform_8, window_bounds = array<i64: 96, 96>}, {pipeline_mode = #tpu.pipeline_mode<synchronous>, transform_indices = @transform_9, window_bounds = array<i64: 96, 96>}, {pipeline_mode = #tpu.pipeline_mode<synchronous>, transform_indices = @transform_10, window_bounds = array<i64: 96, 16>}, {pipeline_mode = #tpu.pipeline_mode<synchronous>, transform_indices = @transform_11, window_bounds = array<i64: 96, 16>}, {transform_indices = @transform_12, window_bounds = array<i64: 2, 2000, 96>}, {transform_indices = @transform_13, window_bounds = array<i64: 2000, 16>}]} {
    %get3A = arith.constant 0 : index
    %get3A_0 = arith.constant 0 : index
    %get3A_1 = vector.load %arg1[%get3A, %get3A_0] : memref<2000x112xf32, #tpu.memory_space<vmem>>, vector<2000x112xf32>
    %slice3A = vector.extract_strided_slice %get3A_1 {offsets = [0, 0], sizes = [2000, 96], strides = [1, 1]} : vector<2000x112xf32> to vector<2000x96xf32>
    %get3A_2 = arith.constant 0 : index
    %get3A_3 = arith.constant 0 : index
    %get3A_4 = vector.load %arg1[%get3A_2, %get3A_3] : memref<2000x112xf32, #tpu.memory_space<vmem>>, vector<2000x112xf32>
    %slice3A_5 = vector.extract_strided_slice %get3A_4 {offsets = [0, 96], sizes = [2000, 3], strides = [1, 1]} : vector<2000x112xf32> to vector<2000x3xf32>
    %get3A_6 = arith.constant 0 : index
    %get3A_7 = arith.constant 0 : index
    %get3A_8 = vector.load %arg3[%get3A_6, %get3A_7] : memref<3x96xf32, #tpu.memory_space<vmem>>, vector<3x96xf32>
    %dot_general3A = arith.constant dense<0.000000e+00> : vector<2000x96xf32>
    %dot_general3A_9 = tpu.matmul %slice3A_5, %get3A_8, %dot_general3A {dimension_numbers = #tpu.dot_dimension_numbers<[1], [0], [0], [1], [0, 0, 1, 1], [], []>, precision = #tpu.contract_precision<fp32>, transpose_lhs_hint = false} : vector<2000x3xf32>, vector<3x96xf32>, vector<2000x96xf32> -> vector<2000x96xf32>
    %add3A = arith.constant 1.000000e-16 : f32
    %add3A_10 = vector.broadcast %add3A : f32 to vector<2000x96xf32>
    %add3A_11 = arith.addf %dot_general3A_9, %add3A_10 : vector<2000x96xf32>
    %div3A = arith.divf %slice3A, %add3A_11 : vector<2000x96xf32>
    %get3A_12 = arith.constant 0 : index
    %get3A_13 = arith.constant 0 : index
    %get3A_14 = vector.load %arg5[%get3A_12, %get3A_13] : memref<1x96xf32, #tpu.memory_space<vmem>>, vector<1x96xf32>
    %add3A_15 = vector.broadcast %get3A_14 : vector<1x96xf32> to vector<2000x96xf32>
    %add3A_16 = arith.addf %div3A, %add3A_15 : vector<2000x96xf32>
    %max3A = arith.constant 0.000000e+00 : f32
    %max3A_17 = vector.broadcast %max3A : f32 to vector<2000x96xf32>
    %max3A_18 = arith.maximumf %add3A_16, %max3A_17 : vector<2000x96xf32>
    %get3A_19 = arith.constant 0 : index
    %get3A_20 = arith.constant 0 : index
    %get3A_21 = vector.load %arg2[%get3A_19, %get3A_20] : memref<2000x112xf32, #tpu.memory_space<vmem>>, vector<2000x112xf32>
    %slice3A_22 = vector.extract_strided_slice %get3A_21 {offsets = [0, 0], sizes = [2000, 96], strides = [1, 1]} : vector<2000x112xf32> to vector<2000x96xf32>
    %get3A_23 = arith.constant 0 : index
    %get3A_24 = arith.constant 0 : index
    %get3A_25 = vector.load %arg2[%get3A_23, %get3A_24] : memref<2000x112xf32, #tpu.memory_space<vmem>>, vector<2000x112xf32>
    %slice3A_26 = vector.extract_strided_slice %get3A_25 {offsets = [0, 96], sizes = [2000, 3], strides = [1, 1]} : vector<2000x112xf32> to vector<2000x3xf32>
    %get3A_27 = arith.constant 0 : index
    %get3A_28 = arith.constant 0 : index
    %get3A_29 = vector.load %arg4[%get3A_27, %get3A_28] : memref<3x96xf32, #tpu.memory_space<vmem>>, vector<3x96xf32>
    %dot_general3A_30 = arith.constant dense<0.000000e+00> : vector<2000x96xf32>
    %dot_general3A_31 = tpu.matmul %slice3A_26, %get3A_29, %dot_general3A_30 {dimension_numbers = #tpu.dot_dimension_numbers<[1], [0], [0], [1], [0, 0, 1, 1], [], []>, precision = #tpu.contract_precision<fp32>, transpose_lhs_hint = false} : vector<2000x3xf32>, vector<3x96xf32>, vector<2000x96xf32> -> vector<2000x96xf32>
    %add3A_32 = arith.constant 1.000000e-16 : f32
    %add3A_33 = vector.broadcast %add3A_32 : f32 to vector<2000x96xf32>
    %add3A_34 = arith.addf %dot_general3A_31, %add3A_33 : vector<2000x96xf32>
    %div3A_35 = arith.divf %slice3A_22, %add3A_34 : vector<2000x96xf32>
    %get3A_36 = arith.constant 0 : index
    %get3A_37 = arith.constant 0 : index
    %get3A_38 = vector.load %arg6[%get3A_36, %get3A_37] : memref<1x96xf32, #tpu.memory_space<vmem>>, vector<1x96xf32>
    %add3A_39 = vector.broadcast %get3A_38 : vector<1x96xf32> to vector<2000x96xf32>
    %add3A_40 = arith.addf %div3A_35, %add3A_39 : vector<2000x96xf32>
    %max3A_41 = arith.constant 0.000000e+00 : f32
    %max3A_42 = vector.broadcast %max3A_41 : f32 to vector<2000x96xf32>
    %max3A_43 = arith.maximumf %add3A_40, %max3A_42 : vector<2000x96xf32>
    %get3A_44 = arith.constant 0 : index
    %get3A_45 = arith.constant 0 : index
    %get3A_46 = vector.load %arg7[%get3A_44, %get3A_45] : memref<96x96xf32, #tpu.memory_space<vmem>>, vector<96x96xf32>
    %dot_general3A_47 = arith.constant dense<0.000000e+00> : vector<2000x96xf32>
    %dot_general3A_48 = tpu.matmul %max3A_18, %get3A_46, %dot_general3A_47 {dimension_numbers = #tpu.dot_dimension_numbers<[1], [0], [0], [1], [0, 0, 1, 1], [], []>, transpose_lhs_hint = false} : vector<2000x96xf32>, vector<96x96xf32>, vector<2000x96xf32> -> vector<2000x96xf32>
    %get3A_49 = arith.constant 0 : index
    %get3A_50 = arith.constant 0 : index
    %get3A_51 = vector.load %arg8[%get3A_49, %get3A_50] : memref<96x96xf32, #tpu.memory_space<vmem>>, vector<96x96xf32>
    %dot_general3A_52 = arith.constant dense<0.000000e+00> : vector<2000x96xf32>
    %dot_general3A_53 = tpu.matmul %max3A_43, %get3A_51, %dot_general3A_52 {dimension_numbers = #tpu.dot_dimension_numbers<[1], [0], [0], [1], [0, 0, 1, 1], [], []>, transpose_lhs_hint = false} : vector<2000x96xf32>, vector<96x96xf32>, vector<2000x96xf32> -> vector<2000x96xf32>
    %add3A_54 = arith.addf %dot_general3A_48, %dot_general3A_53 : vector<2000x96xf32>
    %get3A_55 = arith.constant 0 : index
    %get3A_56 = arith.constant 0 : index
    %get3A_57 = vector.load %arg9[%get3A_55, %get3A_56] : memref<96x96xf32, #tpu.memory_space<vmem>>, vector<96x96xf32>
    %dot_general3A_58 = arith.constant dense<0.000000e+00> : vector<2000x96xf32>
    %dot_general3A_59 = tpu.matmul %max3A_18, %get3A_57, %dot_general3A_58 {dimension_numbers = #tpu.dot_dimension_numbers<[1], [0], [0], [1], [0, 0, 1, 1], [], []>, transpose_lhs_hint = false} : vector<2000x96xf32>, vector<96x96xf32>, vector<2000x96xf32> -> vector<2000x96xf32>
    %get3A_60 = arith.constant 0 : index
    %get3A_61 = arith.constant 0 : index
    %get3A_62 = vector.load %arg10[%get3A_60, %get3A_61] : memref<96x96xf32, #tpu.memory_space<vmem>>, vector<96x96xf32>
    %dot_general3A_63 = arith.constant dense<0.000000e+00> : vector<2000x96xf32>
    %dot_general3A_64 = tpu.matmul %max3A_43, %get3A_62, %dot_general3A_63 {dimension_numbers = #tpu.dot_dimension_numbers<[1], [0], [0], [1], [0, 0, 1, 1], [], []>, transpose_lhs_hint = false} : vector<2000x96xf32>, vector<96x96xf32>, vector<2000x96xf32> -> vector<2000x96xf32>
    %add3A_65 = arith.addf %dot_general3A_59, %dot_general3A_64 : vector<2000x96xf32>
    %swap3A = arith.constant 0 : index
    %swap3A_66 = arith.constant 0 : index
    %swap3A_67 = arith.constant 0 : index
    %swap3A_68 = vector.load %arg13[%swap3A, %swap3A_66, %swap3A_67] : memref<2x2000x96xf32, #tpu.memory_space<vmem>>, vector<1x2000x96xf32>
    %swap3A_69 = vector.shape_cast %swap3A_68 : vector<1x2000x96xf32> to vector<2000x96xf32>
    %swap3A_70 = vector.shape_cast %add3A_54 : vector<2000x96xf32> to vector<1x2000x96xf32>
    tpu.vector_store %arg13[%swap3A, %swap3A_66, %swap3A_67], %swap3A_70 {strides = array<i32>} : memref<2x2000x96xf32, #tpu.memory_space<vmem>>, vector<1x2000x96xf32>,
    %swap3A_71 = arith.constant 1 : index
    %swap3A_72 = arith.constant 0 : index
    %swap3A_73 = arith.constant 0 : index
    %swap3A_74 = vector.load %arg13[%swap3A_71, %swap3A_72, %swap3A_73] : memref<2x2000x96xf32, #tpu.memory_space<vmem>>, vector<1x2000x96xf32>
    %swap3A_75 = vector.shape_cast %swap3A_74 : vector<1x2000x96xf32> to vector<2000x96xf32>
    %swap3A_76 = vector.shape_cast %add3A_65 : vector<2000x96xf32> to vector<1x2000x96xf32>
    tpu.vector_store %arg13[%swap3A_71, %swap3A_72, %swap3A_73], %swap3A_76 {strides = array<i32>} : memref<2x2000x96xf32, #tpu.memory_space<vmem>>, vector<1x2000x96xf32>,
    %get3A_77 = arith.constant 0 : index
    %get3A_78 = arith.constant 0 : index
    %get3A_79 = vector.load %arg11[%get3A_77, %get3A_78] : memref<96x16xf32, #tpu.memory_space<vmem>>, vector<96x16xf32>
    %dot_general3A_80 = arith.constant dense<0.000000e+00> : vector<2000x16xf32>
    %dot_general3A_81 = tpu.matmul %add3A_54, %get3A_79, %dot_general3A_80 {dimension_numbers = #tpu.dot_dimension_numbers<[1], [0], [0], [1], [0, 0, 1, 1], [], []>, precision = #tpu.contract_precision<fp32>, transpose_lhs_hint = false} : vector<2000x96xf32>, vector<96x16xf32>, vector<2000x16xf32> -> vector<2000x16xf32>
    %get3A_82 = arith.constant 0 : index
    %get3A_83 = arith.constant 0 : index
    %get3A_84 = vector.load %arg12[%get3A_82, %get3A_83] : memref<96x16xf32, #tpu.memory_space<vmem>>, vector<96x16xf32>
    %dot_general3A_85 = arith.constant dense<0.000000e+00> : vector<2000x16xf32>
    %dot_general3A_86 = tpu.matmul %add3A_65, %get3A_84, %dot_general3A_85 {dimension_numbers = #tpu.dot_dimension_numbers<[1], [0], [0], [1], [0, 0, 1, 1], [], []>, precision = #tpu.contract_precision<fp32>, transpose_lhs_hint = false} : vector<2000x96xf32>, vector<96x16xf32>, vector<2000x16xf32> -> vector<2000x16xf32>
    %add3A_87 = arith.addf %dot_general3A_81, %dot_general3A_86 : vector<2000x16xf32>
    %swap3A_88 = arith.constant 0 : index
    %swap3A_89 = arith.constant 0 : index
    %swap3A_90 = vector.load %arg14[%swap3A_88, %swap3A_89] : memref<2000x16xf32, #tpu.memory_space<vmem>>, vector<2000x16xf32>
    tpu.vector_store %arg14[%swap3A_88, %swap3A_89], %add3A_87 {strides = array<i32>} : memref<2000x16xf32, #tpu.memory_space<vmem>>, vector<2000x16xf32>,
    return
  }
  func.func @transform_0(%arg0: i32) -> (i32, i32) {
    %c0_i32 = arith.constant 0 : i32
    %c0_i32_0 = arith.constant 0 : i32
    return %arg0, %c0_i32 : i32, i32
  }
  func.func @transform_1(%arg0: i32) -> (i32, i32) {
    %c0_i32 = arith.constant 0 : i32
    %c0_i32_0 = arith.constant 0 : i32
    return %arg0, %c0_i32 : i32, i32
  }
  func.func @transform_2(%arg0: i32) -> (i32, i32) {
    %c0_i32 = arith.constant 0 : i32
    %c0_i32_0 = arith.constant 0 : i32
    %c0_i32_1 = arith.constant 0 : i32
    return %c0_i32, %c0_i32_0 : i32, i32
  }
  func.func @transform_3(%arg0: i32) -> (i32, i32) {
    %c0_i32 = arith.constant 0 : i32
    %c0_i32_0 = arith.constant 0 : i32
    %c0_i32_1 = arith.constant 0 : i32
    return %c0_i32, %c0_i32_0 : i32, i32
  }
  func.func @transform_4(%arg0: i32) -> (i32, i32) {
    %c0_i32 = arith.constant 0 : i32
    %c0_i32_0 = arith.constant 0 : i32
    %c0_i32_1 = arith.constant 0 : i32
    return %c0_i32, %c0_i32_0 : i32, i32
  }
  func.func @transform_5(%arg0: i32) -> (i32, i32) {
    %c0_i32 = arith.constant 0 : i32
    %c0_i32_0 = arith.constant 0 : i32
    %c0_i32_1 = arith.constant 0 : i32
    return %c0_i32, %c0_i32_0 : i32, i32
  }
  func.func @transform_6(%arg0: i32) -> (i32, i32) {
    %c0_i32 = arith.constant 0 : i32
    %c0_i32_0 = arith.constant 0 : i32
    %c0_i32_1 = arith.constant 0 : i32
    return %c0_i32, %c0_i32_0 : i32, i32
  }
  func.func @transform_7(%arg0: i32) -> (i32, i32) {
    %c0_i32 = arith.constant 0 : i32
    %c0_i32_0 = arith.constant 0 : i32
    %c0_i32_1 = arith.constant 0 : i32
    return %c0_i32, %c0_i32_0 : i32, i32
  }
  func.func @transform_8(%arg0: i32) -> (i32, i32) {
    %c0_i32 = arith.constant 0 : i32
    %c0_i32_0 = arith.constant 0 : i32
    %c0_i32_1 = arith.constant 0 : i32
    return %c0_i32, %c0_i32_0 : i32, i32
  }
  func.func @transform_9(%arg0: i32) -> (i32, i32) {
    %c0_i32 = arith.constant 0 : i32
    %c0_i32_0 = arith.constant 0 : i32
    %c0_i32_1 = arith.constant 0 : i32
    return %c0_i32, %c0_i32_0 : i32, i32
  }
  func.func @transform_10(%arg0: i32) -> (i32, i32) {
    %c0_i32 = arith.constant 0 : i32
    %c0_i32_0 = arith.constant 0 : i32
    %c0_i32_1 = arith.constant 0 : i32
    return %c0_i32, %c0_i32_0 : i32, i32
  }
  func.func @transform_11(%arg0: i32) -> (i32, i32) {
    %c0_i32 = arith.constant 0 : i32
    %c0_i32_0 = arith.constant 0 : i32
    %c0_i32_1 = arith.constant 0 : i32
    return %c0_i32, %c0_i32_0 : i32, i32
  }
  func.func @transform_12(%arg0: i32) -> (i32, i32, i32) {
    %c0_i32 = arith.constant 0 : i32
    %c0_i32_0 = arith.constant 0 : i32
    %c0_i32_1 = arith.constant 0 : i32
    return %c0_i32, %arg0, %c0_i32_0 : i32, i32, i32
  }
  func.func @transform_13(%arg0: i32) -> (i32, i32) {
    %c0_i32 = arith.constant 0 : i32
    %c0_i32_0 = arith.constant 0 : i32
    return %arg0, %c0_i32 : i32, i32
  }
}

module attributes {stable_mosaic.version = 14 : i64} {
  func.func @_k_heads(%arg0: i32, %arg1: memref<2000x112xf32, #tpu.memory_space<vmem>>, %arg2: memref<2000x112xf32, #tpu.memory_space<vmem>>, %arg3: memref<3x96xf32, #tpu.memory_space<vmem>>, %arg4: memref<3x96xf32, #tpu.memory_space<vmem>>, %arg5: memref<1x96xf32, #tpu.memory_space<vmem>>, %arg6: memref<1x96xf32, #tpu.memory_space<vmem>>, %arg7: memref<96x128xf32, #tpu.memory_space<vmem>>, %arg8: memref<96x128xf32, #tpu.memory_space<vmem>>, %arg9: memref<1x128xf32, #tpu.memory_space<vmem>>, %arg10: memref<128x192xf32, #tpu.memory_space<vmem>>, %arg11: memref<1x192xf32, #tpu.memory_space<vmem>>, %arg12: memref<192x8xf32, #tpu.memory_space<vmem>>, %arg13: memref<1x8xf32, #tpu.memory_space<vmem>>, %arg14: memref<2000x8xf32, #tpu.memory_space<vmem>>) attributes {dimension_semantics = [#tpu.dimension_semantics<arbitrary>], iteration_bounds = array<i64: 5>, scalar_prefetch = 0 : i64, scratch_operands = 0 : i64, tpu.core_type = #tpu.core_type<tc>, window_params = [{transform_indices = @transform_0, window_bounds = array<i64: 2000, 112>}, {transform_indices = @transform_1, window_bounds = array<i64: 2000, 112>}, {pipeline_mode = #tpu.pipeline_mode<synchronous>, transform_indices = @transform_2, window_bounds = array<i64: 3, 96>}, {pipeline_mode = #tpu.pipeline_mode<synchronous>, transform_indices = @transform_3, window_bounds = array<i64: 3, 96>}, {pipeline_mode = #tpu.pipeline_mode<synchronous>, transform_indices = @transform_4, window_bounds = array<i64: 1, 96>}, {pipeline_mode = #tpu.pipeline_mode<synchronous>, transform_indices = @transform_5, window_bounds = array<i64: 1, 96>}, {pipeline_mode = #tpu.pipeline_mode<synchronous>, transform_indices = @transform_6, window_bounds = array<i64: 96, 128>}, {pipeline_mode = #tpu.pipeline_mode<synchronous>, transform_indices = @transform_7, window_bounds = array<i64: 96, 128>}, {pipeline_mode = #tpu.pipeline_mode<synchronous>, transform_indices = @transform_8, window_bounds = array<i64: 1, 128>}, {pipeline_mode = #tpu.pipeline_mode<synchronous>, transform_indices = @transform_9, window_bounds = array<i64: 128, 192>}, {pipeline_mode = #tpu.pipeline_mode<synchronous>, transform_indices = @transform_10, window_bounds = array<i64: 1, 192>}, {pipeline_mode = #tpu.pipeline_mode<synchronous>, transform_indices = @transform_11, window_bounds = array<i64: 192, 8>}, {pipeline_mode = #tpu.pipeline_mode<synchronous>, transform_indices = @transform_12, window_bounds = array<i64: 1, 8>}, {transform_indices = @transform_13, window_bounds = array<i64: 2000, 8>}]} {
    %get3A = arith.constant 0 : index
    %get3A_0 = arith.constant 0 : index
    %get3A_1 = vector.load %arg1[%get3A, %get3A_0] : memref<2000x112xf32, #tpu.memory_space<vmem>>, vector<2000x112xf32>
    %slice3A = vector.extract_strided_slice %get3A_1 {offsets = [0, 0], sizes = [2000, 96], strides = [1, 1]} : vector<2000x112xf32> to vector<2000x96xf32>
    %get3A_2 = arith.constant 0 : index
    %get3A_3 = arith.constant 0 : index
    %get3A_4 = vector.load %arg1[%get3A_2, %get3A_3] : memref<2000x112xf32, #tpu.memory_space<vmem>>, vector<2000x112xf32>
    %slice3A_5 = vector.extract_strided_slice %get3A_4 {offsets = [0, 96], sizes = [2000, 3], strides = [1, 1]} : vector<2000x112xf32> to vector<2000x3xf32>
    %get3A_6 = arith.constant 0 : index
    %get3A_7 = arith.constant 0 : index
    %get3A_8 = vector.load %arg3[%get3A_6, %get3A_7] : memref<3x96xf32, #tpu.memory_space<vmem>>, vector<3x96xf32>
    %dot_general3A = arith.constant dense<0.000000e+00> : vector<2000x96xf32>
    %dot_general3A_9 = tpu.matmul %slice3A_5, %get3A_8, %dot_general3A {dimension_numbers = #tpu.dot_dimension_numbers<[1], [0], [0], [1], [0, 0, 1, 1], [], []>, precision = #tpu.contract_precision<fp32>, transpose_lhs_hint = false} : vector<2000x3xf32>, vector<3x96xf32>, vector<2000x96xf32> -> vector<2000x96xf32>
    %add3A = arith.constant 1.000000e-16 : f32
    %add3A_10 = vector.broadcast %add3A : f32 to vector<2000x96xf32>
    %add3A_11 = arith.addf %dot_general3A_9, %add3A_10 : vector<2000x96xf32>
    %div3A = arith.divf %slice3A, %add3A_11 : vector<2000x96xf32>
    %get3A_12 = arith.constant 0 : index
    %get3A_13 = arith.constant 0 : index
    %get3A_14 = vector.load %arg5[%get3A_12, %get3A_13] : memref<1x96xf32, #tpu.memory_space<vmem>>, vector<1x96xf32>
    %add3A_15 = vector.broadcast %get3A_14 : vector<1x96xf32> to vector<2000x96xf32>
    %add3A_16 = arith.addf %div3A, %add3A_15 : vector<2000x96xf32>
    %get3A_17 = arith.constant 0 : index
    %get3A_18 = arith.constant 0 : index
    %get3A_19 = vector.load %arg2[%get3A_17, %get3A_18] : memref<2000x112xf32, #tpu.memory_space<vmem>>, vector<2000x112xf32>
    %slice3A_20 = vector.extract_strided_slice %get3A_19 {offsets = [0, 0], sizes = [2000, 96], strides = [1, 1]} : vector<2000x112xf32> to vector<2000x96xf32>
    %get3A_21 = arith.constant 0 : index
    %get3A_22 = arith.constant 0 : index
    %get3A_23 = vector.load %arg2[%get3A_21, %get3A_22] : memref<2000x112xf32, #tpu.memory_space<vmem>>, vector<2000x112xf32>
    %slice3A_24 = vector.extract_strided_slice %get3A_23 {offsets = [0, 96], sizes = [2000, 3], strides = [1, 1]} : vector<2000x112xf32> to vector<2000x3xf32>
    %get3A_25 = arith.constant 0 : index
    %get3A_26 = arith.constant 0 : index
    %get3A_27 = vector.load %arg4[%get3A_25, %get3A_26] : memref<3x96xf32, #tpu.memory_space<vmem>>, vector<3x96xf32>
    %dot_general3A_28 = arith.constant dense<0.000000e+00> : vector<2000x96xf32>
    %dot_general3A_29 = tpu.matmul %slice3A_24, %get3A_27, %dot_general3A_28 {dimension_numbers = #tpu.dot_dimension_numbers<[1], [0], [0], [1], [0, 0, 1, 1], [], []>, precision = #tpu.contract_precision<fp32>, transpose_lhs_hint = false} : vector<2000x3xf32>, vector<3x96xf32>, vector<2000x96xf32> -> vector<2000x96xf32>
    %add3A_30 = arith.constant 1.000000e-16 : f32
    %add3A_31 = vector.broadcast %add3A_30 : f32 to vector<2000x96xf32>
    %add3A_32 = arith.addf %dot_general3A_29, %add3A_31 : vector<2000x96xf32>
    %div3A_33 = arith.divf %slice3A_20, %add3A_32 : vector<2000x96xf32>
    %get3A_34 = arith.constant 0 : index
    %get3A_35 = arith.constant 0 : index
    %get3A_36 = vector.load %arg6[%get3A_34, %get3A_35] : memref<1x96xf32, #tpu.memory_space<vmem>>, vector<1x96xf32>
    %add3A_37 = vector.broadcast %get3A_36 : vector<1x96xf32> to vector<2000x96xf32>
    %add3A_38 = arith.addf %div3A_33, %add3A_37 : vector<2000x96xf32>
    %get3A_39 = arith.constant 0 : index
    %get3A_40 = arith.constant 0 : index
    %get3A_41 = vector.load %arg7[%get3A_39, %get3A_40] : memref<96x128xf32, #tpu.memory_space<vmem>>, vector<96x128xf32>
    %dot_general3A_42 = arith.constant dense<0.000000e+00> : vector<2000x128xf32>
    %dot_general3A_43 = tpu.matmul %add3A_16, %get3A_41, %dot_general3A_42 {dimension_numbers = #tpu.dot_dimension_numbers<[1], [0], [0], [1], [0, 0, 1, 1], [], []>, transpose_lhs_hint = false} : vector<2000x96xf32>, vector<96x128xf32>, vector<2000x128xf32> -> vector<2000x128xf32>
    %get3A_44 = arith.constant 0 : index
    %get3A_45 = arith.constant 0 : index
    %get3A_46 = vector.load %arg8[%get3A_44, %get3A_45] : memref<96x128xf32, #tpu.memory_space<vmem>>, vector<96x128xf32>
    %dot_general3A_47 = arith.constant dense<0.000000e+00> : vector<2000x128xf32>
    %dot_general3A_48 = tpu.matmul %add3A_38, %get3A_46, %dot_general3A_47 {dimension_numbers = #tpu.dot_dimension_numbers<[1], [0], [0], [1], [0, 0, 1, 1], [], []>, transpose_lhs_hint = false} : vector<2000x96xf32>, vector<96x128xf32>, vector<2000x128xf32> -> vector<2000x128xf32>
    %add3A_49 = arith.addf %dot_general3A_43, %dot_general3A_48 : vector<2000x128xf32>
    %get3A_50 = arith.constant 0 : index
    %get3A_51 = arith.constant 0 : index
    %get3A_52 = vector.load %arg9[%get3A_50, %get3A_51] : memref<1x128xf32, #tpu.memory_space<vmem>>, vector<1x128xf32>
    %add3A_53 = vector.broadcast %get3A_52 : vector<1x128xf32> to vector<2000x128xf32>
    %add3A_54 = arith.addf %add3A_49, %add3A_53 : vector<2000x128xf32>
    %gt3A = arith.constant 0.000000e+00 : f32
    %gt3A_55 = vector.broadcast %gt3A : f32 to vector<2000x128xf32>
    %gt3A_56 = arith.cmpf ogt, %add3A_54, %gt3A_55 : vector<2000x128xf32>
    %min3A = arith.constant 0.000000e+00 : f32
    %min3A_57 = vector.broadcast %min3A : f32 to vector<2000x128xf32>
    %min3A_58 = arith.minimumf %add3A_54, %min3A_57 : vector<2000x128xf32>
    %exp3A = math.exp %min3A_58 : vector<2000x128xf32>
    %sub3A = arith.constant 1.000000e+00 : f32
    %sub3A_59 = vector.broadcast %sub3A : f32 to vector<2000x128xf32>
    %sub3A_60 = arith.subf %exp3A, %sub3A_59 : vector<2000x128xf32>
    %select_n3A = arith.select %gt3A_56, %add3A_54, %sub3A_60 : vector<2000x128xi1>, vector<2000x128xf32>
    %get3A_61 = arith.constant 0 : index
    %get3A_62 = arith.constant 0 : index
    %get3A_63 = vector.load %arg10[%get3A_61, %get3A_62] : memref<128x192xf32, #tpu.memory_space<vmem>>, vector<128x192xf32>
    %dot_general3A_64 = arith.constant dense<0.000000e+00> : vector<2000x192xf32>
    %dot_general3A_65 = tpu.matmul %select_n3A, %get3A_63, %dot_general3A_64 {dimension_numbers = #tpu.dot_dimension_numbers<[1], [0], [0], [1], [0, 0, 1, 1], [], []>, transpose_lhs_hint = false} : vector<2000x128xf32>, vector<128x192xf32>, vector<2000x192xf32> -> vector<2000x192xf32>
    %get3A_66 = arith.constant 0 : index
    %get3A_67 = arith.constant 0 : index
    %get3A_68 = vector.load %arg11[%get3A_66, %get3A_67] : memref<1x192xf32, #tpu.memory_space<vmem>>, vector<1x192xf32>
    %add3A_69 = vector.broadcast %get3A_68 : vector<1x192xf32> to vector<2000x192xf32>
    %add3A_70 = arith.addf %dot_general3A_65, %add3A_69 : vector<2000x192xf32>
    %max3A = arith.constant 0.000000e+00 : f32
    %max3A_71 = vector.broadcast %max3A : f32 to vector<2000x192xf32>
    %max3A_72 = arith.maximumf %add3A_70, %max3A_71 : vector<2000x192xf32>
    %get3A_73 = arith.constant 0 : index
    %get3A_74 = arith.constant 0 : index
    %get3A_75 = vector.load %arg12[%get3A_73, %get3A_74] : memref<192x8xf32, #tpu.memory_space<vmem>>, vector<192x8xf32>
    %dot_general3A_76 = arith.constant dense<0.000000e+00> : vector<2000x8xf32>
    %dot_general3A_77 = tpu.matmul %max3A_72, %get3A_75, %dot_general3A_76 {dimension_numbers = #tpu.dot_dimension_numbers<[1], [0], [0], [1], [0, 0, 1, 1], [], []>, transpose_lhs_hint = false} : vector<2000x192xf32>, vector<192x8xf32>, vector<2000x8xf32> -> vector<2000x8xf32>
    %get3A_78 = arith.constant 0 : index
    %get3A_79 = arith.constant 0 : index
    %get3A_80 = vector.load %arg13[%get3A_78, %get3A_79] : memref<1x8xf32, #tpu.memory_space<vmem>>, vector<1x8xf32>
    %add3A_81 = vector.broadcast %get3A_80 : vector<1x8xf32> to vector<2000x8xf32>
    %add3A_82 = arith.addf %dot_general3A_77, %add3A_81 : vector<2000x8xf32>
    %swap3A = arith.constant 0 : index
    %swap3A_83 = arith.constant 0 : index
    %swap3A_84 = vector.load %arg14[%swap3A, %swap3A_83] : memref<2000x8xf32, #tpu.memory_space<vmem>>, vector<2000x8xf32>
    tpu.vector_store %arg14[%swap3A, %swap3A_83], %add3A_82 {strides = array<i32>} : memref<2000x8xf32, #tpu.memory_space<vmem>>, vector<2000x8xf32>,
    return
  }
  func.func @transform_0(%arg0: i32) -> (i32, i32) {
    %c0_i32 = arith.constant 0 : i32
    %c0_i32_0 = arith.constant 0 : i32
    return %arg0, %c0_i32 : i32, i32
  }
  func.func @transform_1(%arg0: i32) -> (i32, i32) {
    %c0_i32 = arith.constant 0 : i32
    %c0_i32_0 = arith.constant 0 : i32
    return %arg0, %c0_i32 : i32, i32
  }
  func.func @transform_2(%arg0: i32) -> (i32, i32) {
    %c0_i32 = arith.constant 0 : i32
    %c0_i32_0 = arith.constant 0 : i32
    %c0_i32_1 = arith.constant 0 : i32
    return %c0_i32, %c0_i32_0 : i32, i32
  }
  func.func @transform_3(%arg0: i32) -> (i32, i32) {
    %c0_i32 = arith.constant 0 : i32
    %c0_i32_0 = arith.constant 0 : i32
    %c0_i32_1 = arith.constant 0 : i32
    return %c0_i32, %c0_i32_0 : i32, i32
  }
  func.func @transform_4(%arg0: i32) -> (i32, i32) {
    %c0_i32 = arith.constant 0 : i32
    %c0_i32_0 = arith.constant 0 : i32
    %c0_i32_1 = arith.constant 0 : i32
    return %c0_i32, %c0_i32_0 : i32, i32
  }
  func.func @transform_5(%arg0: i32) -> (i32, i32) {
    %c0_i32 = arith.constant 0 : i32
    %c0_i32_0 = arith.constant 0 : i32
    %c0_i32_1 = arith.constant 0 : i32
    return %c0_i32, %c0_i32_0 : i32, i32
  }
  func.func @transform_6(%arg0: i32) -> (i32, i32) {
    %c0_i32 = arith.constant 0 : i32
    %c0_i32_0 = arith.constant 0 : i32
    %c0_i32_1 = arith.constant 0 : i32
    return %c0_i32, %c0_i32_0 : i32, i32
  }
  func.func @transform_7(%arg0: i32) -> (i32, i32) {
    %c0_i32 = arith.constant 0 : i32
    %c0_i32_0 = arith.constant 0 : i32
    %c0_i32_1 = arith.constant 0 : i32
    return %c0_i32, %c0_i32_0 : i32, i32
  }
  func.func @transform_8(%arg0: i32) -> (i32, i32) {
    %c0_i32 = arith.constant 0 : i32
    %c0_i32_0 = arith.constant 0 : i32
    %c0_i32_1 = arith.constant 0 : i32
    return %c0_i32, %c0_i32_0 : i32, i32
  }
  func.func @transform_9(%arg0: i32) -> (i32, i32) {
    %c0_i32 = arith.constant 0 : i32
    %c0_i32_0 = arith.constant 0 : i32
    %c0_i32_1 = arith.constant 0 : i32
    return %c0_i32, %c0_i32_0 : i32, i32
  }
  func.func @transform_10(%arg0: i32) -> (i32, i32) {
    %c0_i32 = arith.constant 0 : i32
    %c0_i32_0 = arith.constant 0 : i32
    %c0_i32_1 = arith.constant 0 : i32
    return %c0_i32, %c0_i32_0 : i32, i32
  }
  func.func @transform_11(%arg0: i32) -> (i32, i32) {
    %c0_i32 = arith.constant 0 : i32
    %c0_i32_0 = arith.constant 0 : i32
    %c0_i32_1 = arith.constant 0 : i32
    return %c0_i32, %c0_i32_0 : i32, i32
  }
  func.func @transform_12(%arg0: i32) -> (i32, i32) {
    %c0_i32 = arith.constant 0 : i32
    %c0_i32_0 = arith.constant 0 : i32
    %c0_i32_1 = arith.constant 0 : i32
    return %c0_i32, %c0_i32_0 : i32, i32
  }
  func.func @transform_13(%arg0: i32) -> (i32, i32) {
    %c0_i32 = arith.constant 0 : i32
    %c0_i32_0 = arith.constant 0 : i32
    return %arg0, %c0_i32 : i32, i32
  }
}

</mosaic_0001>

<sc_bundles>
// kernel: kernel.10.cloned.1.call-start
scs
__scs_entry_jumppad:
0x0: {  	(pc) =	sbr.rel $0x88, $3  }
0x1: {  	(tag) =	ssettag $0x0;
	lr =	simm.s32 $0x1  }
0x2: {  	[smem:$0x3F88] =	sst lr;
	_ =	strace $0xD0000000  }
0x3: {  	_ = 	snop  }
0x4: {  	_ = 	snop  }
0x5: {  	_ = 	snop  }
0x6: {  	_ = 	snop  }
0x7: {  	_ = 	snop  }
__scs_overlays_trampoline_lowered:
0x8: {  	[smem:$0x3F97] =	sst s0  }
0x9: {  	[smem:$0x3F98] =	sst s1  }
0xa: {  	[smem:$0x3F99] =	sst s2  }
0xb: {  	[smem:$0x3F9A] =	sst s3  }
0xc: {  	[smem:$0x3F9B] =	sst s4  }
0xd: {  	[smem:$0x3F9C] =	sst s5  }
0xe: {  	[smem:$0x3F9D] =	sst s6  }
0xf: {  	[smem:$0x3F9E] =	sst s7  }
0x10: {  	[smem:$0x3F9F] =	sst s8  }
0x11: {  	[smem:$0x3FA0] =	sst s9;
	s0 =	simm.s32 @!p0 $0x0  }
0x12: {  	s1 =	sld [smem:$0x3F86];
	s0 =	simm.s32 @p0 $0x1  }
0x13: {  	[smem:$0x3FA1] =	sst s0;
	s0 =	simm.s32 @!p1 $0x0  }
0x14: {  	s2 =	sld [smem:$0x3F85];
	s0 =	simm.s32 @p1 $0x1  }
0x15: {  	[smem:$0x3FA2] =	sst s0;
	s0 =	simm.s32 @!p2 $0x0  }
0x16: {  	s3 =	sld [smem:$0x3FDB];
	s0 =	simm.s32 @p2 $0x1  }
0x17: {  	s4 =	simm.s32 $0x1BF5;
	[smem:$0x3FA4] =	sst s0  }
0x18: {  	s0 =	sld [smem:$0x3F87];
	_ =	swait.ge [sflag:s4], $0x0  }
0x19: {  	s7 =	sld [smem:$0x3F88]  }
0x1a: {  	s8 =	sadd.s32 $0xFFFFE003, lr  }
0x1b: {  	s9 =	sadd.s32 $0xFFFFFEF7, lr;
	s5 =	simm.s32 $0xFFFFFFFF;
	p2 =	slt.u32 s8, $0xFFFFF086  }
0x1c: {  	p1 =	slt.u32 s9, $0xF7A;
	s5 =	simm.s32 @!p2 $0x0  }
0x1d: {  	s5 =	simm.s32 @p1 $0x1;
	p0 =	seq.s32 s7, s2  }
0x1e: {  	s7 =	smul.u32 @!p0 $0xF7A, s2;
	p2 =	seq.s32 @!p0 s5, $0x0  }
0x1f: {  	s9 =	smul.u32 $0xF7A, s1;
	s8 =	simm.s32 @!p0 $0x1BF5;
	p2 =	por !p2, p0  }
0x20: {  	[sflag:s8] =	ssyncset.s32 @!p0 $0xFFFFF086;
	s6 =	sadd.s32 @!p0 s3, s7;
	s7 =	simm.s32 @!p0 $0x108  }
0x21: {  	s3 =	sadd.s32 s3, s9;
	s6 =	sadd.s32 @!p0 $0x88, s6;
	s7 =	simm.s32 @p2 $0x1082  }
0x22: {  	[simem:s7], [sflag:s8] =	dma.local @!p0 [hbm:s6], $0xF7A  }
0x23: {  	s9 =	sor.u32 $0xD0000000, s2;
	s6 =	simm.s32 $0x108;
	_ =	swait.ge @!p0 [sflag:s8], $0x0  }
0x24: {  	s3 =	sadd.s32 $0x88, s3;
	s6 =	simm.s32 @!p1 $0x1082;
	[sflag:s4] =	ssyncset.s32 $0xFFFFF086  }
0x25: {  	[simem:s6], [sflag:s4] =	dma.local [hbm:s3], $0xF7A  }
0x26: {  	[smem:$0x3F88] =	sst s1;
	(tag) =	ssettag s2;
	_ =	strace s9  }
0x27: {  	s1 =	sld [smem:$0x3F98]  }
0x28: {  	s2 =	sld [smem:$0x3F99]  }
0x29: {  	s4 =	sld [smem:$0x3F9B]  }
0x2a: {  	p0 =	seq.s32 s5, $0x0;
	s5 =	sld [smem:$0x3F9C]  }
0x2b: {  	s6 =	sld [smem:$0x3F9D]  }
0x2c: {  	s7 =	sld [smem:$0x3F9E]  }
0x2d: {  	s3 =	simm.s32 $0x108;
	s8 =	sld [smem:$0x3F9F]  }
0x2e: {  	s3 =	simm.s32 @!p0 $0x1082;
	s9 =	sld [smem:$0x3FA0]  }
0x2f: {  	lr =	sadd.s32 s0, s3;
	s0 =	sld [smem:$0x3F97]  }
0x30: {  	s3 =	sld [smem:$0x3F9A]  }
0x31: {  	[smem:$0x3FA3] =	sst s10  }
0x32: {  	s10 =	sld [smem:$0x3FA1];
	_ =	sdelay $0x3  }
0x33: {  	p0 =	seq.s32 s10, $0x1;
	s10 =	sld [smem:$0x3FA3];
	_ =	sdelay $0x3  }
0x34: {  	[smem:$0x3FA3] =	sst s10  }
0x35: {  	s10 =	sld [smem:$0x3FA2];
	_ =	sdelay $0x3  }
0x36: {  	p1 =	seq.s32 s10, $0x1;
	s10 =	sld [smem:$0x3FA3];
	_ =	sdelay $0x3  }
0x37: {  	[smem:$0x3FA3] =	sst s10  }
0x38: {  	s10 =	sld [smem:$0x3FA4]  }
0x39: {  	_ = 	snop;
	(pc) =	sbr.ind lr, $3  }
0x3a: {  	_ = 	snop  }
0x3b: {  	_ = 	snop  }
0x3c: {  	p2 =	seq.s32 s10, $0x1;
	s10 =	sld [smem:$0x3FA3]  }
0x3d: {  	_ =	shalt  }
0x3e: {  	_ =	shalt  }
0x3f: {  	_ =	shalt  }
0x40: {  	_ =	shalt  }
0x41: {  	_ =	shalt  }
0x42: {  	_ =	shalt  }
0x43: {  	_ =	shalt  }
0x44: {  	_ =	shalt  }
0x45: {  	_ =	shalt  }
0x46: {  	_ =	shalt  }
0x47: {  	_ =	shalt  }
0x48: {  	_ =	shalt  }
0x49: {  	_ =	shalt  }
0x4a: {  	_ =	shalt  }
0x4b: {  	_ =	shalt  }
0x4c: {  	_ =	shalt  }
0x4d: {  	_ =	shalt  }
0x4e: {  	_ =	shalt  }
0x4f: {  	_ =	shalt  }
0x50: {  	_ =	shalt  }
0x51: {  	_ =	shalt  }
0x52: {  	_ =	shalt  }
0x53: {  	_ =	shalt  }
0x54: {  	_ =	shalt  }
0x55: {  	_ =	shalt  }
0x56: {  	_ =	shalt  }
0x57: {  	_ =	shalt  }
0x58: {  	_ =	shalt  }
0x59: {  	_ =	shalt  }
0x5a: {  	_ =	shalt  }
0x5b: {  	_ =	shalt  }
0x5c: {  	_ =	shalt  }
0x5d: {  	_ =	shalt  }
0x5e: {  	_ =	shalt  }
0x5f: {  	_ =	shalt  }
0x60: {  	_ =	shalt  }
0x61: {  	_ =	shalt  }
0x62: {  	_ =	shalt  }
0x63: {  	_ =	shalt  }
0x64: {  	_ =	shalt  }
0x65: {  	_ =	shalt  }
0x66: {  	_ =	shalt  }
0x67: {  	_ =	shalt  }
0x68: {  	_ =	shalt  }
0x69: {  	_ =	shalt  }
0x6a: {  	_ =	shalt  }
0x6b: {  	_ =	shalt  }
0x6c: {  	_ =	shalt  }
0x6d: {  	_ =	shalt  }
0x6e: {  	_ =	shalt  }
0x6f: {  	_ =	shalt  }
0x70: {  	_ =	shalt  }
0x71: {  	_ =	shalt  }
0x72: {  	_ =	shalt  }
0x73: {  	_ =	shalt  }
0x74: {  	_ =	shalt  }
0x75: {  	_ =	shalt  }
0x76: {  	_ =	shalt  }
0x77: {  	_ =	shalt  }
0x78: {  	_ =	shalt  }
0x79: {  	_ =	shalt  }
0x7a: {  	_ =	shalt  }
0x7b: {  	_ =	shalt  }
0x7c: {  	_ =	shalt  }
0x7d: {  	_ =	shalt  }
0x7e: {  	_ =	shalt  }
0x7f: {  	_ =	shalt  }
0x80: {  	_ =	shalt  }
0x81: {  	_ =	shalt  }
0x82: {  	_ =	shalt  }
0x83: {  	_ =	shalt  }
0x84: {  	_ =	shalt  }
0x85: {  	_ =	shalt  }
0x86: {  	_ =	shalt  }
0x87: {  	_ =	shalt  }
.Lfunc_end0:
.L_simem_size_0:
called_computation.1_lowered:
.L_overlay_start_0:
0x88: {  	s2 =	sld [smem:$0x3FD9]  }
0x89: {  	s3 =	sld [smem:$0x3FFE];
	_ =	sdelay $0x1  }
0x8a: {  	s1 =	srdreg.scid  }
0x8b: {  	s0 =	sand.u32 $0x1, s1  }
0x8c: {  	s16 =	sshll.u32 s0, $0xA;
	s2 =	sadd.s32 s3, s2  }
0x8d: {  	s2 =	sadd.s32 s2, s16  }
0x8e: {  	[smem:$0x3FAF] =	sst s2  }
0x8f: {  	_ = 	snop  }
0x90: {  	(tm) =	ssettm $0x1  }
0x91: {  	s17 =	sld [smem:$0x3FFB];
	_ =	sdelay $0x3  }
0x92: {  	_ =	strace s17  }
0x93: {  	s2 =	sld [smem:$0x3FFC];
	_ =	sdelay $0x3  }
0x94: {  	_ =	strace s2  }
0x95: {  	s2 =	sld [smem:$0x3FFD];
	_ =	sdelay $0x3  }
0x96: {  	_ =	strace s2  }
0x97: {  	_ =	strace $0x8FFFFFFF  }
0x98: {  	s18 =	sld [smem:$0x3FDB];
	_ =	sdelay $0x1  }
0x99: {  	s19 =	simm.s32 $_scs_section_size  }
0x9a: {  	s4 =	simm.s32 $_size__tile_overlayer_lowered;
	s5 =	simm.s32 $_tile_overlayer_lowered  }
0x9b: {  	s22 =	simm.s32 $0x1BFF;
	s21 =	sshll.u32 s5, $0x1;
	s2 =	sadd.s32 s19, s18  }
0x9c: {  	s6 =	simm.s32 $0x0;
	s20 =	sshll.u32 s4, $0x1;
	s4 =	sadd.s32 s21, s2  }
0x9d: {  	[timem:s6], [sflag:s22] =	dma.local [hbm:s4], s20  }
0x9e: {  	_ =	swait.ge [sflag:s22], s20  }
0x9f: {  	s3 =	ssub.s32 $0x0, s20;
	[sflag:s22] =	ssyncset.done $0x0  }
0xa0: {  	[sflag:s22] =	ssyncadd.s32 s3;
	_ =	sdelay $0x1  }
0xa1: {  	s23 =	simm.s32 $0x1B8B  }
0xa2: {  	_ =	swait.ge [sflag:s23], $0x1  }
0xa3: {  	[sflag:s23] =	ssyncset.done $0x0  }
0xa4: {  	s25 =	simm.s32 $0x1B8E;
	s24 =	sld [smem:$0x3FFE];
	[sflag:s23] =	ssyncadd.s32 $0xFFFFFFFF  }
0xa5: {  	s26 =	simm.s32 $execute0_lowered;
	[smem:$0x3FD2] =	sst s25  }
0xa6: {  	s4 =	sshll.u32 s26, $0x1;
	_ =	strace $0x80000049;
	[dreg:$0x1] =	wrdreg $0xFFFFFFFF  }
0xa7: {  	s28 =	simm.s32 $_size_execute0_lowered;
	s2 =	sadd.s32 s2, s4;
	[dreg:$0x0] =	wrdreg $0x0  }
0xa8: {  	s4 =	sshll.u32 s28, $0x1;
	[dreg:$0x2] =	wrdreg s2  }
0xa9: {  	[dreg:$0x3] =	wrdreg s4  }
0xaa: {  	[dreg:$0x4] =	wrdreg $0xC0  }
0xab: {  	_ =	task [dreg:s6], $0x5FFFF  }
0xac: {  	[dreg:$0x1] =	wrdreg $0xFFFFFFFF  }
0xad: {  	[dreg:$0x0] =	wrdreg $0x60  }
0xae: {  	[dreg:$0x2] =	wrdreg s24  }
0xaf: {  	[dreg:$0x3] =	wrdreg $0x98D00  }
0xb0: {  	[dreg:$0x4] =	wrdreg $0x9  }
0xb1: {  	_ =	task.clear_ibuf [dreg:s6], $0x5FFFF;
	_ =	strace $0x90000049  }
0xb2: {  	s29 =	simm.s32 $0x9;
	_ =	strace $0x8000004B  }
0xb3: {  	_ =	swait.ge [sflag:s29], $0x1  }
0xb4: {  	[sflag:s29] =	ssyncadd.s32 $0xFFFFFFFF  }
0xb5: {  	_ =	strace $0x9000004B  }
0xb6: {  	_ =	sfence  }
0xb7: {  	s30 =	sld [smem:$0x0];
	_ =	sdelay $0x2  }
0xb8: {  	s31 =	sshll.u32 s1, $0xD;
	s1 =	sshrl.u32 s1, $0x2  }
0xb9: {  	s3 =	sand.u32 $0x4000, s31;
	s1 =	sadd.s32 s1, s30  }
0xba: {  	s0 =	sor.u32 s3, s0;
	s1 =	sshll.u32 s1, $0x11  }
0xbb: {  	s0 =	sor.u32 s1, s0  }
0xbc: {  	s0 =	sadd.s32 $0x8F2B, s0  }
0xbd: {  	[sflag:s0] =	ssyncadd.remote.s32 $0x1  }
0xbe: {  	_ =	sfence.sel $0xFFFF  }
0xbf: {  	[dreg:$0x0] =	wrdreg $0xFFFFFFFF;
	(pc) =	sbr.abs _section_cstart, $3  }
0xc0: {  	[dreg:$0x1] =	wrdreg $0xFFFFFFFF  }
0xc1: {  	_ =	task.clear_ibuf [dreg:s6], $0x2FFFF;
	_ =	strace $0x9FFFFFFF  }
0xc2: {  	(tm) =	ssettm $0x7FFFFFFF  }
0xc3: {  	_ =	shalt  }
tec
execute0_lowered:
.L_overlay_start_1:
0x0: {  	(tag) =	ssettag $0x1  }
0x1: {  	s0 =	rddreg [dreg:$0x0]  }
0x2: {  	s2 =	srdreg.scid;
	s12 =	stileid.u32  }
0x3: {  	s1 =	rddreg [dreg:$0x1];
	s7 =	smul.u32 $0x6D600, s12  }
0x4: {  	s15 =	simm.s32 $0x0;
	s2 =	sand.u32 $0x1, s2;
	s31 =	smul.u32 $0x4E20, s12  }
0x5: {  	[smem:$0x7FF] =	sst s15;
	s4 =	sadd.s32 $0x3DE00, s0;
	s25 =	smul.u32 $0x1B580, s12  }
0x6: {  	s5 =	sadd.s32 $0x4CC00, s0;
	s6 =	sadd.s32 $0x42E00, s0;
	s3 =	smul.u32 $0x1D4C0, s2  }
0x7: {  	p5 =	sgt.u32 s12, $0x9;
	s12 =	simm.s32 $0x2;
	s8 =	smul.u32 $0x222E0, s2  }
0x8: {  	_ =	strace $0x8000004A;
	s9 =	ssub.s32 $0x2, s2;
	s19 =	smul.u32 $0x60, s2  }
0x9: {  	p3 =	seq.s32 s2, $0x0;
	s7 =	sshrl.u32 s7, $0x2;
	s29 =	sshrl.u32 s9, $0x1  }
0xa: {  	s21 =	sshrl.u32 s31, $0x3;
	s2 =	sshrl.u32 s25, $0x3;
	s3 =	sadd.s32 s3, s0  }
0xb: {  	s0 =	sadd.s32 s8, s0;
	s13 =	sadd.s32 s7, s1;
	s22 =	sadd.s32 s6, s21  }
0xc: {  	s30 =	ssub.s32 s9, s29;
	s23 =	sadd.s32 $0x40, s19;
	[dreg:$0xe] =	wrdreg s22  }
0xd: {  	s9 =	sadd.s32 $0x20, s19;
	s10 =	sadd.s32 $0x2300, s13;
	[dreg:$0x4] =	wrdreg s13  }
0xe: {  	s19 =	simm.s32 $0x4;
	s11 =	sadd.s32 $0x4600, s13;
	[dreg:$0x5] =	wrdreg s10  }
0xf: {  	s14 =	sadd.s32 $0x6900, s13;
	s16 =	sadd.s32 $0x8C00, s13;
	[dreg:$0x6] =	wrdreg s11  }
0x10: {  	s17 =	sadd.s32 $0xAF00, s13;
	s18 =	sadd.s32 $0xD200, s13;
	[dreg:$0x7] =	wrdreg s14  }
0x11: {  	s20 =	sadd.s32 $0x11800, s13;
	s9 =	sshrl.u32 s9, $0x6;
	[dreg:$0x8] =	wrdreg s16  }
0x12: {  	v0 =	vlaneseq.u32;
	s0 =	sadd.s32 $0x56A00, s0;
	s22 =	sadd.s32 $0xA0, s31;
	[dreg:$0x9] =	wrdreg s17  }
0x13: {  	v0 =	vmul.u32 $0x10, v0;
	s26 =	smax.u32 s30, $0x1;
	s28 =	sadd.s32 $0x13B00, s13;
	[dreg:$0xa] =	wrdreg s18  }
0x14: {  	s29 =	sadd.s32 $0x15E00, s13;
	s30 =	sadd.s32 $0x18100, s13;
	[dreg:$0xc] =	wrdreg s20  }
0x15: {  	v2 =	vor.u32 $0x3, v0;
	s10 =	sadd.s32 $0xF500, s13;
	s11 =	sadd.s32 s5, s21;
	[dreg:$0x12] =	wrdreg s26  }
0x16: {  	[tilespmem:$0x1FF40] =	vst v2;
	v2 =	vor.u32 $0x1, v0;
	p1 =	seq.s32 s9, $0x1;
	p2 =	seq.s32 s9, $0x0;
	[dreg:$0x14] =	wrdreg s28  }
0x17: {  	[tilespmem:$0x1FF50] =	vst v2;
	v2 =	vor.u32 $0x4, v0;
	s20 =	sadd.s32 $0x3400, s3;
	s0 =	sadd.s32 @!p5 s2, s0;
	[dreg:$0x15] =	wrdreg s29  }
0x18: {  	v1 =	vimm.f32 $0.0e+00;
	vm0 =	vcmask $0x3F0C;
	[tilespmem:$0x1FF60] =	vst v2;
	v2 =	vor.u32 $0x2, v0;
	[dreg:$0x16] =	wrdreg s30;
	s2 =	simm.s32 $0xF0;
	s9 =	simm.s32 $0x1E0  }
0x19: {  	vm1 =	vcmask $0x3F08;
	vm2 =	vmmov $0x1;
	s14 =	simm.s32 $0x10E0;
	s16 =	simm.s32 $0x97E0;
	[dreg:$0xb] =	wrdreg s10;
	[tilespmem:$0x1FF70] =	vst v2;
	v2 =	vor.u32 $0x5, v0  }
0x1a: {  	v14 =	vor.u32 $0x203, v0;
	v15 =	vor.u32 $0x201, v0;
	s3 =	simm.s32 @!p5 $0x0;
	s26 =	simm.s32 $0x0;
	[dreg:$0xd] =	wrdreg s11;
	[tilespmem:$0x1FF80] =	vst v2;
	v2 =	vor.u32 $0x100, v0  }
0x1b: {  	v16 =	vor.u32 $0x204, v0;
	v17 =	vor.u32 $0x202, v0;
	s10 =	sadd.s32 $0xA, s21;
	s11 =	sand.u32 $0xC0, s23;
	[dreg:$0x11] =	wrdreg s0;
	[tilespmem:$0x1FF90] =	vst v2;
	v2 =	vor.u32 $0x103, v0  }
0x1c: {  	v18 =	vor.u32 $0x205, v0;
	v19 =	vor.u32 $0x300, v0;
	s0 =	sadd.s32 s25, s1;
	s23 =	sadd.s32 $0xF0, s31;
	s31 =	sadd.s32 $0x1A400, s13;
	[tilespmem:$0x1FFA0] =	vst v2;
	v2 =	vor.u32 $0x101, v0  }
0x1d: {  	v20 =	vor.u32 $0x303, v0;
	v21 =	vor.u32 $0x301, v0;
	s13 =	simm.s32 $0x6E0;
	s3 =	simm.s32 @p5 $0x1;
	[dreg:$0x17] =	wrdreg s31;
	[tilespmem:$0x1FFB0] =	vst v2;
	v2 =	vor.u32 $0x104, v0  }
0x1e: {  	v22 =	vor.u32 $0x304, v0;
	v23 =	vor.u32 $0x302, v0;
	s21 =	simm.s32 $0x74E0;
	s24 =	sadd.s32 s5, s10;
	[smem:$0x7FD] =	sst s3;
	[tilespmem:$0x1FFC0] =	vst v2;
	v2 =	vor.u32 $0x102, v0  }
0x1f: {  	v24 =	vor.u32 $0x305, v0;
	v25 =	vor.u32 $0x400, v0;
	p0 =	seq.s32 s11, $0x40;
	s10 =	sadd.s32 s6, s10;
	[dreg:$0xf] =	wrdreg s24;
	[tilespmem:$0x1FFD0] =	vst v2;
	v2 =	vor.u32 $0x105, v0  }
0x20: {  	v26 =	vor.u32 $0x403, v0;
	v27 =	vor.u32 $0x401, v0;
	s0 =	sshrl.u32 @!p5 s0, $0x3;
	s11 =	simm.s32 $0x3;
	[dreg:$0x10] =	wrdreg s10;
	[tilespmem:$0x1FFE0] =	vst v2;
	v2 =	vor.u32 $0x200, v0  }
0x21: {  	v28 =	vor.u32 $0x404, v0;
	v29 =	vor.u32 $0x402, v0;
	v13 =	vmovc v0;
	v30 =	vor.u32 $0x405, v0;
	[dreg:$0x13] =	wrdreg s0;
	s0 =	simm.s32 $0x50;
	s10 =	simm.s32 $0xBE0;
	[tilespmem:$0x1FFF0] =	vst v2  }
.LBB2_1:
0x22: {  	[dreg:$0x3] =	wrdreg s15;
	s3 =	simm.s32 $0x0;
	s7 =	simm.s32 $0x1C0  }
.LBB2_2:
0x23: {  	p4 =	sne.s32 s7, $0x8A40;
	[tilespmem:s3+$0x5240] =	vst v1  }
0x24: {  	[tilespmem:s3+$0x51E0] =	vst v1  }
.Ltmp0:
0x25: {  	[tilespmem:s3+$0x51F0] =	vst v1;
	(pc) =	sbr.rel @p4 .LBB2_2-.Ltmp0, $4  }
0x26: {  	[tilespmem:s3+$0x5200] =	vst v1  }
0x27: {  	[tilespmem:s3+$0x5210] =	vst v1  }
0x28: {  	[tilespmem:s3+$0x5220] =	vst v1  }
0x29: {  	[tilespmem:s3+$0x5230] =	vst v1;
	s3 =	sshra.s32 s7, $0x2;
	s7 =	sadd.s32 $0x1C0, s7  }
0x2a: {  	[tilespmem:s3+$0x5240] =	vst v1  }
0x2b: {  	[tilespmem:s3+$0x51E0] =	vst v1  }
0x2c: {  	[tilespmem:s3+$0x51F0] =	vst v1  }
0x2d: {  	[tilespmem:s3+$0x5200] =	vst v1  }
0x2e: {  	[tilespmem:s3+$0x5210] =	vst v1  }
0x2f: {  	[tilespmem:s3+$0x5220] =	vst v1  }
0x30: {  	[tilespmem:s3+$0x5230] =	vst v1;
	s3 =	simm.s32 @!p5 $0x51E0;
	s7 =	rddreg [dreg:$0x4]  }
0x31: {  	[spmem:s7] =	stream.linear.scatter @!p5 [tilespmem:s3], [sflag:$0x7], $0x2300, $0x38;
	[tilespmem:$0x1AA40] =	vst v63  }
0x32: {  	s7 =	simm.s32 @!p5 $0x7  }
0x33: {  	_ =	swait.ge @!p5 [sflag:s7], $0x2300  }
0x34: {  	[sflag:s7] =	ssyncset.done @!p5 $0x0  }
0x35: {  	s8 =	rddreg [dreg:$0x5];
	[sflag:s7] =	ssyncadd.s32 @!p5 $0xFFFFDD00  }
0x36: {  	[spmem:s8] =	stream.linear.scatter @!p5 [tilespmem:s3], [sflag:$0x7], $0x2300, $0x38;
	[tilespmem:$0x1AA40] =	vst v63  }
0x37: {  	_ =	swait.ge @!p5 [sflag:s7], $0x2300  }
0x38: {  	[sflag:s7] =	ssyncset.done @!p5 $0x0  }
0x39: {  	s8 =	rddreg [dreg:$0x6];
	[sflag:s7] =	ssyncadd.s32 @!p5 $0xFFFFDD00  }
0x3a: {  	[spmem:s8] =	stream.linear.scatter @!p5 [tilespmem:s3], [sflag:$0x7], $0x2300, $0x38;
	[tilespmem:$0x1AA40] =	vst v63  }
0x3b: {  	_ =	swait.ge @!p5 [sflag:s7], $0x2300  }
0x3c: {  	[sflag:s7] =	ssyncset.done @!p5 $0x0  }
0x3d: {  	s8 =	rddreg [dreg:$0x7];
	[sflag:s7] =	ssyncadd.s32 @!p5 $0xFFFFDD00  }
0x3e: {  	[spmem:s8] =	stream.linear.scatter @!p5 [tilespmem:s3], [sflag:$0x7], $0x2300, $0x38;
	[tilespmem:$0x1AA40] =	vst v63  }
0x3f: {  	_ =	swait.ge @!p5 [sflag:s7], $0x2300  }
0x40: {  	[sflag:s7] =	ssyncset.done @!p5 $0x0  }
0x41: {  	s8 =	rddreg [dreg:$0x8];
	[sflag:s7] =	ssyncadd.s32 @!p5 $0xFFFFDD00  }
0x42: {  	[spmem:s8] =	stream.linear.scatter @!p5 [tilespmem:s3], [sflag:$0x7], $0x2300, $0x38;
	[tilespmem:$0x1AA40] =	vst v63  }
0x43: {  	_ =	swait.ge @!p5 [sflag:s7], $0x2300  }
0x44: {  	[sflag:s7] =	ssyncset.done @!p5 $0x0  }
0x45: {  	s8 =	rddreg [dreg:$0x9];
	[sflag:s7] =	ssyncadd.s32 @!p5 $0xFFFFDD00  }
0x46: {  	[spmem:s8] =	stream.linear.scatter @!p5 [tilespmem:s3], [sflag:$0x7], $0x2300, $0x38;
	[tilespmem:$0x1AA40] =	vst v63  }
0x47: {  	_ =	swait.ge @!p5 [sflag:s7], $0x2300  }
0x48: {  	[sflag:s7] =	ssyncset.done @!p5 $0x0  }
0x49: {  	s8 =	rddreg [dreg:$0xa];
	[sflag:s7] =	ssyncadd.s32 @!p5 $0xFFFFDD00  }
0x4a: {  	[spmem:s8] =	stream.linear.scatter @!p5 [tilespmem:s3], [sflag:$0x7], $0x2300, $0x38;
	[tilespmem:$0x1AA40] =	vst v63  }
0x4b: {  	_ =	swait.ge @!p5 [sflag:s7], $0x2300  }
0x4c: {  	[sflag:s7] =	ssyncset.done @!p5 $0x0  }
0x4d: {  	s8 =	rddreg [dreg:$0xb];
	[sflag:s7] =	ssyncadd.s32 @!p5 $0xFFFFDD00  }
0x4e: {  	[spmem:s8] =	stream.linear.scatter @!p5 [tilespmem:s3], [sflag:$0x7], $0x2300, $0x38;
	[tilespmem:$0x1AA40] =	vst v63  }
0x4f: {  	_ =	swait.ge @!p5 [sflag:s7], $0x2300  }
0x50: {  	[sflag:s7] =	ssyncset.done @!p5 $0x0  }
0x51: {  	s8 =	rddreg [dreg:$0xc];
	[sflag:s7] =	ssyncadd.s32 @!p5 $0xFFFFDD00  }
0x52: {  	[spmem:s8] =	stream.linear.scatter @!p5 [tilespmem:s3], [sflag:$0x7], $0x2300, $0x38;
	[tilespmem:$0x1AA40] =	vst v63  }
0x53: {  	_ =	swait.ge @!p5 [sflag:s7], $0x2300  }
0x54: {  	[sflag:s7] =	ssyncset.done @!p5 $0x0  }
0x55: {  	s8 =	rddreg [dreg:$0x14];
	[sflag:s7] =	ssyncadd.s32 @!p5 $0xFFFFDD00  }
0x56: {  	[spmem:s8] =	stream.linear.scatter @!p5 [tilespmem:s3], [sflag:$0x7], $0x2300, $0x38;
	[tilespmem:$0x1AA40] =	vst v63  }
0x57: {  	_ =	swait.ge @!p5 [sflag:s7], $0x2300  }
0x58: {  	[sflag:s7] =	ssyncset.done @!p5 $0x0  }
0x59: {  	s8 =	rddreg [dreg:$0x15];
	[sflag:s7] =	ssyncadd.s32 @!p5 $0xFFFFDD00  }
0x5a: {  	[spmem:s8] =	stream.linear.scatter @!p5 [tilespmem:s3], [sflag:$0x7], $0x2300, $0x38;
	[tilespmem:$0x1AA40] =	vst v63  }
0x5b: {  	_ =	swait.ge @!p5 [sflag:s7], $0x2300  }
0x5c: {  	[sflag:s7] =	ssyncset.done @!p5 $0x0  }
0x5d: {  	s8 =	rddreg [dreg:$0x16];
	[sflag:s7] =	ssyncadd.s32 @!p5 $0xFFFFDD00  }
0x5e: {  	[spmem:s8] =	stream.linear.scatter @!p5 [tilespmem:s3], [sflag:$0x7], $0x2300, $0x38;
	[tilespmem:$0x1AA40] =	vst v63  }
0x5f: {  	_ =	swait.ge @!p5 [sflag:s7], $0x2300  }
0x60: {  	[sflag:s7] =	ssyncset.done @!p5 $0x0  }
0x61: {  	s8 =	rddreg [dreg:$0x17];
	[sflag:s7] =	ssyncadd.s32 @!p5 $0xFFFFDD00  }
0x62: {  	[spmem:s8] =	stream.linear.scatter @!p5 [tilespmem:s3], [sflag:$0x7], $0x1180, $0x38;
	[tilespmem:$0x1AA40] =	vst v63  }
0x63: {  	_ =	swait.ge @!p5 [sflag:s7], $0x1180  }
0x64: {  	[sflag:s7] =	ssyncset.done @!p5 $0x0  }
0x65: {  	[sflag:s7] =	ssyncadd.s32 @!p5 $0xFFFFEE80  }
0x66: {  	[bflag:$0x0] =	sbarrier.arrive $0xFFFF  }
0x67: {  	s17 =	rddreg [dreg:$0xd]  }
0x68: {  	[tilespmem:s26], [sflag:$0x1] =	stream.linear.gather [hbm4b:s17+s26], $0x50, $0x38;
	[tilespmem:$0x1AA40] =	vst v63  }
0x69: {  	s24 =	simm.s32 $0xA0;
	s18 =	rddreg [dreg:$0xe]  }
0x6a: {  	[tilespmem:s24], [sflag:$0x1] =	stream.linear.gather [hbm4b:s18+s26], $0x50, $0x38;
	[tilespmem:$0x1AA40] =	vst v63  }
0x6b: {  	s25 =	rddreg [dreg:$0xf]  }
0x6c: {  	[tilespmem:s0], [sflag:$0x2] =	stream.linear.gather [hbm4b:s25+s26], $0x50, $0x38;
	[tilespmem:$0x1AA40] =	vst v63  }
0x6d: {  	s30 =	simm.s32 $0x1;
	s29 =	rddreg [dreg:$0x10]  }
0x6e: {  	[tilespmem:s2], [sflag:$0x2] =	stream.linear.gather [hbm4b:s29+s26], $0x50, $0x38;
	[tilespmem:$0x1AA40] =	vst v63  }
0x6f: {  	_ =	swait.ge [sflag:s30], $0x50  }
0x70: {  	[sflag:s30] =	ssyncset.done $0x0  }
0x71: {  	[sflag:s30] =	ssyncadd.s32 $0xFFFFFFB0  }
0x72: {  	_ =	swait.ge [sflag:s30], $0x50  }
0x73: {  	[sflag:s30] =	ssyncset.done $0x0  }
0x74: {  	[sflag:s30] =	ssyncadd.s32 $0xFFFFFFB0  }
0x75: {  	[tilespmem:s9], [sflag:$0x3] =	stream.indirect.gather [hbm4b:s4+s0], $0x10, s26, s0, $0xb8;
	[tilespmem:$0x1AA40] =	vst v63  }
0x76: {  	_ = 	snop  }
0x77: {  	[tilespmem:s10], [sflag:$0x3] =	stream.indirect.gather [hbm4b:s4+s0], $0x10, s24, s0, $0xb8;
	[tilespmem:$0x1AA40] =	vst v63  }
0x78: {  	s31 =	simm.s32 $0x15E0;
	s28 =	simm.s32 $0x0  }
0x79: {  	[tilespmem:s31], [sflag:$0x3] =	stream.indirect.gather [hbm4b:s20+s0], $0x60, s26, s0, $0xb8;
	[tilespmem:$0x1AA40] =	vst v63  }
.LBB2_4:
0x7a: {  	_ =	swait.ge [sflag:s11], $0x500  }
0x7b: {  	[sflag:s11] =	ssyncset.done $0x0  }
0x7c: {  	[sflag:s11] =	ssyncadd.s32 $0xFFFFFB00  }
0x7d: {  	_ =	swait.ge [sflag:s11], $0x500  }
0x7e: {  	[sflag:s11] =	ssyncset.done $0x0  }
0x7f: {  	[sflag:s11] =	ssyncadd.s32 $0xFFFFFB00  }
0x80: {  	_ =	swait.ge [sflag:s11], $0x1E00  }
0x81: {  	p6 =	seq.s32 s28, $0x0;
	[sflag:s11] =	ssyncset.done $0x0  }
0x82: {  	s3 =	simm.s32 @!p6 $0x5;
	[sflag:s11] =	ssyncadd.s32 $0xFFFFE200  }
0x83: {  	_ =	swait.ge @!p6 [sflag:s3], $0x2300  }
0x84: {  	[sflag:s3] =	ssyncset.done @!p6 $0x0  }
0x85: {  	[sflag:s3] =	ssyncadd.s32 @!p6 $0xFFFFDD00  }
0x86: {  	v2 =	vld [tilespmem:$0xA0]  }
0x87: {  	v3 =	vld [tilespmem:$0xB0]  }
0x88: {  	v31 =	vld [tilespmem:$0xC0]  }
0x89: {  	v32 =	vld [tilespmem:$0xD0]  }
0x8a: {  	v33 =	vld [tilespmem:$0xE0]  }
0x8b: {  	[tilespmem:$0x140] =	vst v2  }
0x8c: {  	[tilespmem:$0x150] =	vst v3  }
0x8d: {  	[tilespmem:$0x160] =	vst v31  }
0x8e: {  	[tilespmem:$0x170] =	vst v32  }
0x8f: {  	[tilespmem:$0x180] =	vst v33  }
0x90: {  	_ =	swait.ge [sflag:s12], $0x50  }
0x91: {  	[sflag:s12] =	ssyncset.done $0x0  }
0x92: {  	[sflag:s12] =	ssyncadd.s32 $0xFFFFFFB0  }
0x93: {  	_ =	swait.ge [sflag:s12], $0x50  }
0x94: {  	p5 =	seq.s32 s28, $0x7C;
	[sflag:s12] =	ssyncset.done $0x0  }
0x95: {  	s29 =	smul.u32 @!p5 $0xA0, s28;
	[sflag:s12] =	ssyncadd.s32 $0xFFFFFFB0  }
0x96: {  	[tilespmem:s13], [sflag:$0x4] =	stream.indirect.gather [hbm4b:s4+s0], $0x10, s0, s0, $0xb8;
	[tilespmem:$0x1AA40] =	vst v63  }
0x97: {  	s3 =	sadd.s32 @!p5 s29, s22  }
0x98: {  	v0 =	vld [tilespmem:$0x1FF40];
	[tilespmem:s14], [sflag:$0x4] =	stream.indirect.gather [hbm4b:s4+s0], $0x10, s2, s0, $0xb8  }
0x99: {  	s31 =	simm.s32 $0x33E0;
	s3 =	sshrl.u32 @!p5 s3, $0x3  }
0x9a: {  	[tilespmem:s31], [sflag:$0x4] =	stream.indirect.gather [hbm4b:s20+s0], $0x60, s0, s0, $0xb8;
	[tilespmem:$0x1AA40] =	vst v63  }
0x9b: {  	s8 =	simm.s32 @!p5 $0x0;
	s7 =	sadd.s32 @!p5 s5, s3  }
0x9c: {  	[tilespmem:s8], [sflag:$0x1] =	stream.linear.gather @!p5 [hbm4b:s7+s8], $0x50, $0x38;
	[tilespmem:$0x1AA40] =	vst v63  }
0x9d: {  	s3 =	sadd.s32 @!p5 s6, s3;
	s7 =	simm.s32 @!p5 $0xA0  }
0x9e: {  	[tilespmem:s7], [sflag:$0x1] =	stream.linear.gather @!p5 [hbm4b:s3+s8], $0x50, $0x38;
	[tilespmem:$0x1AA40] =	vst v63  }
0x9f: {  	v2 =	vld.idx.msk [tilespmem:v13+s9+$0x0], $0xffff  }
0xa0: {  	v3 =	vld.idx.msk [tilespmem:v0+s10+$0x0], $0xffff;
	_ =	sdelay $0x4  }
0xa1: {  	v2 =	vadd.f32 v3, v2;
	_ =	sdelay $0x1  }
0xa2: {  	v3 =	vmul.f32 $2.000000030e-01, v2;
	_ =	sdelay $0x1  }
0xa3: {  	v2 =	vmax.f32 v2, v3  }
0xa4: {  	v2 =	vmul.f32 $1.442695020e+00, v2;
	_ =	sdelay $0x1  }
0xa5: {  	(erf) = vpow2.f32 v2;
	_ =	sdelay $0x2  }
0xa6: {  	v0 =	vld [tilespmem:$0x1FF50];
	_ =	sdelay $0x5  }
0xa7: {  	v2 =	vpop (erf)  }
0xa8: {  	[tilespmem:$0x97E0] =	vst v2  }
0xa9: {  	v2 =	vld.idx.msk [tilespmem:v0+s9+$0x0], $0xffff  }
0xaa: {  	v0 =	vld [tilespmem:$0x1FF60];
	_ =	sdelay $0x7  }
0xab: {  	v3 =	vld.idx.msk [tilespmem:v0+s10+$0x0], $0xffff;
	_ =	sdelay $0x4  }
0xac: {  	v2 =	vadd.f32 v3, v2;
	_ =	sdelay $0x1  }
0xad: {  	v3 =	vmul.f32 $2.000000030e-01, v2;
	_ =	sdelay $0x1  }
0xae: {  	v2 =	vmax.f32 v2, v3  }
0xaf: {  	v2 =	vmul.f32 $1.442695020e+00, v2;
	_ =	sdelay $0x1  }
0xb0: {  	(erf) = vpow2.f32 v2;
	_ =	sdelay $0x2  }
0xb1: {  	v0 =	vld [tilespmem:$0x1FF70];
	_ =	sdelay $0x5  }
0xb2: {  	v2 =	vpop (erf)  }
0xb3: {  	[tilespmem:$0x9830] =	vst v2  }
0xb4: {  	v2 =	vld.idx.msk [tilespmem:v0+s9+$0x0], $0xffff  }
0xb5: {  	v0 =	vld [tilespmem:$0x1FF80];
	_ =	sdelay $0x7  }
0xb6: {  	v3 =	vld.idx.msk [tilespmem:v0+s10+$0x0], $0xffff;
	_ =	sdelay $0x4  }
0xb7: {  	v2 =	vadd.f32 v3, v2;
	_ =	sdelay $0x1  }
0xb8: {  	v3 =	vmul.f32 $2.000000030e-01, v2;
	_ =	sdelay $0x1  }
0xb9: {  	v2 =	vmax.f32 v2, v3  }
0xba: {  	v2 =	vmul.f32 $1.442695020e+00, v2;
	_ =	sdelay $0x1  }
0xbb: {  	(erf) = vpow2.f32 v2;
	_ =	sdelay $0x2  }
0xbc: {  	v0 =	vld [tilespmem:$0x1FF90];
	_ =	sdelay $0x5  }
0xbd: {  	v2 =	vpop (erf)  }
0xbe: {  	[tilespmem:$0x9880] =	vst v2  }
0xbf: {  	v2 =	vld.idx.msk [tilespmem:v0+s9+$0x0], $0xffff  }
0xc0: {  	v0 =	vld [tilespmem:$0x1FFA0];
	_ =	sdelay $0x7  }
0xc1: {  	v3 =	vld.idx.msk [tilespmem:v0+s10+$0x0], $0xffff;
	_ =	sdelay $0x4  }
0xc2: {  	v2 =	vadd.f32 v3, v2;
	_ =	sdelay $0x1  }
0xc3: {  	v3 =	vmul.f32 $2.000000030e-01, v2;
	_ =	sdelay $0x1  }
0xc4: {  	v2 =	vmax.f32 v2, v3  }
0xc5: {  	v2 =	vmul.f32 $1.442695020e+00, v2;
	_ =	sdelay $0x1  }
0xc6: {  	(erf) = vpow2.f32 v2;
	_ =	sdelay $0x2  }
0xc7: {  	v0 =	vld [tilespmem:$0x1FFB0];
	_ =	sdelay $0x5  }
0xc8: {  	v2 =	vpop (erf)  }
0xc9: {  	[tilespmem:$0x97F0] =	vst v2  }
0xca: {  	v2 =	vld.idx.msk [tilespmem:v0+s9+$0x0], $0xffff  }
0xcb: {  	v0 =	vld [tilespmem:$0x1FFC0];
	_ =	sdelay $0x7  }
0xcc: {  	v3 =	vld.idx.msk [tilespmem:v0+s10+$0x0], $0xffff;
	_ =	sdelay $0x4  }
0xcd: {  	v2 =	vadd.f32 v3, v2;
	_ =	sdelay $0x1  }
0xce: {  	v3 =	vmul.f32 $2.000000030e-01, v2;
	_ =	sdelay $0x1  }
0xcf: {  	v2 =	vmax.f32 v2, v3  }
0xd0: {  	v2 =	vmul.f32 $1.442695020e+00, v2;
	_ =	sdelay $0x1  }
0xd1: {  	(erf) = vpow2.f32 v2;
	_ =	sdelay $0x2  }
0xd2: {  	v0 =	vld [tilespmem:$0x1FFD0];
	_ =	sdelay $0x5  }
0xd3: {  	v2 =	vpop (erf)  }
0xd4: {  	[tilespmem:$0x9840] =	vst v2  }
0xd5: {  	v2 =	vld.idx.msk [tilespmem:v0+s9+$0x0], $0xffff  }
0xd6: {  	v0 =	vld [tilespmem:$0x1FFE0];
	_ =	sdelay $0x7  }
0xd7: {  	v3 =	vld.idx.msk [tilespmem:v0+s10+$0x0], $0xffff;
	_ =	sdelay $0x4  }
0xd8: {  	v2 =	vadd.f32 v3, v2;
	_ =	sdelay $0x1  }
0xd9: {  	v3 =	vmul.f32 $2.000000030e-01, v2;
	_ =	sdelay $0x1  }
0xda: {  	v2 =	vmax.f32 v2, v3  }
0xdb: {  	v2 =	vmul.f32 $1.442695020e+00, v2;
	_ =	sdelay $0x1  }
0xdc: {  	(erf) = vpow2.f32 v2;
	_ =	sdelay $0x2  }
0xdd: {  	v0 =	vld [tilespmem:$0x1FFF0];
	_ =	sdelay $0x5  }
0xde: {  	v2 =	vpop (erf)  }
0xdf: {  	[tilespmem:$0x9890] =	vst v2  }
0xe0: {  	v2 =	vld.idx.msk [tilespmem:v0+s9+$0x0], $0xffff  }
0xe1: {  	v3 =	vld.idx.msk [tilespmem:v14+s10+$0x0], $0xffff;
	_ =	sdelay $0x4  }
0xe2: {  	v2 =	vadd.f32 v3, v2;
	_ =	sdelay $0x1  }
0xe3: {  	v3 =	vmul.f32 $2.000000030e-01, v2;
	_ =	sdelay $0x1  }
0xe4: {  	v2 =	vmax.f32 v2, v3  }
0xe5: {  	v2 =	vmul.f32 $1.442695020e+00, v2;
	_ =	sdelay $0x1  }
0xe6: {  	(erf) = vpow2.f32 v2;
	_ =	sdelay $0x8  }
0xe7: {  	v2 =	vpop (erf)  }
0xe8: {  	[tilespmem:$0x9800] =	vst v2  }
0xe9: {  	v2 =	vld.idx.msk [tilespmem:v15+s9+$0x0], $0xffff  }
0xea: {  	v3 =	vld.idx.msk [tilespmem:v16+s10+$0x0], $0xffff;
	_ =	sdelay $0x4  }
0xeb: {  	v2 =	vadd.f32 v3, v2;
	_ =	sdelay $0x1  }
0xec: {  	v3 =	vmul.f32 $2.000000030e-01, v2;
	_ =	sdelay $0x1  }
0xed: {  	v2 =	vmax.f32 v2, v3  }
0xee: {  	v2 =	vmul.f32 $1.442695020e+00, v2;
	_ =	sdelay $0x1  }
0xef: {  	(erf) = vpow2.f32 v2;
	_ =	sdelay $0x8  }
0xf0: {  	v2 =	vpop (erf)  }
0xf1: {  	[tilespmem:$0x9850] =	vst v2  }
0xf2: {  	v2 =	vld.idx.msk [tilespmem:v17+s9+$0x0], $0xffff  }
0xf3: {  	v3 =	vld.idx.msk [tilespmem:v18+s10+$0x0], $0xffff;
	_ =	sdelay $0x4  }
0xf4: {  	v2 =	vadd.f32 v3, v2;
	_ =	sdelay $0x1  }
0xf5: {  	v3 =	vmul.f32 $2.000000030e-01, v2;
	_ =	sdelay $0x1  }
0xf6: {  	v2 =	vmax.f32 v2, v3  }
0xf7: {  	v2 =	vmul.f32 $1.442695020e+00, v2;
	_ =	sdelay $0x1  }
0xf8: {  	(erf) = vpow2.f32 v2;
	_ =	sdelay $0x8  }
0xf9: {  	v2 =	vpop (erf)  }
0xfa: {  	[tilespmem:$0x98A0] =	vst v2  }
0xfb: {  	v2 =	vld.idx.msk [tilespmem:v19+s9+$0x0], $0xffff  }
0xfc: {  	v3 =	vld.idx.msk [tilespmem:v20+s10+$0x0], $0xffff;
	_ =	sdelay $0x4  }
0xfd: {  	v2 =	vadd.f32 v3, v2;
	_ =	sdelay $0x1  }
0xfe: {  	v3 =	vmul.f32 $2.000000030e-01, v2;
	_ =	sdelay $0x1  }
0xff: {  	v2 =	vmax.f32 v2, v3  }
0x100: {  	v2 =	vmul.f32 $1.442695020e+00, v2;
	_ =	sdelay $0x1  }
0x101: {  	(erf) = vpow2.f32 v2;
	_ =	sdelay $0x8  }
0x102: {  	v2 =	vpop (erf)  }
0x103: {  	[tilespmem:$0x9810] =	vst v2  }
0x104: {  	v2 =	vld.idx.msk [tilespmem:v21+s9+$0x0], $0xffff  }
0x105: {  	v3 =	vld.idx.msk [tilespmem:v22+s10+$0x0], $0xffff;
	_ =	sdelay $0x4  }
0x106: {  	v2 =	vadd.f32 v3, v2;
	_ =	sdelay $0x1  }
0x107: {  	v3 =	vmul.f32 $2.000000030e-01, v2;
	_ =	sdelay $0x1  }
0x108: {  	v2 =	vmax.f32 v2, v3  }
0x109: {  	v2 =	vmul.f32 $1.442695020e+00, v2;
	_ =	sdelay $0x1  }
0x10a: {  	(erf) = vpow2.f32 v2;
	_ =	sdelay $0x8  }
0x10b: {  	v2 =	vpop (erf)  }
0x10c: {  	[tilespmem:$0x9860] =	vst v2  }
0x10d: {  	v2 =	vld.idx.msk [tilespmem:v23+s9+$0x0], $0xffff  }
0x10e: {  	v3 =	vld.idx.msk [tilespmem:v24+s10+$0x0], $0xffff;
	_ =	sdelay $0x4  }
0x10f: {  	v2 =	vadd.f32 v3, v2;
	_ =	sdelay $0x1  }
0x110: {  	v3 =	vmul.f32 $2.000000030e-01, v2;
	_ =	sdelay $0x1  }
0x111: {  	v2 =	vmax.f32 v2, v3  }
0x112: {  	v2 =	vmul.f32 $1.442695020e+00, v2;
	_ =	sdelay $0x1  }
0x113: {  	(erf) = vpow2.f32 v2;
	_ =	sdelay $0x8  }
0x114: {  	v2 =	vpop (erf)  }
0x115: {  	[tilespmem:$0x98B0] =	vst v2  }
0x116: {  	v2 =	vld.idx.msk [tilespmem:v25+s9+$0x0], $0xffff  }
0x117: {  	v3 =	vld.idx.msk [tilespmem:v26+s10+$0x0], $0xffff;
	_ =	sdelay $0x4  }
0x118: {  	v2 =	vadd.f32 v3, v2;
	_ =	sdelay $0x1  }
0x119: {  	v3 =	vmul.f32 $2.000000030e-01, v2;
	_ =	sdelay $0x1  }
0x11a: {  	v2 =	vmax.f32 v2, v3  }
0x11b: {  	v2 =	vmul.f32 $1.442695020e+00, v2;
	_ =	sdelay $0x1  }
0x11c: {  	(erf) = vpow2.f32 v2;
	_ =	sdelay $0x8  }
0x11d: {  	v2 =	vpop (erf)  }
0x11e: {  	[tilespmem:$0x9820] =	vst v2  }
0x11f: {  	v2 =	vld.idx.msk [tilespmem:v27+s9+$0x0], $0xffff  }
0x120: {  	v3 =	vld.idx.msk [tilespmem:v28+s10+$0x0], $0xffff;
	_ =	sdelay $0x4  }
0x121: {  	v2 =	vadd.f32 v3, v2;
	_ =	sdelay $0x1  }
0x122: {  	v3 =	vmul.f32 $2.000000030e-01, v2;
	_ =	sdelay $0x1  }
0x123: {  	v2 =	vmax.f32 v2, v3  }
0x124: {  	v2 =	vmul.f32 $1.442695020e+00, v2;
	_ =	sdelay $0x1  }
0x125: {  	(erf) = vpow2.f32 v2;
	_ =	sdelay $0x8  }
0x126: {  	v2 =	vpop (erf)  }
0x127: {  	[tilespmem:$0x9870] =	vst v2  }
0x128: {  	v2 =	vld.idx.msk [tilespmem:v29+s9+$0x0], $0xffff  }
0x129: {  	v3 =	vld.idx.msk [tilespmem:v30+s10+$0x0], $0xffff;
	_ =	sdelay $0x4  }
0x12a: {  	v2 =	vadd.f32 v3, v2;
	_ =	sdelay $0x1  }
0x12b: {  	v3 =	vmul.f32 $2.000000030e-01, v2;
	_ =	sdelay $0x1  }
0x12c: {  	v2 =	vmax.f32 v2, v3  }
0x12d: {  	v2 =	vmul.f32 $1.442695020e+00, v2;
	_ =	sdelay $0x1  }
0x12e: {  	(erf) = vpow2.f32 v2;
	_ =	sdelay $0x7  }
0x12f: {  	s7 =	simm.s32 $0x1;
	s8 =	simm.s32 $0x2  }
0x130: {  	v31 =	vmov s8;
	v3 =	vmov s7;
	v2 =	vpop (erf)  }
0x131: {  	s30 =	simm.s32 $0x16A0;
	v56 =	vand.u32 $0x7D, v3;
	[tilespmem:$0x98C0] =	vst v2  }
0x132: {  	v35 =	vadd.s32 $0x50, v56;
	v2 =	vand.u32 $0x7E, v31;
	v57 =	vld [tilespmem:s30+$0x60]  }
0x133: {  	v34 =	vadd.s32 $0x50, v2;
	v36 =	vld [tilespmem:s30+$0xFFFFFFA0]  }
0x134: {  	v39 =	vmov s26;
	v37 =	vld [tilespmem:s30+$0x0]  }
0x135: {  	v41 =	vld.idx.msk [tilespmem:v31+s16+$0x0], $0xffff;
	v31 =	vand.u32 $0x7C, v39  }
0x136: {  	s15 =	simm.s32 $0x3;
	v3 =	vld.idx.msk [tilespmem:v3+s16+$0x0], $0xffff;
	v40 =	vadd.s32 $0x50, v31  }
0x137: {  	v38 =	vmov s15;
	v43 =	vld.idx.msk [tilespmem:v35+s16+$0x0], $0xffff  }
0x138: {  	v58 =	vand.u32 $0x7F, v38;
	v2 =	vadd.s32 $0xA0, v2;
	v46 =	vld.idx.msk [tilespmem:v34+s16+$0x0], $0xffff  }
0x139: {  	v42 =	vadd.s32 $0x50, v58;
	v59 =	vld [tilespmem:s30+$0xFFFFFF40]  }
0x13a: {  	v32 =	vadd.s32 $0xA0, v56;
	v39 =	vld.idx.msk [tilespmem:v39+s16+$0x0], $0xffff  }
0x13b: {  	v61 =	vadd.s32 $0xA0, v58;
	v49 =	vld.idx.msk [tilespmem:v40+s16+$0x0], $0xffff  }
0x13c: {  	v47 =	vld.idx.msk [tilespmem:v38+s16+$0x0], $0xffff  }
0x13d: {  	v31 =	vadd.s32 $0xA0, v31;
	v52 =	vld.idx.msk [tilespmem:v2+s16+$0x0], $0xffff;
	v2 =	vpsel p3, v41, v46  }
0x13e: {  	v48 =	vld.idx.msk [tilespmem:v42+s16+$0x0], $0xffff;
	v37 =	vmul.f32 v37, v2  }
0x13f: {  	s7 =	simm.s32 $0x52C0;
	v54 =	vld.idx.msk [tilespmem:v32+s16+$0x0], $0xffff;
	v60 =	vpsel p3, v3, v43  }
0x140: {  	v55 =	vld.idx.msk [tilespmem:v61+s16+$0x0], $0xffff;
	v36 =	vmul.f32 v36, v60;
	v63 =	vpsel p3, v39, v49;
	[tilespmem:s7+$0x0] =	vst v37  }
0x141: {  	v35 =	vmul.f32 v59, v63;
	v62 =	vld [tilespmem:s30+$0x10]  }
0x142: {  	v53 =	vld.idx.msk [tilespmem:v31+s16+$0x0], $0xffff;
	[tilespmem:s7+$0xFFFFFF90] =	vst v36  }
0x143: {  	v36 =	vld [tilespmem:s30+$0xFFFFFFB0];
	[tilespmem:s7+$0xFFFFFF20] =	vst v35  }
0x144: {  	s24 =	simm.s32 $0x1820;
	v6 =	vpsel p3, v47, v48;
	v8 =	vld [tilespmem:s30+$0xFFFFFF50]  }
0x145: {  	s17 =	simm.s32 $0x5;
	v58 =	vld [tilespmem:s24+$0x60];
	v31 =	vmul.f32 v57, v6  }
0x146: {  	v10 =	vmov s17;
	v11 =	vld [tilespmem:s24+$0xFFFFFFA0];
	v2 =	vmul.f32 v62, v2  }
0x147: {  	v38 =	vld [tilespmem:s24+$0x0];
	[tilespmem:s7+$0x70] =	vst v31  }
0x148: {  	v61 =	vand.u32 $0x7D, v10;
	[tilespmem:s7+$0x10] =	vst v2;
	v2 =	vld [tilespmem:s30+$0x70]  }
0x149: {  	s18 =	simm.s32 $0x6;
	v7 =	vmul.f32 v36, v60;
	v9 =	vmul.f32 v8, v63;
	v63 =	vadd.s32 $0x50, v61;
	v31 =	vld [tilespmem:s30+$0x20]  }
0x14a: {  	v50 =	vld [tilespmem:s24+$0xFFFFFF40];
	v62 =	vmov s18  }
0x14b: {  	v45 =	vld.idx.msk [tilespmem:v10+s16+$0x0], $0xffff;
	v56 =	vpsel p1, v46, v52;
	[tilespmem:s7+$0xFFFFFFA0] =	vst v7  }
0x14c: {  	v56 =	vpsel p2, v41, v56;
	v34 =	vld [tilespmem:s30+$0xFFFFFFC0];
	[tilespmem:s7+$0xFFFFFF30] =	vst v9  }
0x14d: {  	v36 =	vadd.s32 $0xA0, v61;
	v51 =	vld [tilespmem:s30+$0xFFFFFF60];
	v2 =	vmul.f32 v2, v6;
	v6 =	vand.u32 $0x7E, v62  }
0x14e: {  	v32 =	vld.idx.msk [tilespmem:v63+s16+$0x0], $0xffff;
	v7 =	vadd.s32 $0x50, v6;
	v59 =	vmul.f32 v31, v56  }
0x14f: {  	s25 =	simm.s32 $0x7;
	v8 =	vpsel p1, v43, v54;
	v37 =	vld.idx.msk [tilespmem:v62+s16+$0x0], $0xffff;
	v40 =	vadd.s32 $0xA0, v6;
	[tilespmem:s7+$0x80] =	vst v2  }
0x150: {  	s31 =	simm.s32 $0x4;
	v2 =	vmov s25;
	v44 =	vld [tilespmem:s30+$0x80];
	[tilespmem:s7+$0x20] =	vst v59;
	v59 =	vpsel p2, v3, v8  }
0x151: {  	v57 =	vmov s31;
	v4 =	vpsel p1, v49, v53;
	v62 =	vld [tilespmem:s30+$0x30];
	v5 =	vmul.f32 v34, v59  }
0x152: {  	v4 =	vpsel p2, v39, v4;
	v31 =	vpsel p1, v48, v55;
	v34 =	vld.idx.msk [tilespmem:v36+s16+$0x0], $0xffff  }
0x153: {  	v6 =	vpsel p3, v45, v32;
	v33 =	vld.idx.msk [tilespmem:v7+s16+$0x0], $0xffff;
	[tilespmem:s7+$0xFFFFFFB0] =	vst v5;
	v5 =	vmul.f32 v51, v4  }
0x154: {  	v60 =	vand.u32 $0x7C, v57;
	v42 =	vpsel p2, v47, v31;
	v36 =	vld.idx.msk [tilespmem:v40+s16+$0x0], $0xffff;
	v7 =	vmul.f32 v11, v6  }
0x155: {  	v63 =	vadd.s32 $0x50, v60;
	s25 =	simm.s32 $0x5480;
	v31 =	vld.idx.msk [tilespmem:v2+s16+$0x0], $0xffff;
	v2 =	vand.u32 $0x7F, v2;
	v61 =	vmul.f32 v44, v42;
	[tilespmem:s7+$0xFFFFFF40] =	vst v5  }
0x156: {  	v44 =	vld.idx.msk [tilespmem:v57+s16+$0x0], $0xffff;
	v51 =	vadd.s32 $0x50, v2;
	[tilespmem:s25+$0xFFFFFF90] =	vst v7  }
0x157: {  	v9 =	vsel vm0, $0x0, v54;
	v7 =	vld [tilespmem:s30+$0xFFFFFF70];
	[tilespmem:s7+$0x90] =	vst v61  }
0x158: {  	v10 =	vsel vm0, $0x0, v53;
	v57 =	vsel vm1, v9, v43;
	v5 =	vsel vm0, $0x0, v52;
	v61 =	vld [tilespmem:s30+$0x90]  }
0x159: {  	v9 =	vld [tilespmem:s30+$0xFFFFFFD0];
	v40 =	vsel vm2, v3, v57;
	v57 =	vadd.s32 $0xA0, v60;
	v8 =	vpsel p3, v37, v33  }
0x15a: {  	v35 =	vld.idx.msk [tilespmem:v63+s16+$0x0], $0xffff;
	v11 =	vsel vm1, v10, v49;
	v5 =	vsel vm1, v5, v46;
	v3 =	vmul.f32 v38, v8  }
0x15b: {  	v56 =	vmul.f32 v62, v56;
	v38 =	vsel vm2, v41, v5;
	v41 =	vsel vm2, v39, v11;
	v39 =	vld.idx.msk [tilespmem:v51+s16+$0x0], $0xffff  }
0x15c: {  	v5 =	vsel vm0, $0x0, v55;
	[tilespmem:s25+$0x0] =	vst v3;
	v3 =	vld [tilespmem:s24+$0xFFFFFFB0];
	v4 =	vmul.f32 v7, v4  }
0x15d: {  	[tilespmem:s7+$0x30] =	vst v56;
	v5 =	vsel vm1, v5, v48;
	v60 =	vld [tilespmem:s24+$0x10];
	v63 =	vmul.f32 v61, v42  }
0x15e: {  	v2 =	vadd.s32 $0xA0, v2;
	v51 =	vld.idx.msk [tilespmem:v57+s16+$0x0], $0xffff;
	v42 =	vsel vm2, v47, v5;
	v5 =	vmul.f32 v9, v59;
	[tilespmem:s7+$0xFFFFFF50] =	vst v4  }
0x15f: {  	v54 =	vpsel p0, v43, v54;
	v9 =	vld [tilespmem:s30+$0x40];
	v61 =	vpsel p3, v44, v35;
	[tilespmem:s7+$0xA0] =	vst v63  }
0x160: {  	v56 =	vpsel p1, v32, v34;
	v11 =	vsel vm0, $0x0, v34;
	v7 =	vld [tilespmem:s30+$0xFFFFFF80];
	[tilespmem:s7+$0xFFFFFFC0] =	vst v5;
	v5 =	vmul.f32 v50, v61  }
0x161: {  	v48 =	vpsel p0, v48, v55;
	v57 =	vpsel p0, v46, v52;
	v62 =	vld [tilespmem:s30+$0xA0];
	v6 =	vmul.f32 v3, v6  }
0x162: {  	v52 =	vpsel p0, v49, v53;
	v47 =	vsel vm1, v11, v32;
	v4 =	vld [tilespmem:s30+$0xFFFFFFE0];
	v3 =	vmul.f32 v60, v8;
	[tilespmem:s25+$0xFFFFFF20] =	vst v5  }
0x163: {  	v43 =	vld.idx.msk [tilespmem:v2+s16+$0x0], $0xffff;
	v47 =	vsel vm2, v45, v47;
	v2 =	vsel vm0, $0x0, v51;
	v5 =	vsel vm0, $0x0, v36;
	[tilespmem:s25+$0xFFFFFFA0] =	vst v6  }
0x164: {  	v60 =	vpsel p3, v31, v39;
	v5 =	vsel vm1, v5, v33;
	v8 =	vmul.f32 v9, v57;
	[tilespmem:s25+$0x10] =	vst v3;
	v3 =	vld [tilespmem:s24+$0xFFFFFF50]  }
0x165: {  	v63 =	vsel vm1, v2, v35;
	v46 =	vsel vm2, v37, v5;
	v5 =	vmul.f32 v58, v60;
	v2 =	vld [tilespmem:s24+$0xFFFFFFC0]  }
0x166: {  	v50 =	vpsel p1, v33, v36;
	v59 =	vpsel p1, v35, v51;
	v55 =	vmul.f32 v7, v52;
	v58 =	vld [tilespmem:s24+$0x20];
	[tilespmem:s7+$0x40] =	vst v8  }
0x167: {  	s3 =	simm.s32 $0x8;
	s8 =	simm.s32 $0x19A0;
	v53 =	vsel vm2, v44, v63;
	v62 =	vmul.f32 v62, v48;
	v49 =	vmul.f32 v4, v54;
	[tilespmem:s25+$0x70] =	vst v5;
	v63 =	vld [tilespmem:s30+$0x50]  }
.LBB2_5:
0x168: {  	s17 =	sadd.s32 $0x1, s3  }
0x169: {  	s18 =	sadd.s32 $0x3, s3;
	v3 =	vmul.f32 v3, v61;
	v4 =	vld [tilespmem:s24+$0x70];
	[tilespmem:s7+$0xFFFFFFD0] =	vst v49;
	v49 =	vmov v51;
	s31 =	smov.u32 s3;
	s15 =	sadd.s32 $0x4, s3  }
0x16a: {  	p4 =	slt.u32 s3, $0x4C;
	v7 =	vpsel p2, v45, v56;
	v5 =	vmov s17;
	s17 =	sadd.s32 $0x2, s31;
	v6 =	vmov s18;
	[tilespmem:s7+$0xFFFFFF60] =	vst v55;
	v8 =	vld [tilespmem:s30+$0xFFFFFFF0]  }
0x16b: {  	v9 =	vand.u32 $0x7D, v5;
	v51 =	vmov s17;
	v55 =	vld [tilespmem:s8+$0x60];
	[tilespmem:s25+$0xFFFFFF30] =	vst v3;
	v3 =	vpsel p1, v39, v43  }
0x16c: {  	v56 =	vadd.s32 $0x50, v9;
	v61 =	vld [tilespmem:s8+$0xFFFFFFA0];
	v0 =	vand.u32 $0x7E, v51;
	v2 =	vmul.f32 v2, v7;
	[tilespmem:s7+$0xB0] =	vst v62  }
0x16d: {  	v45 =	vand.u32 $0x7F, v6;
	v62 =	vadd.s32 $0x50, v0;
	v10 =	vld [tilespmem:s8+$0x0];
	[tilespmem:s7+$0xFFFFFFF0] =	vst v40;
	v57 =	vmul.f32 v63, v57;
	v40 =	vmovc v47  }
0x16e: {  	v11 =	vadd.s32 $0xA0, v45;
	v47 =	vadd.s32 $0x50, v45;
	v63 =	vld [tilespmem:s8+$0xFFFFFF40];
	[tilespmem:s25+$0xFFFFFFB0] =	vst v2;
	v2 =	vmul.f32 v4, v60  }
0x16f: {  	v45 =	vsel vm0, $0x0, v43;
	v4 =	vld [tilespmem:s24+$0xFFFFFF60];
	v8 =	vmul.f32 v8, v54;
	[tilespmem:s7+$0x50] =	vst v57  }
0x170: {  	[tilespmem:s25+$0x80] =	vst v2;
	v2 =	vsel vm1, v45, v39;
	v54 =	vld [tilespmem:s30+$0xFFFFFF90]  }
0x171: {  	v59 =	vpsel p2, v44, v59;
	v57 =	vmov s31;
	v2 =	vsel vm2, v31, v2;
	[tilespmem:s7+$0xFFFFFF80] =	vst v41;
	v44 =	vld [tilespmem:s30+$0xB0];
	v41 =	vmovc v53;
	s30 =	smov.u32 s24;
	s24 =	smov.u32 s8  }
0x172: {  	v45 =	vand.u32 $0x7C, v57;
	v53 =	vld [tilespmem:s30+$0x80];
	[tilespmem:s7+$0xD0] =	vst v42;
	v42 =	vmov v2  }
0x173: {  	v60 =	vadd.s32 $0xA0, v45;
	v2 =	vadd.s32 $0x50, v45;
	v45 =	vld.idx.msk [tilespmem:v5+s16+$0x0], $0xffff;
	[tilespmem:s7+$0xFFFFFFE0] =	vst v8  }
0x174: {  	v5 =	vadd.s32 $0xA0, v9;
	v8 =	vpsel p2, v37, v50;
	v4 =	vmul.f32 v4, v59;
	v37 =	vld.idx.msk [tilespmem:v51+s16+$0x0], $0xffff  }
0x175: {  	v0 =	vadd.s32 $0xA0, v0;
	v50 =	vmul.f32 v58, v8;
	v9 =	vld.idx.msk [tilespmem:v56+s16+$0x0], $0xffff;
	v51 =	vmul.f32 v54, v52;
	[tilespmem:s7+$0x60] =	vst v38  }
0x176: {  	v3 =	vpsel p2, v31, v3;
	v38 =	vmov v46;
	v52 =	vld.idx.msk [tilespmem:v62+s16+$0x0], $0xffff;
	[tilespmem:s25+$0xFFFFFF40] =	vst v4;
	v4 =	vmul.f32 v44, v48  }
0x177: {  	v31 =	vld.idx.msk [tilespmem:v6+s16+$0x0], $0xffff;
	[tilespmem:s25+$0x20] =	vst v50;
	v6 =	vmul.f32 v53, v3  }
0x178: {  	v46 =	vld [tilespmem:s30+$0x30];
	[tilespmem:s7+$0xC0] =	vst v4  }
0x179: {  	v44 =	vld.idx.msk [tilespmem:v57+s16+$0x0], $0xffff;
	[tilespmem:s7+$0xFFFFFF70] =	vst v51;
	s7 =	smov.u32 s25;
	s25 =	sadd.s32 $0x1C0, s25  }
0x17a: {  	v4 =	vld.idx.msk [tilespmem:v5+s16+$0x0], $0xffff;
	[tilespmem:s7+$0x90] =	vst v6  }
0x17b: {  	v5 =	vpsel p3, v45, v9;
	v6 =	vld [tilespmem:s30+$0x90]  }
0x17c: {  	v48 =	vmul.f32 v61, v5;
	v53 =	vpsel p3, v37, v52;
	v0 =	vld.idx.msk [tilespmem:v0+s16+$0x0], $0xffff  }
0x17d: {  	v10 =	vmul.f32 v10, v53;
	v51 =	vld [tilespmem:s30+$0xFFFFFFD0];
	v8 =	vmul.f32 v46, v8  }
0x17e: {  	v12 =	vld.idx.msk [tilespmem:v2+s16+$0x0], $0xffff;
	[tilespmem:s25+$0xFFFFFF90] =	vst v48  }
0x17f: {  	[tilespmem:s25+$0x0] =	vst v10;
	v2 =	vld [tilespmem:s30+$0xFFFFFF70]  }
0x180: {  	v56 =	vpsel p1, v9, v4;
	v46 =	vsel vm0, $0x0, v4;
	v10 =	vld [tilespmem:s8+$0xFFFFFFB0];
	[tilespmem:s7+$0x30] =	vst v8;
	v3 =	vmul.f32 v6, v3  }
0x181: {  	v6 =	vsel vm1, v46, v9;
	v8 =	vld.idx.msk [tilespmem:v47+s16+$0x0], $0xffff  }
0x182: {  	v47 =	vsel vm2, v45, v6;
	v50 =	vpsel p1, v52, v0;
	v6 =	vld [tilespmem:s8+$0x10];
	v7 =	vmul.f32 v51, v7;
	[tilespmem:s7+$0xA0] =	vst v3  }
0x183: {  	v3 =	vsel vm0, $0x0, v0;
	v48 =	vld [tilespmem:s30+$0x40]  }
0x184: {  	v61 =	vpsel p3, v44, v12;
	v51 =	vld.idx.msk [tilespmem:v60+s16+$0x0], $0xffff;
	v2 =	vmul.f32 v2, v59;
	[tilespmem:s7+$0xFFFFFFC0] =	vst v7  }
0x185: {  	v3 =	vsel vm1, v3, v52;
	v7 =	vmul.f32 v63, v61;
	v62 =	vld [tilespmem:s30+$0xA0]  }
0x186: {  	v46 =	vsel vm2, v37, v3;
	v5 =	vmul.f32 v10, v5;
	[tilespmem:s7+$0xFFFFFF50] =	vst v2;
	v10 =	vld [tilespmem:s30+$0xFFFFFFE0]  }
0x187: {  	v57 =	vpsel p0, v33, v36;
	v60 =	vpsel p3, v31, v8;
	[tilespmem:s25+$0xFFFFFF20] =	vst v7;
	v2 =	vmul.f32 v6, v53;
	v6 =	vld [tilespmem:s30+$0xFFFFFF80]  }
.Ltmp1:
0x188: {  	v33 =	vmovc v52;
	v36 =	vmov v0;
	v7 =	vmul.f32 v55, v60;
	v3 =	vld [tilespmem:s8+$0xFFFFFF50];
	v53 =	vmul.f32 v48, v57;
	(pc) =	sbr.rel @p4 .LBB2_5-.Ltmp1, $4  }
0x189: {  	v54 =	vpsel p0, v32, v34;
	v32 =	vmov v9;
	v48 =	vpsel p0, v39, v43;
	[tilespmem:s25+$0x10] =	vst v2;
	v43 =	vld.idx.msk [tilespmem:v11+s16+$0x0], $0xffff  }
0x18a: {  	v34 =	vmovc v4;
	v59 =	vpsel p1, v12, v51;
	v0 =	vsel vm0, $0x0, v51;
	[tilespmem:s25+$0xFFFFFFA0] =	vst v5;
	v58 =	vld [tilespmem:s8+$0x20];
	v62 =	vmul.f32 v62, v48  }
0x18b: {  	v52 =	vpsel p0, v35, v49;
	v0 =	vsel vm1, v0, v12;
	v2 =	vld [tilespmem:s8+$0xFFFFFFC0];
	v49 =	vmul.f32 v10, v54;
	[tilespmem:s7+$0x40] =	vst v53  }
0x18c: {  	s3 =	smov.u32 s15;
	v35 =	vmovc v12;
	v39 =	vmov v8;
	v53 =	vsel vm2, v44, v0;
	s8 =	sadd.s32 $0x180, s8;
	[tilespmem:s25+$0x70] =	vst v7;
	v55 =	vmul.f32 v6, v52;
	v63 =	vld [tilespmem:s30+$0x50]  }
0x18d: {  	v0 =	vld [tilespmem:s24+$0x70];
	_ =	sdelay $0x4  }
0x18e: {  	v0 =	vmul.f32 v0, v60  }
0x18f: {  	v3 =	vmul.f32 v3, v61  }
0x190: {  	[tilespmem:s25+$0x80] =	vst v0;
	v0 =	vpsel p2, v37, v50  }
0x191: {  	[tilespmem:s25+$0xFFFFFF30] =	vst v3;
	v3 =	vld [tilespmem:s24+$0x80];
	v4 =	vmul.f32 v58, v0  }
0x192: {  	v5 =	vld [tilespmem:s24+$0xFFFFFF60]  }
0x193: {  	v6 =	vpsel p2, v45, v56;
	[tilespmem:s25+$0x20] =	vst v4  }
0x194: {  	[tilespmem:s7+$0xFFFFFFD0] =	vst v49;
	v2 =	vmul.f32 v2, v6;
	v4 =	vpsel p1, v39, v43;
	v7 =	vld [tilespmem:s24+$0x30]  }
0x195: {  	[tilespmem:s7+$0xB0] =	vst v62;
	v4 =	vpsel p2, v31, v4  }
0x196: {  	[tilespmem:s25+$0xFFFFFFB0] =	vst v2;
	v2 =	vpsel p2, v44, v59;
	v3 =	vmul.f32 v3, v4  }
0x197: {  	[tilespmem:s7+$0x60] =	vst v38;
	v8 =	vld [tilespmem:s24+$0xFFFFFFD0];
	v5 =	vmul.f32 v5, v2  }
0x198: {  	[tilespmem:s25+$0x90] =	vst v3  }
0x199: {  	[tilespmem:s25+$0xFFFFFF40] =	vst v5;
	v3 =	vld [tilespmem:s24+$0x90];
	v0 =	vmul.f32 v7, v0  }
0x19a: {  	[tilespmem:s7+$0xFFFFFF60] =	vst v55;
	v5 =	vmul.f32 v63, v57;
	v59 =	vld [tilespmem:s24+$0xFFFFFF70]  }
0x19b: {  	v9 =	vld [tilespmem:s30+$0xFFFFFFF0];
	[tilespmem:s25+$0x30] =	vst v0  }
0x19c: {  	[tilespmem:s7+$0x50] =	vst v5;
	v0 =	vmul.f32 v8, v6;
	v5 =	vld [tilespmem:s24+$0x40]  }
0x19d: {  	[tilespmem:s7+$0xFFFFFFF0] =	vst v40;
	v10 =	vld [tilespmem:s30+$0xFFFFFF90]  }
0x19e: {  	v60 =	vld [tilespmem:s30+$0xB0];
	[tilespmem:s25+$0xFFFFFFC0] =	vst v0;
	v3 =	vmul.f32 v3, v4  }
0x19f: {  	[tilespmem:s7+$0xFFFFFF80] =	vst v41;
	v0 =	vmul.f32 v59, v2;
	v2 =	vld [tilespmem:s24+$0xFFFFFFE0]  }
0x1a0: {  	v4 =	vmul.f32 v9, v54;
	[tilespmem:s25+$0xA0] =	vst v3;
	v3 =	vpsel p0, v33, v36  }
0x1a1: {  	[tilespmem:s25+$0xFFFFFF50] =	vst v0;
	v61 =	vld [tilespmem:s24+$0xA0];
	v0 =	vmul.f32 v5, v3  }
0x1a2: {  	[tilespmem:s7+$0xFFFFFFE0] =	vst v4;
	v4 =	vld [tilespmem:s24+$0xFFFFFF80]  }
0x1a3: {  	v62 =	vpsel p0, v32, v34;
	v5 =	vmul.f32 v60, v48;
	[tilespmem:s25+$0x40] =	vst v0  }
0x1a4: {  	[tilespmem:s7+$0xD0] =	vst v42;
	v63 =	vmul.f32 v10, v52;
	v0 =	vmul.f32 v2, v62;
	v2 =	vld [tilespmem:s24+$0x50]  }
0x1a5: {  	[tilespmem:s7+$0xC0] =	vst v5;
	v5 =	vpsel p0, v39, v43  }
0x1a6: {  	v32 =	vpsel p0, v35, v51;
	[tilespmem:s7+$0xFFFFFF70] =	vst v63;
	v7 =	vmul.f32 v61, v5  }
0x1a7: {  	[tilespmem:s25+$0xFFFFFFD0] =	vst v0;
	v0 =	vmul.f32 v4, v32  }
0x1a8: {  	v4 =	vld [tilespmem:s24+$0xFFFFFFF0];
	[tilespmem:s25+$0xB0] =	vst v7  }
0x1a9: {  	[tilespmem:s25+$0xFFFFFF60] =	vst v0;
	v0 =	vmul.f32 v2, v3;
	v2 =	vld [tilespmem:s24+$0xB0]  }
0x1aa: {  	[tilespmem:s25+$0x60] =	vst v46;
	v33 =	vld [tilespmem:s24+$0xFFFFFF90]  }
0x1ab: {  	[tilespmem:s25+$0xFFFFFFF0] =	vst v47;
	v3 =	vsel vm0, $0x0, v43  }
0x1ac: {  	[tilespmem:s25+$0xFFFFFF80] =	vst v53;
	v3 =	vsel vm1, v3, v39  }
0x1ad: {  	[tilespmem:s25+$0x50] =	vst v0;
	v0 =	vsel vm2, v31, v3;
	v3 =	vmul.f32 v4, v62  }
0x1ae: {  	[tilespmem:s25+$0xD0] =	vst v0;
	v0 =	vmul.f32 v2, v5  }
0x1af: {  	[tilespmem:s25+$0xFFFFFFE0] =	vst v3;
	v2 =	vmul.f32 v33, v32  }
0x1b0: {  	[tilespmem:s25+$0xC0] =	vst v0  }
0x1b1: {  	s3 =	simm.s32 $0x140;
	s31 =	simm.s32 $0x51E0;
	[tilespmem:s25+$0xFFFFFF70] =	vst v2  }
0x1b2: {  	[spmem:s1] =	stream.indirect.scatter.add.f32 [tilespmem:s31], [sflag:$0x5], $0x70, s3, s0, $0xb8;
	[tilespmem:$0x1AA40] =	vst v63  }
0x1b3: {  	_ =	swait.ge [sflag:s19], $0x500  }
0x1b4: {  	[sflag:s19] =	ssyncset.done $0x0  }
0x1b5: {  	[sflag:s19] =	ssyncadd.s32 $0xFFFFFB00  }
0x1b6: {  	_ =	swait.ge [sflag:s19], $0x500  }
0x1b7: {  	[sflag:s19] =	ssyncset.done $0x0  }
0x1b8: {  	[sflag:s19] =	ssyncadd.s32 $0xFFFFFB00  }
0x1b9: {  	_ =	swait.ge [sflag:s19], $0x1E00  }
0x1ba: {  	[sflag:s19] =	ssyncset.done $0x0  }
0x1bb: {  	s3 =	simm.s32 @!p6 $0x6;
	[sflag:s19] =	ssyncadd.s32 $0xFFFFE200  }
0x1bc: {  	_ =	swait.ge @!p6 [sflag:s3], $0x2300  }
0x1bd: {  	[sflag:s3] =	ssyncset.done @!p6 $0x0  }
0x1be: {  	[sflag:s3] =	ssyncadd.s32 @!p6 $0xFFFFDD00  }
0x1bf: {  	v0 =	vld [tilespmem:$0xF0]  }
0x1c0: {  	v2 =	vld [tilespmem:$0x100]  }
0x1c1: {  	v3 =	vld [tilespmem:$0x110]  }
0x1c2: {  	v4 =	vld [tilespmem:$0x120]  }
0x1c3: {  	v5 =	vld [tilespmem:$0x130]  }
0x1c4: {  	[tilespmem:$0x190] =	vst v0  }
0x1c5: {  	[tilespmem:$0x1A0] =	vst v2  }
0x1c6: {  	[tilespmem:$0x1B0] =	vst v3  }
0x1c7: {  	[tilespmem:$0x1C0] =	vst v4  }
0x1c8: {  	s3 =	simm.s32 @!p5 $0x1;
	[tilespmem:$0x1D0] =	vst v5  }
0x1c9: {  	_ =	swait.ge @!p5 [sflag:s3], $0x50  }
0x1ca: {  	[sflag:s3] =	ssyncset.done @!p5 $0x0  }
0x1cb: {  	[sflag:s3] =	ssyncadd.s32 @!p5 $0xFFFFFFB0  }
0x1cc: {  	_ =	swait.ge @!p5 [sflag:s3], $0x50  }
0x1cd: {  	s8 =	simm.s32 @!p5 $0x1E0;
	[sflag:s3] =	ssyncset.done @!p5 $0x0  }
0x1ce: {  	s7 =	simm.s32 @!p5 $0x0;
	[sflag:s3] =	ssyncadd.s32 @!p5 $0xFFFFFFB0;
	s3 =	simm.s32 @!p5 $0x50  }
0x1cf: {  	[tilespmem:s8], [sflag:$0x3] =	stream.indirect.gather @!p5 [hbm4b:s4+s3], $0x10, s7, s3, $0xb8;
	[tilespmem:$0x1AA40] =	vst v63  }
0x1d0: {  	s15 =	simm.s32 @!p5 $0xBE0;
	s8 =	simm.s32 @!p5 $0xA0  }
0x1d1: {  	[tilespmem:s15], [sflag:$0x3] =	stream.indirect.gather @!p5 [hbm4b:s4+s3], $0x10, s8, s3, $0xb8;
	[tilespmem:$0x1AA40] =	vst v63  }
0x1d2: {  	s8 =	simm.s32 @!p5 $0x15E0  }
0x1d3: {  	v2 =	vld [tilespmem:$0x1FF40];
	[tilespmem:s8], [sflag:$0x3] =	stream.indirect.gather @!p5 [hbm4b:s20+s3], $0x60, s7, s3, $0xb8  }
0x1d4: {  	s8 =	sadd.s32 @!p5 s29, s23  }
0x1d5: {  	s8 =	sshrl.u32 @!p5 s8, $0x3  }
0x1d6: {  	s15 =	sadd.s32 @!p5 s5, s8  }
0x1d7: {  	[tilespmem:s3], [sflag:$0x2] =	stream.linear.gather @!p5 [hbm4b:s15+s7], $0x50, $0x38;
	[tilespmem:$0x1AA40] =	vst v63  }
0x1d8: {  	s3 =	sadd.s32 @!p5 s6, s8;
	s8 =	simm.s32 @!p5 $0xF0  }
0x1d9: {  	[tilespmem:s8], [sflag:$0x2] =	stream.linear.gather @!p5 [hbm4b:s3+s7], $0x50, $0x38;
	[tilespmem:$0x1AA40] =	vst v63  }
0x1da: {  	v0 =	vld.idx.msk [tilespmem:v13+s13+$0x0], $0xffff  }
0x1db: {  	v2 =	vld.idx.msk [tilespmem:v2+s14+$0x0], $0xffff;
	_ =	sdelay $0x4  }
0x1dc: {  	v0 =	vadd.f32 v2, v0;
	_ =	sdelay $0x1  }
0x1dd: {  	v2 =	vmul.f32 $2.000000030e-01, v0;
	_ =	sdelay $0x1  }
0x1de: {  	v0 =	vmax.f32 v0, v2  }
0x1df: {  	v0 =	vmul.f32 $1.442695020e+00, v0;
	_ =	sdelay $0x1  }
0x1e0: {  	(erf) = vpow2.f32 v0;
	_ =	sdelay $0x8  }
0x1e1: {  	v2 =	vld [tilespmem:$0x1FF60];
	v0 =	vpop (erf)  }
0x1e2: {  	[tilespmem:$0x97E0] =	vst v0;
	v0 =	vld [tilespmem:$0x1FF50];
	_ =	sdelay $0x6  }
0x1e3: {  	v2 =	vld.idx.msk [tilespmem:v2+s14+$0x0], $0xffff  }
0x1e4: {  	v0 =	vld.idx.msk [tilespmem:v0+s13+$0x0], $0xffff;
	_ =	sdelay $0x4  }
0x1e5: {  	v0 =	vadd.f32 v2, v0;
	_ =	sdelay $0x1  }
0x1e6: {  	v2 =	vmul.f32 $2.000000030e-01, v0;
	_ =	sdelay $0x1  }
0x1e7: {  	v0 =	vmax.f32 v0, v2  }
0x1e8: {  	v0 =	vmul.f32 $1.442695020e+00, v0;
	_ =	sdelay $0x1  }
0x1e9: {  	(erf) = vpow2.f32 v0;
	_ =	sdelay $0x8  }
0x1ea: {  	v2 =	vld [tilespmem:$0x1FF80];
	v0 =	vpop (erf)  }
0x1eb: {  	[tilespmem:$0x9830] =	vst v0;
	v0 =	vld [tilespmem:$0x1FF70];
	_ =	sdelay $0x6  }
0x1ec: {  	v2 =	vld.idx.msk [tilespmem:v2+s14+$0x0], $0xffff  }
0x1ed: {  	v0 =	vld.idx.msk [tilespmem:v0+s13+$0x0], $0xffff;
	_ =	sdelay $0x4  }
0x1ee: {  	v0 =	vadd.f32 v2, v0;
	_ =	sdelay $0x1  }
0x1ef: {  	v2 =	vmul.f32 $2.000000030e-01, v0;
	_ =	sdelay $0x1  }
0x1f0: {  	v0 =	vmax.f32 v0, v2  }
0x1f1: {  	v0 =	vmul.f32 $1.442695020e+00, v0;
	_ =	sdelay $0x1  }
0x1f2: {  	(erf) = vpow2.f32 v0;
	_ =	sdelay $0x8  }
0x1f3: {  	v2 =	vld [tilespmem:$0x1FFA0];
	v0 =	vpop (erf)  }
0x1f4: {  	[tilespmem:$0x9880] =	vst v0;
	v0 =	vld [tilespmem:$0x1FF90];
	_ =	sdelay $0x6  }
0x1f5: {  	v2 =	vld.idx.msk [tilespmem:v2+s14+$0x0], $0xffff  }
0x1f6: {  	v0 =	vld.idx.msk [tilespmem:v0+s13+$0x0], $0xffff;
	_ =	sdelay $0x4  }
0x1f7: {  	v0 =	vadd.f32 v2, v0;
	_ =	sdelay $0x1  }
0x1f8: {  	v2 =	vmul.f32 $2.000000030e-01, v0;
	_ =	sdelay $0x1  }
0x1f9: {  	v0 =	vmax.f32 v0, v2  }
0x1fa: {  	v0 =	vmul.f32 $1.442695020e+00, v0;
	_ =	sdelay $0x1  }
0x1fb: {  	(erf) = vpow2.f32 v0;
	_ =	sdelay $0x8  }
0x1fc: {  	v2 =	vld [tilespmem:$0x1FFC0];
	v0 =	vpop (erf)  }
0x1fd: {  	[tilespmem:$0x97F0] =	vst v0;
	v0 =	vld [tilespmem:$0x1FFB0];
	_ =	sdelay $0x6  }
0x1fe: {  	v2 =	vld.idx.msk [tilespmem:v2+s14+$0x0], $0xffff  }
0x1ff: {  	v0 =	vld.idx.msk [tilespmem:v0+s13+$0x0], $0xffff;
	_ =	sdelay $0x4  }
0x200: {  	v0 =	vadd.f32 v2, v0;
	_ =	sdelay $0x1  }
0x201: {  	v2 =	vmul.f32 $2.000000030e-01, v0;
	_ =	sdelay $0x1  }
0x202: {  	v0 =	vmax.f32 v0, v2  }
0x203: {  	v0 =	vmul.f32 $1.442695020e+00, v0;
	_ =	sdelay $0x1  }
0x204: {  	(erf) = vpow2.f32 v0;
	_ =	sdelay $0x8  }
0x205: {  	v2 =	vld [tilespmem:$0x1FFE0];
	v0 =	vpop (erf)  }
0x206: {  	[tilespmem:$0x9840] =	vst v0;
	v0 =	vld [tilespmem:$0x1FFD0];
	_ =	sdelay $0x6  }
0x207: {  	v2 =	vld.idx.msk [tilespmem:v2+s14+$0x0], $0xffff  }
0x208: {  	v0 =	vld.idx.msk [tilespmem:v0+s13+$0x0], $0xffff;
	_ =	sdelay $0x4  }
0x209: {  	v0 =	vadd.f32 v2, v0;
	_ =	sdelay $0x1  }
0x20a: {  	v2 =	vmul.f32 $2.000000030e-01, v0;
	_ =	sdelay $0x1  }
0x20b: {  	v0 =	vmax.f32 v0, v2  }
0x20c: {  	v0 =	vmul.f32 $1.442695020e+00, v0;
	_ =	sdelay $0x1  }
0x20d: {  	(erf) = vpow2.f32 v0;
	_ =	sdelay $0x8  }
0x20e: {  	v0 =	vpop (erf)  }
0x20f: {  	[tilespmem:$0x9890] =	vst v0;
	v0 =	vld [tilespmem:$0x1FFF0];
	_ =	sdelay $0x6  }
0x210: {  	v2 =	vld.idx.msk [tilespmem:v14+s14+$0x0], $0xffff  }
0x211: {  	v0 =	vld.idx.msk [tilespmem:v0+s13+$0x0], $0xffff;
	_ =	sdelay $0x4  }
0x212: {  	v0 =	vadd.f32 v2, v0;
	_ =	sdelay $0x1  }
0x213: {  	v2 =	vmul.f32 $2.000000030e-01, v0;
	_ =	sdelay $0x1  }
0x214: {  	v0 =	vmax.f32 v0, v2  }
0x215: {  	v0 =	vmul.f32 $1.442695020e+00, v0;
	_ =	sdelay $0x1  }
0x216: {  	(erf) = vpow2.f32 v0;
	_ =	sdelay $0x8  }
0x217: {  	v0 =	vpop (erf)  }
0x218: {  	[tilespmem:$0x9800] =	vst v0  }
0x219: {  	v0 =	vld.idx.msk [tilespmem:v15+s13+$0x0], $0xffff  }
0x21a: {  	v2 =	vld.idx.msk [tilespmem:v16+s14+$0x0], $0xffff;
	_ =	sdelay $0x4  }
0x21b: {  	v0 =	vadd.f32 v2, v0;
	_ =	sdelay $0x1  }
0x21c: {  	v2 =	vmul.f32 $2.000000030e-01, v0;
	_ =	sdelay $0x1  }
0x21d: {  	v0 =	vmax.f32 v0, v2  }
0x21e: {  	v0 =	vmul.f32 $1.442695020e+00, v0;
	_ =	sdelay $0x1  }
0x21f: {  	(erf) = vpow2.f32 v0;
	_ =	sdelay $0x8  }
0x220: {  	v0 =	vpop (erf)  }
0x221: {  	[tilespmem:$0x9850] =	vst v0  }
0x222: {  	v0 =	vld.idx.msk [tilespmem:v17+s13+$0x0], $0xffff  }
0x223: {  	v2 =	vld.idx.msk [tilespmem:v18+s14+$0x0], $0xffff;
	_ =	sdelay $0x4  }
0x224: {  	v0 =	vadd.f32 v2, v0;
	_ =	sdelay $0x1  }
0x225: {  	v2 =	vmul.f32 $2.000000030e-01, v0;
	_ =	sdelay $0x1  }
0x226: {  	v0 =	vmax.f32 v0, v2  }
0x227: {  	v0 =	vmul.f32 $1.442695020e+00, v0;
	_ =	sdelay $0x1  }
0x228: {  	(erf) = vpow2.f32 v0;
	_ =	sdelay $0x8  }
0x229: {  	v0 =	vpop (erf)  }
0x22a: {  	[tilespmem:$0x98A0] =	vst v0  }
0x22b: {  	v0 =	vld.idx.msk [tilespmem:v19+s13+$0x0], $0xffff  }
0x22c: {  	v2 =	vld.idx.msk [tilespmem:v20+s14+$0x0], $0xffff;
	_ =	sdelay $0x4  }
0x22d: {  	v0 =	vadd.f32 v2, v0;
	_ =	sdelay $0x1  }
0x22e: {  	v2 =	vmul.f32 $2.000000030e-01, v0;
	_ =	sdelay $0x1  }
0x22f: {  	v0 =	vmax.f32 v0, v2  }
0x230: {  	v0 =	vmul.f32 $1.442695020e+00, v0;
	_ =	sdelay $0x1  }
0x231: {  	(erf) = vpow2.f32 v0;
	_ =	sdelay $0x8  }
0x232: {  	v0 =	vpop (erf)  }
0x233: {  	[tilespmem:$0x9810] =	vst v0  }
0x234: {  	v0 =	vld.idx.msk [tilespmem:v21+s13+$0x0], $0xffff  }
0x235: {  	v2 =	vld.idx.msk [tilespmem:v22+s14+$0x0], $0xffff;
	_ =	sdelay $0x4  }
0x236: {  	v0 =	vadd.f32 v2, v0;
	_ =	sdelay $0x1  }
0x237: {  	v2 =	vmul.f32 $2.000000030e-01, v0;
	_ =	sdelay $0x1  }
0x238: {  	v0 =	vmax.f32 v0, v2  }
0x239: {  	v0 =	vmul.f32 $1.442695020e+00, v0;
	_ =	sdelay $0x1  }
0x23a: {  	(erf) = vpow2.f32 v0;
	_ =	sdelay $0x8  }
0x23b: {  	v0 =	vpop (erf)  }
0x23c: {  	[tilespmem:$0x9860] =	vst v0  }
0x23d: {  	v0 =	vld.idx.msk [tilespmem:v23+s13+$0x0], $0xffff  }
0x23e: {  	v2 =	vld.idx.msk [tilespmem:v24+s14+$0x0], $0xffff;
	_ =	sdelay $0x4  }
0x23f: {  	v0 =	vadd.f32 v2, v0;
	_ =	sdelay $0x1  }
0x240: {  	v2 =	vmul.f32 $2.000000030e-01, v0;
	_ =	sdelay $0x1  }
0x241: {  	v0 =	vmax.f32 v0, v2  }
0x242: {  	v0 =	vmul.f32 $1.442695020e+00, v0;
	_ =	sdelay $0x1  }
0x243: {  	(erf) = vpow2.f32 v0;
	_ =	sdelay $0x8  }
0x244: {  	v0 =	vpop (erf)  }
0x245: {  	[tilespmem:$0x98B0] =	vst v0  }
0x246: {  	v0 =	vld.idx.msk [tilespmem:v25+s13+$0x0], $0xffff  }
0x247: {  	v2 =	vld.idx.msk [tilespmem:v26+s14+$0x0], $0xffff;
	_ =	sdelay $0x4  }
0x248: {  	v0 =	vadd.f32 v2, v0;
	_ =	sdelay $0x1  }
0x249: {  	v2 =	vmul.f32 $2.000000030e-01, v0;
	_ =	sdelay $0x1  }
0x24a: {  	v0 =	vmax.f32 v0, v2  }
0x24b: {  	v0 =	vmul.f32 $1.442695020e+00, v0;
	_ =	sdelay $0x1  }
0x24c: {  	(erf) = vpow2.f32 v0;
	_ =	sdelay $0x8  }
0x24d: {  	v0 =	vpop (erf)  }
0x24e: {  	[tilespmem:$0x9820] =	vst v0  }
0x24f: {  	v0 =	vld.idx.msk [tilespmem:v27+s13+$0x0], $0xffff  }
0x250: {  	v2 =	vld.idx.msk [tilespmem:v28+s14+$0x0], $0xffff;
	_ =	sdelay $0x4  }
0x251: {  	v0 =	vadd.f32 v2, v0;
	_ =	sdelay $0x1  }
0x252: {  	v2 =	vmul.f32 $2.000000030e-01, v0;
	_ =	sdelay $0x1  }
0x253: {  	v0 =	vmax.f32 v0, v2  }
0x254: {  	v0 =	vmul.f32 $1.442695020e+00, v0;
	_ =	sdelay $0x1  }
0x255: {  	(erf) = vpow2.f32 v0;
	_ =	sdelay $0x8  }
0x256: {  	v0 =	vpop (erf)  }
0x257: {  	[tilespmem:$0x9870] =	vst v0  }
0x258: {  	v0 =	vld.idx.msk [tilespmem:v29+s13+$0x0], $0xffff  }
0x259: {  	v2 =	vld.idx.msk [tilespmem:v30+s14+$0x0], $0xffff;
	_ =	sdelay $0x4  }
0x25a: {  	v0 =	vadd.f32 v2, v0;
	_ =	sdelay $0x1  }
0x25b: {  	v2 =	vmul.f32 $2.000000030e-01, v0;
	_ =	sdelay $0x1  }
0x25c: {  	v0 =	vmax.f32 v0, v2  }
0x25d: {  	v0 =	vmul.f32 $1.442695020e+00, v0;
	_ =	sdelay $0x1  }
0x25e: {  	(erf) = vpow2.f32 v0;
	_ =	sdelay $0x7  }
0x25f: {  	s7 =	simm.s32 $0x1  }
0x260: {  	s8 =	simm.s32 $0x2;
	v2 =	vmov s7;
	v0 =	vpop (erf)  }
0x261: {  	s29 =	simm.s32 $0x34A0;
	v3 =	vmov s8;
	v4 =	vand.u32 $0x7D, v2;
	[tilespmem:$0x98C0] =	vst v0  }
0x262: {  	v35 =	vadd.s32 $0x50, v4;
	v0 =	vand.u32 $0x7E, v3;
	v5 =	vld [tilespmem:s29+$0x60]  }
0x263: {  	v34 =	vadd.s32 $0x50, v0;
	v36 =	vld [tilespmem:s29+$0xFFFFFFA0]  }
0x264: {  	s17 =	simm.s32 $0x0;
	s15 =	simm.s32 $0x3;
	v37 =	vld [tilespmem:s29+$0x0]  }
0x265: {  	v11 =	vmov s17;
	v38 =	vmov s15;
	v2 =	vld.idx.msk [tilespmem:v2+s16+$0x0], $0xffff  }
0x266: {  	v12 =	vand.u32 $0x7C, v11;
	v3 =	vld.idx.msk [tilespmem:v3+s16+$0x0], $0xffff  }
0x267: {  	v31 =	vadd.s32 $0x50, v12;
	v43 =	vld.idx.msk [tilespmem:v35+s16+$0x0], $0xffff  }
0x268: {  	v39 =	vand.u32 $0x7F, v38;
	v0 =	vadd.s32 $0xA0, v0;
	v46 =	vld.idx.msk [tilespmem:v34+s16+$0x0], $0xffff  }
0x269: {  	v41 =	vadd.s32 $0x50, v39;
	v40 =	vld [tilespmem:s29+$0xFFFFFF40]  }
0x26a: {  	v4 =	vadd.s32 $0xA0, v4;
	v10 =	vld.idx.msk [tilespmem:v38+s16+$0x0], $0xffff  }
0x26b: {  	v12 =	vadd.s32 $0xA0, v12;
	v11 =	vld.idx.msk [tilespmem:v11+s16+$0x0], $0xffff  }
0x26c: {  	s18 =	simm.s32 $0x5;
	v49 =	vld.idx.msk [tilespmem:v31+s16+$0x0], $0xffff  }
0x26d: {  	v50 =	vmov s18;
	v52 =	vld.idx.msk [tilespmem:v0+s16+$0x0], $0xffff;
	v0 =	vpsel p3, v3, v46  }
0x26e: {  	v51 =	vand.u32 $0x7D, v50;
	v48 =	vld.idx.msk [tilespmem:v41+s16+$0x0], $0xffff;
	v9 =	vmul.f32 v37, v0  }
0x26f: {  	v56 =	vadd.s32 $0x50, v51;
	s7 =	simm.s32 $0x75C0;
	v54 =	vld.idx.msk [tilespmem:v4+s16+$0x0], $0xffff  }
0x270: {  	v53 =	vld.idx.msk [tilespmem:v12+s16+$0x0], $0xffff;
	[tilespmem:s7+$0x0] =	vst v9  }
0x271: {  	s24 =	simm.s32 $0x3620;
	v4 =	vadd.s32 $0xA0, v39;
	v42 =	vpsel p3, v2, v43;
	v44 =	vld [tilespmem:s29+$0x10]  }
0x272: {  	v12 =	vld [tilespmem:s24+$0xFFFFFFA0];
	v8 =	vmul.f32 v36, v42  }
0x273: {  	v35 =	vld [tilespmem:s24+$0x0];
	v45 =	vpsel p3, v11, v49  }
0x274: {  	v32 =	vld.idx.msk [tilespmem:v56+s16+$0x0], $0xffff;
	v31 =	vpsel p3, v10, v48;
	v7 =	vmul.f32 v40, v45;
	[tilespmem:s7+$0xFFFFFF90] =	vst v8  }
0x275: {  	v61 =	vadd.s32 $0xA0, v51;
	s25 =	simm.s32 $0x6;
	v5 =	vmul.f32 v5, v31;
	v8 =	vld [tilespmem:s29+$0xFFFFFFB0]  }
0x276: {  	v55 =	vmov s25;
	v4 =	vld.idx.msk [tilespmem:v4+s16+$0x0], $0xffff;
	[tilespmem:s7+$0xFFFFFF20] =	vst v7;
	v0 =	vmul.f32 v44, v0  }
0x277: {  	[tilespmem:s7+$0x70] =	vst v5;
	v7 =	vld [tilespmem:s29+$0xFFFFFF50]  }
0x278: {  	[tilespmem:s7+$0x10] =	vst v0;
	v0 =	vld [tilespmem:s29+$0x70]  }
0x279: {  	v5 =	vld [tilespmem:s29+$0x20]  }
0x27a: {  	v34 =	vld.idx.msk [tilespmem:v61+s16+$0x0], $0xffff;
	v47 =	vmul.f32 v8, v42  }
0x27b: {  	v37 =	vld.idx.msk [tilespmem:v55+s16+$0x0], $0xffff  }
0x27c: {  	s31 =	simm.s32 $0x4;
	v59 =	vpsel p1, v46, v52;
	v8 =	vld [tilespmem:s24+$0x60];
	v7 =	vmul.f32 v7, v45;
	[tilespmem:s7+$0xFFFFFFA0] =	vst v47  }
0x27d: {  	v60 =	vmov s31;
	v39 =	vpsel p2, v3, v59;
	v6 =	vld [tilespmem:s29+$0xFFFFFFC0];
	v0 =	vmul.f32 v0, v31  }
0x27e: {  	v45 =	vld.idx.msk [tilespmem:v50+s16+$0x0], $0xffff;
	[tilespmem:s7+$0xFFFFFF30] =	vst v7;
	v31 =	vand.u32 $0x7E, v55;
	v5 =	vmul.f32 v5, v39  }
0x27f: {  	s30 =	simm.s32 $0x7;
	v36 =	vld [tilespmem:s29+$0xFFFFFF60];
	v57 =	vadd.s32 $0x50, v31;
	[tilespmem:s7+$0x80] =	vst v0  }
0x280: {  	v47 =	vld [tilespmem:s24+$0xFFFFFF40];
	v0 =	vmov s30;
	[tilespmem:s7+$0x20] =	vst v5;
	v5 =	vpsel p1, v43, v54  }
0x281: {  	v63 =	vadd.s32 $0xA0, v31;
	v58 =	vld [tilespmem:s29+$0x80];
	v5 =	vpsel p2, v2, v5  }
0x282: {  	v42 =	vand.u32 $0x7C, v60;
	v44 =	vld.idx.msk [tilespmem:v60+s16+$0x0], $0xffff;
	v60 =	vpsel p1, v49, v53;
	v6 =	vmul.f32 v6, v5  }
0x283: {  	v62 =	vpsel p1, v48, v4;
	v55 =	vpsel p2, v11, v60;
	v50 =	vld [tilespmem:s29+$0x30]  }
0x284: {  	v33 =	vld.idx.msk [tilespmem:v57+s16+$0x0], $0xffff;
	v57 =	vpsel p3, v45, v32;
	[tilespmem:s7+$0xFFFFFFB0] =	vst v6;
	v6 =	vmul.f32 v36, v55  }
0x285: {  	v51 =	vadd.s32 $0x50, v42;
	v7 =	vpsel p2, v10, v62;
	v31 =	vld.idx.msk [tilespmem:v0+s16+$0x0], $0xffff;
	v12 =	vmul.f32 v12, v57  }
0x286: {  	s25 =	simm.s32 $0x7780;
	v0 =	vand.u32 $0x7F, v0;
	v36 =	vld.idx.msk [tilespmem:v63+s16+$0x0], $0xffff;
	v63 =	vadd.s32 $0xA0, v42;
	v38 =	vmul.f32 v58, v7;
	[tilespmem:s7+$0xFFFFFF40] =	vst v6  }
0x287: {  	v59 =	vsel vm0, $0x0, v54;
	v58 =	vadd.s32 $0x50, v0;
	v60 =	vld [tilespmem:s29+$0xFFFFFFD0];
	[tilespmem:s25+$0xFFFFFF90] =	vst v12  }
0x288: {  	v9 =	vsel vm1, v59, v43;
	[tilespmem:s7+$0x90] =	vst v38;
	v12 =	vld [tilespmem:s29+$0xFFFFFF70]  }
0x289: {  	v61 =	vsel vm0, $0x0, v52;
	v40 =	vsel vm2, v2, v9;
	v56 =	vld [tilespmem:s29+$0x90];
	v59 =	vpsel p3, v37, v33  }
0x28a: {  	v39 =	vmul.f32 v50, v39;
	v6 =	vsel vm1, v61, v46;
	v2 =	vmul.f32 v35, v59;
	v35 =	vld.idx.msk [tilespmem:v51+s16+$0x0], $0xffff  }
0x28b: {  	v0 =	vadd.s32 $0xA0, v0;
	v38 =	vsel vm2, v3, v6;
	v3 =	vsel vm0, $0x0, v4;
	v51 =	vld.idx.msk [tilespmem:v63+s16+$0x0], $0xffff  }
0x28c: {  	[tilespmem:s7+$0x30] =	vst v39;
	v3 =	vsel vm1, v3, v48;
	v39 =	vld.idx.msk [tilespmem:v58+s16+$0x0], $0xffff  }
0x28d: {  	v62 =	vsel vm0, $0x0, v53;
	v42 =	vsel vm2, v10, v3;
	v3 =	vmul.f32 v60, v5;
	v5 =	vld [tilespmem:s29+$0x40]  }
0x28e: {  	v9 =	vsel vm1, v62, v49;
	[tilespmem:s25+$0x0] =	vst v2;
	v2 =	vld [tilespmem:s24+$0xFFFFFFB0];
	v50 =	vmul.f32 v12, v55  }
0x28f: {  	v41 =	vsel vm2, v11, v9;
	v6 =	vld [tilespmem:s24+$0x10];
	v7 =	vmul.f32 v56, v7  }
0x290: {  	v54 =	vpsel p0, v43, v54;
	v48 =	vpsel p0, v48, v4;
	v43 =	vld.idx.msk [tilespmem:v0+s16+$0x0], $0xffff;
	[tilespmem:s7+$0xFFFFFF50] =	vst v50  }
0x291: {  	v58 =	vsel vm0, $0x0, v34;
	v56 =	vpsel p1, v32, v34;
	v61 =	vpsel p3, v44, v35;
	[tilespmem:s7+$0xA0] =	vst v7;
	v9 =	vld [tilespmem:s29+$0xFFFFFF80]  }
0x292: {  	[tilespmem:s7+$0xFFFFFFC0] =	vst v3;
	v50 =	vpsel p1, v33, v36;
	v7 =	vsel vm1, v58, v32;
	v3 =	vmul.f32 v47, v61;
	v10 =	vld [tilespmem:s29+$0xA0]  }
0x293: {  	v0 =	vsel vm0, $0x0, v51;
	v2 =	vmul.f32 v2, v57;
	v47 =	vsel vm2, v45, v7;
	v7 =	vld [tilespmem:s29+$0xFFFFFFE0]  }
0x294: {  	v57 =	vpsel p0, v46, v52;
	v6 =	vmul.f32 v6, v59;
	[tilespmem:s25+$0xFFFFFF20] =	vst v3;
	v3 =	vsel vm0, $0x0, v36  }
0x295: {  	v60 =	vpsel p3, v31, v39;
	v5 =	vmul.f32 v5, v57;
	v59 =	vsel vm1, v3, v33;
	v3 =	vld [tilespmem:s24+$0xFFFFFF50];
	[tilespmem:s25+$0xFFFFFFA0] =	vst v2  }
0x296: {  	v0 =	vsel vm1, v0, v35;
	v11 =	vmul.f32 v8, v60;
	v52 =	vpsel p0, v49, v53;
	[tilespmem:s25+$0x10] =	vst v6;
	v2 =	vld [tilespmem:s24+$0xFFFFFFC0]  }
0x297: {  	v53 =	vsel vm2, v44, v0;
	v46 =	vsel vm2, v37, v59;
	[tilespmem:s7+$0x40] =	vst v5;
	v58 =	vld [tilespmem:s24+$0x20];
	v55 =	vmul.f32 v9, v52  }
0x298: {  	s15 =	simm.s32 $0x8;
	s8 =	simm.s32 $0x37A0;
	[tilespmem:s25+$0x70] =	vst v11;
	v59 =	vpsel p1, v35, v51;
	v63 =	vld [tilespmem:s29+$0x50];
	v62 =	vmul.f32 v10, v48;
	v49 =	vmul.f32 v7, v54  }
.LBB2_7:
0x299: {  	s17 =	sadd.s32 $0x1, s15  }
0x29a: {  	s18 =	sadd.s32 $0x3, s15;
	v0 =	vmul.f32 v3, v61;
	v3 =	vld [tilespmem:s24+$0x70];
	[tilespmem:s7+$0xFFFFFFD0] =	vst v49;
	v49 =	vmov v51;
	s30 =	smov.u32 s15;
	s3 =	sadd.s32 $0x4, s15  }
0x29b: {  	p4 =	slt.u32 s15, $0x4C;
	v6 =	vpsel p2, v45, v56;
	v4 =	vmov s17;
	s17 =	sadd.s32 $0x2, s30;
	v5 =	vmov s18;
	[tilespmem:s7+$0xFFFFFF60] =	vst v55;
	v7 =	vld [tilespmem:s29+$0xFFFFFFF0]  }
0x29c: {  	v8 =	vand.u32 $0x7D, v4;
	v9 =	vmov s17;
	v55 =	vld [tilespmem:s8+$0x60];
	[tilespmem:s25+$0xFFFFFF30] =	vst v0;
	v0 =	vpsel p1, v39, v43  }
0x29d: {  	v10 =	vadd.s32 $0x50, v8;
	v11 =	vld [tilespmem:s8+$0xFFFFFFA0];
	v12 =	vand.u32 $0x7E, v9;
	v2 =	vmul.f32 v2, v6;
	[tilespmem:s7+$0xB0] =	vst v62  }
0x29e: {  	v45 =	vand.u32 $0x7F, v5;
	v51 =	vadd.s32 $0x50, v12;
	v56 =	vld [tilespmem:s8+$0x0];
	[tilespmem:s7+$0xFFFFFFF0] =	vst v40;
	v57 =	vmul.f32 v63, v57;
	v40 =	vmovc v47  }
0x29f: {  	v47 =	vadd.s32 $0x50, v45;
	v63 =	vadd.s32 $0xA0, v45;
	v62 =	vld [tilespmem:s8+$0xFFFFFF40];
	[tilespmem:s25+$0xFFFFFFB0] =	vst v2;
	v2 =	vmul.f32 v3, v60  }
0x2a0: {  	v45 =	vsel vm0, $0x0, v43;
	v3 =	vld [tilespmem:s24+$0xFFFFFF60];
	v7 =	vmul.f32 v7, v54;
	[tilespmem:s7+$0x50] =	vst v57  }
0x2a1: {  	[tilespmem:s25+$0x80] =	vst v2;
	v2 =	vsel vm1, v45, v39;
	v54 =	vld [tilespmem:s29+$0xFFFFFF90]  }
0x2a2: {  	v59 =	vpsel p2, v44, v59;
	v57 =	vmov s30;
	v2 =	vsel vm2, v31, v2;
	[tilespmem:s7+$0xFFFFFF80] =	vst v41;
	v44 =	vld [tilespmem:s29+$0xB0];
	v41 =	vmovc v53;
	s29 =	smov.u32 s24;
	s24 =	smov.u32 s8  }
0x2a3: {  	v45 =	vand.u32 $0x7C, v57;
	v53 =	vld [tilespmem:s29+$0x80];
	[tilespmem:s7+$0xD0] =	vst v42;
	v42 =	vmov v2  }
0x2a4: {  	v60 =	vadd.s32 $0xA0, v45;
	v2 =	vadd.s32 $0x50, v45;
	v45 =	vld.idx.msk [tilespmem:v4+s16+$0x0], $0xffff;
	[tilespmem:s7+$0xFFFFFFE0] =	vst v7  }
0x2a5: {  	v4 =	vadd.s32 $0xA0, v8;
	v7 =	vpsel p2, v37, v50;
	v3 =	vmul.f32 v3, v59;
	v37 =	vld.idx.msk [tilespmem:v9+s16+$0x0], $0xffff  }
0x2a6: {  	v9 =	vadd.s32 $0xA0, v12;
	v8 =	vld.idx.msk [tilespmem:v10+s16+$0x0], $0xffff;
	v10 =	vmul.f32 v58, v7;
	v12 =	vmul.f32 v54, v52;
	[tilespmem:s7+$0x60] =	vst v38  }
0x2a7: {  	v0 =	vpsel p2, v31, v0;
	v38 =	vmov v46;
	v52 =	vld.idx.msk [tilespmem:v51+s16+$0x0], $0xffff;
	[tilespmem:s25+$0xFFFFFF40] =	vst v3;
	v3 =	vmul.f32 v44, v48  }
0x2a8: {  	v31 =	vld.idx.msk [tilespmem:v5+s16+$0x0], $0xffff;
	[tilespmem:s25+$0x20] =	vst v10;
	v5 =	vmul.f32 v53, v0  }
0x2a9: {  	v10 =	vld [tilespmem:s29+$0x30];
	[tilespmem:s7+$0xC0] =	vst v3  }
0x2aa: {  	v44 =	vld.idx.msk [tilespmem:v57+s16+$0x0], $0xffff;
	[tilespmem:s7+$0xFFFFFF70] =	vst v12;
	s7 =	smov.u32 s25;
	s25 =	sadd.s32 $0x1C0, s25  }
0x2ab: {  	v4 =	vld.idx.msk [tilespmem:v4+s16+$0x0], $0xffff;
	[tilespmem:s7+$0x90] =	vst v5  }
0x2ac: {  	v3 =	vpsel p3, v45, v8;
	v5 =	vld [tilespmem:s29+$0x90]  }
0x2ad: {  	v11 =	vmul.f32 v11, v3;
	v12 =	vpsel p3, v37, v52;
	v9 =	vld.idx.msk [tilespmem:v9+s16+$0x0], $0xffff  }
0x2ae: {  	v46 =	vmul.f32 v56, v12;
	v48 =	vld [tilespmem:s29+$0xFFFFFFD0];
	v7 =	vmul.f32 v10, v7  }
0x2af: {  	v10 =	vld.idx.msk [tilespmem:v2+s16+$0x0], $0xffff;
	[tilespmem:s25+$0xFFFFFF90] =	vst v11  }
0x2b0: {  	[tilespmem:s25+$0x0] =	vst v46;
	v2 =	vld [tilespmem:s29+$0xFFFFFF70]  }
0x2b1: {  	v56 =	vpsel p1, v8, v4;
	v46 =	vsel vm0, $0x0, v4;
	v11 =	vld [tilespmem:s8+$0xFFFFFFB0];
	[tilespmem:s7+$0x30] =	vst v7;
	v0 =	vmul.f32 v5, v0  }
0x2b2: {  	v5 =	vsel vm1, v46, v8;
	v7 =	vld.idx.msk [tilespmem:v47+s16+$0x0], $0xffff  }
0x2b3: {  	v47 =	vsel vm2, v45, v5;
	v50 =	vpsel p1, v52, v9;
	v5 =	vld [tilespmem:s8+$0x10];
	v6 =	vmul.f32 v48, v6;
	[tilespmem:s7+$0xA0] =	vst v0  }
0x2b4: {  	v0 =	vsel vm0, $0x0, v9;
	v48 =	vld [tilespmem:s29+$0x40]  }
0x2b5: {  	v61 =	vpsel p3, v44, v10;
	v51 =	vld.idx.msk [tilespmem:v60+s16+$0x0], $0xffff;
	v2 =	vmul.f32 v2, v59;
	[tilespmem:s7+$0xFFFFFFC0] =	vst v6  }
0x2b6: {  	v0 =	vsel vm1, v0, v52;
	v6 =	vmul.f32 v62, v61;
	v53 =	vld [tilespmem:s29+$0xA0]  }
0x2b7: {  	v46 =	vsel vm2, v37, v0;
	v11 =	vmul.f32 v11, v3;
	[tilespmem:s7+$0xFFFFFF50] =	vst v2;
	v0 =	vld [tilespmem:s29+$0xFFFFFFE0]  }
0x2b8: {  	v57 =	vpsel p0, v33, v36;
	v60 =	vpsel p3, v31, v7;
	[tilespmem:s25+$0xFFFFFF20] =	vst v6;
	v2 =	vmul.f32 v5, v12;
	v5 =	vld [tilespmem:s29+$0xFFFFFF80]  }
.Ltmp2:
0x2b9: {  	v33 =	vmovc v52;
	v36 =	vmov v9;
	v6 =	vmul.f32 v55, v60;
	v3 =	vld [tilespmem:s8+$0xFFFFFF50];
	v12 =	vmul.f32 v48, v57;
	(pc) =	sbr.rel @p4 .LBB2_7-.Ltmp2, $4  }
0x2ba: {  	v54 =	vpsel p0, v32, v34;
	v32 =	vmov v8;
	v48 =	vpsel p0, v39, v43;
	[tilespmem:s25+$0x10] =	vst v2;
	v43 =	vld.idx.msk [tilespmem:v63+s16+$0x0], $0xffff  }
0x2bb: {  	v34 =	vmovc v4;
	v59 =	vpsel p1, v10, v51;
	v2 =	vsel vm0, $0x0, v51;
	[tilespmem:s25+$0xFFFFFFA0] =	vst v11;
	v58 =	vld [tilespmem:s8+$0x20];
	v62 =	vmul.f32 v53, v48  }
0x2bc: {  	v52 =	vpsel p0, v35, v49;
	v4 =	vsel vm1, v2, v10;
	v2 =	vld [tilespmem:s8+$0xFFFFFFC0];
	v49 =	vmul.f32 v0, v54;
	[tilespmem:s7+$0x40] =	vst v12  }
0x2bd: {  	s15 =	smov.u32 s3;
	v35 =	vmovc v10;
	v39 =	vmov v7;
	v53 =	vsel vm2, v44, v4;
	s8 =	sadd.s32 $0x180, s8;
	[tilespmem:s25+$0x70] =	vst v6;
	v55 =	vmul.f32 v5, v52;
	v63 =	vld [tilespmem:s29+$0x50]  }
0x2be: {  	v0 =	vld [tilespmem:s24+$0x70];
	_ =	sdelay $0x4  }
0x2bf: {  	v0 =	vmul.f32 v0, v60  }
0x2c0: {  	v3 =	vmul.f32 v3, v61  }
0x2c1: {  	[tilespmem:s25+$0x80] =	vst v0;
	v0 =	vpsel p2, v37, v50  }
0x2c2: {  	[tilespmem:s25+$0xFFFFFF30] =	vst v3;
	v3 =	vld [tilespmem:s24+$0x80];
	v4 =	vmul.f32 v58, v0  }
0x2c3: {  	v5 =	vld [tilespmem:s24+$0xFFFFFF60]  }
0x2c4: {  	v6 =	vpsel p2, v45, v56;
	[tilespmem:s25+$0x20] =	vst v4  }
0x2c5: {  	[tilespmem:s7+$0xFFFFFFD0] =	vst v49;
	v2 =	vmul.f32 v2, v6;
	v37 =	vpsel p1, v39, v43;
	v7 =	vld [tilespmem:s24+$0x30]  }
0x2c6: {  	[tilespmem:s7+$0xB0] =	vst v62;
	v4 =	vpsel p2, v31, v37  }
0x2c7: {  	[tilespmem:s25+$0xFFFFFFB0] =	vst v2;
	v2 =	vpsel p2, v44, v59;
	v3 =	vmul.f32 v3, v4  }
0x2c8: {  	[tilespmem:s7+$0x60] =	vst v38;
	v8 =	vld [tilespmem:s24+$0xFFFFFFD0];
	v5 =	vmul.f32 v5, v2  }
0x2c9: {  	[tilespmem:s25+$0x90] =	vst v3  }
0x2ca: {  	[tilespmem:s25+$0xFFFFFF40] =	vst v5;
	v3 =	vld [tilespmem:s24+$0x90];
	v0 =	vmul.f32 v7, v0  }
0x2cb: {  	[tilespmem:s7+$0xFFFFFF60] =	vst v55;
	v45 =	vld [tilespmem:s24+$0xFFFFFF70]  }
0x2cc: {  	v9 =	vld [tilespmem:s29+$0xFFFFFFF0];
	[tilespmem:s25+$0x30] =	vst v0  }
0x2cd: {  	[tilespmem:s7+$0xFFFFFFF0] =	vst v40;
	v0 =	vmul.f32 v8, v6;
	v49 =	vld [tilespmem:s24+$0x40]  }
0x2ce: {  	v10 =	vld [tilespmem:s29+$0xFFFFFF90];
	[tilespmem:s7+$0xFFFFFF80] =	vst v41;
	v44 =	vmul.f32 v63, v57  }
0x2cf: {  	v50 =	vld [tilespmem:s29+$0xB0];
	[tilespmem:s25+$0xFFFFFFC0] =	vst v0;
	v3 =	vmul.f32 v3, v4  }
0x2d0: {  	[tilespmem:s7+$0x50] =	vst v44;
	v0 =	vmul.f32 v45, v2;
	v2 =	vld [tilespmem:s24+$0xFFFFFFE0]  }
0x2d1: {  	[tilespmem:s25+$0xA0] =	vst v3;
	v3 =	vpsel p0, v33, v36  }
0x2d2: {  	[tilespmem:s25+$0xFFFFFF50] =	vst v0;
	v55 =	vld [tilespmem:s24+$0xA0];
	v0 =	vmul.f32 v49, v3  }
0x2d3: {  	v54 =	vmul.f32 v9, v54;
	[tilespmem:s7+$0xD0] =	vst v42;
	v56 =	vld [tilespmem:s24+$0xFFFFFF80]  }
0x2d4: {  	v59 =	vmul.f32 v10, v52;
	v58 =	vpsel p0, v32, v34;
	[tilespmem:s25+$0x40] =	vst v0  }
0x2d5: {  	[tilespmem:s7+$0xFFFFFFE0] =	vst v54;
	v57 =	vmul.f32 v50, v48;
	v0 =	vmul.f32 v2, v58;
	v2 =	vld [tilespmem:s24+$0x50]  }
0x2d6: {  	v60 =	vpsel p0, v39, v43;
	[tilespmem:s7+$0xFFFFFF70] =	vst v59  }
0x2d7: {  	v61 =	vpsel p0, v35, v51;
	[tilespmem:s7+$0xC0] =	vst v57;
	v7 =	vmul.f32 v55, v60  }
0x2d8: {  	[tilespmem:s25+$0xFFFFFFD0] =	vst v0;
	v0 =	vmul.f32 v56, v61  }
0x2d9: {  	v62 =	vld [tilespmem:s24+$0xFFFFFFF0];
	[tilespmem:s25+$0xB0] =	vst v7  }
0x2da: {  	[tilespmem:s25+$0xFFFFFF60] =	vst v0;
	v0 =	vmul.f32 v2, v3;
	v2 =	vld [tilespmem:s24+$0xB0]  }
0x2db: {  	[tilespmem:s25+$0x60] =	vst v46;
	v63 =	vld [tilespmem:s24+$0xFFFFFF90]  }
0x2dc: {  	[tilespmem:s25+$0xFFFFFFF0] =	vst v47;
	v3 =	vsel vm0, $0x0, v43  }
0x2dd: {  	s28 =	sadd.s32 $0x1, s28;
	[tilespmem:s25+$0xFFFFFF80] =	vst v53;
	v3 =	vsel vm1, v3, v39  }
0x2de: {  	p4 =	sne.s32 s28, $0x7D;
	[tilespmem:s25+$0x50] =	vst v0;
	v0 =	vsel vm2, v31, v3;
	v3 =	vmul.f32 v62, v58  }
.Ltmp3:
0x2df: {  	[tilespmem:s25+$0xD0] =	vst v0;
	v0 =	vmul.f32 v2, v60;
	(pc) =	sbr.rel @p4 .LBB2_4-.Ltmp3, $4  }
0x2e0: {  	[tilespmem:s25+$0xFFFFFFE0] =	vst v3;
	v2 =	vmul.f32 v63, v61  }
0x2e1: {  	[tilespmem:s25+$0xC0] =	vst v0  }
0x2e2: {  	s3 =	simm.s32 $0x190;
	[tilespmem:s25+$0xFFFFFF70] =	vst v2  }
0x2e3: {  	[spmem:s1] =	stream.indirect.scatter.add.f32 [tilespmem:s21], [sflag:$0x6], $0x70, s3, s0, $0xb8;
	[tilespmem:$0x1AA40] =	vst v63  }
0x2e4: {  	s3 =	simm.s32 $0x5  }
0x2e5: {  	_ =	swait.ge [sflag:s3], $0x2300  }
0x2e6: {  	[sflag:s3] =	ssyncset.done $0x0  }
0x2e7: {  	s30 =	simm.s32 $0x6;
	[sflag:s3] =	ssyncadd.s32 $0xFFFFDD00  }
0x2e8: {  	_ =	swait.ge [sflag:s30], $0x2300  }
0x2e9: {  	s7 =	sld [smem:$0x7FD]  }
0x2ea: {  	[sflag:s30] =	ssyncset.done $0x0  }
0x2eb: {  	[sflag:s30] =	ssyncadd.s32 $0xFFFFDD00  }
0x2ec: {  	s3 =	stileid.u32;
	[bflag:$0x0] =	sbarrier.arrive $0xFFFF;
	p5 =	seq.s32 s7, $0x1  }
0x2ed: {  	s7 =	rddreg [dreg:$0x11];
	s3 =	sshll.u32 @!p5 s3, $0x6  }
0x2ee: {  	s8 =	rddreg [dreg:$0x13];
	s3 =	sor.u32 @!p5 $0x1C07, s3  }
0x2ef: {  	[hbm:s7], [sflag:s3] =	dma.local @!p5 [spmem:s8], $0x36B0  }
0x2f0: {  	s3 =	simm.s32 @!p5 $0x7  }
0x2f1: {  	_ =	swait.ge @!p5 [sflag:s3], $0x36B0  }
0x2f2: {  	s15 =	rddreg [dreg:$0x3]  }
0x2f3: {  	s31 =	rddreg [dreg:$0x12];
	s15 =	sadd.s32 $0x1, s15  }
0x2f4: {  	p4 =	sne.s32 s15, s31  }
.Ltmp4:
0x2f5: {  	_ = 	snop;
	(pc) =	sbr.rel @p4 .LBB2_1-.Ltmp4, $3  }
0x2f6: {  	_ =	sdelay $0x1  }
0x2f7: {  	[sflag:s3] =	ssyncset.done @!p5 $0x0  }
0x2f8: {  	[sflag:s3] =	ssyncadd.s32 @!p5 $0xFFFFC950  }
0x2f9: {  	_ =	sfence.sel $0x180000  }
0x2fa: {  	[bflag:$0x0] =	sbarrier.arrive $0xFFFF  }
0x2fb: {  	_ =	strace $0x9000004A  }
0x2fc: {  	s0 =	stileid.u32;
	[bflag:$0x2] =	sbarrier.arrive $0xFFFF  }
0x2fd: {  	p0 =	sne.s32 s0, $0x0;
	s0 =	rddreg [dreg:$0x2]  }
0x2fe: {  	s0 =	sadd.s32 @!p0 $0x100000, s0  }
0x2ff: {  	[sflag:s0] =	ssyncadd.tile.s32 @!p0 $0x1;
	_ =	shalt  }
.Lfunc_end2:
_tile_overlayer_lowered:
.L_overlay_start_2:
0x300: {  	(tag) =	ssettag $0x2  }
0x301: {  	s0 =	rddreg [dreg:$0x0];
	s2 =	stileid.u32  }
0x302: {  	s1 =	rddreg [dreg:$0x1];
	p0 =	sne.s32 s2, $0x0  }
0x303: {  	s3 =	rddreg [dreg:$0x2];
	[bflag:$0x3] =	sbarrier.arrive $0xFFFF;
	s2 =	simm.s32 @!p0 $0x1C07  }
0x304: {  	[timem:s3], [sflag:s2] =	dma.local @!p0 [hbm:s0], s1  }
0x305: {  	s0 =	simm.s32 @!p0 $0x7  }
0x306: {  	_ =	swait.ge @!p0 [sflag:s0], s1  }
0x307: {  	s1 =	ssub.s32 @!p0 $0x0, s1;
	[sflag:s0] =	ssyncset.done @!p0 $0x0  }
0x308: {  	[sflag:s0] =	ssyncadd.s32 @!p0 s1  }
0x309: {  	[bflag:$0x3] =	sbarrier.arrive $0xFFFF  }
0x30a: {  	_ =	shalt  }

// kernel: kernel.7.cloned.1.call-start
scs
__scs_entry_jumppad:
0x0: {  	(pc) =	sbr.rel $0x88, $3  }
0x1: {  	(tag) =	ssettag $0x0;
	lr =	simm.s32 $0x1  }
0x2: {  	[smem:$0x3F88] =	sst lr;
	_ =	strace $0xD0000000  }
0x3: {  	_ = 	snop  }
0x4: {  	_ = 	snop  }
0x5: {  	_ = 	snop  }
0x6: {  	_ = 	snop  }
0x7: {  	_ = 	snop  }
__scs_overlays_trampoline_lowered:
0x8: {  	[smem:$0x3F97] =	sst s0  }
0x9: {  	[smem:$0x3F98] =	sst s1  }
0xa: {  	[smem:$0x3F99] =	sst s2  }
0xb: {  	[smem:$0x3F9A] =	sst s3  }
0xc: {  	[smem:$0x3F9B] =	sst s4  }
0xd: {  	[smem:$0x3F9C] =	sst s5  }
0xe: {  	[smem:$0x3F9D] =	sst s6  }
0xf: {  	[smem:$0x3F9E] =	sst s7  }
0x10: {  	[smem:$0x3F9F] =	sst s8  }
0x11: {  	[smem:$0x3FA0] =	sst s9;
	s0 =	simm.s32 @!p0 $0x0  }
0x12: {  	s1 =	sld [smem:$0x3F86];
	s0 =	simm.s32 @p0 $0x1  }
0x13: {  	[smem:$0x3FA1] =	sst s0;
	s0 =	simm.s32 @!p1 $0x0  }
0x14: {  	s2 =	sld [smem:$0x3F85];
	s0 =	simm.s32 @p1 $0x1  }
0x15: {  	[smem:$0x3FA2] =	sst s0;
	s0 =	simm.s32 @!p2 $0x0  }
0x16: {  	s3 =	sld [smem:$0x3FDB];
	s0 =	simm.s32 @p2 $0x1  }
0x17: {  	s4 =	simm.s32 $0x1BF5;
	[smem:$0x3FA4] =	sst s0  }
0x18: {  	s0 =	sld [smem:$0x3F87];
	_ =	swait.ge [sflag:s4], $0x0  }
0x19: {  	s7 =	sld [smem:$0x3F88]  }
0x1a: {  	s8 =	sadd.s32 $0xFFFFE003, lr  }
0x1b: {  	s9 =	sadd.s32 $0xFFFFFEF7, lr;
	s5 =	simm.s32 $0xFFFFFFFF;
	p2 =	slt.u32 s8, $0xFFFFF086  }
0x1c: {  	p1 =	slt.u32 s9, $0xF7A;
	s5 =	simm.s32 @!p2 $0x0  }
0x1d: {  	s5 =	simm.s32 @p1 $0x1;
	p0 =	seq.s32 s7, s2  }
0x1e: {  	s7 =	smul.u32 @!p0 $0xF7A, s2;
	p2 =	seq.s32 @!p0 s5, $0x0  }
0x1f: {  	s9 =	smul.u32 $0xF7A, s1;
	s8 =	simm.s32 @!p0 $0x1BF5;
	p2 =	por !p2, p0  }
0x20: {  	[sflag:s8] =	ssyncset.s32 @!p0 $0xFFFFF086;
	s6 =	sadd.s32 @!p0 s3, s7;
	s7 =	simm.s32 @!p0 $0x108  }
0x21: {  	s3 =	sadd.s32 s3, s9;
	s6 =	sadd.s32 @!p0 $0x88, s6;
	s7 =	simm.s32 @p2 $0x1082  }
0x22: {  	[simem:s7], [sflag:s8] =	dma.local @!p0 [hbm:s6], $0xF7A  }
0x23: {  	s9 =	sor.u32 $0xD0000000, s2;
	s6 =	simm.s32 $0x108;
	_ =	swait.ge @!p0 [sflag:s8], $0x0  }
0x24: {  	s3 =	sadd.s32 $0x88, s3;
	s6 =	simm.s32 @!p1 $0x1082;
	[sflag:s4] =	ssyncset.s32 $0xFFFFF086  }
0x25: {  	[simem:s6], [sflag:s4] =	dma.local [hbm:s3], $0xF7A  }
0x26: {  	[smem:$0x3F88] =	sst s1;
	(tag) =	ssettag s2;
	_ =	strace s9  }
0x27: {  	s1 =	sld [smem:$0x3F98]  }
0x28: {  	s2 =	sld [smem:$0x3F99]  }
0x29: {  	s4 =	sld [smem:$0x3F9B]  }
0x2a: {  	p0 =	seq.s32 s5, $0x0;
	s5 =	sld [smem:$0x3F9C]  }
0x2b: {  	s6 =	sld [smem:$0x3F9D]  }
0x2c: {  	s7 =	sld [smem:$0x3F9E]  }
0x2d: {  	s3 =	simm.s32 $0x108;
	s8 =	sld [smem:$0x3F9F]  }
0x2e: {  	s3 =	simm.s32 @!p0 $0x1082;
	s9 =	sld [smem:$0x3FA0]  }
0x2f: {  	lr =	sadd.s32 s0, s3;
	s0 =	sld [smem:$0x3F97]  }
0x30: {  	s3 =	sld [smem:$0x3F9A]  }
0x31: {  	[smem:$0x3FA3] =	sst s10  }
0x32: {  	s10 =	sld [smem:$0x3FA1];
	_ =	sdelay $0x3  }
0x33: {  	p0 =	seq.s32 s10, $0x1;
	s10 =	sld [smem:$0x3FA3];
	_ =	sdelay $0x3  }
0x34: {  	[smem:$0x3FA3] =	sst s10  }
0x35: {  	s10 =	sld [smem:$0x3FA2];
	_ =	sdelay $0x3  }
0x36: {  	p1 =	seq.s32 s10, $0x1;
	s10 =	sld [smem:$0x3FA3];
	_ =	sdelay $0x3  }
0x37: {  	[smem:$0x3FA3] =	sst s10  }
0x38: {  	s10 =	sld [smem:$0x3FA4]  }
0x39: {  	_ = 	snop;
	(pc) =	sbr.ind lr, $3  }
0x3a: {  	_ = 	snop  }
0x3b: {  	_ = 	snop  }
0x3c: {  	p2 =	seq.s32 s10, $0x1;
	s10 =	sld [smem:$0x3FA3]  }
0x3d: {  	_ =	shalt  }
0x3e: {  	_ =	shalt  }
0x3f: {  	_ =	shalt  }
0x40: {  	_ =	shalt  }
0x41: {  	_ =	shalt  }
0x42: {  	_ =	shalt  }
0x43: {  	_ =	shalt  }
0x44: {  	_ =	shalt  }
0x45: {  	_ =	shalt  }
0x46: {  	_ =	shalt  }
0x47: {  	_ =	shalt  }
0x48: {  	_ =	shalt  }
0x49: {  	_ =	shalt  }
0x4a: {  	_ =	shalt  }
0x4b: {  	_ =	shalt  }
0x4c: {  	_ =	shalt  }
0x4d: {  	_ =	shalt  }
0x4e: {  	_ =	shalt  }
0x4f: {  	_ =	shalt  }
0x50: {  	_ =	shalt  }
0x51: {  	_ =	shalt  }
0x52: {  	_ =	shalt  }
0x53: {  	_ =	shalt  }
0x54: {  	_ =	shalt  }
0x55: {  	_ =	shalt  }
0x56: {  	_ =	shalt  }
0x57: {  	_ =	shalt  }
0x58: {  	_ =	shalt  }
0x59: {  	_ =	shalt  }
0x5a: {  	_ =	shalt  }
0x5b: {  	_ =	shalt  }
0x5c: {  	_ =	shalt  }
0x5d: {  	_ =	shalt  }
0x5e: {  	_ =	shalt  }
0x5f: {  	_ =	shalt  }
0x60: {  	_ =	shalt  }
0x61: {  	_ =	shalt  }
0x62: {  	_ =	shalt  }
0x63: {  	_ =	shalt  }
0x64: {  	_ =	shalt  }
0x65: {  	_ =	shalt  }
0x66: {  	_ =	shalt  }
0x67: {  	_ =	shalt  }
0x68: {  	_ =	shalt  }
0x69: {  	_ =	shalt  }
0x6a: {  	_ =	shalt  }
0x6b: {  	_ =	shalt  }
0x6c: {  	_ =	shalt  }
0x6d: {  	_ =	shalt  }
0x6e: {  	_ =	shalt  }
0x6f: {  	_ =	shalt  }
0x70: {  	_ =	shalt  }
0x71: {  	_ =	shalt  }
0x72: {  	_ =	shalt  }
0x73: {  	_ =	shalt  }
0x74: {  	_ =	shalt  }
0x75: {  	_ =	shalt  }
0x76: {  	_ =	shalt  }
0x77: {  	_ =	shalt  }
0x78: {  	_ =	shalt  }
0x79: {  	_ =	shalt  }
0x7a: {  	_ =	shalt  }
0x7b: {  	_ =	shalt  }
0x7c: {  	_ =	shalt  }
0x7d: {  	_ =	shalt  }
0x7e: {  	_ =	shalt  }
0x7f: {  	_ =	shalt  }
0x80: {  	_ =	shalt  }
0x81: {  	_ =	shalt  }
0x82: {  	_ =	shalt  }
0x83: {  	_ =	shalt  }
0x84: {  	_ =	shalt  }
0x85: {  	_ =	shalt  }
0x86: {  	_ =	shalt  }
0x87: {  	_ =	shalt  }
.Lfunc_end0:
.L_simem_size_0:
called_computation_lowered:
.L_overlay_start_0:
0x88: {  	s2 =	sld [smem:$0x3FD9]  }
0x89: {  	s3 =	sld [smem:$0x3FFE];
	_ =	sdelay $0x1  }
0x8a: {  	s1 =	srdreg.scid  }
0x8b: {  	s0 =	sand.u32 $0x1, s1  }
0x8c: {  	s16 =	sshll.u32 s0, $0xA;
	s2 =	sadd.s32 s3, s2  }
0x8d: {  	s2 =	sadd.s32 s2, s16  }
0x8e: {  	[smem:$0x3FAF] =	sst s2  }
0x8f: {  	_ = 	snop  }
0x90: {  	(tm) =	ssettm $0x1  }
0x91: {  	s17 =	sld [smem:$0x3FFB];
	_ =	sdelay $0x3  }
0x92: {  	_ =	strace s17  }
0x93: {  	s2 =	sld [smem:$0x3FFC];
	_ =	sdelay $0x3  }
0x94: {  	_ =	strace s2  }
0x95: {  	s2 =	sld [smem:$0x3FFD];
	_ =	sdelay $0x3  }
0x96: {  	_ =	strace s2  }
0x97: {  	_ =	strace $0x8FFFFFFF  }
0x98: {  	s18 =	sld [smem:$0x3FDB];
	_ =	sdelay $0x1  }
0x99: {  	s19 =	simm.s32 $_scs_section_size  }
0x9a: {  	s4 =	simm.s32 $_size__tile_overlayer_lowered;
	s5 =	simm.s32 $_tile_overlayer_lowered  }
0x9b: {  	s22 =	simm.s32 $0x1BFF;
	s21 =	sshll.u32 s5, $0x1;
	s2 =	sadd.s32 s19, s18  }
0x9c: {  	s6 =	simm.s32 $0x0;
	s20 =	sshll.u32 s4, $0x1;
	s4 =	sadd.s32 s21, s2  }
0x9d: {  	[timem:s6], [sflag:s22] =	dma.local [hbm:s4], s20  }
0x9e: {  	_ =	swait.ge [sflag:s22], s20  }
0x9f: {  	s3 =	ssub.s32 $0x0, s20;
	[sflag:s22] =	ssyncset.done $0x0  }
0xa0: {  	[sflag:s22] =	ssyncadd.s32 s3;
	_ =	sdelay $0x1  }
0xa1: {  	s23 =	simm.s32 $0x1B8B  }
0xa2: {  	_ =	swait.ge [sflag:s23], $0x1  }
0xa3: {  	[sflag:s23] =	ssyncset.done $0x0  }
0xa4: {  	s25 =	simm.s32 $0x1B8E;
	s24 =	sld [smem:$0x3FFE];
	[sflag:s23] =	ssyncadd.s32 $0xFFFFFFFF  }
0xa5: {  	s26 =	simm.s32 $execute0_lowered;
	[smem:$0x3FD2] =	sst s25  }
0xa6: {  	s4 =	sshll.u32 s26, $0x1;
	_ =	strace $0x80000046;
	[dreg:$0x1] =	wrdreg $0xFFFFFFFF  }
0xa7: {  	s28 =	simm.s32 $_size_execute0_lowered;
	s2 =	sadd.s32 s2, s4;
	[dreg:$0x0] =	wrdreg $0x0  }
0xa8: {  	s4 =	sshll.u32 s28, $0x1;
	[dreg:$0x2] =	wrdreg s2  }
0xa9: {  	[dreg:$0x3] =	wrdreg s4  }
0xaa: {  	[dreg:$0x4] =	wrdreg $0xC0  }
0xab: {  	_ =	task [dreg:s6], $0x5FFFF  }
0xac: {  	[dreg:$0x1] =	wrdreg $0xFFFFFFFF  }
0xad: {  	[dreg:$0x0] =	wrdreg $0x60  }
0xae: {  	[dreg:$0x2] =	wrdreg s24  }
0xaf: {  	[dreg:$0x3] =	wrdreg $0x98D00  }
0xb0: {  	[dreg:$0x4] =	wrdreg $0x9  }
0xb1: {  	_ =	task.clear_ibuf [dreg:s6], $0x5FFFF;
	_ =	strace $0x90000046  }
0xb2: {  	s29 =	simm.s32 $0x9;
	_ =	strace $0x80000048  }
0xb3: {  	_ =	swait.ge [sflag:s29], $0x1  }
0xb4: {  	[sflag:s29] =	ssyncadd.s32 $0xFFFFFFFF  }
0xb5: {  	_ =	strace $0x90000048  }
0xb6: {  	_ =	sfence  }
0xb7: {  	s30 =	sld [smem:$0x0];
	_ =	sdelay $0x2  }
0xb8: {  	s31 =	sshll.u32 s1, $0xD;
	s1 =	sshrl.u32 s1, $0x2  }
0xb9: {  	s3 =	sand.u32 $0x4000, s31;
	s1 =	sadd.s32 s1, s30  }
0xba: {  	s0 =	sor.u32 s3, s0;
	s1 =	sshll.u32 s1, $0x11  }
0xbb: {  	s0 =	sor.u32 s1, s0  }
0xbc: {  	s0 =	sadd.s32 $0x8F2B, s0  }
0xbd: {  	[sflag:s0] =	ssyncadd.remote.s32 $0x1  }
0xbe: {  	_ =	sfence.sel $0xFFFF  }
0xbf: {  	[dreg:$0x0] =	wrdreg $0xFFFFFFFF;
	(pc) =	sbr.abs _section_cstart, $3  }
0xc0: {  	[dreg:$0x1] =	wrdreg $0xFFFFFFFF  }
0xc1: {  	_ =	task.clear_ibuf [dreg:s6], $0x2FFFF;
	_ =	strace $0x9FFFFFFF  }
0xc2: {  	(tm) =	ssettm $0x7FFFFFFF  }
0xc3: {  	_ =	shalt  }
tec
execute0_lowered:
.L_overlay_start_1:
0x0: {  	(tag) =	ssettag $0x1  }
0x1: {  	s0 =	rddreg [dreg:$0x0]  }
0x2: {  	s2 =	srdreg.scid;
	s12 =	stileid.u32  }
0x3: {  	s1 =	rddreg [dreg:$0x1];
	s7 =	smul.u32 $0x6D600, s12  }
0x4: {  	s15 =	simm.s32 $0x0;
	s2 =	sand.u32 $0x1, s2;
	s31 =	smul.u32 $0x4E20, s12  }
0x5: {  	[smem:$0x7FF] =	sst s15;
	s4 =	sadd.s32 $0x3DE00, s0;
	s25 =	smul.u32 $0x1B580, s12  }
0x6: {  	s5 =	sadd.s32 $0x4CC00, s0;
	s6 =	sadd.s32 $0x42E00, s0;
	s3 =	smul.u32 $0x1D4C0, s2  }
0x7: {  	p5 =	sgt.u32 s12, $0x9;
	s12 =	simm.s32 $0x2;
	s8 =	smul.u32 $0x222E0, s2  }
0x8: {  	_ =	strace $0x80000047;
	s9 =	ssub.s32 $0x2, s2;
	s19 =	smul.u32 $0x60, s2  }
0x9: {  	p3 =	seq.s32 s2, $0x0;
	s7 =	sshrl.u32 s7, $0x2;
	s29 =	sshrl.u32 s9, $0x1  }
0xa: {  	s21 =	sshrl.u32 s31, $0x3;
	s2 =	sshrl.u32 s25, $0x3;
	s3 =	sadd.s32 s3, s0  }
0xb: {  	s0 =	sadd.s32 s8, s0;
	s13 =	sadd.s32 s7, s1;
	s22 =	sadd.s32 s6, s21  }
0xc: {  	s30 =	ssub.s32 s9, s29;
	s23 =	sadd.s32 $0x40, s19;
	[dreg:$0xe] =	wrdreg s22  }
0xd: {  	s9 =	sadd.s32 $0x20, s19;
	s10 =	sadd.s32 $0x2300, s13;
	[dreg:$0x4] =	wrdreg s13  }
0xe: {  	s19 =	simm.s32 $0x4;
	s11 =	sadd.s32 $0x4600, s13;
	[dreg:$0x5] =	wrdreg s10  }
0xf: {  	s14 =	sadd.s32 $0x6900, s13;
	s16 =	sadd.s32 $0x8C00, s13;
	[dreg:$0x6] =	wrdreg s11  }
0x10: {  	s17 =	sadd.s32 $0xAF00, s13;
	s18 =	sadd.s32 $0xD200, s13;
	[dreg:$0x7] =	wrdreg s14  }
0x11: {  	s20 =	sadd.s32 $0x11800, s13;
	s9 =	sshrl.u32 s9, $0x6;
	[dreg:$0x8] =	wrdreg s16  }
0x12: {  	v0 =	vlaneseq.u32;
	s0 =	sadd.s32 $0x56A00, s0;
	s22 =	sadd.s32 $0xA0, s31;
	[dreg:$0x9] =	wrdreg s17  }
0x13: {  	v0 =	vmul.u32 $0x10, v0;
	s26 =	smax.u32 s30, $0x1;
	s28 =	sadd.s32 $0x13B00, s13;
	[dreg:$0xa] =	wrdreg s18  }
0x14: {  	s29 =	sadd.s32 $0x15E00, s13;
	s30 =	sadd.s32 $0x18100, s13;
	[dreg:$0xc] =	wrdreg s20  }
0x15: {  	v2 =	vor.u32 $0x3, v0;
	s10 =	sadd.s32 $0xF500, s13;
	s11 =	sadd.s32 s5, s21;
	[dreg:$0x12] =	wrdreg s26  }
0x16: {  	[tilespmem:$0x1FF40] =	vst v2;
	v2 =	vor.u32 $0x1, v0;
	p1 =	seq.s32 s9, $0x1;
	p2 =	seq.s32 s9, $0x0;
	[dreg:$0x14] =	wrdreg s28  }
0x17: {  	[tilespmem:$0x1FF50] =	vst v2;
	v2 =	vor.u32 $0x4, v0;
	s20 =	sadd.s32 $0x3400, s3;
	s0 =	sadd.s32 @!p5 s2, s0;
	[dreg:$0x15] =	wrdreg s29  }
0x18: {  	v1 =	vimm.f32 $0.0e+00;
	vm0 =	vcmask $0x3F0C;
	[tilespmem:$0x1FF60] =	vst v2;
	v2 =	vor.u32 $0x2, v0;
	[dreg:$0x16] =	wrdreg s30;
	s2 =	simm.s32 $0xF0;
	s9 =	simm.s32 $0x1E0  }
0x19: {  	vm1 =	vcmask $0x3F08;
	vm2 =	vmmov $0x1;
	s14 =	simm.s32 $0x10E0;
	s16 =	simm.s32 $0x97E0;
	[dreg:$0xb] =	wrdreg s10;
	[tilespmem:$0x1FF70] =	vst v2;
	v2 =	vor.u32 $0x5, v0  }
0x1a: {  	v14 =	vor.u32 $0x203, v0;
	v15 =	vor.u32 $0x201, v0;
	s3 =	simm.s32 @!p5 $0x0;
	s26 =	simm.s32 $0x0;
	[dreg:$0xd] =	wrdreg s11;
	[tilespmem:$0x1FF80] =	vst v2;
	v2 =	vor.u32 $0x100, v0  }
0x1b: {  	v16 =	vor.u32 $0x204, v0;
	v17 =	vor.u32 $0x202, v0;
	s10 =	sadd.s32 $0xA, s21;
	s11 =	sand.u32 $0xC0, s23;
	[dreg:$0x11] =	wrdreg s0;
	[tilespmem:$0x1FF90] =	vst v2;
	v2 =	vor.u32 $0x103, v0  }
0x1c: {  	v18 =	vor.u32 $0x205, v0;
	v19 =	vor.u32 $0x300, v0;
	s0 =	sadd.s32 s25, s1;
	s23 =	sadd.s32 $0xF0, s31;
	s31 =	sadd.s32 $0x1A400, s13;
	[tilespmem:$0x1FFA0] =	vst v2;
	v2 =	vor.u32 $0x101, v0  }
0x1d: {  	v20 =	vor.u32 $0x303, v0;
	v21 =	vor.u32 $0x301, v0;
	s13 =	simm.s32 $0x6E0;
	s3 =	simm.s32 @p5 $0x1;
	[dreg:$0x17] =	wrdreg s31;
	[tilespmem:$0x1FFB0] =	vst v2;
	v2 =	vor.u32 $0x104, v0  }
0x1e: {  	v22 =	vor.u32 $0x304, v0;
	v23 =	vor.u32 $0x302, v0;
	s21 =	simm.s32 $0x74E0;
	s24 =	sadd.s32 s5, s10;
	[smem:$0x7FD] =	sst s3;
	[tilespmem:$0x1FFC0] =	vst v2;
	v2 =	vor.u32 $0x102, v0  }
0x1f: {  	v24 =	vor.u32 $0x305, v0;
	v25 =	vor.u32 $0x400, v0;
	p0 =	seq.s32 s11, $0x40;
	s10 =	sadd.s32 s6, s10;
	[dreg:$0xf] =	wrdreg s24;
	[tilespmem:$0x1FFD0] =	vst v2;
	v2 =	vor.u32 $0x105, v0  }
0x20: {  	v26 =	vor.u32 $0x403, v0;
	v27 =	vor.u32 $0x401, v0;
	s0 =	sshrl.u32 @!p5 s0, $0x3;
	s11 =	simm.s32 $0x3;
	[dreg:$0x10] =	wrdreg s10;
	[tilespmem:$0x1FFE0] =	vst v2;
	v2 =	vor.u32 $0x200, v0  }
0x21: {  	v28 =	vor.u32 $0x404, v0;
	v29 =	vor.u32 $0x402, v0;
	v13 =	vmovc v0;
	v30 =	vor.u32 $0x405, v0;
	[dreg:$0x13] =	wrdreg s0;
	s0 =	simm.s32 $0x50;
	s10 =	simm.s32 $0xBE0;
	[tilespmem:$0x1FFF0] =	vst v2  }
.LBB2_1:
0x22: {  	[dreg:$0x3] =	wrdreg s15;
	s3 =	simm.s32 $0x0;
	s7 =	simm.s32 $0x1C0  }
.LBB2_2:
0x23: {  	p4 =	sne.s32 s7, $0x8A40;
	[tilespmem:s3+$0x5240] =	vst v1  }
0x24: {  	[tilespmem:s3+$0x51E0] =	vst v1  }
.Ltmp0:
0x25: {  	[tilespmem:s3+$0x51F0] =	vst v1;
	(pc) =	sbr.rel @p4 .LBB2_2-.Ltmp0, $4  }
0x26: {  	[tilespmem:s3+$0x5200] =	vst v1  }
0x27: {  	[tilespmem:s3+$0x5210] =	vst v1  }
0x28: {  	[tilespmem:s3+$0x5220] =	vst v1  }
0x29: {  	[tilespmem:s3+$0x5230] =	vst v1;
	s3 =	sshra.s32 s7, $0x2;
	s7 =	sadd.s32 $0x1C0, s7  }
0x2a: {  	[tilespmem:s3+$0x5240] =	vst v1  }
0x2b: {  	[tilespmem:s3+$0x51E0] =	vst v1  }
0x2c: {  	[tilespmem:s3+$0x51F0] =	vst v1  }
0x2d: {  	[tilespmem:s3+$0x5200] =	vst v1  }
0x2e: {  	[tilespmem:s3+$0x5210] =	vst v1  }
0x2f: {  	[tilespmem:s3+$0x5220] =	vst v1  }
0x30: {  	[tilespmem:s3+$0x5230] =	vst v1;
	s3 =	simm.s32 @!p5 $0x51E0;
	s7 =	rddreg [dreg:$0x4]  }
0x31: {  	[spmem:s7] =	stream.linear.scatter @!p5 [tilespmem:s3], [sflag:$0x7], $0x2300, $0x38;
	[tilespmem:$0x1AA40] =	vst v63  }
0x32: {  	s7 =	simm.s32 @!p5 $0x7  }
0x33: {  	_ =	swait.ge @!p5 [sflag:s7], $0x2300  }
0x34: {  	[sflag:s7] =	ssyncset.done @!p5 $0x0  }
0x35: {  	s8 =	rddreg [dreg:$0x5];
	[sflag:s7] =	ssyncadd.s32 @!p5 $0xFFFFDD00  }
0x36: {  	[spmem:s8] =	stream.linear.scatter @!p5 [tilespmem:s3], [sflag:$0x7], $0x2300, $0x38;
	[tilespmem:$0x1AA40] =	vst v63  }
0x37: {  	_ =	swait.ge @!p5 [sflag:s7], $0x2300  }
0x38: {  	[sflag:s7] =	ssyncset.done @!p5 $0x0  }
0x39: {  	s8 =	rddreg [dreg:$0x6];
	[sflag:s7] =	ssyncadd.s32 @!p5 $0xFFFFDD00  }
0x3a: {  	[spmem:s8] =	stream.linear.scatter @!p5 [tilespmem:s3], [sflag:$0x7], $0x2300, $0x38;
	[tilespmem:$0x1AA40] =	vst v63  }
0x3b: {  	_ =	swait.ge @!p5 [sflag:s7], $0x2300  }
0x3c: {  	[sflag:s7] =	ssyncset.done @!p5 $0x0  }
0x3d: {  	s8 =	rddreg [dreg:$0x7];
	[sflag:s7] =	ssyncadd.s32 @!p5 $0xFFFFDD00  }
0x3e: {  	[spmem:s8] =	stream.linear.scatter @!p5 [tilespmem:s3], [sflag:$0x7], $0x2300, $0x38;
	[tilespmem:$0x1AA40] =	vst v63  }
0x3f: {  	_ =	swait.ge @!p5 [sflag:s7], $0x2300  }
0x40: {  	[sflag:s7] =	ssyncset.done @!p5 $0x0  }
0x41: {  	s8 =	rddreg [dreg:$0x8];
	[sflag:s7] =	ssyncadd.s32 @!p5 $0xFFFFDD00  }
0x42: {  	[spmem:s8] =	stream.linear.scatter @!p5 [tilespmem:s3], [sflag:$0x7], $0x2300, $0x38;
	[tilespmem:$0x1AA40] =	vst v63  }
0x43: {  	_ =	swait.ge @!p5 [sflag:s7], $0x2300  }
0x44: {  	[sflag:s7] =	ssyncset.done @!p5 $0x0  }
0x45: {  	s8 =	rddreg [dreg:$0x9];
	[sflag:s7] =	ssyncadd.s32 @!p5 $0xFFFFDD00  }
0x46: {  	[spmem:s8] =	stream.linear.scatter @!p5 [tilespmem:s3], [sflag:$0x7], $0x2300, $0x38;
	[tilespmem:$0x1AA40] =	vst v63  }
0x47: {  	_ =	swait.ge @!p5 [sflag:s7], $0x2300  }
0x48: {  	[sflag:s7] =	ssyncset.done @!p5 $0x0  }
0x49: {  	s8 =	rddreg [dreg:$0xa];
	[sflag:s7] =	ssyncadd.s32 @!p5 $0xFFFFDD00  }
0x4a: {  	[spmem:s8] =	stream.linear.scatter @!p5 [tilespmem:s3], [sflag:$0x7], $0x2300, $0x38;
	[tilespmem:$0x1AA40] =	vst v63  }
0x4b: {  	_ =	swait.ge @!p5 [sflag:s7], $0x2300  }
0x4c: {  	[sflag:s7] =	ssyncset.done @!p5 $0x0  }
0x4d: {  	s8 =	rddreg [dreg:$0xb];
	[sflag:s7] =	ssyncadd.s32 @!p5 $0xFFFFDD00  }
0x4e: {  	[spmem:s8] =	stream.linear.scatter @!p5 [tilespmem:s3], [sflag:$0x7], $0x2300, $0x38;
	[tilespmem:$0x1AA40] =	vst v63  }
0x4f: {  	_ =	swait.ge @!p5 [sflag:s7], $0x2300  }
0x50: {  	[sflag:s7] =	ssyncset.done @!p5 $0x0  }
0x51: {  	s8 =	rddreg [dreg:$0xc];
	[sflag:s7] =	ssyncadd.s32 @!p5 $0xFFFFDD00  }
0x52: {  	[spmem:s8] =	stream.linear.scatter @!p5 [tilespmem:s3], [sflag:$0x7], $0x2300, $0x38;
	[tilespmem:$0x1AA40] =	vst v63  }
0x53: {  	_ =	swait.ge @!p5 [sflag:s7], $0x2300  }
0x54: {  	[sflag:s7] =	ssyncset.done @!p5 $0x0  }
0x55: {  	s8 =	rddreg [dreg:$0x14];
	[sflag:s7] =	ssyncadd.s32 @!p5 $0xFFFFDD00  }
0x56: {  	[spmem:s8] =	stream.linear.scatter @!p5 [tilespmem:s3], [sflag:$0x7], $0x2300, $0x38;
	[tilespmem:$0x1AA40] =	vst v63  }
0x57: {  	_ =	swait.ge @!p5 [sflag:s7], $0x2300  }
0x58: {  	[sflag:s7] =	ssyncset.done @!p5 $0x0  }
0x59: {  	s8 =	rddreg [dreg:$0x15];
	[sflag:s7] =	ssyncadd.s32 @!p5 $0xFFFFDD00  }
0x5a: {  	[spmem:s8] =	stream.linear.scatter @!p5 [tilespmem:s3], [sflag:$0x7], $0x2300, $0x38;
	[tilespmem:$0x1AA40] =	vst v63  }
0x5b: {  	_ =	swait.ge @!p5 [sflag:s7], $0x2300  }
0x5c: {  	[sflag:s7] =	ssyncset.done @!p5 $0x0  }
0x5d: {  	s8 =	rddreg [dreg:$0x16];
	[sflag:s7] =	ssyncadd.s32 @!p5 $0xFFFFDD00  }
0x5e: {  	[spmem:s8] =	stream.linear.scatter @!p5 [tilespmem:s3], [sflag:$0x7], $0x2300, $0x38;
	[tilespmem:$0x1AA40] =	vst v63  }
0x5f: {  	_ =	swait.ge @!p5 [sflag:s7], $0x2300  }
0x60: {  	[sflag:s7] =	ssyncset.done @!p5 $0x0  }
0x61: {  	s8 =	rddreg [dreg:$0x17];
	[sflag:s7] =	ssyncadd.s32 @!p5 $0xFFFFDD00  }
0x62: {  	[spmem:s8] =	stream.linear.scatter @!p5 [tilespmem:s3], [sflag:$0x7], $0x1180, $0x38;
	[tilespmem:$0x1AA40] =	vst v63  }
0x63: {  	_ =	swait.ge @!p5 [sflag:s7], $0x1180  }
0x64: {  	[sflag:s7] =	ssyncset.done @!p5 $0x0  }
0x65: {  	[sflag:s7] =	ssyncadd.s32 @!p5 $0xFFFFEE80  }
0x66: {  	[bflag:$0x0] =	sbarrier.arrive $0xFFFF  }
0x67: {  	s17 =	rddreg [dreg:$0xd]  }
0x68: {  	[tilespmem:s26], [sflag:$0x1] =	stream.linear.gather [hbm4b:s17+s26], $0x50, $0x38;
	[tilespmem:$0x1AA40] =	vst v63  }
0x69: {  	s24 =	simm.s32 $0xA0;
	s18 =	rddreg [dreg:$0xe]  }
0x6a: {  	[tilespmem:s24], [sflag:$0x1] =	stream.linear.gather [hbm4b:s18+s26], $0x50, $0x38;
	[tilespmem:$0x1AA40] =	vst v63  }
0x6b: {  	s25 =	rddreg [dreg:$0xf]  }
0x6c: {  	[tilespmem:s0], [sflag:$0x2] =	stream.linear.gather [hbm4b:s25+s26], $0x50, $0x38;
	[tilespmem:$0x1AA40] =	vst v63  }
0x6d: {  	s30 =	simm.s32 $0x1;
	s29 =	rddreg [dreg:$0x10]  }
0x6e: {  	[tilespmem:s2], [sflag:$0x2] =	stream.linear.gather [hbm4b:s29+s26], $0x50, $0x38;
	[tilespmem:$0x1AA40] =	vst v63  }
0x6f: {  	_ =	swait.ge [sflag:s30], $0x50  }
0x70: {  	[sflag:s30] =	ssyncset.done $0x0  }
0x71: {  	[sflag:s30] =	ssyncadd.s32 $0xFFFFFFB0  }
0x72: {  	_ =	swait.ge [sflag:s30], $0x50  }
0x73: {  	[sflag:s30] =	ssyncset.done $0x0  }
0x74: {  	[sflag:s30] =	ssyncadd.s32 $0xFFFFFFB0  }
0x75: {  	[tilespmem:s9], [sflag:$0x3] =	stream.indirect.gather [hbm4b:s4+s0], $0x10, s26, s0, $0xb8;
	[tilespmem:$0x1AA40] =	vst v63  }
0x76: {  	_ = 	snop  }
0x77: {  	[tilespmem:s10], [sflag:$0x3] =	stream.indirect.gather [hbm4b:s4+s0], $0x10, s24, s0, $0xb8;
	[tilespmem:$0x1AA40] =	vst v63  }
0x78: {  	s31 =	simm.s32 $0x15E0;
	s28 =	simm.s32 $0x0  }
0x79: {  	[tilespmem:s31], [sflag:$0x3] =	stream.indirect.gather [hbm4b:s20+s0], $0x60, s26, s0, $0xb8;
	[tilespmem:$0x1AA40] =	vst v63  }
.LBB2_4:
0x7a: {  	_ =	swait.ge [sflag:s11], $0x500  }
0x7b: {  	[sflag:s11] =	ssyncset.done $0x0  }
0x7c: {  	[sflag:s11] =	ssyncadd.s32 $0xFFFFFB00  }
0x7d: {  	_ =	swait.ge [sflag:s11], $0x500  }
0x7e: {  	[sflag:s11] =	ssyncset.done $0x0  }
0x7f: {  	[sflag:s11] =	ssyncadd.s32 $0xFFFFFB00  }
0x80: {  	_ =	swait.ge [sflag:s11], $0x1E00  }
0x81: {  	p6 =	seq.s32 s28, $0x0;
	[sflag:s11] =	ssyncset.done $0x0  }
0x82: {  	s3 =	simm.s32 @!p6 $0x5;
	[sflag:s11] =	ssyncadd.s32 $0xFFFFE200  }
0x83: {  	_ =	swait.ge @!p6 [sflag:s3], $0x2300  }
0x84: {  	[sflag:s3] =	ssyncset.done @!p6 $0x0  }
0x85: {  	[sflag:s3] =	ssyncadd.s32 @!p6 $0xFFFFDD00  }
0x86: {  	v2 =	vld [tilespmem:$0xA0]  }
0x87: {  	v3 =	vld [tilespmem:$0xB0]  }
0x88: {  	v31 =	vld [tilespmem:$0xC0]  }
0x89: {  	v32 =	vld [tilespmem:$0xD0]  }
0x8a: {  	v33 =	vld [tilespmem:$0xE0]  }
0x8b: {  	[tilespmem:$0x140] =	vst v2  }
0x8c: {  	[tilespmem:$0x150] =	vst v3  }
0x8d: {  	[tilespmem:$0x160] =	vst v31  }
0x8e: {  	[tilespmem:$0x170] =	vst v32  }
0x8f: {  	[tilespmem:$0x180] =	vst v33  }
0x90: {  	_ =	swait.ge [sflag:s12], $0x50  }
0x91: {  	[sflag:s12] =	ssyncset.done $0x0  }
0x92: {  	[sflag:s12] =	ssyncadd.s32 $0xFFFFFFB0  }
0x93: {  	_ =	swait.ge [sflag:s12], $0x50  }
0x94: {  	p5 =	seq.s32 s28, $0x7C;
	[sflag:s12] =	ssyncset.done $0x0  }
0x95: {  	s29 =	smul.u32 @!p5 $0xA0, s28;
	[sflag:s12] =	ssyncadd.s32 $0xFFFFFFB0  }
0x96: {  	[tilespmem:s13], [sflag:$0x4] =	stream.indirect.gather [hbm4b:s4+s0], $0x10, s0, s0, $0xb8;
	[tilespmem:$0x1AA40] =	vst v63  }
0x97: {  	s3 =	sadd.s32 @!p5 s29, s22  }
0x98: {  	v0 =	vld [tilespmem:$0x1FF40];
	[tilespmem:s14], [sflag:$0x4] =	stream.indirect.gather [hbm4b:s4+s0], $0x10, s2, s0, $0xb8  }
0x99: {  	s31 =	simm.s32 $0x33E0;
	s3 =	sshrl.u32 @!p5 s3, $0x3  }
0x9a: {  	[tilespmem:s31], [sflag:$0x4] =	stream.indirect.gather [hbm4b:s20+s0], $0x60, s0, s0, $0xb8;
	[tilespmem:$0x1AA40] =	vst v63  }
0x9b: {  	s8 =	simm.s32 @!p5 $0x0;
	s7 =	sadd.s32 @!p5 s5, s3  }
0x9c: {  	[tilespmem:s8], [sflag:$0x1] =	stream.linear.gather @!p5 [hbm4b:s7+s8], $0x50, $0x38;
	[tilespmem:$0x1AA40] =	vst v63  }
0x9d: {  	s3 =	sadd.s32 @!p5 s6, s3;
	s7 =	simm.s32 @!p5 $0xA0  }
0x9e: {  	[tilespmem:s7], [sflag:$0x1] =	stream.linear.gather @!p5 [hbm4b:s3+s8], $0x50, $0x38;
	[tilespmem:$0x1AA40] =	vst v63  }
0x9f: {  	v2 =	vld.idx.msk [tilespmem:v13+s9+$0x0], $0xffff  }
0xa0: {  	v3 =	vld.idx.msk [tilespmem:v0+s10+$0x0], $0xffff;
	_ =	sdelay $0x4  }
0xa1: {  	v2 =	vadd.f32 v3, v2;
	_ =	sdelay $0x1  }
0xa2: {  	v3 =	vmul.f32 $2.000000030e-01, v2;
	_ =	sdelay $0x1  }
0xa3: {  	v2 =	vmax.f32 v2, v3  }
0xa4: {  	v2 =	vmul.f32 $1.442695020e+00, v2;
	_ =	sdelay $0x1  }
0xa5: {  	(erf) = vpow2.f32 v2;
	_ =	sdelay $0x2  }
0xa6: {  	v0 =	vld [tilespmem:$0x1FF50];
	_ =	sdelay $0x5  }
0xa7: {  	v2 =	vpop (erf)  }
0xa8: {  	[tilespmem:$0x97E0] =	vst v2  }
0xa9: {  	v2 =	vld.idx.msk [tilespmem:v0+s9+$0x0], $0xffff  }
0xaa: {  	v0 =	vld [tilespmem:$0x1FF60];
	_ =	sdelay $0x7  }
0xab: {  	v3 =	vld.idx.msk [tilespmem:v0+s10+$0x0], $0xffff;
	_ =	sdelay $0x4  }
0xac: {  	v2 =	vadd.f32 v3, v2;
	_ =	sdelay $0x1  }
0xad: {  	v3 =	vmul.f32 $2.000000030e-01, v2;
	_ =	sdelay $0x1  }
0xae: {  	v2 =	vmax.f32 v2, v3  }
0xaf: {  	v2 =	vmul.f32 $1.442695020e+00, v2;
	_ =	sdelay $0x1  }
0xb0: {  	(erf) = vpow2.f32 v2;
	_ =	sdelay $0x2  }
0xb1: {  	v0 =	vld [tilespmem:$0x1FF70];
	_ =	sdelay $0x5  }
0xb2: {  	v2 =	vpop (erf)  }
0xb3: {  	[tilespmem:$0x9830] =	vst v2  }
0xb4: {  	v2 =	vld.idx.msk [tilespmem:v0+s9+$0x0], $0xffff  }
0xb5: {  	v0 =	vld [tilespmem:$0x1FF80];
	_ =	sdelay $0x7  }
0xb6: {  	v3 =	vld.idx.msk [tilespmem:v0+s10+$0x0], $0xffff;
	_ =	sdelay $0x4  }
0xb7: {  	v2 =	vadd.f32 v3, v2;
	_ =	sdelay $0x1  }
0xb8: {  	v3 =	vmul.f32 $2.000000030e-01, v2;
	_ =	sdelay $0x1  }
0xb9: {  	v2 =	vmax.f32 v2, v3  }
0xba: {  	v2 =	vmul.f32 $1.442695020e+00, v2;
	_ =	sdelay $0x1  }
0xbb: {  	(erf) = vpow2.f32 v2;
	_ =	sdelay $0x2  }
0xbc: {  	v0 =	vld [tilespmem:$0x1FF90];
	_ =	sdelay $0x5  }
0xbd: {  	v2 =	vpop (erf)  }
0xbe: {  	[tilespmem:$0x9880] =	vst v2  }
0xbf: {  	v2 =	vld.idx.msk [tilespmem:v0+s9+$0x0], $0xffff  }
0xc0: {  	v0 =	vld [tilespmem:$0x1FFA0];
	_ =	sdelay $0x7  }
0xc1: {  	v3 =	vld.idx.msk [tilespmem:v0+s10+$0x0], $0xffff;
	_ =	sdelay $0x4  }
0xc2: {  	v2 =	vadd.f32 v3, v2;
	_ =	sdelay $0x1  }
0xc3: {  	v3 =	vmul.f32 $2.000000030e-01, v2;
	_ =	sdelay $0x1  }
0xc4: {  	v2 =	vmax.f32 v2, v3  }
0xc5: {  	v2 =	vmul.f32 $1.442695020e+00, v2;
	_ =	sdelay $0x1  }
0xc6: {  	(erf) = vpow2.f32 v2;
	_ =	sdelay $0x2  }
0xc7: {  	v0 =	vld [tilespmem:$0x1FFB0];
	_ =	sdelay $0x5  }
0xc8: {  	v2 =	vpop (erf)  }
0xc9: {  	[tilespmem:$0x97F0] =	vst v2  }
0xca: {  	v2 =	vld.idx.msk [tilespmem:v0+s9+$0x0], $0xffff  }
0xcb: {  	v0 =	vld [tilespmem:$0x1FFC0];
	_ =	sdelay $0x7  }
0xcc: {  	v3 =	vld.idx.msk [tilespmem:v0+s10+$0x0], $0xffff;
	_ =	sdelay $0x4  }
0xcd: {  	v2 =	vadd.f32 v3, v2;
	_ =	sdelay $0x1  }
0xce: {  	v3 =	vmul.f32 $2.000000030e-01, v2;
	_ =	sdelay $0x1  }
0xcf: {  	v2 =	vmax.f32 v2, v3  }
0xd0: {  	v2 =	vmul.f32 $1.442695020e+00, v2;
	_ =	sdelay $0x1  }
0xd1: {  	(erf) = vpow2.f32 v2;
	_ =	sdelay $0x2  }
0xd2: {  	v0 =	vld [tilespmem:$0x1FFD0];
	_ =	sdelay $0x5  }
0xd3: {  	v2 =	vpop (erf)  }
0xd4: {  	[tilespmem:$0x9840] =	vst v2  }
0xd5: {  	v2 =	vld.idx.msk [tilespmem:v0+s9+$0x0], $0xffff  }
0xd6: {  	v0 =	vld [tilespmem:$0x1FFE0];
	_ =	sdelay $0x7  }
0xd7: {  	v3 =	vld.idx.msk [tilespmem:v0+s10+$0x0], $0xffff;
	_ =	sdelay $0x4  }
0xd8: {  	v2 =	vadd.f32 v3, v2;
	_ =	sdelay $0x1  }
0xd9: {  	v3 =	vmul.f32 $2.000000030e-01, v2;
	_ =	sdelay $0x1  }
0xda: {  	v2 =	vmax.f32 v2, v3  }
0xdb: {  	v2 =	vmul.f32 $1.442695020e+00, v2;
	_ =	sdelay $0x1  }
0xdc: {  	(erf) = vpow2.f32 v2;
	_ =	sdelay $0x2  }
0xdd: {  	v0 =	vld [tilespmem:$0x1FFF0];
	_ =	sdelay $0x5  }
0xde: {  	v2 =	vpop (erf)  }
0xdf: {  	[tilespmem:$0x9890] =	vst v2  }
0xe0: {  	v2 =	vld.idx.msk [tilespmem:v0+s9+$0x0], $0xffff  }
0xe1: {  	v3 =	vld.idx.msk [tilespmem:v14+s10+$0x0], $0xffff;
	_ =	sdelay $0x4  }
0xe2: {  	v2 =	vadd.f32 v3, v2;
	_ =	sdelay $0x1  }
0xe3: {  	v3 =	vmul.f32 $2.000000030e-01, v2;
	_ =	sdelay $0x1  }
0xe4: {  	v2 =	vmax.f32 v2, v3  }
0xe5: {  	v2 =	vmul.f32 $1.442695020e+00, v2;
	_ =	sdelay $0x1  }
0xe6: {  	(erf) = vpow2.f32 v2;
	_ =	sdelay $0x8  }
0xe7: {  	v2 =	vpop (erf)  }
0xe8: {  	[tilespmem:$0x9800] =	vst v2  }
0xe9: {  	v2 =	vld.idx.msk [tilespmem:v15+s9+$0x0], $0xffff  }
0xea: {  	v3 =	vld.idx.msk [tilespmem:v16+s10+$0x0], $0xffff;
	_ =	sdelay $0x4  }
0xeb: {  	v2 =	vadd.f32 v3, v2;
	_ =	sdelay $0x1  }
0xec: {  	v3 =	vmul.f32 $2.000000030e-01, v2;
	_ =	sdelay $0x1  }
0xed: {  	v2 =	vmax.f32 v2, v3  }
0xee: {  	v2 =	vmul.f32 $1.442695020e+00, v2;
	_ =	sdelay $0x1  }
0xef: {  	(erf) = vpow2.f32 v2;
	_ =	sdelay $0x8  }
0xf0: {  	v2 =	vpop (erf)  }
0xf1: {  	[tilespmem:$0x9850] =	vst v2  }
0xf2: {  	v2 =	vld.idx.msk [tilespmem:v17+s9+$0x0], $0xffff  }
0xf3: {  	v3 =	vld.idx.msk [tilespmem:v18+s10+$0x0], $0xffff;
	_ =	sdelay $0x4  }
0xf4: {  	v2 =	vadd.f32 v3, v2;
	_ =	sdelay $0x1  }
0xf5: {  	v3 =	vmul.f32 $2.000000030e-01, v2;
	_ =	sdelay $0x1  }
0xf6: {  	v2 =	vmax.f32 v2, v3  }
0xf7: {  	v2 =	vmul.f32 $1.442695020e+00, v2;
	_ =	sdelay $0x1  }
0xf8: {  	(erf) = vpow2.f32 v2;
	_ =	sdelay $0x8  }
0xf9: {  	v2 =	vpop (erf)  }
0xfa: {  	[tilespmem:$0x98A0] =	vst v2  }
0xfb: {  	v2 =	vld.idx.msk [tilespmem:v19+s9+$0x0], $0xffff  }
0xfc: {  	v3 =	vld.idx.msk [tilespmem:v20+s10+$0x0], $0xffff;
	_ =	sdelay $0x4  }
0xfd: {  	v2 =	vadd.f32 v3, v2;
	_ =	sdelay $0x1  }
0xfe: {  	v3 =	vmul.f32 $2.000000030e-01, v2;
	_ =	sdelay $0x1  }
0xff: {  	v2 =	vmax.f32 v2, v3  }
0x100: {  	v2 =	vmul.f32 $1.442695020e+00, v2;
	_ =	sdelay $0x1  }
0x101: {  	(erf) = vpow2.f32 v2;
	_ =	sdelay $0x8  }
0x102: {  	v2 =	vpop (erf)  }
0x103: {  	[tilespmem:$0x9810] =	vst v2  }
0x104: {  	v2 =	vld.idx.msk [tilespmem:v21+s9+$0x0], $0xffff  }
0x105: {  	v3 =	vld.idx.msk [tilespmem:v22+s10+$0x0], $0xffff;
	_ =	sdelay $0x4  }
0x106: {  	v2 =	vadd.f32 v3, v2;
	_ =	sdelay $0x1  }
0x107: {  	v3 =	vmul.f32 $2.000000030e-01, v2;
	_ =	sdelay $0x1  }
0x108: {  	v2 =	vmax.f32 v2, v3  }
0x109: {  	v2 =	vmul.f32 $1.442695020e+00, v2;
	_ =	sdelay $0x1  }
0x10a: {  	(erf) = vpow2.f32 v2;
	_ =	sdelay $0x8  }
0x10b: {  	v2 =	vpop (erf)  }
0x10c: {  	[tilespmem:$0x9860] =	vst v2  }
0x10d: {  	v2 =	vld.idx.msk [tilespmem:v23+s9+$0x0], $0xffff  }
0x10e: {  	v3 =	vld.idx.msk [tilespmem:v24+s10+$0x0], $0xffff;
	_ =	sdelay $0x4  }
0x10f: {  	v2 =	vadd.f32 v3, v2;
	_ =	sdelay $0x1  }
0x110: {  	v3 =	vmul.f32 $2.000000030e-01, v2;
	_ =	sdelay $0x1  }
0x111: {  	v2 =	vmax.f32 v2, v3  }
0x112: {  	v2 =	vmul.f32 $1.442695020e+00, v2;
	_ =	sdelay $0x1  }
0x113: {  	(erf) = vpow2.f32 v2;
	_ =	sdelay $0x8  }
0x114: {  	v2 =	vpop (erf)  }
0x115: {  	[tilespmem:$0x98B0] =	vst v2  }
0x116: {  	v2 =	vld.idx.msk [tilespmem:v25+s9+$0x0], $0xffff  }
0x117: {  	v3 =	vld.idx.msk [tilespmem:v26+s10+$0x0], $0xffff;
	_ =	sdelay $0x4  }
0x118: {  	v2 =	vadd.f32 v3, v2;
	_ =	sdelay $0x1  }
0x119: {  	v3 =	vmul.f32 $2.000000030e-01, v2;
	_ =	sdelay $0x1  }
0x11a: {  	v2 =	vmax.f32 v2, v3  }
0x11b: {  	v2 =	vmul.f32 $1.442695020e+00, v2;
	_ =	sdelay $0x1  }
0x11c: {  	(erf) = vpow2.f32 v2;
	_ =	sdelay $0x8  }
0x11d: {  	v2 =	vpop (erf)  }
0x11e: {  	[tilespmem:$0x9820] =	vst v2  }
0x11f: {  	v2 =	vld.idx.msk [tilespmem:v27+s9+$0x0], $0xffff  }
0x120: {  	v3 =	vld.idx.msk [tilespmem:v28+s10+$0x0], $0xffff;
	_ =	sdelay $0x4  }
0x121: {  	v2 =	vadd.f32 v3, v2;
	_ =	sdelay $0x1  }
0x122: {  	v3 =	vmul.f32 $2.000000030e-01, v2;
	_ =	sdelay $0x1  }
0x123: {  	v2 =	vmax.f32 v2, v3  }
0x124: {  	v2 =	vmul.f32 $1.442695020e+00, v2;
	_ =	sdelay $0x1  }
0x125: {  	(erf) = vpow2.f32 v2;
	_ =	sdelay $0x8  }
0x126: {  	v2 =	vpop (erf)  }
0x127: {  	[tilespmem:$0x9870] =	vst v2  }
0x128: {  	v2 =	vld.idx.msk [tilespmem:v29+s9+$0x0], $0xffff  }
0x129: {  	v3 =	vld.idx.msk [tilespmem:v30+s10+$0x0], $0xffff;
	_ =	sdelay $0x4  }
0x12a: {  	v2 =	vadd.f32 v3, v2;
	_ =	sdelay $0x1  }
0x12b: {  	v3 =	vmul.f32 $2.000000030e-01, v2;
	_ =	sdelay $0x1  }
0x12c: {  	v2 =	vmax.f32 v2, v3  }
0x12d: {  	v2 =	vmul.f32 $1.442695020e+00, v2;
	_ =	sdelay $0x1  }
0x12e: {  	(erf) = vpow2.f32 v2;
	_ =	sdelay $0x7  }
0x12f: {  	s7 =	simm.s32 $0x1;
	s8 =	simm.s32 $0x2  }
0x130: {  	v31 =	vmov s8;
	v3 =	vmov s7;
	v2 =	vpop (erf)  }
0x131: {  	s30 =	simm.s32 $0x16A0;
	v56 =	vand.u32 $0x7D, v3;
	[tilespmem:$0x98C0] =	vst v2  }
0x132: {  	v35 =	vadd.s32 $0x50, v56;
	v2 =	vand.u32 $0x7E, v31;
	v57 =	vld [tilespmem:s30+$0x60]  }
0x133: {  	v34 =	vadd.s32 $0x50, v2;
	v36 =	vld [tilespmem:s30+$0xFFFFFFA0]  }
0x134: {  	v39 =	vmov s26;
	v37 =	vld [tilespmem:s30+$0x0]  }
0x135: {  	v41 =	vld.idx.msk [tilespmem:v31+s16+$0x0], $0xffff;
	v31 =	vand.u32 $0x7C, v39  }
0x136: {  	s15 =	simm.s32 $0x3;
	v3 =	vld.idx.msk [tilespmem:v3+s16+$0x0], $0xffff;
	v40 =	vadd.s32 $0x50, v31  }
0x137: {  	v38 =	vmov s15;
	v43 =	vld.idx.msk [tilespmem:v35+s16+$0x0], $0xffff  }
0x138: {  	v58 =	vand.u32 $0x7F, v38;
	v2 =	vadd.s32 $0xA0, v2;
	v46 =	vld.idx.msk [tilespmem:v34+s16+$0x0], $0xffff  }
0x139: {  	v42 =	vadd.s32 $0x50, v58;
	v59 =	vld [tilespmem:s30+$0xFFFFFF40]  }
0x13a: {  	v32 =	vadd.s32 $0xA0, v56;
	v39 =	vld.idx.msk [tilespmem:v39+s16+$0x0], $0xffff  }
0x13b: {  	v61 =	vadd.s32 $0xA0, v58;
	v49 =	vld.idx.msk [tilespmem:v40+s16+$0x0], $0xffff  }
0x13c: {  	v47 =	vld.idx.msk [tilespmem:v38+s16+$0x0], $0xffff  }
0x13d: {  	v31 =	vadd.s32 $0xA0, v31;
	v52 =	vld.idx.msk [tilespmem:v2+s16+$0x0], $0xffff;
	v2 =	vpsel p3, v41, v46  }
0x13e: {  	v48 =	vld.idx.msk [tilespmem:v42+s16+$0x0], $0xffff;
	v37 =	vmul.f32 v37, v2  }
0x13f: {  	s7 =	simm.s32 $0x52C0;
	v54 =	vld.idx.msk [tilespmem:v32+s16+$0x0], $0xffff;
	v60 =	vpsel p3, v3, v43  }
0x140: {  	v55 =	vld.idx.msk [tilespmem:v61+s16+$0x0], $0xffff;
	v36 =	vmul.f32 v36, v60;
	v63 =	vpsel p3, v39, v49;
	[tilespmem:s7+$0x0] =	vst v37  }
0x141: {  	v35 =	vmul.f32 v59, v63;
	v62 =	vld [tilespmem:s30+$0x10]  }
0x142: {  	v53 =	vld.idx.msk [tilespmem:v31+s16+$0x0], $0xffff;
	[tilespmem:s7+$0xFFFFFF90] =	vst v36  }
0x143: {  	v36 =	vld [tilespmem:s30+$0xFFFFFFB0];
	[tilespmem:s7+$0xFFFFFF20] =	vst v35  }
0x144: {  	s24 =	simm.s32 $0x1820;
	v6 =	vpsel p3, v47, v48;
	v8 =	vld [tilespmem:s30+$0xFFFFFF50]  }
0x145: {  	s17 =	simm.s32 $0x5;
	v58 =	vld [tilespmem:s24+$0x60];
	v31 =	vmul.f32 v57, v6  }
0x146: {  	v10 =	vmov s17;
	v11 =	vld [tilespmem:s24+$0xFFFFFFA0];
	v2 =	vmul.f32 v62, v2  }
0x147: {  	v38 =	vld [tilespmem:s24+$0x0];
	[tilespmem:s7+$0x70] =	vst v31  }
0x148: {  	v61 =	vand.u32 $0x7D, v10;
	[tilespmem:s7+$0x10] =	vst v2;
	v2 =	vld [tilespmem:s30+$0x70]  }
0x149: {  	s18 =	simm.s32 $0x6;
	v7 =	vmul.f32 v36, v60;
	v9 =	vmul.f32 v8, v63;
	v63 =	vadd.s32 $0x50, v61;
	v31 =	vld [tilespmem:s30+$0x20]  }
0x14a: {  	v50 =	vld [tilespmem:s24+$0xFFFFFF40];
	v62 =	vmov s18  }
0x14b: {  	v45 =	vld.idx.msk [tilespmem:v10+s16+$0x0], $0xffff;
	v56 =	vpsel p1, v46, v52;
	[tilespmem:s7+$0xFFFFFFA0] =	vst v7  }
0x14c: {  	v56 =	vpsel p2, v41, v56;
	v34 =	vld [tilespmem:s30+$0xFFFFFFC0];
	[tilespmem:s7+$0xFFFFFF30] =	vst v9  }
0x14d: {  	v36 =	vadd.s32 $0xA0, v61;
	v51 =	vld [tilespmem:s30+$0xFFFFFF60];
	v2 =	vmul.f32 v2, v6;
	v6 =	vand.u32 $0x7E, v62  }
0x14e: {  	v32 =	vld.idx.msk [tilespmem:v63+s16+$0x0], $0xffff;
	v7 =	vadd.s32 $0x50, v6;
	v59 =	vmul.f32 v31, v56  }
0x14f: {  	s25 =	simm.s32 $0x7;
	v8 =	vpsel p1, v43, v54;
	v37 =	vld.idx.msk [tilespmem:v62+s16+$0x0], $0xffff;
	v40 =	vadd.s32 $0xA0, v6;
	[tilespmem:s7+$0x80] =	vst v2  }
0x150: {  	s31 =	simm.s32 $0x4;
	v2 =	vmov s25;
	v44 =	vld [tilespmem:s30+$0x80];
	[tilespmem:s7+$0x20] =	vst v59;
	v59 =	vpsel p2, v3, v8  }
0x151: {  	v57 =	vmov s31;
	v4 =	vpsel p1, v49, v53;
	v62 =	vld [tilespmem:s30+$0x30];
	v5 =	vmul.f32 v34, v59  }
0x152: {  	v4 =	vpsel p2, v39, v4;
	v31 =	vpsel p1, v48, v55;
	v34 =	vld.idx.msk [tilespmem:v36+s16+$0x0], $0xffff  }
0x153: {  	v6 =	vpsel p3, v45, v32;
	v33 =	vld.idx.msk [tilespmem:v7+s16+$0x0], $0xffff;
	[tilespmem:s7+$0xFFFFFFB0] =	vst v5;
	v5 =	vmul.f32 v51, v4  }
0x154: {  	v60 =	vand.u32 $0x7C, v57;
	v42 =	vpsel p2, v47, v31;
	v36 =	vld.idx.msk [tilespmem:v40+s16+$0x0], $0xffff;
	v7 =	vmul.f32 v11, v6  }
0x155: {  	v63 =	vadd.s32 $0x50, v60;
	s25 =	simm.s32 $0x5480;
	v31 =	vld.idx.msk [tilespmem:v2+s16+$0x0], $0xffff;
	v2 =	vand.u32 $0x7F, v2;
	v61 =	vmul.f32 v44, v42;
	[tilespmem:s7+$0xFFFFFF40] =	vst v5  }
0x156: {  	v44 =	vld.idx.msk [tilespmem:v57+s16+$0x0], $0xffff;
	v51 =	vadd.s32 $0x50, v2;
	[tilespmem:s25+$0xFFFFFF90] =	vst v7  }
0x157: {  	v9 =	vsel vm0, $0x0, v54;
	v7 =	vld [tilespmem:s30+$0xFFFFFF70];
	[tilespmem:s7+$0x90] =	vst v61  }
0x158: {  	v10 =	vsel vm0, $0x0, v53;
	v57 =	vsel vm1, v9, v43;
	v5 =	vsel vm0, $0x0, v52;
	v61 =	vld [tilespmem:s30+$0x90]  }
0x159: {  	v9 =	vld [tilespmem:s30+$0xFFFFFFD0];
	v40 =	vsel vm2, v3, v57;
	v57 =	vadd.s32 $0xA0, v60;
	v8 =	vpsel p3, v37, v33  }
0x15a: {  	v35 =	vld.idx.msk [tilespmem:v63+s16+$0x0], $0xffff;
	v11 =	vsel vm1, v10, v49;
	v5 =	vsel vm1, v5, v46;
	v3 =	vmul.f32 v38, v8  }
0x15b: {  	v56 =	vmul.f32 v62, v56;
	v38 =	vsel vm2, v41, v5;
	v41 =	vsel vm2, v39, v11;
	v39 =	vld.idx.msk [tilespmem:v51+s16+$0x0], $0xffff  }
0x15c: {  	v5 =	vsel vm0, $0x0, v55;
	[tilespmem:s25+$0x0] =	vst v3;
	v3 =	vld [tilespmem:s24+$0xFFFFFFB0];
	v4 =	vmul.f32 v7, v4  }
0x15d: {  	[tilespmem:s7+$0x30] =	vst v56;
	v5 =	vsel vm1, v5, v48;
	v60 =	vld [tilespmem:s24+$0x10];
	v63 =	vmul.f32 v61, v42  }
0x15e: {  	v2 =	vadd.s32 $0xA0, v2;
	v51 =	vld.idx.msk [tilespmem:v57+s16+$0x0], $0xffff;
	v42 =	vsel vm2, v47, v5;
	v5 =	vmul.f32 v9, v59;
	[tilespmem:s7+$0xFFFFFF50] =	vst v4  }
0x15f: {  	v54 =	vpsel p0, v43, v54;
	v9 =	vld [tilespmem:s30+$0x40];
	v61 =	vpsel p3, v44, v35;
	[tilespmem:s7+$0xA0] =	vst v63  }
0x160: {  	v56 =	vpsel p1, v32, v34;
	v11 =	vsel vm0, $0x0, v34;
	v7 =	vld [tilespmem:s30+$0xFFFFFF80];
	[tilespmem:s7+$0xFFFFFFC0] =	vst v5;
	v5 =	vmul.f32 v50, v61  }
0x161: {  	v48 =	vpsel p0, v48, v55;
	v57 =	vpsel p0, v46, v52;
	v62 =	vld [tilespmem:s30+$0xA0];
	v6 =	vmul.f32 v3, v6  }
0x162: {  	v52 =	vpsel p0, v49, v53;
	v47 =	vsel vm1, v11, v32;
	v4 =	vld [tilespmem:s30+$0xFFFFFFE0];
	v3 =	vmul.f32 v60, v8;
	[tilespmem:s25+$0xFFFFFF20] =	vst v5  }
0x163: {  	v43 =	vld.idx.msk [tilespmem:v2+s16+$0x0], $0xffff;
	v47 =	vsel vm2, v45, v47;
	v2 =	vsel vm0, $0x0, v51;
	v5 =	vsel vm0, $0x0, v36;
	[tilespmem:s25+$0xFFFFFFA0] =	vst v6  }
0x164: {  	v60 =	vpsel p3, v31, v39;
	v5 =	vsel vm1, v5, v33;
	v8 =	vmul.f32 v9, v57;
	[tilespmem:s25+$0x10] =	vst v3;
	v3 =	vld [tilespmem:s24+$0xFFFFFF50]  }
0x165: {  	v63 =	vsel vm1, v2, v35;
	v46 =	vsel vm2, v37, v5;
	v5 =	vmul.f32 v58, v60;
	v2 =	vld [tilespmem:s24+$0xFFFFFFC0]  }
0x166: {  	v50 =	vpsel p1, v33, v36;
	v59 =	vpsel p1, v35, v51;
	v55 =	vmul.f32 v7, v52;
	v58 =	vld [tilespmem:s24+$0x20];
	[tilespmem:s7+$0x40] =	vst v8  }
0x167: {  	s3 =	simm.s32 $0x8;
	s8 =	simm.s32 $0x19A0;
	v53 =	vsel vm2, v44, v63;
	v62 =	vmul.f32 v62, v48;
	v49 =	vmul.f32 v4, v54;
	[tilespmem:s25+$0x70] =	vst v5;
	v63 =	vld [tilespmem:s30+$0x50]  }
.LBB2_5:
0x168: {  	s17 =	sadd.s32 $0x1, s3  }
0x169: {  	s18 =	sadd.s32 $0x3, s3;
	v3 =	vmul.f32 v3, v61;
	v4 =	vld [tilespmem:s24+$0x70];
	[tilespmem:s7+$0xFFFFFFD0] =	vst v49;
	v49 =	vmov v51;
	s31 =	smov.u32 s3;
	s15 =	sadd.s32 $0x4, s3  }
0x16a: {  	p4 =	slt.u32 s3, $0x4C;
	v7 =	vpsel p2, v45, v56;
	v5 =	vmov s17;
	s17 =	sadd.s32 $0x2, s31;
	v6 =	vmov s18;
	[tilespmem:s7+$0xFFFFFF60] =	vst v55;
	v8 =	vld [tilespmem:s30+$0xFFFFFFF0]  }
0x16b: {  	v9 =	vand.u32 $0x7D, v5;
	v51 =	vmov s17;
	v55 =	vld [tilespmem:s8+$0x60];
	[tilespmem:s25+$0xFFFFFF30] =	vst v3;
	v3 =	vpsel p1, v39, v43  }
0x16c: {  	v56 =	vadd.s32 $0x50, v9;
	v61 =	vld [tilespmem:s8+$0xFFFFFFA0];
	v0 =	vand.u32 $0x7E, v51;
	v2 =	vmul.f32 v2, v7;
	[tilespmem:s7+$0xB0] =	vst v62  }
0x16d: {  	v45 =	vand.u32 $0x7F, v6;
	v62 =	vadd.s32 $0x50, v0;
	v10 =	vld [tilespmem:s8+$0x0];
	[tilespmem:s7+$0xFFFFFFF0] =	vst v40;
	v57 =	vmul.f32 v63, v57;
	v40 =	vmovc v47  }
0x16e: {  	v11 =	vadd.s32 $0xA0, v45;
	v47 =	vadd.s32 $0x50, v45;
	v63 =	vld [tilespmem:s8+$0xFFFFFF40];
	[tilespmem:s25+$0xFFFFFFB0] =	vst v2;
	v2 =	vmul.f32 v4, v60  }
0x16f: {  	v45 =	vsel vm0, $0x0, v43;
	v4 =	vld [tilespmem:s24+$0xFFFFFF60];
	v8 =	vmul.f32 v8, v54;
	[tilespmem:s7+$0x50] =	vst v57  }
0x170: {  	[tilespmem:s25+$0x80] =	vst v2;
	v2 =	vsel vm1, v45, v39;
	v54 =	vld [tilespmem:s30+$0xFFFFFF90]  }
0x171: {  	v59 =	vpsel p2, v44, v59;
	v57 =	vmov s31;
	v2 =	vsel vm2, v31, v2;
	[tilespmem:s7+$0xFFFFFF80] =	vst v41;
	v44 =	vld [tilespmem:s30+$0xB0];
	v41 =	vmovc v53;
	s30 =	smov.u32 s24;
	s24 =	smov.u32 s8  }
0x172: {  	v45 =	vand.u32 $0x7C, v57;
	v53 =	vld [tilespmem:s30+$0x80];
	[tilespmem:s7+$0xD0] =	vst v42;
	v42 =	vmov v2  }
0x173: {  	v60 =	vadd.s32 $0xA0, v45;
	v2 =	vadd.s32 $0x50, v45;
	v45 =	vld.idx.msk [tilespmem:v5+s16+$0x0], $0xffff;
	[tilespmem:s7+$0xFFFFFFE0] =	vst v8  }
0x174: {  	v5 =	vadd.s32 $0xA0, v9;
	v8 =	vpsel p2, v37, v50;
	v4 =	vmul.f32 v4, v59;
	v37 =	vld.idx.msk [tilespmem:v51+s16+$0x0], $0xffff  }
0x175: {  	v0 =	vadd.s32 $0xA0, v0;
	v50 =	vmul.f32 v58, v8;
	v9 =	vld.idx.msk [tilespmem:v56+s16+$0x0], $0xffff;
	v51 =	vmul.f32 v54, v52;
	[tilespmem:s7+$0x60] =	vst v38  }
0x176: {  	v3 =	vpsel p2, v31, v3;
	v38 =	vmov v46;
	v52 =	vld.idx.msk [tilespmem:v62+s16+$0x0], $0xffff;
	[tilespmem:s25+$0xFFFFFF40] =	vst v4;
	v4 =	vmul.f32 v44, v48  }
0x177: {  	v31 =	vld.idx.msk [tilespmem:v6+s16+$0x0], $0xffff;
	[tilespmem:s25+$0x20] =	vst v50;
	v6 =	vmul.f32 v53, v3  }
0x178: {  	v46 =	vld [tilespmem:s30+$0x30];
	[tilespmem:s7+$0xC0] =	vst v4  }
0x179: {  	v44 =	vld.idx.msk [tilespmem:v57+s16+$0x0], $0xffff;
	[tilespmem:s7+$0xFFFFFF70] =	vst v51;
	s7 =	smov.u32 s25;
	s25 =	sadd.s32 $0x1C0, s25  }
0x17a: {  	v4 =	vld.idx.msk [tilespmem:v5+s16+$0x0], $0xffff;
	[tilespmem:s7+$0x90] =	vst v6  }
0x17b: {  	v5 =	vpsel p3, v45, v9;
	v6 =	vld [tilespmem:s30+$0x90]  }
0x17c: {  	v48 =	vmul.f32 v61, v5;
	v53 =	vpsel p3, v37, v52;
	v0 =	vld.idx.msk [tilespmem:v0+s16+$0x0], $0xffff  }
0x17d: {  	v10 =	vmul.f32 v10, v53;
	v51 =	vld [tilespmem:s30+$0xFFFFFFD0];
	v8 =	vmul.f32 v46, v8  }
0x17e: {  	v12 =	vld.idx.msk [tilespmem:v2+s16+$0x0], $0xffff;
	[tilespmem:s25+$0xFFFFFF90] =	vst v48  }
0x17f: {  	[tilespmem:s25+$0x0] =	vst v10;
	v2 =	vld [tilespmem:s30+$0xFFFFFF70]  }
0x180: {  	v56 =	vpsel p1, v9, v4;
	v46 =	vsel vm0, $0x0, v4;
	v10 =	vld [tilespmem:s8+$0xFFFFFFB0];
	[tilespmem:s7+$0x30] =	vst v8;
	v3 =	vmul.f32 v6, v3  }
0x181: {  	v6 =	vsel vm1, v46, v9;
	v8 =	vld.idx.msk [tilespmem:v47+s16+$0x0], $0xffff  }
0x182: {  	v47 =	vsel vm2, v45, v6;
	v50 =	vpsel p1, v52, v0;
	v6 =	vld [tilespmem:s8+$0x10];
	v7 =	vmul.f32 v51, v7;
	[tilespmem:s7+$0xA0] =	vst v3  }
0x183: {  	v3 =	vsel vm0, $0x0, v0;
	v48 =	vld [tilespmem:s30+$0x40]  }
0x184: {  	v61 =	vpsel p3, v44, v12;
	v51 =	vld.idx.msk [tilespmem:v60+s16+$0x0], $0xffff;
	v2 =	vmul.f32 v2, v59;
	[tilespmem:s7+$0xFFFFFFC0] =	vst v7  }
0x185: {  	v3 =	vsel vm1, v3, v52;
	v7 =	vmul.f32 v63, v61;
	v62 =	vld [tilespmem:s30+$0xA0]  }
0x186: {  	v46 =	vsel vm2, v37, v3;
	v5 =	vmul.f32 v10, v5;
	[tilespmem:s7+$0xFFFFFF50] =	vst v2;
	v10 =	vld [tilespmem:s30+$0xFFFFFFE0]  }
0x187: {  	v57 =	vpsel p0, v33, v36;
	v60 =	vpsel p3, v31, v8;
	[tilespmem:s25+$0xFFFFFF20] =	vst v7;
	v2 =	vmul.f32 v6, v53;
	v6 =	vld [tilespmem:s30+$0xFFFFFF80]  }
.Ltmp1:
0x188: {  	v33 =	vmovc v52;
	v36 =	vmov v0;
	v7 =	vmul.f32 v55, v60;
	v3 =	vld [tilespmem:s8+$0xFFFFFF50];
	v53 =	vmul.f32 v48, v57;
	(pc) =	sbr.rel @p4 .LBB2_5-.Ltmp1, $4  }
0x189: {  	v54 =	vpsel p0, v32, v34;
	v32 =	vmov v9;
	v48 =	vpsel p0, v39, v43;
	[tilespmem:s25+$0x10] =	vst v2;
	v43 =	vld.idx.msk [tilespmem:v11+s16+$0x0], $0xffff  }
0x18a: {  	v34 =	vmovc v4;
	v59 =	vpsel p1, v12, v51;
	v0 =	vsel vm0, $0x0, v51;
	[tilespmem:s25+$0xFFFFFFA0] =	vst v5;
	v58 =	vld [tilespmem:s8+$0x20];
	v62 =	vmul.f32 v62, v48  }
0x18b: {  	v52 =	vpsel p0, v35, v49;
	v0 =	vsel vm1, v0, v12;
	v2 =	vld [tilespmem:s8+$0xFFFFFFC0];
	v49 =	vmul.f32 v10, v54;
	[tilespmem:s7+$0x40] =	vst v53  }
0x18c: {  	s3 =	smov.u32 s15;
	v35 =	vmovc v12;
	v39 =	vmov v8;
	v53 =	vsel vm2, v44, v0;
	s8 =	sadd.s32 $0x180, s8;
	[tilespmem:s25+$0x70] =	vst v7;
	v55 =	vmul.f32 v6, v52;
	v63 =	vld [tilespmem:s30+$0x50]  }
0x18d: {  	v0 =	vld [tilespmem:s24+$0x70];
	_ =	sdelay $0x4  }
0x18e: {  	v0 =	vmul.f32 v0, v60  }
0x18f: {  	v3 =	vmul.f32 v3, v61  }
0x190: {  	[tilespmem:s25+$0x80] =	vst v0;
	v0 =	vpsel p2, v37, v50  }
0x191: {  	[tilespmem:s25+$0xFFFFFF30] =	vst v3;
	v3 =	vld [tilespmem:s24+$0x80];
	v4 =	vmul.f32 v58, v0  }
0x192: {  	v5 =	vld [tilespmem:s24+$0xFFFFFF60]  }
0x193: {  	v6 =	vpsel p2, v45, v56;
	[tilespmem:s25+$0x20] =	vst v4  }
0x194: {  	[tilespmem:s7+$0xFFFFFFD0] =	vst v49;
	v2 =	vmul.f32 v2, v6;
	v4 =	vpsel p1, v39, v43;
	v7 =	vld [tilespmem:s24+$0x30]  }
0x195: {  	[tilespmem:s7+$0xB0] =	vst v62;
	v4 =	vpsel p2, v31, v4  }
0x196: {  	[tilespmem:s25+$0xFFFFFFB0] =	vst v2;
	v2 =	vpsel p2, v44, v59;
	v3 =	vmul.f32 v3, v4  }
0x197: {  	[tilespmem:s7+$0x60] =	vst v38;
	v8 =	vld [tilespmem:s24+$0xFFFFFFD0];
	v5 =	vmul.f32 v5, v2  }
0x198: {  	[tilespmem:s25+$0x90] =	vst v3  }
0x199: {  	[tilespmem:s25+$0xFFFFFF40] =	vst v5;
	v3 =	vld [tilespmem:s24+$0x90];
	v0 =	vmul.f32 v7, v0  }
0x19a: {  	[tilespmem:s7+$0xFFFFFF60] =	vst v55;
	v5 =	vmul.f32 v63, v57;
	v59 =	vld [tilespmem:s24+$0xFFFFFF70]  }
0x19b: {  	v9 =	vld [tilespmem:s30+$0xFFFFFFF0];
	[tilespmem:s25+$0x30] =	vst v0  }
0x19c: {  	[tilespmem:s7+$0x50] =	vst v5;
	v0 =	vmul.f32 v8, v6;
	v5 =	vld [tilespmem:s24+$0x40]  }
0x19d: {  	[tilespmem:s7+$0xFFFFFFF0] =	vst v40;
	v10 =	vld [tilespmem:s30+$0xFFFFFF90]  }
0x19e: {  	v60 =	vld [tilespmem:s30+$0xB0];
	[tilespmem:s25+$0xFFFFFFC0] =	vst v0;
	v3 =	vmul.f32 v3, v4  }
0x19f: {  	[tilespmem:s7+$0xFFFFFF80] =	vst v41;
	v0 =	vmul.f32 v59, v2;
	v2 =	vld [tilespmem:s24+$0xFFFFFFE0]  }
0x1a0: {  	v4 =	vmul.f32 v9, v54;
	[tilespmem:s25+$0xA0] =	vst v3;
	v3 =	vpsel p0, v33, v36  }
0x1a1: {  	[tilespmem:s25+$0xFFFFFF50] =	vst v0;
	v61 =	vld [tilespmem:s24+$0xA0];
	v0 =	vmul.f32 v5, v3  }
0x1a2: {  	[tilespmem:s7+$0xFFFFFFE0] =	vst v4;
	v4 =	vld [tilespmem:s24+$0xFFFFFF80]  }
0x1a3: {  	v62 =	vpsel p0, v32, v34;
	v5 =	vmul.f32 v60, v48;
	[tilespmem:s25+$0x40] =	vst v0  }
0x1a4: {  	[tilespmem:s7+$0xD0] =	vst v42;
	v63 =	vmul.f32 v10, v52;
	v0 =	vmul.f32 v2, v62;
	v2 =	vld [tilespmem:s24+$0x50]  }
0x1a5: {  	[tilespmem:s7+$0xC0] =	vst v5;
	v5 =	vpsel p0, v39, v43  }
0x1a6: {  	v32 =	vpsel p0, v35, v51;
	[tilespmem:s7+$0xFFFFFF70] =	vst v63;
	v7 =	vmul.f32 v61, v5  }
0x1a7: {  	[tilespmem:s25+$0xFFFFFFD0] =	vst v0;
	v0 =	vmul.f32 v4, v32  }
0x1a8: {  	v4 =	vld [tilespmem:s24+$0xFFFFFFF0];
	[tilespmem:s25+$0xB0] =	vst v7  }
0x1a9: {  	[tilespmem:s25+$0xFFFFFF60] =	vst v0;
	v0 =	vmul.f32 v2, v3;
	v2 =	vld [tilespmem:s24+$0xB0]  }
0x1aa: {  	[tilespmem:s25+$0x60] =	vst v46;
	v33 =	vld [tilespmem:s24+$0xFFFFFF90]  }
0x1ab: {  	[tilespmem:s25+$0xFFFFFFF0] =	vst v47;
	v3 =	vsel vm0, $0x0, v43  }
0x1ac: {  	[tilespmem:s25+$0xFFFFFF80] =	vst v53;
	v3 =	vsel vm1, v3, v39  }
0x1ad: {  	[tilespmem:s25+$0x50] =	vst v0;
	v0 =	vsel vm2, v31, v3;
	v3 =	vmul.f32 v4, v62  }
0x1ae: {  	[tilespmem:s25+$0xD0] =	vst v0;
	v0 =	vmul.f32 v2, v5  }
0x1af: {  	[tilespmem:s25+$0xFFFFFFE0] =	vst v3;
	v2 =	vmul.f32 v33, v32  }
0x1b0: {  	[tilespmem:s25+$0xC0] =	vst v0  }
0x1b1: {  	s3 =	simm.s32 $0x140;
	s31 =	simm.s32 $0x51E0;
	[tilespmem:s25+$0xFFFFFF70] =	vst v2  }
0x1b2: {  	[spmem:s1] =	stream.indirect.scatter.add.f32 [tilespmem:s31], [sflag:$0x5], $0x70, s3, s0, $0xb8;
	[tilespmem:$0x1AA40] =	vst v63  }
0x1b3: {  	_ =	swait.ge [sflag:s19], $0x500  }
0x1b4: {  	[sflag:s19] =	ssyncset.done $0x0  }
0x1b5: {  	[sflag:s19] =	ssyncadd.s32 $0xFFFFFB00  }
0x1b6: {  	_ =	swait.ge [sflag:s19], $0x500  }
0x1b7: {  	[sflag:s19] =	ssyncset.done $0x0  }
0x1b8: {  	[sflag:s19] =	ssyncadd.s32 $0xFFFFFB00  }
0x1b9: {  	_ =	swait.ge [sflag:s19], $0x1E00  }
0x1ba: {  	[sflag:s19] =	ssyncset.done $0x0  }
0x1bb: {  	s3 =	simm.s32 @!p6 $0x6;
	[sflag:s19] =	ssyncadd.s32 $0xFFFFE200  }
0x1bc: {  	_ =	swait.ge @!p6 [sflag:s3], $0x2300  }
0x1bd: {  	[sflag:s3] =	ssyncset.done @!p6 $0x0  }
0x1be: {  	[sflag:s3] =	ssyncadd.s32 @!p6 $0xFFFFDD00  }
0x1bf: {  	v0 =	vld [tilespmem:$0xF0]  }
0x1c0: {  	v2 =	vld [tilespmem:$0x100]  }
0x1c1: {  	v3 =	vld [tilespmem:$0x110]  }
0x1c2: {  	v4 =	vld [tilespmem:$0x120]  }
0x1c3: {  	v5 =	vld [tilespmem:$0x130]  }
0x1c4: {  	[tilespmem:$0x190] =	vst v0  }
0x1c5: {  	[tilespmem:$0x1A0] =	vst v2  }
0x1c6: {  	[tilespmem:$0x1B0] =	vst v3  }
0x1c7: {  	[tilespmem:$0x1C0] =	vst v4  }
0x1c8: {  	s3 =	simm.s32 @!p5 $0x1;
	[tilespmem:$0x1D0] =	vst v5  }
0x1c9: {  	_ =	swait.ge @!p5 [sflag:s3], $0x50  }
0x1ca: {  	[sflag:s3] =	ssyncset.done @!p5 $0x0  }
0x1cb: {  	[sflag:s3] =	ssyncadd.s32 @!p5 $0xFFFFFFB0  }
0x1cc: {  	_ =	swait.ge @!p5 [sflag:s3], $0x50  }
0x1cd: {  	s8 =	simm.s32 @!p5 $0x1E0;
	[sflag:s3] =	ssyncset.done @!p5 $0x0  }
0x1ce: {  	s7 =	simm.s32 @!p5 $0x0;
	[sflag:s3] =	ssyncadd.s32 @!p5 $0xFFFFFFB0;
	s3 =	simm.s32 @!p5 $0x50  }
0x1cf: {  	[tilespmem:s8], [sflag:$0x3] =	stream.indirect.gather @!p5 [hbm4b:s4+s3], $0x10, s7, s3, $0xb8;
	[tilespmem:$0x1AA40] =	vst v63  }
0x1d0: {  	s15 =	simm.s32 @!p5 $0xBE0;
	s8 =	simm.s32 @!p5 $0xA0  }
0x1d1: {  	[tilespmem:s15], [sflag:$0x3] =	stream.indirect.gather @!p5 [hbm4b:s4+s3], $0x10, s8, s3, $0xb8;
	[tilespmem:$0x1AA40] =	vst v63  }
0x1d2: {  	s8 =	simm.s32 @!p5 $0x15E0  }
0x1d3: {  	v2 =	vld [tilespmem:$0x1FF40];
	[tilespmem:s8], [sflag:$0x3] =	stream.indirect.gather @!p5 [hbm4b:s20+s3], $0x60, s7, s3, $0xb8  }
0x1d4: {  	s8 =	sadd.s32 @!p5 s29, s23  }
0x1d5: {  	s8 =	sshrl.u32 @!p5 s8, $0x3  }
0x1d6: {  	s15 =	sadd.s32 @!p5 s5, s8  }
0x1d7: {  	[tilespmem:s3], [sflag:$0x2] =	stream.linear.gather @!p5 [hbm4b:s15+s7], $0x50, $0x38;
	[tilespmem:$0x1AA40] =	vst v63  }
0x1d8: {  	s3 =	sadd.s32 @!p5 s6, s8;
	s8 =	simm.s32 @!p5 $0xF0  }
0x1d9: {  	[tilespmem:s8], [sflag:$0x2] =	stream.linear.gather @!p5 [hbm4b:s3+s7], $0x50, $0x38;
	[tilespmem:$0x1AA40] =	vst v63  }
0x1da: {  	v0 =	vld.idx.msk [tilespmem:v13+s13+$0x0], $0xffff  }
0x1db: {  	v2 =	vld.idx.msk [tilespmem:v2+s14+$0x0], $0xffff;
	_ =	sdelay $0x4  }
0x1dc: {  	v0 =	vadd.f32 v2, v0;
	_ =	sdelay $0x1  }
0x1dd: {  	v2 =	vmul.f32 $2.000000030e-01, v0;
	_ =	sdelay $0x1  }
0x1de: {  	v0 =	vmax.f32 v0, v2  }
0x1df: {  	v0 =	vmul.f32 $1.442695020e+00, v0;
	_ =	sdelay $0x1  }
0x1e0: {  	(erf) = vpow2.f32 v0;
	_ =	sdelay $0x8  }
0x1e1: {  	v2 =	vld [tilespmem:$0x1FF60];
	v0 =	vpop (erf)  }
0x1e2: {  	[tilespmem:$0x97E0] =	vst v0;
	v0 =	vld [tilespmem:$0x1FF50];
	_ =	sdelay $0x6  }
0x1e3: {  	v2 =	vld.idx.msk [tilespmem:v2+s14+$0x0], $0xffff  }
0x1e4: {  	v0 =	vld.idx.msk [tilespmem:v0+s13+$0x0], $0xffff;
	_ =	sdelay $0x4  }
0x1e5: {  	v0 =	vadd.f32 v2, v0;
	_ =	sdelay $0x1  }
0x1e6: {  	v2 =	vmul.f32 $2.000000030e-01, v0;
	_ =	sdelay $0x1  }
0x1e7: {  	v0 =	vmax.f32 v0, v2  }
0x1e8: {  	v0 =	vmul.f32 $1.442695020e+00, v0;
	_ =	sdelay $0x1  }
0x1e9: {  	(erf) = vpow2.f32 v0;
	_ =	sdelay $0x8  }
0x1ea: {  	v2 =	vld [tilespmem:$0x1FF80];
	v0 =	vpop (erf)  }
0x1eb: {  	[tilespmem:$0x9830] =	vst v0;
	v0 =	vld [tilespmem:$0x1FF70];
	_ =	sdelay $0x6  }
0x1ec: {  	v2 =	vld.idx.msk [tilespmem:v2+s14+$0x0], $0xffff  }
0x1ed: {  	v0 =	vld.idx.msk [tilespmem:v0+s13+$0x0], $0xffff;
	_ =	sdelay $0x4  }
0x1ee: {  	v0 =	vadd.f32 v2, v0;
	_ =	sdelay $0x1  }
0x1ef: {  	v2 =	vmul.f32 $2.000000030e-01, v0;
	_ =	sdelay $0x1  }
0x1f0: {  	v0 =	vmax.f32 v0, v2  }
0x1f1: {  	v0 =	vmul.f32 $1.442695020e+00, v0;
	_ =	sdelay $0x1  }
0x1f2: {  	(erf) = vpow2.f32 v0;
	_ =	sdelay $0x8  }
0x1f3: {  	v2 =	vld [tilespmem:$0x1FFA0];
	v0 =	vpop (erf)  }
0x1f4: {  	[tilespmem:$0x9880] =	vst v0;
	v0 =	vld [tilespmem:$0x1FF90];
	_ =	sdelay $0x6  }
0x1f5: {  	v2 =	vld.idx.msk [tilespmem:v2+s14+$0x0], $0xffff  }
0x1f6: {  	v0 =	vld.idx.msk [tilespmem:v0+s13+$0x0], $0xffff;
	_ =	sdelay $0x4  }
0x1f7: {  	v0 =	vadd.f32 v2, v0;
	_ =	sdelay $0x1  }
0x1f8: {  	v2 =	vmul.f32 $2.000000030e-01, v0;
	_ =	sdelay $0x1  }
0x1f9: {  	v0 =	vmax.f32 v0, v2  }
0x1fa: {  	v0 =	vmul.f32 $1.442695020e+00, v0;
	_ =	sdelay $0x1  }
0x1fb: {  	(erf) = vpow2.f32 v0;
	_ =	sdelay $0x8  }
0x1fc: {  	v2 =	vld [tilespmem:$0x1FFC0];
	v0 =	vpop (erf)  }
0x1fd: {  	[tilespmem:$0x97F0] =	vst v0;
	v0 =	vld [tilespmem:$0x1FFB0];
	_ =	sdelay $0x6  }
0x1fe: {  	v2 =	vld.idx.msk [tilespmem:v2+s14+$0x0], $0xffff  }
0x1ff: {  	v0 =	vld.idx.msk [tilespmem:v0+s13+$0x0], $0xffff;
	_ =	sdelay $0x4  }
0x200: {  	v0 =	vadd.f32 v2, v0;
	_ =	sdelay $0x1  }
0x201: {  	v2 =	vmul.f32 $2.000000030e-01, v0;
	_ =	sdelay $0x1  }
0x202: {  	v0 =	vmax.f32 v0, v2  }
0x203: {  	v0 =	vmul.f32 $1.442695020e+00, v0;
	_ =	sdelay $0x1  }
0x204: {  	(erf) = vpow2.f32 v0;
	_ =	sdelay $0x8  }
0x205: {  	v2 =	vld [tilespmem:$0x1FFE0];
	v0 =	vpop (erf)  }
0x206: {  	[tilespmem:$0x9840] =	vst v0;
	v0 =	vld [tilespmem:$0x1FFD0];
	_ =	sdelay $0x6  }
0x207: {  	v2 =	vld.idx.msk [tilespmem:v2+s14+$0x0], $0xffff  }
0x208: {  	v0 =	vld.idx.msk [tilespmem:v0+s13+$0x0], $0xffff;
	_ =	sdelay $0x4  }
0x209: {  	v0 =	vadd.f32 v2, v0;
	_ =	sdelay $0x1  }
0x20a: {  	v2 =	vmul.f32 $2.000000030e-01, v0;
	_ =	sdelay $0x1  }
0x20b: {  	v0 =	vmax.f32 v0, v2  }
0x20c: {  	v0 =	vmul.f32 $1.442695020e+00, v0;
	_ =	sdelay $0x1  }
0x20d: {  	(erf) = vpow2.f32 v0;
	_ =	sdelay $0x8  }
0x20e: {  	v0 =	vpop (erf)  }
0x20f: {  	[tilespmem:$0x9890] =	vst v0;
	v0 =	vld [tilespmem:$0x1FFF0];
	_ =	sdelay $0x6  }
0x210: {  	v2 =	vld.idx.msk [tilespmem:v14+s14+$0x0], $0xffff  }
0x211: {  	v0 =	vld.idx.msk [tilespmem:v0+s13+$0x0], $0xffff;
	_ =	sdelay $0x4  }
0x212: {  	v0 =	vadd.f32 v2, v0;
	_ =	sdelay $0x1  }
0x213: {  	v2 =	vmul.f32 $2.000000030e-01, v0;
	_ =	sdelay $0x1  }
0x214: {  	v0 =	vmax.f32 v0, v2  }
0x215: {  	v0 =	vmul.f32 $1.442695020e+00, v0;
	_ =	sdelay $0x1  }
0x216: {  	(erf) = vpow2.f32 v0;
	_ =	sdelay $0x8  }
0x217: {  	v0 =	vpop (erf)  }
0x218: {  	[tilespmem:$0x9800] =	vst v0  }
0x219: {  	v0 =	vld.idx.msk [tilespmem:v15+s13+$0x0], $0xffff  }
0x21a: {  	v2 =	vld.idx.msk [tilespmem:v16+s14+$0x0], $0xffff;
	_ =	sdelay $0x4  }
0x21b: {  	v0 =	vadd.f32 v2, v0;
	_ =	sdelay $0x1  }
0x21c: {  	v2 =	vmul.f32 $2.000000030e-01, v0;
	_ =	sdelay $0x1  }
0x21d: {  	v0 =	vmax.f32 v0, v2  }
0x21e: {  	v0 =	vmul.f32 $1.442695020e+00, v0;
	_ =	sdelay $0x1  }
0x21f: {  	(erf) = vpow2.f32 v0;
	_ =	sdelay $0x8  }
0x220: {  	v0 =	vpop (erf)  }
0x221: {  	[tilespmem:$0x9850] =	vst v0  }
0x222: {  	v0 =	vld.idx.msk [tilespmem:v17+s13+$0x0], $0xffff  }
0x223: {  	v2 =	vld.idx.msk [tilespmem:v18+s14+$0x0], $0xffff;
	_ =	sdelay $0x4  }
0x224: {  	v0 =	vadd.f32 v2, v0;
	_ =	sdelay $0x1  }
0x225: {  	v2 =	vmul.f32 $2.000000030e-01, v0;
	_ =	sdelay $0x1  }
0x226: {  	v0 =	vmax.f32 v0, v2  }
0x227: {  	v0 =	vmul.f32 $1.442695020e+00, v0;
	_ =	sdelay $0x1  }
0x228: {  	(erf) = vpow2.f32 v0;
	_ =	sdelay $0x8  }
0x229: {  	v0 =	vpop (erf)  }
0x22a: {  	[tilespmem:$0x98A0] =	vst v0  }
0x22b: {  	v0 =	vld.idx.msk [tilespmem:v19+s13+$0x0], $0xffff  }
0x22c: {  	v2 =	vld.idx.msk [tilespmem:v20+s14+$0x0], $0xffff;
	_ =	sdelay $0x4  }
0x22d: {  	v0 =	vadd.f32 v2, v0;
	_ =	sdelay $0x1  }
0x22e: {  	v2 =	vmul.f32 $2.000000030e-01, v0;
	_ =	sdelay $0x1  }
0x22f: {  	v0 =	vmax.f32 v0, v2  }
0x230: {  	v0 =	vmul.f32 $1.442695020e+00, v0;
	_ =	sdelay $0x1  }
0x231: {  	(erf) = vpow2.f32 v0;
	_ =	sdelay $0x8  }
0x232: {  	v0 =	vpop (erf)  }
0x233: {  	[tilespmem:$0x9810] =	vst v0  }
0x234: {  	v0 =	vld.idx.msk [tilespmem:v21+s13+$0x0], $0xffff  }
0x235: {  	v2 =	vld.idx.msk [tilespmem:v22+s14+$0x0], $0xffff;
	_ =	sdelay $0x4  }
0x236: {  	v0 =	vadd.f32 v2, v0;
	_ =	sdelay $0x1  }
0x237: {  	v2 =	vmul.f32 $2.000000030e-01, v0;
	_ =	sdelay $0x1  }
0x238: {  	v0 =	vmax.f32 v0, v2  }
0x239: {  	v0 =	vmul.f32 $1.442695020e+00, v0;
	_ =	sdelay $0x1  }
0x23a: {  	(erf) = vpow2.f32 v0;
	_ =	sdelay $0x8  }
0x23b: {  	v0 =	vpop (erf)  }
0x23c: {  	[tilespmem:$0x9860] =	vst v0  }
0x23d: {  	v0 =	vld.idx.msk [tilespmem:v23+s13+$0x0], $0xffff  }
0x23e: {  	v2 =	vld.idx.msk [tilespmem:v24+s14+$0x0], $0xffff;
	_ =	sdelay $0x4  }
0x23f: {  	v0 =	vadd.f32 v2, v0;
	_ =	sdelay $0x1  }
0x240: {  	v2 =	vmul.f32 $2.000000030e-01, v0;
	_ =	sdelay $0x1  }
0x241: {  	v0 =	vmax.f32 v0, v2  }
0x242: {  	v0 =	vmul.f32 $1.442695020e+00, v0;
	_ =	sdelay $0x1  }
0x243: {  	(erf) = vpow2.f32 v0;
	_ =	sdelay $0x8  }
0x244: {  	v0 =	vpop (erf)  }
0x245: {  	[tilespmem:$0x98B0] =	vst v0  }
0x246: {  	v0 =	vld.idx.msk [tilespmem:v25+s13+$0x0], $0xffff  }
0x247: {  	v2 =	vld.idx.msk [tilespmem:v26+s14+$0x0], $0xffff;
	_ =	sdelay $0x4  }
0x248: {  	v0 =	vadd.f32 v2, v0;
	_ =	sdelay $0x1  }
0x249: {  	v2 =	vmul.f32 $2.000000030e-01, v0;
	_ =	sdelay $0x1  }
0x24a: {  	v0 =	vmax.f32 v0, v2  }
0x24b: {  	v0 =	vmul.f32 $1.442695020e+00, v0;
	_ =	sdelay $0x1  }
0x24c: {  	(erf) = vpow2.f32 v0;
	_ =	sdelay $0x8  }
0x24d: {  	v0 =	vpop (erf)  }
0x24e: {  	[tilespmem:$0x9820] =	vst v0  }
0x24f: {  	v0 =	vld.idx.msk [tilespmem:v27+s13+$0x0], $0xffff  }
0x250: {  	v2 =	vld.idx.msk [tilespmem:v28+s14+$0x0], $0xffff;
	_ =	sdelay $0x4  }
0x251: {  	v0 =	vadd.f32 v2, v0;
	_ =	sdelay $0x1  }
0x252: {  	v2 =	vmul.f32 $2.000000030e-01, v0;
	_ =	sdelay $0x1  }
0x253: {  	v0 =	vmax.f32 v0, v2  }
0x254: {  	v0 =	vmul.f32 $1.442695020e+00, v0;
	_ =	sdelay $0x1  }
0x255: {  	(erf) = vpow2.f32 v0;
	_ =	sdelay $0x8  }
0x256: {  	v0 =	vpop (erf)  }
0x257: {  	[tilespmem:$0x9870] =	vst v0  }
0x258: {  	v0 =	vld.idx.msk [tilespmem:v29+s13+$0x0], $0xffff  }
0x259: {  	v2 =	vld.idx.msk [tilespmem:v30+s14+$0x0], $0xffff;
	_ =	sdelay $0x4  }
0x25a: {  	v0 =	vadd.f32 v2, v0;
	_ =	sdelay $0x1  }
0x25b: {  	v2 =	vmul.f32 $2.000000030e-01, v0;
	_ =	sdelay $0x1  }
0x25c: {  	v0 =	vmax.f32 v0, v2  }
0x25d: {  	v0 =	vmul.f32 $1.442695020e+00, v0;
	_ =	sdelay $0x1  }
0x25e: {  	(erf) = vpow2.f32 v0;
	_ =	sdelay $0x7  }
0x25f: {  	s7 =	simm.s32 $0x1  }
0x260: {  	s8 =	simm.s32 $0x2;
	v2 =	vmov s7;
	v0 =	vpop (erf)  }
0x261: {  	s29 =	simm.s32 $0x34A0;
	v3 =	vmov s8;
	v4 =	vand.u32 $0x7D, v2;
	[tilespmem:$0x98C0] =	vst v0  }
0x262: {  	v35 =	vadd.s32 $0x50, v4;
	v0 =	vand.u32 $0x7E, v3;
	v5 =	vld [tilespmem:s29+$0x60]  }
0x263: {  	v34 =	vadd.s32 $0x50, v0;
	v36 =	vld [tilespmem:s29+$0xFFFFFFA0]  }
0x264: {  	s17 =	simm.s32 $0x0;
	s15 =	simm.s32 $0x3;
	v37 =	vld [tilespmem:s29+$0x0]  }
0x265: {  	v11 =	vmov s17;
	v38 =	vmov s15;
	v2 =	vld.idx.msk [tilespmem:v2+s16+$0x0], $0xffff  }
0x266: {  	v12 =	vand.u32 $0x7C, v11;
	v3 =	vld.idx.msk [tilespmem:v3+s16+$0x0], $0xffff  }
0x267: {  	v31 =	vadd.s32 $0x50, v12;
	v43 =	vld.idx.msk [tilespmem:v35+s16+$0x0], $0xffff  }
0x268: {  	v39 =	vand.u32 $0x7F, v38;
	v0 =	vadd.s32 $0xA0, v0;
	v46 =	vld.idx.msk [tilespmem:v34+s16+$0x0], $0xffff  }
0x269: {  	v41 =	vadd.s32 $0x50, v39;
	v40 =	vld [tilespmem:s29+$0xFFFFFF40]  }
0x26a: {  	v4 =	vadd.s32 $0xA0, v4;
	v10 =	vld.idx.msk [tilespmem:v38+s16+$0x0], $0xffff  }
0x26b: {  	v12 =	vadd.s32 $0xA0, v12;
	v11 =	vld.idx.msk [tilespmem:v11+s16+$0x0], $0xffff  }
0x26c: {  	s18 =	simm.s32 $0x5;
	v49 =	vld.idx.msk [tilespmem:v31+s16+$0x0], $0xffff  }
0x26d: {  	v50 =	vmov s18;
	v52 =	vld.idx.msk [tilespmem:v0+s16+$0x0], $0xffff;
	v0 =	vpsel p3, v3, v46  }
0x26e: {  	v51 =	vand.u32 $0x7D, v50;
	v48 =	vld.idx.msk [tilespmem:v41+s16+$0x0], $0xffff;
	v9 =	vmul.f32 v37, v0  }
0x26f: {  	v56 =	vadd.s32 $0x50, v51;
	s7 =	simm.s32 $0x75C0;
	v54 =	vld.idx.msk [tilespmem:v4+s16+$0x0], $0xffff  }
0x270: {  	v53 =	vld.idx.msk [tilespmem:v12+s16+$0x0], $0xffff;
	[tilespmem:s7+$0x0] =	vst v9  }
0x271: {  	s24 =	simm.s32 $0x3620;
	v4 =	vadd.s32 $0xA0, v39;
	v42 =	vpsel p3, v2, v43;
	v44 =	vld [tilespmem:s29+$0x10]  }
0x272: {  	v12 =	vld [tilespmem:s24+$0xFFFFFFA0];
	v8 =	vmul.f32 v36, v42  }
0x273: {  	v35 =	vld [tilespmem:s24+$0x0];
	v45 =	vpsel p3, v11, v49  }
0x274: {  	v32 =	vld.idx.msk [tilespmem:v56+s16+$0x0], $0xffff;
	v31 =	vpsel p3, v10, v48;
	v7 =	vmul.f32 v40, v45;
	[tilespmem:s7+$0xFFFFFF90] =	vst v8  }
0x275: {  	v61 =	vadd.s32 $0xA0, v51;
	s25 =	simm.s32 $0x6;
	v5 =	vmul.f32 v5, v31;
	v8 =	vld [tilespmem:s29+$0xFFFFFFB0]  }
0x276: {  	v55 =	vmov s25;
	v4 =	vld.idx.msk [tilespmem:v4+s16+$0x0], $0xffff;
	[tilespmem:s7+$0xFFFFFF20] =	vst v7;
	v0 =	vmul.f32 v44, v0  }
0x277: {  	[tilespmem:s7+$0x70] =	vst v5;
	v7 =	vld [tilespmem:s29+$0xFFFFFF50]  }
0x278: {  	[tilespmem:s7+$0x10] =	vst v0;
	v0 =	vld [tilespmem:s29+$0x70]  }
0x279: {  	v5 =	vld [tilespmem:s29+$0x20]  }
0x27a: {  	v34 =	vld.idx.msk [tilespmem:v61+s16+$0x0], $0xffff;
	v47 =	vmul.f32 v8, v42  }
0x27b: {  	v37 =	vld.idx.msk [tilespmem:v55+s16+$0x0], $0xffff  }
0x27c: {  	s31 =	simm.s32 $0x4;
	v59 =	vpsel p1, v46, v52;
	v8 =	vld [tilespmem:s24+$0x60];
	v7 =	vmul.f32 v7, v45;
	[tilespmem:s7+$0xFFFFFFA0] =	vst v47  }
0x27d: {  	v60 =	vmov s31;
	v39 =	vpsel p2, v3, v59;
	v6 =	vld [tilespmem:s29+$0xFFFFFFC0];
	v0 =	vmul.f32 v0, v31  }
0x27e: {  	v45 =	vld.idx.msk [tilespmem:v50+s16+$0x0], $0xffff;
	[tilespmem:s7+$0xFFFFFF30] =	vst v7;
	v31 =	vand.u32 $0x7E, v55;
	v5 =	vmul.f32 v5, v39  }
0x27f: {  	s30 =	simm.s32 $0x7;
	v36 =	vld [tilespmem:s29+$0xFFFFFF60];
	v57 =	vadd.s32 $0x50, v31;
	[tilespmem:s7+$0x80] =	vst v0  }
0x280: {  	v47 =	vld [tilespmem:s24+$0xFFFFFF40];
	v0 =	vmov s30;
	[tilespmem:s7+$0x20] =	vst v5;
	v5 =	vpsel p1, v43, v54  }
0x281: {  	v63 =	vadd.s32 $0xA0, v31;
	v58 =	vld [tilespmem:s29+$0x80];
	v5 =	vpsel p2, v2, v5  }
0x282: {  	v42 =	vand.u32 $0x7C, v60;
	v44 =	vld.idx.msk [tilespmem:v60+s16+$0x0], $0xffff;
	v60 =	vpsel p1, v49, v53;
	v6 =	vmul.f32 v6, v5  }
0x283: {  	v62 =	vpsel p1, v48, v4;
	v55 =	vpsel p2, v11, v60;
	v50 =	vld [tilespmem:s29+$0x30]  }
0x284: {  	v33 =	vld.idx.msk [tilespmem:v57+s16+$0x0], $0xffff;
	v57 =	vpsel p3, v45, v32;
	[tilespmem:s7+$0xFFFFFFB0] =	vst v6;
	v6 =	vmul.f32 v36, v55  }
0x285: {  	v51 =	vadd.s32 $0x50, v42;
	v7 =	vpsel p2, v10, v62;
	v31 =	vld.idx.msk [tilespmem:v0+s16+$0x0], $0xffff;
	v12 =	vmul.f32 v12, v57  }
0x286: {  	s25 =	simm.s32 $0x7780;
	v0 =	vand.u32 $0x7F, v0;
	v36 =	vld.idx.msk [tilespmem:v63+s16+$0x0], $0xffff;
	v63 =	vadd.s32 $0xA0, v42;
	v38 =	vmul.f32 v58, v7;
	[tilespmem:s7+$0xFFFFFF40] =	vst v6  }
0x287: {  	v59 =	vsel vm0, $0x0, v54;
	v58 =	vadd.s32 $0x50, v0;
	v60 =	vld [tilespmem:s29+$0xFFFFFFD0];
	[tilespmem:s25+$0xFFFFFF90] =	vst v12  }
0x288: {  	v9 =	vsel vm1, v59, v43;
	[tilespmem:s7+$0x90] =	vst v38;
	v12 =	vld [tilespmem:s29+$0xFFFFFF70]  }
0x289: {  	v61 =	vsel vm0, $0x0, v52;
	v40 =	vsel vm2, v2, v9;
	v56 =	vld [tilespmem:s29+$0x90];
	v59 =	vpsel p3, v37, v33  }
0x28a: {  	v39 =	vmul.f32 v50, v39;
	v6 =	vsel vm1, v61, v46;
	v2 =	vmul.f32 v35, v59;
	v35 =	vld.idx.msk [tilespmem:v51+s16+$0x0], $0xffff  }
0x28b: {  	v0 =	vadd.s32 $0xA0, v0;
	v38 =	vsel vm2, v3, v6;
	v3 =	vsel vm0, $0x0, v4;
	v51 =	vld.idx.msk [tilespmem:v63+s16+$0x0], $0xffff  }
0x28c: {  	[tilespmem:s7+$0x30] =	vst v39;
	v3 =	vsel vm1, v3, v48;
	v39 =	vld.idx.msk [tilespmem:v58+s16+$0x0], $0xffff  }
0x28d: {  	v62 =	vsel vm0, $0x0, v53;
	v42 =	vsel vm2, v10, v3;
	v3 =	vmul.f32 v60, v5;
	v5 =	vld [tilespmem:s29+$0x40]  }
0x28e: {  	v9 =	vsel vm1, v62, v49;
	[tilespmem:s25+$0x0] =	vst v2;
	v2 =	vld [tilespmem:s24+$0xFFFFFFB0];
	v50 =	vmul.f32 v12, v55  }
0x28f: {  	v41 =	vsel vm2, v11, v9;
	v6 =	vld [tilespmem:s24+$0x10];
	v7 =	vmul.f32 v56, v7  }
0x290: {  	v54 =	vpsel p0, v43, v54;
	v48 =	vpsel p0, v48, v4;
	v43 =	vld.idx.msk [tilespmem:v0+s16+$0x0], $0xffff;
	[tilespmem:s7+$0xFFFFFF50] =	vst v50  }
0x291: {  	v58 =	vsel vm0, $0x0, v34;
	v56 =	vpsel p1, v32, v34;
	v61 =	vpsel p3, v44, v35;
	[tilespmem:s7+$0xA0] =	vst v7;
	v9 =	vld [tilespmem:s29+$0xFFFFFF80]  }
0x292: {  	[tilespmem:s7+$0xFFFFFFC0] =	vst v3;
	v50 =	vpsel p1, v33, v36;
	v7 =	vsel vm1, v58, v32;
	v3 =	vmul.f32 v47, v61;
	v10 =	vld [tilespmem:s29+$0xA0]  }
0x293: {  	v0 =	vsel vm0, $0x0, v51;
	v2 =	vmul.f32 v2, v57;
	v47 =	vsel vm2, v45, v7;
	v7 =	vld [tilespmem:s29+$0xFFFFFFE0]  }
0x294: {  	v57 =	vpsel p0, v46, v52;
	v6 =	vmul.f32 v6, v59;
	[tilespmem:s25+$0xFFFFFF20] =	vst v3;
	v3 =	vsel vm0, $0x0, v36  }
0x295: {  	v60 =	vpsel p3, v31, v39;
	v5 =	vmul.f32 v5, v57;
	v59 =	vsel vm1, v3, v33;
	v3 =	vld [tilespmem:s24+$0xFFFFFF50];
	[tilespmem:s25+$0xFFFFFFA0] =	vst v2  }
0x296: {  	v0 =	vsel vm1, v0, v35;
	v11 =	vmul.f32 v8, v60;
	v52 =	vpsel p0, v49, v53;
	[tilespmem:s25+$0x10] =	vst v6;
	v2 =	vld [tilespmem:s24+$0xFFFFFFC0]  }
0x297: {  	v53 =	vsel vm2, v44, v0;
	v46 =	vsel vm2, v37, v59;
	[tilespmem:s7+$0x40] =	vst v5;
	v58 =	vld [tilespmem:s24+$0x20];
	v55 =	vmul.f32 v9, v52  }
0x298: {  	s15 =	simm.s32 $0x8;
	s8 =	simm.s32 $0x37A0;
	[tilespmem:s25+$0x70] =	vst v11;
	v59 =	vpsel p1, v35, v51;
	v63 =	vld [tilespmem:s29+$0x50];
	v62 =	vmul.f32 v10, v48;
	v49 =	vmul.f32 v7, v54  }
.LBB2_7:
0x299: {  	s17 =	sadd.s32 $0x1, s15  }
0x29a: {  	s18 =	sadd.s32 $0x3, s15;
	v0 =	vmul.f32 v3, v61;
	v3 =	vld [tilespmem:s24+$0x70];
	[tilespmem:s7+$0xFFFFFFD0] =	vst v49;
	v49 =	vmov v51;
	s30 =	smov.u32 s15;
	s3 =	sadd.s32 $0x4, s15  }
0x29b: {  	p4 =	slt.u32 s15, $0x4C;
	v6 =	vpsel p2, v45, v56;
	v4 =	vmov s17;
	s17 =	sadd.s32 $0x2, s30;
	v5 =	vmov s18;
	[tilespmem:s7+$0xFFFFFF60] =	vst v55;
	v7 =	vld [tilespmem:s29+$0xFFFFFFF0]  }
0x29c: {  	v8 =	vand.u32 $0x7D, v4;
	v9 =	vmov s17;
	v55 =	vld [tilespmem:s8+$0x60];
	[tilespmem:s25+$0xFFFFFF30] =	vst v0;
	v0 =	vpsel p1, v39, v43  }
0x29d: {  	v10 =	vadd.s32 $0x50, v8;
	v11 =	vld [tilespmem:s8+$0xFFFFFFA0];
	v12 =	vand.u32 $0x7E, v9;
	v2 =	vmul.f32 v2, v6;
	[tilespmem:s7+$0xB0] =	vst v62  }
0x29e: {  	v45 =	vand.u32 $0x7F, v5;
	v51 =	vadd.s32 $0x50, v12;
	v56 =	vld [tilespmem:s8+$0x0];
	[tilespmem:s7+$0xFFFFFFF0] =	vst v40;
	v57 =	vmul.f32 v63, v57;
	v40 =	vmovc v47  }
0x29f: {  	v47 =	vadd.s32 $0x50, v45;
	v63 =	vadd.s32 $0xA0, v45;
	v62 =	vld [tilespmem:s8+$0xFFFFFF40];
	[tilespmem:s25+$0xFFFFFFB0] =	vst v2;
	v2 =	vmul.f32 v3, v60  }
0x2a0: {  	v45 =	vsel vm0, $0x0, v43;
	v3 =	vld [tilespmem:s24+$0xFFFFFF60];
	v7 =	vmul.f32 v7, v54;
	[tilespmem:s7+$0x50] =	vst v57  }
0x2a1: {  	[tilespmem:s25+$0x80] =	vst v2;
	v2 =	vsel vm1, v45, v39;
	v54 =	vld [tilespmem:s29+$0xFFFFFF90]  }
0x2a2: {  	v59 =	vpsel p2, v44, v59;
	v57 =	vmov s30;
	v2 =	vsel vm2, v31, v2;
	[tilespmem:s7+$0xFFFFFF80] =	vst v41;
	v44 =	vld [tilespmem:s29+$0xB0];
	v41 =	vmovc v53;
	s29 =	smov.u32 s24;
	s24 =	smov.u32 s8  }
0x2a3: {  	v45 =	vand.u32 $0x7C, v57;
	v53 =	vld [tilespmem:s29+$0x80];
	[tilespmem:s7+$0xD0] =	vst v42;
	v42 =	vmov v2  }
0x2a4: {  	v60 =	vadd.s32 $0xA0, v45;
	v2 =	vadd.s32 $0x50, v45;
	v45 =	vld.idx.msk [tilespmem:v4+s16+$0x0], $0xffff;
	[tilespmem:s7+$0xFFFFFFE0] =	vst v7  }
0x2a5: {  	v4 =	vadd.s32 $0xA0, v8;
	v7 =	vpsel p2, v37, v50;
	v3 =	vmul.f32 v3, v59;
	v37 =	vld.idx.msk [tilespmem:v9+s16+$0x0], $0xffff  }
0x2a6: {  	v9 =	vadd.s32 $0xA0, v12;
	v8 =	vld.idx.msk [tilespmem:v10+s16+$0x0], $0xffff;
	v10 =	vmul.f32 v58, v7;
	v12 =	vmul.f32 v54, v52;
	[tilespmem:s7+$0x60] =	vst v38  }
0x2a7: {  	v0 =	vpsel p2, v31, v0;
	v38 =	vmov v46;
	v52 =	vld.idx.msk [tilespmem:v51+s16+$0x0], $0xffff;
	[tilespmem:s25+$0xFFFFFF40] =	vst v3;
	v3 =	vmul.f32 v44, v48  }
0x2a8: {  	v31 =	vld.idx.msk [tilespmem:v5+s16+$0x0], $0xffff;
	[tilespmem:s25+$0x20] =	vst v10;
	v5 =	vmul.f32 v53, v0  }
0x2a9: {  	v10 =	vld [tilespmem:s29+$0x30];
	[tilespmem:s7+$0xC0] =	vst v3  }
0x2aa: {  	v44 =	vld.idx.msk [tilespmem:v57+s16+$0x0], $0xffff;
	[tilespmem:s7+$0xFFFFFF70] =	vst v12;
	s7 =	smov.u32 s25;
	s25 =	sadd.s32 $0x1C0, s25  }
0x2ab: {  	v4 =	vld.idx.msk [tilespmem:v4+s16+$0x0], $0xffff;
	[tilespmem:s7+$0x90] =	vst v5  }
0x2ac: {  	v3 =	vpsel p3, v45, v8;
	v5 =	vld [tilespmem:s29+$0x90]  }
0x2ad: {  	v11 =	vmul.f32 v11, v3;
	v12 =	vpsel p3, v37, v52;
	v9 =	vld.idx.msk [tilespmem:v9+s16+$0x0], $0xffff  }
0x2ae: {  	v46 =	vmul.f32 v56, v12;
	v48 =	vld [tilespmem:s29+$0xFFFFFFD0];
	v7 =	vmul.f32 v10, v7  }
0x2af: {  	v10 =	vld.idx.msk [tilespmem:v2+s16+$0x0], $0xffff;
	[tilespmem:s25+$0xFFFFFF90] =	vst v11  }
0x2b0: {  	[tilespmem:s25+$0x0] =	vst v46;
	v2 =	vld [tilespmem:s29+$0xFFFFFF70]  }
0x2b1: {  	v56 =	vpsel p1, v8, v4;
	v46 =	vsel vm0, $0x0, v4;
	v11 =	vld [tilespmem:s8+$0xFFFFFFB0];
	[tilespmem:s7+$0x30] =	vst v7;
	v0 =	vmul.f32 v5, v0  }
0x2b2: {  	v5 =	vsel vm1, v46, v8;
	v7 =	vld.idx.msk [tilespmem:v47+s16+$0x0], $0xffff  }
0x2b3: {  	v47 =	vsel vm2, v45, v5;
	v50 =	vpsel p1, v52, v9;
	v5 =	vld [tilespmem:s8+$0x10];
	v6 =	vmul.f32 v48, v6;
	[tilespmem:s7+$0xA0] =	vst v0  }
0x2b4: {  	v0 =	vsel vm0, $0x0, v9;
	v48 =	vld [tilespmem:s29+$0x40]  }
0x2b5: {  	v61 =	vpsel p3, v44, v10;
	v51 =	vld.idx.msk [tilespmem:v60+s16+$0x0], $0xffff;
	v2 =	vmul.f32 v2, v59;
	[tilespmem:s7+$0xFFFFFFC0] =	vst v6  }
0x2b6: {  	v0 =	vsel vm1, v0, v52;
	v6 =	vmul.f32 v62, v61;
	v53 =	vld [tilespmem:s29+$0xA0]  }
0x2b7: {  	v46 =	vsel vm2, v37, v0;
	v11 =	vmul.f32 v11, v3;
	[tilespmem:s7+$0xFFFFFF50] =	vst v2;
	v0 =	vld [tilespmem:s29+$0xFFFFFFE0]  }
0x2b8: {  	v57 =	vpsel p0, v33, v36;
	v60 =	vpsel p3, v31, v7;
	[tilespmem:s25+$0xFFFFFF20] =	vst v6;
	v2 =	vmul.f32 v5, v12;
	v5 =	vld [tilespmem:s29+$0xFFFFFF80]  }
.Ltmp2:
0x2b9: {  	v33 =	vmovc v52;
	v36 =	vmov v9;
	v6 =	vmul.f32 v55, v60;
	v3 =	vld [tilespmem:s8+$0xFFFFFF50];
	v12 =	vmul.f32 v48, v57;
	(pc) =	sbr.rel @p4 .LBB2_7-.Ltmp2, $4  }
0x2ba: {  	v54 =	vpsel p0, v32, v34;
	v32 =	vmov v8;
	v48 =	vpsel p0, v39, v43;
	[tilespmem:s25+$0x10] =	vst v2;
	v43 =	vld.idx.msk [tilespmem:v63+s16+$0x0], $0xffff  }
0x2bb: {  	v34 =	vmovc v4;
	v59 =	vpsel p1, v10, v51;
	v2 =	vsel vm0, $0x0, v51;
	[tilespmem:s25+$0xFFFFFFA0] =	vst v11;
	v58 =	vld [tilespmem:s8+$0x20];
	v62 =	vmul.f32 v53, v48  }
0x2bc: {  	v52 =	vpsel p0, v35, v49;
	v4 =	vsel vm1, v2, v10;
	v2 =	vld [tilespmem:s8+$0xFFFFFFC0];
	v49 =	vmul.f32 v0, v54;
	[tilespmem:s7+$0x40] =	vst v12  }
0x2bd: {  	s15 =	smov.u32 s3;
	v35 =	vmovc v10;
	v39 =	vmov v7;
	v53 =	vsel vm2, v44, v4;
	s8 =	sadd.s32 $0x180, s8;
	[tilespmem:s25+$0x70] =	vst v6;
	v55 =	vmul.f32 v5, v52;
	v63 =	vld [tilespmem:s29+$0x50]  }
0x2be: {  	v0 =	vld [tilespmem:s24+$0x70];
	_ =	sdelay $0x4  }
0x2bf: {  	v0 =	vmul.f32 v0, v60  }
0x2c0: {  	v3 =	vmul.f32 v3, v61  }
0x2c1: {  	[tilespmem:s25+$0x80] =	vst v0;
	v0 =	vpsel p2, v37, v50  }
0x2c2: {  	[tilespmem:s25+$0xFFFFFF30] =	vst v3;
	v3 =	vld [tilespmem:s24+$0x80];
	v4 =	vmul.f32 v58, v0  }
0x2c3: {  	v5 =	vld [tilespmem:s24+$0xFFFFFF60]  }
0x2c4: {  	v6 =	vpsel p2, v45, v56;
	[tilespmem:s25+$0x20] =	vst v4  }
0x2c5: {  	[tilespmem:s7+$0xFFFFFFD0] =	vst v49;
	v2 =	vmul.f32 v2, v6;
	v37 =	vpsel p1, v39, v43;
	v7 =	vld [tilespmem:s24+$0x30]  }
0x2c6: {  	[tilespmem:s7+$0xB0] =	vst v62;
	v4 =	vpsel p2, v31, v37  }
0x2c7: {  	[tilespmem:s25+$0xFFFFFFB0] =	vst v2;
	v2 =	vpsel p2, v44, v59;
	v3 =	vmul.f32 v3, v4  }
0x2c8: {  	[tilespmem:s7+$0x60] =	vst v38;
	v8 =	vld [tilespmem:s24+$0xFFFFFFD0];
	v5 =	vmul.f32 v5, v2  }
0x2c9: {  	[tilespmem:s25+$0x90] =	vst v3  }
0x2ca: {  	[tilespmem:s25+$0xFFFFFF40] =	vst v5;
	v3 =	vld [tilespmem:s24+$0x90];
	v0 =	vmul.f32 v7, v0  }
0x2cb: {  	[tilespmem:s7+$0xFFFFFF60] =	vst v55;
	v45 =	vld [tilespmem:s24+$0xFFFFFF70]  }
0x2cc: {  	v9 =	vld [tilespmem:s29+$0xFFFFFFF0];
	[tilespmem:s25+$0x30] =	vst v0  }
0x2cd: {  	[tilespmem:s7+$0xFFFFFFF0] =	vst v40;
	v0 =	vmul.f32 v8, v6;
	v49 =	vld [tilespmem:s24+$0x40]  }
0x2ce: {  	v10 =	vld [tilespmem:s29+$0xFFFFFF90];
	[tilespmem:s7+$0xFFFFFF80] =	vst v41;
	v44 =	vmul.f32 v63, v57  }
0x2cf: {  	v50 =	vld [tilespmem:s29+$0xB0];
	[tilespmem:s25+$0xFFFFFFC0] =	vst v0;
	v3 =	vmul.f32 v3, v4  }
0x2d0: {  	[tilespmem:s7+$0x50] =	vst v44;
	v0 =	vmul.f32 v45, v2;
	v2 =	vld [tilespmem:s24+$0xFFFFFFE0]  }
0x2d1: {  	[tilespmem:s25+$0xA0] =	vst v3;
	v3 =	vpsel p0, v33, v36  }
0x2d2: {  	[tilespmem:s25+$0xFFFFFF50] =	vst v0;
	v55 =	vld [tilespmem:s24+$0xA0];
	v0 =	vmul.f32 v49, v3  }
0x2d3: {  	v54 =	vmul.f32 v9, v54;
	[tilespmem:s7+$0xD0] =	vst v42;
	v56 =	vld [tilespmem:s24+$0xFFFFFF80]  }
0x2d4: {  	v59 =	vmul.f32 v10, v52;
	v58 =	vpsel p0, v32, v34;
	[tilespmem:s25+$0x40] =	vst v0  }
0x2d5: {  	[tilespmem:s7+$0xFFFFFFE0] =	vst v54;
	v57 =	vmul.f32 v50, v48;
	v0 =	vmul.f32 v2, v58;
	v2 =	vld [tilespmem:s24+$0x50]  }
0x2d6: {  	v60 =	vpsel p0, v39, v43;
	[tilespmem:s7+$0xFFFFFF70] =	vst v59  }
0x2d7: {  	v61 =	vpsel p0, v35, v51;
	[tilespmem:s7+$0xC0] =	vst v57;
	v7 =	vmul.f32 v55, v60  }
0x2d8: {  	[tilespmem:s25+$0xFFFFFFD0] =	vst v0;
	v0 =	vmul.f32 v56, v61  }
0x2d9: {  	v62 =	vld [tilespmem:s24+$0xFFFFFFF0];
	[tilespmem:s25+$0xB0] =	vst v7  }
0x2da: {  	[tilespmem:s25+$0xFFFFFF60] =	vst v0;
	v0 =	vmul.f32 v2, v3;
	v2 =	vld [tilespmem:s24+$0xB0]  }
0x2db: {  	[tilespmem:s25+$0x60] =	vst v46;
	v63 =	vld [tilespmem:s24+$0xFFFFFF90]  }
0x2dc: {  	[tilespmem:s25+$0xFFFFFFF0] =	vst v47;
	v3 =	vsel vm0, $0x0, v43  }
0x2dd: {  	s28 =	sadd.s32 $0x1, s28;
	[tilespmem:s25+$0xFFFFFF80] =	vst v53;
	v3 =	vsel vm1, v3, v39  }
0x2de: {  	p4 =	sne.s32 s28, $0x7D;
	[tilespmem:s25+$0x50] =	vst v0;
	v0 =	vsel vm2, v31, v3;
	v3 =	vmul.f32 v62, v58  }
.Ltmp3:
0x2df: {  	[tilespmem:s25+$0xD0] =	vst v0;
	v0 =	vmul.f32 v2, v60;
	(pc) =	sbr.rel @p4 .LBB2_4-.Ltmp3, $4  }
0x2e0: {  	[tilespmem:s25+$0xFFFFFFE0] =	vst v3;
	v2 =	vmul.f32 v63, v61  }
0x2e1: {  	[tilespmem:s25+$0xC0] =	vst v0  }
0x2e2: {  	s3 =	simm.s32 $0x190;
	[tilespmem:s25+$0xFFFFFF70] =	vst v2  }
0x2e3: {  	[spmem:s1] =	stream.indirect.scatter.add.f32 [tilespmem:s21], [sflag:$0x6], $0x70, s3, s0, $0xb8;
	[tilespmem:$0x1AA40] =	vst v63  }
0x2e4: {  	s3 =	simm.s32 $0x5  }
0x2e5: {  	_ =	swait.ge [sflag:s3], $0x2300  }
0x2e6: {  	[sflag:s3] =	ssyncset.done $0x0  }
0x2e7: {  	s30 =	simm.s32 $0x6;
	[sflag:s3] =	ssyncadd.s32 $0xFFFFDD00  }
0x2e8: {  	_ =	swait.ge [sflag:s30], $0x2300  }
0x2e9: {  	s7 =	sld [smem:$0x7FD]  }
0x2ea: {  	[sflag:s30] =	ssyncset.done $0x0  }
0x2eb: {  	[sflag:s30] =	ssyncadd.s32 $0xFFFFDD00  }
0x2ec: {  	s3 =	stileid.u32;
	[bflag:$0x0] =	sbarrier.arrive $0xFFFF;
	p5 =	seq.s32 s7, $0x1  }
0x2ed: {  	s7 =	rddreg [dreg:$0x11];
	s3 =	sshll.u32 @!p5 s3, $0x6  }
0x2ee: {  	s8 =	rddreg [dreg:$0x13];
	s3 =	sor.u32 @!p5 $0x1C07, s3  }
0x2ef: {  	[hbm:s7], [sflag:s3] =	dma.local @!p5 [spmem:s8], $0x36B0  }
0x2f0: {  	s3 =	simm.s32 @!p5 $0x7  }
0x2f1: {  	_ =	swait.ge @!p5 [sflag:s3], $0x36B0  }
0x2f2: {  	s15 =	rddreg [dreg:$0x3]  }
0x2f3: {  	s31 =	rddreg [dreg:$0x12];
	s15 =	sadd.s32 $0x1, s15  }
0x2f4: {  	p4 =	sne.s32 s15, s31  }
.Ltmp4:
0x2f5: {  	_ = 	snop;
	(pc) =	sbr.rel @p4 .LBB2_1-.Ltmp4, $3  }
0x2f6: {  	_ =	sdelay $0x1  }
0x2f7: {  	[sflag:s3] =	ssyncset.done @!p5 $0x0  }
0x2f8: {  	[sflag:s3] =	ssyncadd.s32 @!p5 $0xFFFFC950  }
0x2f9: {  	_ =	sfence.sel $0x180000  }
0x2fa: {  	[bflag:$0x0] =	sbarrier.arrive $0xFFFF  }
0x2fb: {  	_ =	strace $0x90000047  }
0x2fc: {  	s0 =	stileid.u32;
	[bflag:$0x2] =	sbarrier.arrive $0xFFFF  }
0x2fd: {  	p0 =	sne.s32 s0, $0x0;
	s0 =	rddreg [dreg:$0x2]  }
0x2fe: {  	s0 =	sadd.s32 @!p0 $0x100000, s0  }
0x2ff: {  	[sflag:s0] =	ssyncadd.tile.s32 @!p0 $0x1;
	_ =	shalt  }
.Lfunc_end2:
_tile_overlayer_lowered:
.L_overlay_start_2:
0x300: {  	(tag) =	ssettag $0x2  }
0x301: {  	s0 =	rddreg [dreg:$0x0];
	s2 =	stileid.u32  }
0x302: {  	s1 =	rddreg [dreg:$0x1];
	p0 =	sne.s32 s2, $0x0  }
0x303: {  	s3 =	rddreg [dreg:$0x2];
	[bflag:$0x3] =	sbarrier.arrive $0xFFFF;
	s2 =	simm.s32 @!p0 $0x1C07  }
0x304: {  	[timem:s3], [sflag:s2] =	dma.local @!p0 [hbm:s0], s1  }
0x305: {  	s0 =	simm.s32 @!p0 $0x7  }
0x306: {  	_ =	swait.ge @!p0 [sflag:s0], s1  }
0x307: {  	s1 =	ssub.s32 @!p0 $0x0, s1;
	[sflag:s0] =	ssyncset.done @!p0 $0x0  }
0x308: {  	[sflag:s0] =	ssyncadd.s32 @!p0 s1  }
0x309: {  	[bflag:$0x3] =	sbarrier.arrive $0xFFFF  }
0x30a: {  	_ =	shalt  }

</sc_bundles>
